<compile_context>
chip_gen: v7x
topology: tpu7x:2x2x1
jax: 0.10.2.dev20260603
libtpu: 0.0.44.dev20260713+nightly
codegen_flags: <defaults>
</compile_context>

<pallas_src>
import functools

import jax
import jax.numpy as jnp
from jax import lax
from jax.experimental import pallas as pl
from jax.experimental.pallas import tpu as pltpu
from jax.experimental.pallas import tpu_sc as plsc

_LANES = 128
_NW = 32
_VOCAB_DIM = 64


def _convert_table_sc(table_t):
    d, v = table_t.shape
    n_tiles = -(-v // _LANES)
    full = v // _LANES
    rem = v - full * _LANES
    pairs = -(-n_tiles // (2 * _NW))
    mesh = plsc.VectorSubcoreMesh(core_axis_name="c", subcore_axis_name="s")

    @functools.partial(
        pl.kernel, mesh=mesh,
        out_type=jax.ShapeDtypeStruct((v * d,), jnp.float32),
        scratch_types=[
            pltpu.VMEM((d, _LANES), jnp.float32),
            pltpu.VMEM((d, _LANES), jnp.float32),
            pltpu.VMEM((_LANES * d,), jnp.float32),
            pltpu.VMEM((_LANES * d,), jnp.float32),
            pltpu.SemaphoreType.DMA,
            pltpu.SemaphoreType.DMA,
            pltpu.SemaphoreType.DMA,
            pltpu.SemaphoreType.DMA,
        ],
        compiler_params=pltpu.CompilerParams(
            use_tc_tiling_on_sc=True, needs_layout_passes=False),
    )
    def conv_kernel(tin, tout, cols_a, cols_b, tr_a, tr_b,
                    si_a, si_b, sw_a, sw_b):
        wid = lax.axis_index("s") * 2 + lax.axis_index("c")
        base_t = wid * 2 * pairs
        iota16 = lax.iota(jnp.int32, 16)

        def start_read(i, cols, sem):
            @pl.when(base_t + i < n_tiles)
            def _():
                pltpu.async_copy(
                    tin.at[:, pl.ds((base_t + i) * _LANES, _LANES)], cols, sem)

        def wait_read(i, cols, sem):
            @pl.when(base_t + i < n_tiles)
            def _():
                pltpu.make_async_copy(
                    tin.at[:, pl.ds(0, _LANES)], cols, sem).wait()

        def transpose(i, cols, tr):
            @pl.when(base_t + i < n_tiles)
            def _():
                def tr_body(c0, c2):
                    dj = jnp.bitwise_and(c0 + iota16, d - 1)
                    for lg in range(_LANES // 16):
                        lv = iota16 + 16 * lg
                        vec = plsc.load_gather(cols, [dj, lv])
                        plsc.store_scatter(tr, [lv * d + dj], vec)
                    return c2
                lax.fori_loop(0, d, tr_body, 0, unroll=4)

        def start_write(i, tr, sem):
            vt = base_t + i

            @pl.when(vt < full)
            def _():
                pltpu.async_copy(
                    tr, tout.at[pl.ds(vt * _LANES * d, _LANES * d)], sem)

            @pl.when(vt == full)
            def _():
                pltpu.sync_copy(tr.at[pl.ds(0, rem * d)],
                                tout.at[pl.ds(full * _LANES * d, rem * d)])

        def wait_write(i, tr, sem):
            @pl.when(base_t + i < full)
            def _():
                pltpu.make_async_copy(
                    tr, tout.at[pl.ds(0, _LANES * d)], sem).wait()

        start_read(0, cols_a, si_a)

        def step(k, carry):
            i0 = 2 * k
            i1 = 2 * k + 1
            start_read(i1, cols_b, si_b)
            wait_read(i0, cols_a, si_a)

            @pl.when(k > 0)
            def _():
                wait_write(i0 - 2, tr_a, sw_a)
            transpose(i0, cols_a, tr_a)
            start_write(i0, tr_a, sw_a)

            @pl.when(k < pairs - 1)
            def _():
                start_read(i0 + 2, cols_a, si_a)
            wait_read(i1, cols_b, si_b)

            @pl.when(k > 0)
            def _():
                wait_write(i1 - 2, tr_b, sw_b)
            transpose(i1, cols_b, tr_b)
            start_write(i1, tr_b, sw_b)
            return carry

        lax.fori_loop(0, pairs, step, 0)
        wait_write(2 * pairs - 2, tr_a, sw_a)
        wait_write(2 * pairs - 1, tr_b, sw_b)

    return conv_kernel(table_t)


def _gather_transpose_sc(ids_lin, table):
    (t_total,) = ids_lin.shape
    _, d = table.shape
    n_units = t_total // _LANES
    units_per_w = n_units // _NW
    mesh = plsc.VectorSubcoreMesh(core_axis_name="c", subcore_axis_name="s")

    @functools.partial(
        pl.kernel,
        mesh=mesh,
        out_type=jax.ShapeDtypeStruct((t_total // (8 * _LANES), d, 16, _LANES),
                                      jnp.float32),
        scratch_types=[
            pltpu.VMEM((units_per_w * _LANES,), jnp.int32),
            pltpu.VMEM((_LANES, d), jnp.float32),
            pltpu.VMEM((_LANES, d), jnp.float32),
            pltpu.VMEM((d, 2, _LANES), jnp.float32),
            pltpu.VMEM((d, 2, _LANES), jnp.float32),
            pltpu.SemaphoreType.DMA,
            pltpu.SemaphoreType.DMA,
            pltpu.SemaphoreType.DMA,
            pltpu.SemaphoreType.DMA,
        ],
        compiler_params=pltpu.CompilerParams(
            use_tc_tiling_on_sc=False,
            needs_layout_passes=False,
        ),
    )
    def gather_kernel(table_hbm, idx_hbm, out_hbm, idx_all,
                      rows_a, rows_b, tr_a, tr_b, sg_a, sg_b, sw_a, sw_b):
        wid = lax.axis_index("s") * 2 + lax.axis_index("c")
        base_u = wid * units_per_w

        pltpu.sync_copy(
            idx_hbm.at[pl.ds(pl.multiple_of(base_u * _LANES, _LANES),
                             units_per_w * _LANES)],
            idx_all)

        def start_gather(i, rows, sem):
            pltpu.async_copy(
                table_hbm.at[idx_all.at[pl.ds(i * _LANES, _LANES)]], rows, sem)

        iota16 = lax.iota(jnp.int32, 16)
        zero16 = jnp.zeros((16,), jnp.int32)
        one16 = jnp.ones((16,), jnp.int32)

        def transpose(rows, tr):
            def tr_body(c0, c2):
                dj = jnp.bitwise_and(c0 + iota16, d - 1)
                for lg in range(_LANES // 16):
                    lv = iota16 + (16 * lg)
                    vec = plsc.load_gather(rows, [lv, dj])
                    plsc.store_scatter(tr, [dj, zero16, lv], -vec)
                    plsc.store_scatter(tr, [dj, one16, lv], vec)
                return c2
            lax.fori_loop(0, d, tr_body, 0, unroll=4)

        def out_window(i):
            u = base_u + i
            s = (u // 64) * 8 + u % 8
            bt = (u // 8) % 8
            return out_hbm.at[s, :, pl.ds(2 * bt, 2), :]

        def start_write(i, tr, sem):
            pltpu.async_copy(tr, out_window(i), sem)

        def wait_gather(rows, sem):
            pltpu.make_async_copy(table_hbm.at[idx_all.at[pl.ds(0, _LANES)]],
                                  rows, sem).wait()

        def wait_write(i, tr, sem):
            pltpu.make_async_copy(tr, out_window(i), sem).wait()

        start_gather(0, rows_a, sg_a)

        def step(k, carry):
            i0 = 2 * k
            i1 = 2 * k + 1
            start_gather(i1, rows_b, sg_b)
            wait_gather(rows_a, sg_a)

            @pl.when(k > 0)
            def _():
                wait_write(i0, tr_a, sw_a)
            transpose(rows_a, tr_a)
            start_write(i0, tr_a, sw_a)

            @pl.when(k < (units_per_w // 2 - 1))
            def _():
                start_gather(i0 + 2, rows_a, sg_a)
            wait_gather(rows_b, sg_b)

            @pl.when(k > 0)
            def _():
                wait_write(i1, tr_b, sw_b)
            transpose(rows_b, tr_b)
            start_write(i1, tr_b, sw_b)
            return carry

        lax.fori_loop(0, units_per_w // 2, step, 0)
        wait_write(0, tr_a, sw_a)
        wait_write(0, tr_b, sw_b)

    return gather_kernel(table, ids_lin)


def _rotate_tc(x_lin, a16, block_s):
    n_s, d, two_bt, lanes = x_lin.shape
    bt = two_bt // 2

    def body(x_ref, a_ref, o_ref):
        v = x_ref[...]
        asgn = a_ref[...]
        t = 2.0 / (1.0 + asgn * asgn)
        c16 = t - 1.0
        ss16 = asgn * t
        i_idx = lax.broadcasted_iota(jnp.int32, v.shape, 2)
        even = (i_idx % 2) == 0
        w = jnp.where(even, jnp.roll(v, -1, axis=2), jnp.roll(v, 1, axis=2))
        o_ref[...] = v * c16 + w * ss16

    return pl.pallas_call(
        body,
        grid=(n_s // block_s,),
        in_specs=[
            pl.BlockSpec((block_s, d, two_bt, lanes), lambda i: (i, 0, 0, 0)),
            pl.BlockSpec((block_s, d, two_bt, lanes), lambda i: (i, 0, 0, 0)),
        ],
        out_specs=pl.BlockSpec((block_s, d, two_bt, lanes),
                               lambda i: (i, 0, 0, 0)),
        out_shape=jax.ShapeDtypeStruct((n_s, d, two_bt, lanes), jnp.float32),
        compiler_params=pltpu.CompilerParams(
            dimension_semantics=("arbitrary",),
        ),
    )(x_lin, a16)


def kernel(x, affix_ids, rotation_params):
    b, s, d, _ = x.shape
    nbt = b // _LANES
    x_lin = (x.transpose(1, 2, 3, 0)
              .reshape(s, d, 2, nbt, _LANES)
              .transpose(0, 1, 3, 2, 4)
              .reshape(s, d, 2 * nbt, _LANES))
    ids_lin = (affix_ids.astype(jnp.int32).T
               .reshape(s // 8, 8, b // _LANES, _LANES)
               .transpose(0, 2, 1, 3)
               .reshape(-1))
    table_lin = _convert_table_sc(rotation_params.T).reshape(
        rotation_params.shape)
    a3 = _gather_transpose_sc(ids_lin, table_lin)
    out_lin = _rotate_tc(x_lin, a3, block_s=8)
    out = (out_lin.reshape(s, d, nbt, 2, _LANES)
                  .transpose(2, 4, 0, 1, 3)
                  .reshape(b, s, d, 2))
    return out

# --- scband reference (transcript-rebuilt; emitter-appended) ---
"""Pipeline reference for scband-affix-rotation-bank-1460288881151 (READ-ONLY COPY).

The authoritative reference and input builder live on the scoring server;
editing this copy changes nothing except your own understanding.
"""

import jax, jax.numpy as jnp
import numpy as np

VOCAB = 100000
DIM = 64
NULL_ID = 4
BATCH = 1024
SEQ = 200


def setup_inputs(seed: int = 0) -> dict:
    key = jax.random.key(seed)
    k1, k2, k3 = jax.random.split(key, 3)
    x = jax.random.normal(k1, (BATCH, SEQ, DIM, 2), dtype=jnp.float32)
    affix_ids = jax.random.randint(k2, (BATCH, SEQ), 0, VOCAB, dtype=jnp.int64 if jax.config.jax_enable_x64 else jnp.int32)
    rotation_params = jax.random.normal(k3, (VOCAB, DIM), dtype=jnp.float32) * 0.01
    rotation_params = rotation_params.at[NULL_ID].set(0.0)
    return {"x": x, "affix_ids": affix_ids, "rotation_params": rotation_params}


def reference(x, affix_ids, rotation_params):
    # Gather rotation params per affix id (embedding lookup)
    a = jnp.take(rotation_params, affix_ids, axis=0)  # [B, S, DIM]
    a_sq = a * a
    denom = 1.0 + a_sq
    cos_like = (1.0 - a_sq) / denom
    sin_like = 2.0 * a / denom
    x_real = x[..., 0]
    x_imag = x[..., 1]
    out_real = x_real * cos_like - x_imag * sin_like
    out_imag = x_real * sin_like + x_imag * cos_like
    return jnp.stack([out_real, out_imag], axis=-1)

if __name__ == "__main__":
    import jax
    _d = setup_inputs()
    print(jax.jit(kernel)(*tuple(_d.values())))

</pallas_src>

<mosaic_0001>
#map = affine_map<(d0, d1) -> (0, 0)>
#map1 = affine_map<(d0, d1) -> (0)>
#map2 = affine_map<(d0, d1) -> (0, 0, 0, 0)>
module attributes {stable_mosaic.version = 14 : i64} {
  func.func @gather_kernel(%arg0: i32, %arg1: i32, %arg2: memref<100000x64xf32, #tpu.memory_space<hbm>>, %arg3: memref<204800xi32, #tpu.memory_space<hbm>>, %arg4: memref<200x64x16x128xf32, #tpu.memory_space<hbm>>, %arg5: memref<6400xi32, #tpu.memory_space<vmem>>, %arg6: memref<128x64xf32, #tpu.memory_space<vmem>>, %arg7: memref<128x64xf32, #tpu.memory_space<vmem>>, %arg8: memref<64x2x128xf32, #tpu.memory_space<vmem>>, %arg9: memref<64x2x128xf32, #tpu.memory_space<vmem>>, %arg10: memref<!tpu.dma_semaphore, #tpu.memory_space<semaphore_mem>>, %arg11: memref<!tpu.dma_semaphore, #tpu.memory_space<semaphore_mem>>, %arg12: memref<!tpu.dma_semaphore, #tpu.memory_space<semaphore_mem>>, %arg13: memref<!tpu.dma_semaphore, #tpu.memory_space<semaphore_mem>>) attributes {dimension_semantics = [#tpu.dimension_semantics<core_parallel>, #tpu.dimension_semantics<subcore_parallel>], iteration_bounds = array<i64: 2, 16>, scalar_prefetch = 0 : i64, scratch_operands = 9 : i64, tpu.core_type = #tpu.core_type<sc_vector_subcore>, window_params = [{transform_indices = #map}, {transform_indices = #map1}, {transform_indices = #map2}]} {
    %mul3A = arith.constant 2 : i32
    %mul3A_0 = arith.muli %arg1, %mul3A : i32
    %add3A = arith.addi %mul3A_0, %arg0 : i32
    %mul3A_1 = arith.constant 50 : i32
    %mul3A_2 = arith.muli %add3A, %mul3A_1 : i32
    %mul3A_3 = arith.constant 128 : i32
    %mul3A_4 = arith.muli %mul3A_2, %mul3A_3 : i32
    %multiple_of3A = tpu.assume_multiple %mul3A_4, 128 : i32
    "tpu.region"() ({
      %run_scoped3A = tpu.sem_alloc : memref<!tpu.dma_semaphore, #tpu.memory_space<semaphore_mem>>
      %dma_start3A_196 = tpu.memref_slice %arg3[%multiple_of3A] : memref<204800xi32, #tpu.memory_space<hbm>> -> memref<6400xi32, #tpu.memory_space<hbm>>
      %dma_start3A_197 = tpu.memref_slice %arg3[%multiple_of3A] : memref<204800xi32, #tpu.memory_space<hbm>> -> memref<6400xi32, #tpu.memory_space<hbm>>
      tpu.enqueue_dma source(%dma_start3A_197 : memref<6400xi32, #tpu.memory_space<hbm>>) target(%arg5 : memref<6400xi32, #tpu.memory_space<vmem>>) target_semaphore(%run_scoped3A : memref<!tpu.dma_semaphore, #tpu.memory_space<semaphore_mem>>)
      %dma_wait3A_198 = tpu.memref_slice %arg3[%multiple_of3A] : memref<204800xi32, #tpu.memory_space<hbm>> -> memref<6400xi32, #tpu.memory_space<hbm>>
      %dma_wait3A_199 = tpu.memref_slice %arg3[%multiple_of3A] : memref<204800xi32, #tpu.memory_space<hbm>> -> memref<6400xi32, #tpu.memory_space<hbm>>
      tpu.wait_dma2 semaphore(%run_scoped3A : memref<!tpu.dma_semaphore, #tpu.memory_space<semaphore_mem>>) src(%dma_wait3A_199 : memref<6400xi32, #tpu.memory_space<hbm>>) dst(%arg5 : memref<6400xi32, #tpu.memory_space<vmem>>)
      tpu.yield
    }) : () -> ()
    %iota3A = tpu.iota {dimensions = array<i32: 0>} : vector<16xi32>
    %broadcast_in_dim3A = arith.constant 0 : i32
    %broadcast_in_dim3A_5 = vector.broadcast %broadcast_in_dim3A : i32 to vector<16xi32>
    %broadcast_in_dim3A_6 = arith.constant 1 : i32
    %broadcast_in_dim3A_7 = vector.broadcast %broadcast_in_dim3A_6 : i32 to vector<16xi32>
    %dma_start3A = arith.constant 0 : i32
    %dma_start3A_8 = tpu.memref_slice %arg5[%dma_start3A] : memref<6400xi32, #tpu.memory_space<vmem>> -> memref<128xi32, #tpu.memory_space<vmem>>
    %dma_start3A_9 = arith.constant 0 : i32
    %dma_start3A_10 = arith.constant 0 : i32
    %dma_start3A_11 = tpu.memref_slice %arg2[%dma_start3A_9, %dma_start3A_10] : memref<100000x64xf32, #tpu.memory_space<hbm>> -> memref<100000x64xf32, #tpu.memory_space<hbm>>
    tpu.enqueue_indirect_dma source(%dma_start3A_11 : memref<100000x64xf32, #tpu.memory_space<hbm>>) target(%arg6 : memref<128x64xf32, #tpu.memory_space<vmem>>) offsets(%dma_start3A_8 : memref<128xi32, #tpu.memory_space<vmem>>) semaphore(%arg10 : memref<!tpu.dma_semaphore, #tpu.memory_space<semaphore_mem>>)
    %scan3A = arith.constant 0 : i32
    %scan3A_12 = arith.constant 0 : i32
    %scan3A_13 = arith.constant 25 : i32
    %scan3A_14 = arith.addi %scan3A_12, %scan3A_13 : i32
    %scan3A_15 = arith.constant 1 : i32
    scf.for %scan3A_196 = %scan3A_12 to %scan3A_14 step %scan3A_15  : i32 {
      %mul3A_197 = arith.constant 2 : i32
      %mul3A_198 = arith.muli %mul3A_197, %scan3A_196 : i32
      %mul3A_199 = arith.constant 2 : i32
      %mul3A_200 = arith.muli %mul3A_199, %scan3A_196 : i32
      %add3A_201 = arith.constant 1 : i32
      %add3A_202 = arith.addi %mul3A_200, %add3A_201 : i32
      %mul3A_203 = arith.constant 128 : i32
      %mul3A_204 = arith.muli %add3A_202, %mul3A_203 : i32
      %dma_start3A_205 = tpu.memref_slice %arg5[%mul3A_204] : memref<6400xi32, #tpu.memory_space<vmem>> -> memref<128xi32, #tpu.memory_space<vmem>>
      %dma_start3A_206 = arith.constant 0 : i32
      %dma_start3A_207 = arith.constant 0 : i32
      %dma_start3A_208 = tpu.memref_slice %arg2[%dma_start3A_206, %dma_start3A_207] : memref<100000x64xf32, #tpu.memory_space<hbm>> -> memref<100000x64xf32, #tpu.memory_space<hbm>>
      tpu.enqueue_indirect_dma source(%dma_start3A_208 : memref<100000x64xf32, #tpu.memory_space<hbm>>) target(%arg7 : memref<128x64xf32, #tpu.memory_space<vmem>>) offsets(%dma_start3A_205 : memref<128xi32, #tpu.memory_space<vmem>>) semaphore(%arg11 : memref<!tpu.dma_semaphore, #tpu.memory_space<semaphore_mem>>)
      %dma_wait3A_209 = arith.constant 0 : i32
      %dma_wait3A_210 = tpu.memref_slice %arg5[%dma_wait3A_209] : memref<6400xi32, #tpu.memory_space<vmem>> -> memref<128xi32, #tpu.memory_space<vmem>>
      %dma_wait3A_211 = arith.constant 0 : i32
      %dma_wait3A_212 = arith.constant 0 : i32
      %dma_wait3A_213 = tpu.memref_slice %arg2[%dma_wait3A_211, %dma_wait3A_212] : memref<100000x64xf32, #tpu.memory_space<hbm>> -> memref<100000x64xf32, #tpu.memory_space<hbm>>
      tpu.wait_indirect_dma semaphore(%arg10 : memref<!tpu.dma_semaphore, #tpu.memory_space<semaphore_mem>>) src(%dma_wait3A_213 : memref<100000x64xf32, #tpu.memory_space<hbm>>) dst(%arg6 : memref<128x64xf32, #tpu.memory_space<vmem>>)
      %gt3A = arith.constant 0 : i32
      %gt3A_214 = arith.cmpi sgt, %scan3A_196, %gt3A : i32
      %convert_element_type3A = arith.extui %gt3A_214 : i1 to i32
      %cond3A = arith.constant 0 : i32
      %cond3A_215 = arith.cmpi ne, %convert_element_type3A, %cond3A : i32
      scf.if %cond3A_215 {
        %add3A_431 = arith.addi %mul3A_2, %mul3A_198 : i32
        %jit3A_432 = arith.constant 64 : i32
        %div3A_433 = arith.divsi %add3A_431, %jit3A_432 : i32
        %sign3A_434 = arith.constant 0 : i32
        %sign3A_435 = arith.cmpi sgt, %add3A_431, %sign3A_434 : i32
        %sign3A_436 = arith.extui %sign3A_435 : i1 to i32
        %sign3A_437 = arith.constant 0 : i32
        %sign3A_438 = arith.cmpi slt, %add3A_431, %sign3A_437 : i32
        %sign3A_439 = arith.extui %sign3A_438 : i1 to i32
        %sign3A_440 = arith.subi %sign3A_436, %sign3A_439 : i32
        %sign3A_441 = arith.constant 0 : i32
        %sign3A_442 = arith.cmpi sgt, %jit3A_432, %sign3A_441 : i32
        %sign3A_443 = arith.extui %sign3A_442 : i1 to i32
        %sign3A_444 = arith.constant 0 : i32
        %sign3A_445 = arith.cmpi slt, %jit3A_432, %sign3A_444 : i32
        %sign3A_446 = arith.extui %sign3A_445 : i1 to i32
        %sign3A_447 = arith.subi %sign3A_443, %sign3A_446 : i32
        %ne3A_448 = arith.cmpi ne, %sign3A_440, %sign3A_447 : i32
        %rem3A_449 = arith.remsi %add3A_431, %jit3A_432 : i32
        %ne3A_450 = arith.constant 0 : i32
        %ne3A_451 = arith.cmpi ne, %rem3A_449, %ne3A_450 : i32
        %and3A_452 = arith.andi %ne3A_448, %ne3A_451 : i1
        %sub3A_453 = arith.constant 1 : i32
        %sub3A_454 = arith.subi %div3A_433, %sub3A_453 : i32
        %select_n3A_455 = arith.select %and3A_452, %sub3A_454, %div3A_433 : i32
        %mul3A_456 = arith.constant 8 : i32
        %mul3A_457 = arith.muli %select_n3A_455, %mul3A_456 : i32
        %jit3A_458 = arith.constant 8 : i32
        %eq3A_459 = arith.constant 0 : i32
        %eq3A_460 = arith.cmpi eq, %jit3A_458, %eq3A_459 : i32
        %jit3A_461 = arith.constant 1 : i32
        %select_n3A_462 = arith.select %eq3A_460, %jit3A_461, %jit3A_458 : i32
        %rem3A_463 = arith.remsi %add3A_431, %select_n3A_462 : i32
        %ne3A_464 = arith.constant 0 : i32
        %ne3A_465 = arith.cmpi ne, %rem3A_463, %ne3A_464 : i32
        %lt3A_466 = arith.constant 0 : i32
        %lt3A_467 = arith.cmpi slt, %rem3A_463, %lt3A_466 : i32
        %lt3A_468 = arith.constant 0 : i32
        %lt3A_469 = arith.cmpi slt, %select_n3A_462, %lt3A_468 : i32
        %ne3A_470 = arith.xori %lt3A_467, %lt3A_469 : i1
        %and3A_471 = arith.andi %ne3A_470, %ne3A_465 : i1
        %add3A_472 = arith.addi %rem3A_463, %select_n3A_462 : i32
        %select_n3A_473 = arith.select %and3A_471, %add3A_472, %rem3A_463 : i32
        %add3A_474 = arith.addi %mul3A_457, %select_n3A_473 : i32
        %jit3A_475 = arith.constant 8 : i32
        %div3A_476 = arith.divsi %add3A_431, %jit3A_475 : i32
        %sign3A_477 = arith.constant 0 : i32
        %sign3A_478 = arith.cmpi sgt, %add3A_431, %sign3A_477 : i32
        %sign3A_479 = arith.extui %sign3A_478 : i1 to i32
        %sign3A_480 = arith.constant 0 : i32
        %sign3A_481 = arith.cmpi slt, %add3A_431, %sign3A_480 : i32
        %sign3A_482 = arith.extui %sign3A_481 : i1 to i32
        %sign3A_483 = arith.subi %sign3A_479, %sign3A_482 : i32
        %sign3A_484 = arith.constant 0 : i32
        %sign3A_485 = arith.cmpi sgt, %jit3A_475, %sign3A_484 : i32
        %sign3A_486 = arith.extui %sign3A_485 : i1 to i32
        %sign3A_487 = arith.constant 0 : i32
        %sign3A_488 = arith.cmpi slt, %jit3A_475, %sign3A_487 : i32
        %sign3A_489 = arith.extui %sign3A_488 : i1 to i32
        %sign3A_490 = arith.subi %sign3A_486, %sign3A_489 : i32
        %ne3A_491 = arith.cmpi ne, %sign3A_483, %sign3A_490 : i32
        %rem3A_492 = arith.remsi %add3A_431, %jit3A_475 : i32
        %ne3A_493 = arith.constant 0 : i32
        %ne3A_494 = arith.cmpi ne, %rem3A_492, %ne3A_493 : i32
        %and3A_495 = arith.andi %ne3A_491, %ne3A_494 : i1
        %sub3A_496 = arith.constant 1 : i32
        %sub3A_497 = arith.subi %div3A_476, %sub3A_496 : i32
        %select_n3A_498 = arith.select %and3A_495, %sub3A_497, %div3A_476 : i32
        %jit3A_499 = arith.constant 8 : i32
        %eq3A_500 = arith.constant 0 : i32
        %eq3A_501 = arith.cmpi eq, %jit3A_499, %eq3A_500 : i32
        %jit3A_502 = arith.constant 1 : i32
        %select_n3A_503 = arith.select %eq3A_501, %jit3A_502, %jit3A_499 : i32
        %rem3A_504 = arith.remsi %select_n3A_498, %select_n3A_503 : i32
        %ne3A_505 = arith.constant 0 : i32
        %ne3A_506 = arith.cmpi ne, %rem3A_504, %ne3A_505 : i32
        %lt3A_507 = arith.constant 0 : i32
        %lt3A_508 = arith.cmpi slt, %rem3A_504, %lt3A_507 : i32
        %lt3A_509 = arith.constant 0 : i32
        %lt3A_510 = arith.cmpi slt, %select_n3A_503, %lt3A_509 : i32
        %ne3A_511 = arith.xori %lt3A_508, %lt3A_510 : i1
        %and3A_512 = arith.andi %ne3A_511, %ne3A_506 : i1
        %add3A_513 = arith.addi %rem3A_504, %select_n3A_503 : i32
        %select_n3A_514 = arith.select %and3A_512, %add3A_513, %rem3A_504 : i32
        %mul3A_515 = arith.constant 2 : i32
        %mul3A_516 = arith.muli %mul3A_515, %select_n3A_514 : i32
        %dma_wait3A_517 = arith.constant 0 : i32
        %dma_wait3A_518 = arith.constant 0 : i32
        %dma_wait3A_519 = tpu.memref_slice %arg4[%add3A_474, %dma_wait3A_517, %mul3A_516, %dma_wait3A_518] : memref<200x64x16x128xf32, #tpu.memory_space<hbm>> -> memref<1x64x2x128xf32, #tpu.memory_space<hbm>>
        %dma_wait3A_520 = tpu.memref_squeeze %dma_wait3A_519 : memref<1x64x2x128xf32, #tpu.memory_space<hbm>> -> memref<64x2x128xf32, #tpu.memory_space<hbm>>
        %dma_wait3A_521 = arith.constant 0 : i32
        %dma_wait3A_522 = arith.constant 0 : i32
        %dma_wait3A_523 = tpu.memref_slice %arg4[%add3A_474, %dma_wait3A_521, %mul3A_516, %dma_wait3A_522] : memref<200x64x16x128xf32, #tpu.memory_space<hbm>> -> memref<1x64x2x128xf32, #tpu.memory_space<hbm>>
        %dma_wait3A_524 = tpu.memref_squeeze %dma_wait3A_523 : memref<1x64x2x128xf32, #tpu.memory_space<hbm>> -> memref<64x2x128xf32, #tpu.memory_space<hbm>>
        tpu.wait_dma2 semaphore(%arg12 : memref<!tpu.dma_semaphore, #tpu.memory_space<semaphore_mem>>) src(%arg8 : memref<64x2x128xf32, #tpu.memory_space<vmem>>) dst(%dma_wait3A_524 : memref<64x2x128xf32, #tpu.memory_space<hbm>>)
      } else {
      }
      %scan3A_216 = arith.constant 0 : i32
      %scan3A_217 = arith.constant 0 : i32
      %scan3A_218 = arith.constant 64 : i32
      %scan3A_219 = arith.addi %scan3A_217, %scan3A_218 : i32
      %scan3A_220 = arith.constant 4 : i32
      scf.for %scan3A_431 = %scan3A_217 to %scan3A_219 step %scan3A_220  : i32 {
        %add3A_432 = vector.broadcast %scan3A_431 : i32 to vector<16xi32>
        %add3A_433 = arith.addi %add3A_432, %iota3A : vector<16xi32>
        %and3A_434 = arith.constant 63 : i32
        %and3A_435 = vector.broadcast %and3A_434 : i32 to vector<16xi32>
        %and3A_436 = arith.andi %add3A_433, %and3A_435 : vector<16xi32>
        %add3A_437 = arith.constant 0 : i32
        %add3A_438 = vector.broadcast %add3A_437 : i32 to vector<16xi32>
        %add3A_439 = arith.addi %iota3A, %add3A_438 : vector<16xi32>
        %gather3A = tpu.vector_load_idx %arg6[%add3A_439, %and3A_436] : memref<128x64xf32, #tpu.memory_space<vmem>>[vector<16xi32>, vector<16xi32>], vector<16xf32>,
        %neg3A = arith.constant 0.000000e+00 : f32
        %neg3A_440 = vector.broadcast %neg3A : f32 to vector<16xf32>
        %neg3A_441 = arith.subf %neg3A_440, %gather3A : vector<16xf32>
        tpu.vector_store_idx %arg8[%and3A_436, %broadcast_in_dim3A_5, %add3A_439], %neg3A_441 : memref<64x2x128xf32, #tpu.memory_space<vmem>>[vector<16xi32>, vector<16xi32>, vector<16xi32>], vector<16xf32>,
        tpu.vector_store_idx %arg8[%and3A_436, %broadcast_in_dim3A_7, %add3A_439], %gather3A : memref<64x2x128xf32, #tpu.memory_space<vmem>>[vector<16xi32>, vector<16xi32>, vector<16xi32>], vector<16xf32>,
        %add3A_442 = arith.constant 16 : i32
        %add3A_443 = vector.broadcast %add3A_442 : i32 to vector<16xi32>
        %add3A_444 = arith.addi %iota3A, %add3A_443 : vector<16xi32>
        %gather3A_445 = tpu.vector_load_idx %arg6[%add3A_444, %and3A_436] : memref<128x64xf32, #tpu.memory_space<vmem>>[vector<16xi32>, vector<16xi32>], vector<16xf32>,
        %neg3A_446 = arith.constant 0.000000e+00 : f32
        %neg3A_447 = vector.broadcast %neg3A_446 : f32 to vector<16xf32>
        %neg3A_448 = arith.subf %neg3A_447, %gather3A_445 : vector<16xf32>
        tpu.vector_store_idx %arg8[%and3A_436, %broadcast_in_dim3A_5, %add3A_444], %neg3A_448 : memref<64x2x128xf32, #tpu.memory_space<vmem>>[vector<16xi32>, vector<16xi32>, vector<16xi32>], vector<16xf32>,
        tpu.vector_store_idx %arg8[%and3A_436, %broadcast_in_dim3A_7, %add3A_444], %gather3A_445 : memref<64x2x128xf32, #tpu.memory_space<vmem>>[vector<16xi32>, vector<16xi32>, vector<16xi32>], vector<16xf32>,
        %add3A_449 = arith.constant 32 : i32
        %add3A_450 = vector.broadcast %add3A_449 : i32 to vector<16xi32>
        %add3A_451 = arith.addi %iota3A, %add3A_450 : vector<16xi32>
        %gather3A_452 = tpu.vector_load_idx %arg6[%add3A_451, %and3A_436] : memref<128x64xf32, #tpu.memory_space<vmem>>[vector<16xi32>, vector<16xi32>], vector<16xf32>,
        %neg3A_453 = arith.constant 0.000000e+00 : f32
        %neg3A_454 = vector.broadcast %neg3A_453 : f32 to vector<16xf32>
        %neg3A_455 = arith.subf %neg3A_454, %gather3A_452 : vector<16xf32>
        tpu.vector_store_idx %arg8[%and3A_436, %broadcast_in_dim3A_5, %add3A_451], %neg3A_455 : memref<64x2x128xf32, #tpu.memory_space<vmem>>[vector<16xi32>, vector<16xi32>, vector<16xi32>], vector<16xf32>,
        tpu.vector_store_idx %arg8[%and3A_436, %broadcast_in_dim3A_7, %add3A_451], %gather3A_452 : memref<64x2x128xf32, #tpu.memory_space<vmem>>[vector<16xi32>, vector<16xi32>, vector<16xi32>], vector<16xf32>,
        %add3A_456 = arith.constant 48 : i32
        %add3A_457 = vector.broadcast %add3A_456 : i32 to vector<16xi32>
        %add3A_458 = arith.addi %iota3A, %add3A_457 : vector<16xi32>
        %gather3A_459 = tpu.vector_load_idx %arg6[%add3A_458, %and3A_436] : memref<128x64xf32, #tpu.memory_space<vmem>>[vector<16xi32>, vector<16xi32>], vector<16xf32>,
        %neg3A_460 = arith.constant 0.000000e+00 : f32
        %neg3A_461 = vector.broadcast %neg3A_460 : f32 to vector<16xf32>
        %neg3A_462 = arith.subf %neg3A_461, %gather3A_459 : vector<16xf32>
        tpu.vector_store_idx %arg8[%and3A_436, %broadcast_in_dim3A_5, %add3A_458], %neg3A_462 : memref<64x2x128xf32, #tpu.memory_space<vmem>>[vector<16xi32>, vector<16xi32>, vector<16xi32>], vector<16xf32>,
        tpu.vector_store_idx %arg8[%and3A_436, %broadcast_in_dim3A_7, %add3A_458], %gather3A_459 : memref<64x2x128xf32, #tpu.memory_space<vmem>>[vector<16xi32>, vector<16xi32>, vector<16xi32>], vector<16xf32>,
        %add3A_463 = arith.constant 64 : i32
        %add3A_464 = vector.broadcast %add3A_463 : i32 to vector<16xi32>
        %add3A_465 = arith.addi %iota3A, %add3A_464 : vector<16xi32>
        %gather3A_466 = tpu.vector_load_idx %arg6[%add3A_465, %and3A_436] : memref<128x64xf32, #tpu.memory_space<vmem>>[vector<16xi32>, vector<16xi32>], vector<16xf32>,
        %neg3A_467 = arith.constant 0.000000e+00 : f32
        %neg3A_468 = vector.broadcast %neg3A_467 : f32 to vector<16xf32>
        %neg3A_469 = arith.subf %neg3A_468, %gather3A_466 : vector<16xf32>
        tpu.vector_store_idx %arg8[%and3A_436, %broadcast_in_dim3A_5, %add3A_465], %neg3A_469 : memref<64x2x128xf32, #tpu.memory_space<vmem>>[vector<16xi32>, vector<16xi32>, vector<16xi32>], vector<16xf32>,
        tpu.vector_store_idx %arg8[%and3A_436, %broadcast_in_dim3A_7, %add3A_465], %gather3A_466 : memref<64x2x128xf32, #tpu.memory_space<vmem>>[vector<16xi32>, vector<16xi32>, vector<16xi32>], vector<16xf32>,
        %add3A_470 = arith.constant 80 : i32
        %add3A_471 = vector.broadcast %add3A_470 : i32 to vector<16xi32>
        %add3A_472 = arith.addi %iota3A, %add3A_471 : vector<16xi32>
        %gather3A_473 = tpu.vector_load_idx %arg6[%add3A_472, %and3A_436] : memref<128x64xf32, #tpu.memory_space<vmem>>[vector<16xi32>, vector<16xi32>], vector<16xf32>,
        %neg3A_474 = arith.constant 0.000000e+00 : f32
        %neg3A_475 = vector.broadcast %neg3A_474 : f32 to vector<16xf32>
        %neg3A_476 = arith.subf %neg3A_475, %gather3A_473 : vector<16xf32>
        tpu.vector_store_idx %arg8[%and3A_436, %broadcast_in_dim3A_5, %add3A_472], %neg3A_476 : memref<64x2x128xf32, #tpu.memory_space<vmem>>[vector<16xi32>, vector<16xi32>, vector<16xi32>], vector<16xf32>,
        tpu.vector_store_idx %arg8[%and3A_436, %broadcast_in_dim3A_7, %add3A_472], %gather3A_473 : memref<64x2x128xf32, #tpu.memory_space<vmem>>[vector<16xi32>, vector<16xi32>, vector<16xi32>], vector<16xf32>,
        %add3A_477 = arith.constant 96 : i32
        %add3A_478 = vector.broadcast %add3A_477 : i32 to vector<16xi32>
        %add3A_479 = arith.addi %iota3A, %add3A_478 : vector<16xi32>
        %gather3A_480 = tpu.vector_load_idx %arg6[%add3A_479, %and3A_436] : memref<128x64xf32, #tpu.memory_space<vmem>>[vector<16xi32>, vector<16xi32>], vector<16xf32>,
        %neg3A_481 = arith.constant 0.000000e+00 : f32
        %neg3A_482 = vector.broadcast %neg3A_481 : f32 to vector<16xf32>
        %neg3A_483 = arith.subf %neg3A_482, %gather3A_480 : vector<16xf32>
        tpu.vector_store_idx %arg8[%and3A_436, %broadcast_in_dim3A_5, %add3A_479], %neg3A_483 : memref<64x2x128xf32, #tpu.memory_space<vmem>>[vector<16xi32>, vector<16xi32>, vector<16xi32>], vector<16xf32>,
        tpu.vector_store_idx %arg8[%and3A_436, %broadcast_in_dim3A_7, %add3A_479], %gather3A_480 : memref<64x2x128xf32, #tpu.memory_space<vmem>>[vector<16xi32>, vector<16xi32>, vector<16xi32>], vector<16xf32>,
        %add3A_484 = arith.constant 112 : i32
        %add3A_485 = vector.broadcast %add3A_484 : i32 to vector<16xi32>
        %add3A_486 = arith.addi %iota3A, %add3A_485 : vector<16xi32>
        %gather3A_487 = tpu.vector_load_idx %arg6[%add3A_486, %and3A_436] : memref<128x64xf32, #tpu.memory_space<vmem>>[vector<16xi32>, vector<16xi32>], vector<16xf32>,
        %neg3A_488 = arith.constant 0.000000e+00 : f32
        %neg3A_489 = vector.broadcast %neg3A_488 : f32 to vector<16xf32>
        %neg3A_490 = arith.subf %neg3A_489, %gather3A_487 : vector<16xf32>
        tpu.vector_store_idx %arg8[%and3A_436, %broadcast_in_dim3A_5, %add3A_486], %neg3A_490 : memref<64x2x128xf32, #tpu.memory_space<vmem>>[vector<16xi32>, vector<16xi32>, vector<16xi32>], vector<16xf32>,
        tpu.vector_store_idx %arg8[%and3A_436, %broadcast_in_dim3A_7, %add3A_486], %gather3A_487 : memref<64x2x128xf32, #tpu.memory_space<vmem>>[vector<16xi32>, vector<16xi32>, vector<16xi32>], vector<16xf32>,
        %scan3A_491 = arith.constant 1 : i32
        %scan3A_492 = arith.addi %scan3A_431, %scan3A_491 : i32
        %add3A_493 = vector.broadcast %scan3A_492 : i32 to vector<16xi32>
        %add3A_494 = arith.addi %add3A_493, %iota3A : vector<16xi32>
        %and3A_495 = arith.constant 63 : i32
        %and3A_496 = vector.broadcast %and3A_495 : i32 to vector<16xi32>
        %and3A_497 = arith.andi %add3A_494, %and3A_496 : vector<16xi32>
        %add3A_498 = arith.constant 0 : i32
        %add3A_499 = vector.broadcast %add3A_498 : i32 to vector<16xi32>
        %add3A_500 = arith.addi %iota3A, %add3A_499 : vector<16xi32>
        %gather3A_501 = tpu.vector_load_idx %arg6[%add3A_500, %and3A_497] : memref<128x64xf32, #tpu.memory_space<vmem>>[vector<16xi32>, vector<16xi32>], vector<16xf32>,
        %neg3A_502 = arith.constant 0.000000e+00 : f32
        %neg3A_503 = vector.broadcast %neg3A_502 : f32 to vector<16xf32>
        %neg3A_504 = arith.subf %neg3A_503, %gather3A_501 : vector<16xf32>
        tpu.vector_store_idx %arg8[%and3A_497, %broadcast_in_dim3A_5, %add3A_500], %neg3A_504 : memref<64x2x128xf32, #tpu.memory_space<vmem>>[vector<16xi32>, vector<16xi32>, vector<16xi32>], vector<16xf32>,
        tpu.vector_store_idx %arg8[%and3A_497, %broadcast_in_dim3A_7, %add3A_500], %gather3A_501 : memref<64x2x128xf32, #tpu.memory_space<vmem>>[vector<16xi32>, vector<16xi32>, vector<16xi32>], vector<16xf32>,
        %add3A_505 = arith.constant 16 : i32
        %add3A_506 = vector.broadcast %add3A_505 : i32 to vector<16xi32>
        %add3A_507 = arith.addi %iota3A, %add3A_506 : vector<16xi32>
        %gather3A_508 = tpu.vector_load_idx %arg6[%add3A_507, %and3A_497] : memref<128x64xf32, #tpu.memory_space<vmem>>[vector<16xi32>, vector<16xi32>], vector<16xf32>,
        %neg3A_509 = arith.constant 0.000000e+00 : f32
        %neg3A_510 = vector.broadcast %neg3A_509 : f32 to vector<16xf32>
        %neg3A_511 = arith.subf %neg3A_510, %gather3A_508 : vector<16xf32>
        tpu.vector_store_idx %arg8[%and3A_497, %broadcast_in_dim3A_5, %add3A_507], %neg3A_511 : memref<64x2x128xf32, #tpu.memory_space<vmem>>[vector<16xi32>, vector<16xi32>, vector<16xi32>], vector<16xf32>,
        tpu.vector_store_idx %arg8[%and3A_497, %broadcast_in_dim3A_7, %add3A_507], %gather3A_508 : memref<64x2x128xf32, #tpu.memory_space<vmem>>[vector<16xi32>, vector<16xi32>, vector<16xi32>], vector<16xf32>,
        %add3A_512 = arith.constant 32 : i32
        %add3A_513 = vector.broadcast %add3A_512 : i32 to vector<16xi32>
        %add3A_514 = arith.addi %iota3A, %add3A_513 : vector<16xi32>
        %gather3A_515 = tpu.vector_load_idx %arg6[%add3A_514, %and3A_497] : memref<128x64xf32, #tpu.memory_space<vmem>>[vector<16xi32>, vector<16xi32>], vector<16xf32>,
        %neg3A_516 = arith.constant 0.000000e+00 : f32
        %neg3A_517 = vector.broadcast %neg3A_516 : f32 to vector<16xf32>
        %neg3A_518 = arith.subf %neg3A_517, %gather3A_515 : vector<16xf32>
        tpu.vector_store_idx %arg8[%and3A_497, %broadcast_in_dim3A_5, %add3A_514], %neg3A_518 : memref<64x2x128xf32, #tpu.memory_space<vmem>>[vector<16xi32>, vector<16xi32>, vector<16xi32>], vector<16xf32>,
        tpu.vector_store_idx %arg8[%and3A_497, %broadcast_in_dim3A_7, %add3A_514], %gather3A_515 : memref<64x2x128xf32, #tpu.memory_space<vmem>>[vector<16xi32>, vector<16xi32>, vector<16xi32>], vector<16xf32>,
        %add3A_519 = arith.constant 48 : i32
        %add3A_520 = vector.broadcast %add3A_519 : i32 to vector<16xi32>
        %add3A_521 = arith.addi %iota3A, %add3A_520 : vector<16xi32>
        %gather3A_522 = tpu.vector_load_idx %arg6[%add3A_521, %and3A_497] : memref<128x64xf32, #tpu.memory_space<vmem>>[vector<16xi32>, vector<16xi32>], vector<16xf32>,
        %neg3A_523 = arith.constant 0.000000e+00 : f32
        %neg3A_524 = vector.broadcast %neg3A_523 : f32 to vector<16xf32>
        %neg3A_525 = arith.subf %neg3A_524, %gather3A_522 : vector<16xf32>
        tpu.vector_store_idx %arg8[%and3A_497, %broadcast_in_dim3A_5, %add3A_521], %neg3A_525 : memref<64x2x128xf32, #tpu.memory_space<vmem>>[vector<16xi32>, vector<16xi32>, vector<16xi32>], vector<16xf32>,
        tpu.vector_store_idx %arg8[%and3A_497, %broadcast_in_dim3A_7, %add3A_521], %gather3A_522 : memref<64x2x128xf32, #tpu.memory_space<vmem>>[vector<16xi32>, vector<16xi32>, vector<16xi32>], vector<16xf32>,
        %add3A_526 = arith.constant 64 : i32
        %add3A_527 = vector.broadcast %add3A_526 : i32 to vector<16xi32>
        %add3A_528 = arith.addi %iota3A, %add3A_527 : vector<16xi32>
        %gather3A_529 = tpu.vector_load_idx %arg6[%add3A_528, %and3A_497] : memref<128x64xf32, #tpu.memory_space<vmem>>[vector<16xi32>, vector<16xi32>], vector<16xf32>,
        %neg3A_530 = arith.constant 0.000000e+00 : f32
        %neg3A_531 = vector.broadcast %neg3A_530 : f32 to vector<16xf32>
        %neg3A_532 = arith.subf %neg3A_531, %gather3A_529 : vector<16xf32>
        tpu.vector_store_idx %arg8[%and3A_497, %broadcast_in_dim3A_5, %add3A_528], %neg3A_532 : memref<64x2x128xf32, #tpu.memory_space<vmem>>[vector<16xi32>, vector<16xi32>, vector<16xi32>], vector<16xf32>,
        tpu.vector_store_idx %arg8[%and3A_497, %broadcast_in_dim3A_7, %add3A_528], %gather3A_529 : memref<64x2x128xf32, #tpu.memory_space<vmem>>[vector<16xi32>, vector<16xi32>, vector<16xi32>], vector<16xf32>,
        %add3A_533 = arith.constant 80 : i32
        %add3A_534 = vector.broadcast %add3A_533 : i32 to vector<16xi32>
        %add3A_535 = arith.addi %iota3A, %add3A_534 : vector<16xi32>
        %gather3A_536 = tpu.vector_load_idx %arg6[%add3A_535, %and3A_497] : memref<128x64xf32, #tpu.memory_space<vmem>>[vector<16xi32>, vector<16xi32>], vector<16xf32>,
        %neg3A_537 = arith.constant 0.000000e+00 : f32
        %neg3A_538 = vector.broadcast %neg3A_537 : f32 to vector<16xf32>
        %neg3A_539 = arith.subf %neg3A_538, %gather3A_536 : vector<16xf32>
        tpu.vector_store_idx %arg8[%and3A_497, %broadcast_in_dim3A_5, %add3A_535], %neg3A_539 : memref<64x2x128xf32, #tpu.memory_space<vmem>>[vector<16xi32>, vector<16xi32>, vector<16xi32>], vector<16xf32>,
        tpu.vector_store_idx %arg8[%and3A_497, %broadcast_in_dim3A_7, %add3A_535], %gather3A_536 : memref<64x2x128xf32, #tpu.memory_space<vmem>>[vector<16xi32>, vector<16xi32>, vector<16xi32>], vector<16xf32>,
        %add3A_540 = arith.constant 96 : i32
        %add3A_541 = vector.broadcast %add3A_540 : i32 to vector<16xi32>
        %add3A_542 = arith.addi %iota3A, %add3A_541 : vector<16xi32>
        %gather3A_543 = tpu.vector_load_idx %arg6[%add3A_542, %and3A_497] : memref<128x64xf32, #tpu.memory_space<vmem>>[vector<16xi32>, vector<16xi32>], vector<16xf32>,
        %neg3A_544 = arith.constant 0.000000e+00 : f32
        %neg3A_545 = vector.broadcast %neg3A_544 : f32 to vector<16xf32>
        %neg3A_546 = arith.subf %neg3A_545, %gather3A_543 : vector<16xf32>
        tpu.vector_store_idx %arg8[%and3A_497, %broadcast_in_dim3A_5, %add3A_542], %neg3A_546 : memref<64x2x128xf32, #tpu.memory_space<vmem>>[vector<16xi32>, vector<16xi32>, vector<16xi32>], vector<16xf32>,
        tpu.vector_store_idx %arg8[%and3A_497, %broadcast_in_dim3A_7, %add3A_542], %gather3A_543 : memref<64x2x128xf32, #tpu.memory_space<vmem>>[vector<16xi32>, vector<16xi32>, vector<16xi32>], vector<16xf32>,
        %add3A_547 = arith.constant 112 : i32
        %add3A_548 = vector.broadcast %add3A_547 : i32 to vector<16xi32>
        %add3A_549 = arith.addi %iota3A, %add3A_548 : vector<16xi32>
        %gather3A_550 = tpu.vector_load_idx %arg6[%add3A_549, %and3A_497] : memref<128x64xf32, #tpu.memory_space<vmem>>[vector<16xi32>, vector<16xi32>], vector<16xf32>,
        %neg3A_551 = arith.constant 0.000000e+00 : f32
        %neg3A_552 = vector.broadcast %neg3A_551 : f32 to vector<16xf32>
        %neg3A_553 = arith.subf %neg3A_552, %gather3A_550 : vector<16xf32>
        tpu.vector_store_idx %arg8[%and3A_497, %broadcast_in_dim3A_5, %add3A_549], %neg3A_553 : memref<64x2x128xf32, #tpu.memory_space<vmem>>[vector<16xi32>, vector<16xi32>, vector<16xi32>], vector<16xf32>,
        tpu.vector_store_idx %arg8[%and3A_497, %broadcast_in_dim3A_7, %add3A_549], %gather3A_550 : memref<64x2x128xf32, #tpu.memory_space<vmem>>[vector<16xi32>, vector<16xi32>, vector<16xi32>], vector<16xf32>,
        %scan3A_554 = arith.constant 2 : i32
        %scan3A_555 = arith.addi %scan3A_431, %scan3A_554 : i32
        %add3A_556 = vector.broadcast %scan3A_555 : i32 to vector<16xi32>
        %add3A_557 = arith.addi %add3A_556, %iota3A : vector<16xi32>
        %and3A_558 = arith.constant 63 : i32
        %and3A_559 = vector.broadcast %and3A_558 : i32 to vector<16xi32>
        %and3A_560 = arith.andi %add3A_557, %and3A_559 : vector<16xi32>
        %add3A_561 = arith.constant 0 : i32
        %add3A_562 = vector.broadcast %add3A_561 : i32 to vector<16xi32>
        %add3A_563 = arith.addi %iota3A, %add3A_562 : vector<16xi32>
        %gather3A_564 = tpu.vector_load_idx %arg6[%add3A_563, %and3A_560] : memref<128x64xf32, #tpu.memory_space<vmem>>[vector<16xi32>, vector<16xi32>], vector<16xf32>,
        %neg3A_565 = arith.constant 0.000000e+00 : f32
        %neg3A_566 = vector.broadcast %neg3A_565 : f32 to vector<16xf32>
        %neg3A_567 = arith.subf %neg3A_566, %gather3A_564 : vector<16xf32>
        tpu.vector_store_idx %arg8[%and3A_560, %broadcast_in_dim3A_5, %add3A_563], %neg3A_567 : memref<64x2x128xf32, #tpu.memory_space<vmem>>[vector<16xi32>, vector<16xi32>, vector<16xi32>], vector<16xf32>,
        tpu.vector_store_idx %arg8[%and3A_560, %broadcast_in_dim3A_7, %add3A_563], %gather3A_564 : memref<64x2x128xf32, #tpu.memory_space<vmem>>[vector<16xi32>, vector<16xi32>, vector<16xi32>], vector<16xf32>,
        %add3A_568 = arith.constant 16 : i32
        %add3A_569 = vector.broadcast %add3A_568 : i32 to vector<16xi32>
        %add3A_570 = arith.addi %iota3A, %add3A_569 : vector<16xi32>
        %gather3A_571 = tpu.vector_load_idx %arg6[%add3A_570, %and3A_560] : memref<128x64xf32, #tpu.memory_space<vmem>>[vector<16xi32>, vector<16xi32>], vector<16xf32>,
        %neg3A_572 = arith.constant 0.000000e+00 : f32
        %neg3A_573 = vector.broadcast %neg3A_572 : f32 to vector<16xf32>
        %neg3A_574 = arith.subf %neg3A_573, %gather3A_571 : vector<16xf32>
        tpu.vector_store_idx %arg8[%and3A_560, %broadcast_in_dim3A_5, %add3A_570], %neg3A_574 : memref<64x2x128xf32, #tpu.memory_space<vmem>>[vector<16xi32>, vector<16xi32>, vector<16xi32>], vector<16xf32>,
        tpu.vector_store_idx %arg8[%and3A_560, %broadcast_in_dim3A_7, %add3A_570], %gather3A_571 : memref<64x2x128xf32, #tpu.memory_space<vmem>>[vector<16xi32>, vector<16xi32>, vector<16xi32>], vector<16xf32>,
        %add3A_575 = arith.constant 32 : i32
        %add3A_576 = vector.broadcast %add3A_575 : i32 to vector<16xi32>
        %add3A_577 = arith.addi %iota3A, %add3A_576 : vector<16xi32>
        %gather3A_578 = tpu.vector_load_idx %arg6[%add3A_577, %and3A_560] : memref<128x64xf32, #tpu.memory_space<vmem>>[vector<16xi32>, vector<16xi32>], vector<16xf32>,
        %neg3A_579 = arith.constant 0.000000e+00 : f32
        %neg3A_580 = vector.broadcast %neg3A_579 : f32 to vector<16xf32>
        %neg3A_581 = arith.subf %neg3A_580, %gather3A_578 : vector<16xf32>
        tpu.vector_store_idx %arg8[%and3A_560, %broadcast_in_dim3A_5, %add3A_577], %neg3A_581 : memref<64x2x128xf32, #tpu.memory_space<vmem>>[vector<16xi32>, vector<16xi32>, vector<16xi32>], vector<16xf32>,
        tpu.vector_store_idx %arg8[%and3A_560, %broadcast_in_dim3A_7, %add3A_577], %gather3A_578 : memref<64x2x128xf32, #tpu.memory_space<vmem>>[vector<16xi32>, vector<16xi32>, vector<16xi32>], vector<16xf32>,
        %add3A_582 = arith.constant 48 : i32
        %add3A_583 = vector.broadcast %add3A_582 : i32 to vector<16xi32>
        %add3A_584 = arith.addi %iota3A, %add3A_583 : vector<16xi32>
        %gather3A_585 = tpu.vector_load_idx %arg6[%add3A_584, %and3A_560] : memref<128x64xf32, #tpu.memory_space<vmem>>[vector<16xi32>, vector<16xi32>], vector<16xf32>,
        %neg3A_586 = arith.constant 0.000000e+00 : f32
        %neg3A_587 = vector.broadcast %neg3A_586 : f32 to vector<16xf32>
        %neg3A_588 = arith.subf %neg3A_587, %gather3A_585 : vector<16xf32>
        tpu.vector_store_idx %arg8[%and3A_560, %broadcast_in_dim3A_5, %add3A_584], %neg3A_588 : memref<64x2x128xf32, #tpu.memory_space<vmem>>[vector<16xi32>, vector<16xi32>, vector<16xi32>], vector<16xf32>,
        tpu.vector_store_idx %arg8[%and3A_560, %broadcast_in_dim3A_7, %add3A_584], %gather3A_585 : memref<64x2x128xf32, #tpu.memory_space<vmem>>[vector<16xi32>, vector<16xi32>, vector<16xi32>], vector<16xf32>,
        %add3A_589 = arith.constant 64 : i32
        %add3A_590 = vector.broadcast %add3A_589 : i32 to vector<16xi32>
        %add3A_591 = arith.addi %iota3A, %add3A_590 : vector<16xi32>
        %gather3A_592 = tpu.vector_load_idx %arg6[%add3A_591, %and3A_560] : memref<128x64xf32, #tpu.memory_space<vmem>>[vector<16xi32>, vector<16xi32>], vector<16xf32>,
        %neg3A_593 = arith.constant 0.000000e+00 : f32
        %neg3A_594 = vector.broadcast %neg3A_593 : f32 to vector<16xf32>
        %neg3A_595 = arith.subf %neg3A_594, %gather3A_592 : vector<16xf32>
        tpu.vector_store_idx %arg8[%and3A_560, %broadcast_in_dim3A_5, %add3A_591], %neg3A_595 : memref<64x2x128xf32, #tpu.memory_space<vmem>>[vector<16xi32>, vector<16xi32>, vector<16xi32>], vector<16xf32>,
        tpu.vector_store_idx %arg8[%and3A_560, %broadcast_in_dim3A_7, %add3A_591], %gather3A_592 : memref<64x2x128xf32, #tpu.memory_space<vmem>>[vector<16xi32>, vector<16xi32>, vector<16xi32>], vector<16xf32>,
        %add3A_596 = arith.constant 80 : i32
        %add3A_597 = vector.broadcast %add3A_596 : i32 to vector<16xi32>
        %add3A_598 = arith.addi %iota3A, %add3A_597 : vector<16xi32>
        %gather3A_599 = tpu.vector_load_idx %arg6[%add3A_598, %and3A_560] : memref<128x64xf32, #tpu.memory_space<vmem>>[vector<16xi32>, vector<16xi32>], vector<16xf32>,
        %neg3A_600 = arith.constant 0.000000e+00 : f32
        %neg3A_601 = vector.broadcast %neg3A_600 : f32 to vector<16xf32>
        %neg3A_602 = arith.subf %neg3A_601, %gather3A_599 : vector<16xf32>
        tpu.vector_store_idx %arg8[%and3A_560, %broadcast_in_dim3A_5, %add3A_598], %neg3A_602 : memref<64x2x128xf32, #tpu.memory_space<vmem>>[vector<16xi32>, vector<16xi32>, vector<16xi32>], vector<16xf32>,
        tpu.vector_store_idx %arg8[%and3A_560, %broadcast_in_dim3A_7, %add3A_598], %gather3A_599 : memref<64x2x128xf32, #tpu.memory_space<vmem>>[vector<16xi32>, vector<16xi32>, vector<16xi32>], vector<16xf32>,
        %add3A_603 = arith.constant 96 : i32
        %add3A_604 = vector.broadcast %add3A_603 : i32 to vector<16xi32>
        %add3A_605 = arith.addi %iota3A, %add3A_604 : vector<16xi32>
        %gather3A_606 = tpu.vector_load_idx %arg6[%add3A_605, %and3A_560] : memref<128x64xf32, #tpu.memory_space<vmem>>[vector<16xi32>, vector<16xi32>], vector<16xf32>,
        %neg3A_607 = arith.constant 0.000000e+00 : f32
        %neg3A_608 = vector.broadcast %neg3A_607 : f32 to vector<16xf32>
        %neg3A_609 = arith.subf %neg3A_608, %gather3A_606 : vector<16xf32>
        tpu.vector_store_idx %arg8[%and3A_560, %broadcast_in_dim3A_5, %add3A_605], %neg3A_609 : memref<64x2x128xf32, #tpu.memory_space<vmem>>[vector<16xi32>, vector<16xi32>, vector<16xi32>], vector<16xf32>,
        tpu.vector_store_idx %arg8[%and3A_560, %broadcast_in_dim3A_7, %add3A_605], %gather3A_606 : memref<64x2x128xf32, #tpu.memory_space<vmem>>[vector<16xi32>, vector<16xi32>, vector<16xi32>], vector<16xf32>,
        %add3A_610 = arith.constant 112 : i32
        %add3A_611 = vector.broadcast %add3A_610 : i32 to vector<16xi32>
        %add3A_612 = arith.addi %iota3A, %add3A_611 : vector<16xi32>
        %gather3A_613 = tpu.vector_load_idx %arg6[%add3A_612, %and3A_560] : memref<128x64xf32, #tpu.memory_space<vmem>>[vector<16xi32>, vector<16xi32>], vector<16xf32>,
        %neg3A_614 = arith.constant 0.000000e+00 : f32
        %neg3A_615 = vector.broadcast %neg3A_614 : f32 to vector<16xf32>
        %neg3A_616 = arith.subf %neg3A_615, %gather3A_613 : vector<16xf32>
        tpu.vector_store_idx %arg8[%and3A_560, %broadcast_in_dim3A_5, %add3A_612], %neg3A_616 : memref<64x2x128xf32, #tpu.memory_space<vmem>>[vector<16xi32>, vector<16xi32>, vector<16xi32>], vector<16xf32>,
        tpu.vector_store_idx %arg8[%and3A_560, %broadcast_in_dim3A_7, %add3A_612], %gather3A_613 : memref<64x2x128xf32, #tpu.memory_space<vmem>>[vector<16xi32>, vector<16xi32>, vector<16xi32>], vector<16xf32>,
        %scan3A_617 = arith.constant 3 : i32
        %scan3A_618 = arith.addi %scan3A_431, %scan3A_617 : i32
        %add3A_619 = vector.broadcast %scan3A_618 : i32 to vector<16xi32>
        %add3A_620 = arith.addi %add3A_619, %iota3A : vector<16xi32>
        %and3A_621 = arith.constant 63 : i32
        %and3A_622 = vector.broadcast %and3A_621 : i32 to vector<16xi32>
        %and3A_623 = arith.andi %add3A_620, %and3A_622 : vector<16xi32>
        %add3A_624 = arith.constant 0 : i32
        %add3A_625 = vector.broadcast %add3A_624 : i32 to vector<16xi32>
        %add3A_626 = arith.addi %iota3A, %add3A_625 : vector<16xi32>
        %gather3A_627 = tpu.vector_load_idx %arg6[%add3A_626, %and3A_623] : memref<128x64xf32, #tpu.memory_space<vmem>>[vector<16xi32>, vector<16xi32>], vector<16xf32>,
        %neg3A_628 = arith.constant 0.000000e+00 : f32
        %neg3A_629 = vector.broadcast %neg3A_628 : f32 to vector<16xf32>
        %neg3A_630 = arith.subf %neg3A_629, %gather3A_627 : vector<16xf32>
        tpu.vector_store_idx %arg8[%and3A_623, %broadcast_in_dim3A_5, %add3A_626], %neg3A_630 : memref<64x2x128xf32, #tpu.memory_space<vmem>>[vector<16xi32>, vector<16xi32>, vector<16xi32>], vector<16xf32>,
        tpu.vector_store_idx %arg8[%and3A_623, %broadcast_in_dim3A_7, %add3A_626], %gather3A_627 : memref<64x2x128xf32, #tpu.memory_space<vmem>>[vector<16xi32>, vector<16xi32>, vector<16xi32>], vector<16xf32>,
        %add3A_631 = arith.constant 16 : i32
        %add3A_632 = vector.broadcast %add3A_631 : i32 to vector<16xi32>
        %add3A_633 = arith.addi %iota3A, %add3A_632 : vector<16xi32>
        %gather3A_634 = tpu.vector_load_idx %arg6[%add3A_633, %and3A_623] : memref<128x64xf32, #tpu.memory_space<vmem>>[vector<16xi32>, vector<16xi32>], vector<16xf32>,
        %neg3A_635 = arith.constant 0.000000e+00 : f32
        %neg3A_636 = vector.broadcast %neg3A_635 : f32 to vector<16xf32>
        %neg3A_637 = arith.subf %neg3A_636, %gather3A_634 : vector<16xf32>
        tpu.vector_store_idx %arg8[%and3A_623, %broadcast_in_dim3A_5, %add3A_633], %neg3A_637 : memref<64x2x128xf32, #tpu.memory_space<vmem>>[vector<16xi32>, vector<16xi32>, vector<16xi32>], vector<16xf32>,
        tpu.vector_store_idx %arg8[%and3A_623, %broadcast_in_dim3A_7, %add3A_633], %gather3A_634 : memref<64x2x128xf32, #tpu.memory_space<vmem>>[vector<16xi32>, vector<16xi32>, vector<16xi32>], vector<16xf32>,
        %add3A_638 = arith.constant 32 : i32
        %add3A_639 = vector.broadcast %add3A_638 : i32 to vector<16xi32>
        %add3A_640 = arith.addi %iota3A, %add3A_639 : vector<16xi32>
        %gather3A_641 = tpu.vector_load_idx %arg6[%add3A_640, %and3A_623] : memref<128x64xf32, #tpu.memory_space<vmem>>[vector<16xi32>, vector<16xi32>], vector<16xf32>,
        %neg3A_642 = arith.constant 0.000000e+00 : f32
        %neg3A_643 = vector.broadcast %neg3A_642 : f32 to vector<16xf32>
        %neg3A_644 = arith.subf %neg3A_643, %gather3A_641 : vector<16xf32>
        tpu.vector_store_idx %arg8[%and3A_623, %broadcast_in_dim3A_5, %add3A_640], %neg3A_644 : memref<64x2x128xf32, #tpu.memory_space<vmem>>[vector<16xi32>, vector<16xi32>, vector<16xi32>], vector<16xf32>,
        tpu.vector_store_idx %arg8[%and3A_623, %broadcast_in_dim3A_7, %add3A_640], %gather3A_641 : memref<64x2x128xf32, #tpu.memory_space<vmem>>[vector<16xi32>, vector<16xi32>, vector<16xi32>], vector<16xf32>,
        %add3A_645 = arith.constant 48 : i32
        %add3A_646 = vector.broadcast %add3A_645 : i32 to vector<16xi32>
        %add3A_647 = arith.addi %iota3A, %add3A_646 : vector<16xi32>
        %gather3A_648 = tpu.vector_load_idx %arg6[%add3A_647, %and3A_623] : memref<128x64xf32, #tpu.memory_space<vmem>>[vector<16xi32>, vector<16xi32>], vector<16xf32>,
        %neg3A_649 = arith.constant 0.000000e+00 : f32
        %neg3A_650 = vector.broadcast %neg3A_649 : f32 to vector<16xf32>
        %neg3A_651 = arith.subf %neg3A_650, %gather3A_648 : vector<16xf32>
        tpu.vector_store_idx %arg8[%and3A_623, %broadcast_in_dim3A_5, %add3A_647], %neg3A_651 : memref<64x2x128xf32, #tpu.memory_space<vmem>>[vector<16xi32>, vector<16xi32>, vector<16xi32>], vector<16xf32>,
        tpu.vector_store_idx %arg8[%and3A_623, %broadcast_in_dim3A_7, %add3A_647], %gather3A_648 : memref<64x2x128xf32, #tpu.memory_space<vmem>>[vector<16xi32>, vector<16xi32>, vector<16xi32>], vector<16xf32>,
        %add3A_652 = arith.constant 64 : i32
        %add3A_653 = vector.broadcast %add3A_652 : i32 to vector<16xi32>
        %add3A_654 = arith.addi %iota3A, %add3A_653 : vector<16xi32>
        %gather3A_655 = tpu.vector_load_idx %arg6[%add3A_654, %and3A_623] : memref<128x64xf32, #tpu.memory_space<vmem>>[vector<16xi32>, vector<16xi32>], vector<16xf32>,
        %neg3A_656 = arith.constant 0.000000e+00 : f32
        %neg3A_657 = vector.broadcast %neg3A_656 : f32 to vector<16xf32>
        %neg3A_658 = arith.subf %neg3A_657, %gather3A_655 : vector<16xf32>
        tpu.vector_store_idx %arg8[%and3A_623, %broadcast_in_dim3A_5, %add3A_654], %neg3A_658 : memref<64x2x128xf32, #tpu.memory_space<vmem>>[vector<16xi32>, vector<16xi32>, vector<16xi32>], vector<16xf32>,
        tpu.vector_store_idx %arg8[%and3A_623, %broadcast_in_dim3A_7, %add3A_654], %gather3A_655 : memref<64x2x128xf32, #tpu.memory_space<vmem>>[vector<16xi32>, vector<16xi32>, vector<16xi32>], vector<16xf32>,
        %add3A_659 = arith.constant 80 : i32
        %add3A_660 = vector.broadcast %add3A_659 : i32 to vector<16xi32>
        %add3A_661 = arith.addi %iota3A, %add3A_660 : vector<16xi32>
        %gather3A_662 = tpu.vector_load_idx %arg6[%add3A_661, %and3A_623] : memref<128x64xf32, #tpu.memory_space<vmem>>[vector<16xi32>, vector<16xi32>], vector<16xf32>,
        %neg3A_663 = arith.constant 0.000000e+00 : f32
        %neg3A_664 = vector.broadcast %neg3A_663 : f32 to vector<16xf32>
        %neg3A_665 = arith.subf %neg3A_664, %gather3A_662 : vector<16xf32>
        tpu.vector_store_idx %arg8[%and3A_623, %broadcast_in_dim3A_5, %add3A_661], %neg3A_665 : memref<64x2x128xf32, #tpu.memory_space<vmem>>[vector<16xi32>, vector<16xi32>, vector<16xi32>], vector<16xf32>,
        tpu.vector_store_idx %arg8[%and3A_623, %broadcast_in_dim3A_7, %add3A_661], %gather3A_662 : memref<64x2x128xf32, #tpu.memory_space<vmem>>[vector<16xi32>, vector<16xi32>, vector<16xi32>], vector<16xf32>,
        %add3A_666 = arith.constant 96 : i32
        %add3A_667 = vector.broadcast %add3A_666 : i32 to vector<16xi32>
        %add3A_668 = arith.addi %iota3A, %add3A_667 : vector<16xi32>
        %gather3A_669 = tpu.vector_load_idx %arg6[%add3A_668, %and3A_623] : memref<128x64xf32, #tpu.memory_space<vmem>>[vector<16xi32>, vector<16xi32>], vector<16xf32>,
        %neg3A_670 = arith.constant 0.000000e+00 : f32
        %neg3A_671 = vector.broadcast %neg3A_670 : f32 to vector<16xf32>
        %neg3A_672 = arith.subf %neg3A_671, %gather3A_669 : vector<16xf32>
        tpu.vector_store_idx %arg8[%and3A_623, %broadcast_in_dim3A_5, %add3A_668], %neg3A_672 : memref<64x2x128xf32, #tpu.memory_space<vmem>>[vector<16xi32>, vector<16xi32>, vector<16xi32>], vector<16xf32>,
        tpu.vector_store_idx %arg8[%and3A_623, %broadcast_in_dim3A_7, %add3A_668], %gather3A_669 : memref<64x2x128xf32, #tpu.memory_space<vmem>>[vector<16xi32>, vector<16xi32>, vector<16xi32>], vector<16xf32>,
        %add3A_673 = arith.constant 112 : i32
        %add3A_674 = vector.broadcast %add3A_673 : i32 to vector<16xi32>
        %add3A_675 = arith.addi %iota3A, %add3A_674 : vector<16xi32>
        %gather3A_676 = tpu.vector_load_idx %arg6[%add3A_675, %and3A_623] : memref<128x64xf32, #tpu.memory_space<vmem>>[vector<16xi32>, vector<16xi32>], vector<16xf32>,
        %neg3A_677 = arith.constant 0.000000e+00 : f32
        %neg3A_678 = vector.broadcast %neg3A_677 : f32 to vector<16xf32>
        %neg3A_679 = arith.subf %neg3A_678, %gather3A_676 : vector<16xf32>
        tpu.vector_store_idx %arg8[%and3A_623, %broadcast_in_dim3A_5, %add3A_675], %neg3A_679 : memref<64x2x128xf32, #tpu.memory_space<vmem>>[vector<16xi32>, vector<16xi32>, vector<16xi32>], vector<16xf32>,
        tpu.vector_store_idx %arg8[%and3A_623, %broadcast_in_dim3A_7, %add3A_675], %gather3A_676 : memref<64x2x128xf32, #tpu.memory_space<vmem>>[vector<16xi32>, vector<16xi32>, vector<16xi32>], vector<16xf32>,
      }
      %scan3A_221 = arith.constant 64 : i32
      %add3A_222 = arith.addi %mul3A_2, %mul3A_198 : i32
      %jit3A_223 = arith.constant 64 : i32
      %div3A_224 = arith.divsi %add3A_222, %jit3A_223 : i32
      %sign3A_225 = arith.constant 0 : i32
      %sign3A_226 = arith.cmpi sgt, %add3A_222, %sign3A_225 : i32
      %sign3A_227 = arith.extui %sign3A_226 : i1 to i32
      %sign3A_228 = arith.constant 0 : i32
      %sign3A_229 = arith.cmpi slt, %add3A_222, %sign3A_228 : i32
      %sign3A_230 = arith.extui %sign3A_229 : i1 to i32
      %sign3A_231 = arith.subi %sign3A_227, %sign3A_230 : i32
      %sign3A_232 = arith.constant 0 : i32
      %sign3A_233 = arith.cmpi sgt, %jit3A_223, %sign3A_232 : i32
      %sign3A_234 = arith.extui %sign3A_233 : i1 to i32
      %sign3A_235 = arith.constant 0 : i32
      %sign3A_236 = arith.cmpi slt, %jit3A_223, %sign3A_235 : i32
      %sign3A_237 = arith.extui %sign3A_236 : i1 to i32
      %sign3A_238 = arith.subi %sign3A_234, %sign3A_237 : i32
      %ne3A_239 = arith.cmpi ne, %sign3A_231, %sign3A_238 : i32
      %rem3A_240 = arith.remsi %add3A_222, %jit3A_223 : i32
      %ne3A_241 = arith.constant 0 : i32
      %ne3A_242 = arith.cmpi ne, %rem3A_240, %ne3A_241 : i32
      %and3A_243 = arith.andi %ne3A_239, %ne3A_242 : i1
      %sub3A_244 = arith.constant 1 : i32
      %sub3A_245 = arith.subi %div3A_224, %sub3A_244 : i32
      %select_n3A_246 = arith.select %and3A_243, %sub3A_245, %div3A_224 : i32
      %mul3A_247 = arith.constant 8 : i32
      %mul3A_248 = arith.muli %select_n3A_246, %mul3A_247 : i32
      %jit3A_249 = arith.constant 8 : i32
      %eq3A_250 = arith.constant 0 : i32
      %eq3A_251 = arith.cmpi eq, %jit3A_249, %eq3A_250 : i32
      %jit3A_252 = arith.constant 1 : i32
      %select_n3A_253 = arith.select %eq3A_251, %jit3A_252, %jit3A_249 : i32
      %rem3A_254 = arith.remsi %add3A_222, %select_n3A_253 : i32
      %ne3A_255 = arith.constant 0 : i32
      %ne3A_256 = arith.cmpi ne, %rem3A_254, %ne3A_255 : i32
      %lt3A_257 = arith.constant 0 : i32
      %lt3A_258 = arith.cmpi slt, %rem3A_254, %lt3A_257 : i32
      %lt3A_259 = arith.constant 0 : i32
      %lt3A_260 = arith.cmpi slt, %select_n3A_253, %lt3A_259 : i32
      %ne3A_261 = arith.xori %lt3A_258, %lt3A_260 : i1
      %and3A_262 = arith.andi %ne3A_261, %ne3A_256 : i1
      %add3A_263 = arith.addi %rem3A_254, %select_n3A_253 : i32
      %select_n3A_264 = arith.select %and3A_262, %add3A_263, %rem3A_254 : i32
      %add3A_265 = arith.addi %mul3A_248, %select_n3A_264 : i32
      %jit3A_266 = arith.constant 8 : i32
      %div3A_267 = arith.divsi %add3A_222, %jit3A_266 : i32
      %sign3A_268 = arith.constant 0 : i32
      %sign3A_269 = arith.cmpi sgt, %add3A_222, %sign3A_268 : i32
      %sign3A_270 = arith.extui %sign3A_269 : i1 to i32
      %sign3A_271 = arith.constant 0 : i32
      %sign3A_272 = arith.cmpi slt, %add3A_222, %sign3A_271 : i32
      %sign3A_273 = arith.extui %sign3A_272 : i1 to i32
      %sign3A_274 = arith.subi %sign3A_270, %sign3A_273 : i32
      %sign3A_275 = arith.constant 0 : i32
      %sign3A_276 = arith.cmpi sgt, %jit3A_266, %sign3A_275 : i32
      %sign3A_277 = arith.extui %sign3A_276 : i1 to i32
      %sign3A_278 = arith.constant 0 : i32
      %sign3A_279 = arith.cmpi slt, %jit3A_266, %sign3A_278 : i32
      %sign3A_280 = arith.extui %sign3A_279 : i1 to i32
      %sign3A_281 = arith.subi %sign3A_277, %sign3A_280 : i32
      %ne3A_282 = arith.cmpi ne, %sign3A_274, %sign3A_281 : i32
      %rem3A_283 = arith.remsi %add3A_222, %jit3A_266 : i32
      %ne3A_284 = arith.constant 0 : i32
      %ne3A_285 = arith.cmpi ne, %rem3A_283, %ne3A_284 : i32
      %and3A_286 = arith.andi %ne3A_282, %ne3A_285 : i1
      %sub3A_287 = arith.constant 1 : i32
      %sub3A_288 = arith.subi %div3A_267, %sub3A_287 : i32
      %select_n3A_289 = arith.select %and3A_286, %sub3A_288, %div3A_267 : i32
      %jit3A_290 = arith.constant 8 : i32
      %eq3A_291 = arith.constant 0 : i32
      %eq3A_292 = arith.cmpi eq, %jit3A_290, %eq3A_291 : i32
      %jit3A_293 = arith.constant 1 : i32
      %select_n3A_294 = arith.select %eq3A_292, %jit3A_293, %jit3A_290 : i32
      %rem3A_295 = arith.remsi %select_n3A_289, %select_n3A_294 : i32
      %ne3A_296 = arith.constant 0 : i32
      %ne3A_297 = arith.cmpi ne, %rem3A_295, %ne3A_296 : i32
      %lt3A_298 = arith.constant 0 : i32
      %lt3A_299 = arith.cmpi slt, %rem3A_295, %lt3A_298 : i32
      %lt3A_300 = arith.constant 0 : i32
      %lt3A_301 = arith.cmpi slt, %select_n3A_294, %lt3A_300 : i32
      %ne3A_302 = arith.xori %lt3A_299, %lt3A_301 : i1
      %and3A_303 = arith.andi %ne3A_302, %ne3A_297 : i1
      %add3A_304 = arith.addi %rem3A_295, %select_n3A_294 : i32
      %select_n3A_305 = arith.select %and3A_303, %add3A_304, %rem3A_295 : i32
      %mul3A_306 = arith.constant 2 : i32
      %mul3A_307 = arith.muli %mul3A_306, %select_n3A_305 : i32
      %dma_start3A_308 = arith.constant 0 : i32
      %dma_start3A_309 = arith.constant 0 : i32
      %dma_start3A_310 = tpu.memref_slice %arg4[%add3A_265, %dma_start3A_308, %mul3A_307, %dma_start3A_309] : memref<200x64x16x128xf32, #tpu.memory_space<hbm>> -> memref<1x64x2x128xf32, #tpu.memory_space<hbm>>
      %dma_start3A_311 = tpu.memref_squeeze %dma_start3A_310 : memref<1x64x2x128xf32, #tpu.memory_space<hbm>> -> memref<64x2x128xf32, #tpu.memory_space<hbm>>
      %dma_start3A_312 = arith.constant 0 : i32
      %dma_start3A_313 = arith.constant 0 : i32
      %dma_start3A_314 = tpu.memref_slice %arg4[%add3A_265, %dma_start3A_312, %mul3A_307, %dma_start3A_313] : memref<200x64x16x128xf32, #tpu.memory_space<hbm>> -> memref<1x64x2x128xf32, #tpu.memory_space<hbm>>
      %dma_start3A_315 = tpu.memref_squeeze %dma_start3A_314 : memref<1x64x2x128xf32, #tpu.memory_space<hbm>> -> memref<64x2x128xf32, #tpu.memory_space<hbm>>
      tpu.enqueue_dma source(%arg8 : memref<64x2x128xf32, #tpu.memory_space<vmem>>) target(%dma_start3A_315 : memref<64x2x128xf32, #tpu.memory_space<hbm>>) target_semaphore(%arg12 : memref<!tpu.dma_semaphore, #tpu.memory_space<semaphore_mem>>)
      %lt3A_316 = arith.constant 24 : i32
      %lt3A_317 = arith.cmpi slt, %scan3A_196, %lt3A_316 : i32
      %convert_element_type3A_318 = arith.extui %lt3A_317 : i1 to i32
      %cond3A_319 = arith.constant 0 : i32
      %cond3A_320 = arith.cmpi ne, %convert_element_type3A_318, %cond3A_319 : i32
      scf.if %cond3A_320 {
        %add3A_431 = arith.constant 2 : i32
        %add3A_432 = arith.addi %mul3A_198, %add3A_431 : i32
        %mul3A_433 = arith.constant 128 : i32
        %mul3A_434 = arith.muli %add3A_432, %mul3A_433 : i32
        %dma_start3A_435 = tpu.memref_slice %arg5[%mul3A_434] : memref<6400xi32, #tpu.memory_space<vmem>> -> memref<128xi32, #tpu.memory_space<vmem>>
        %dma_start3A_436 = arith.constant 0 : i32
        %dma_start3A_437 = arith.constant 0 : i32
        %dma_start3A_438 = tpu.memref_slice %arg2[%dma_start3A_436, %dma_start3A_437] : memref<100000x64xf32, #tpu.memory_space<hbm>> -> memref<100000x64xf32, #tpu.memory_space<hbm>>
        tpu.enqueue_indirect_dma source(%dma_start3A_438 : memref<100000x64xf32, #tpu.memory_space<hbm>>) target(%arg6 : memref<128x64xf32, #tpu.memory_space<vmem>>) offsets(%dma_start3A_435 : memref<128xi32, #tpu.memory_space<vmem>>) semaphore(%arg10 : memref<!tpu.dma_semaphore, #tpu.memory_space<semaphore_mem>>)
      } else {
      }
      %dma_wait3A_321 = arith.constant 0 : i32
      %dma_wait3A_322 = tpu.memref_slice %arg5[%dma_wait3A_321] : memref<6400xi32, #tpu.memory_space<vmem>> -> memref<128xi32, #tpu.memory_space<vmem>>
      %dma_wait3A_323 = arith.constant 0 : i32
      %dma_wait3A_324 = arith.constant 0 : i32
      %dma_wait3A_325 = tpu.memref_slice %arg2[%dma_wait3A_323, %dma_wait3A_324] : memref<100000x64xf32, #tpu.memory_space<hbm>> -> memref<100000x64xf32, #tpu.memory_space<hbm>>
      tpu.wait_indirect_dma semaphore(%arg11 : memref<!tpu.dma_semaphore, #tpu.memory_space<semaphore_mem>>) src(%dma_wait3A_325 : memref<100000x64xf32, #tpu.memory_space<hbm>>) dst(%arg7 : memref<128x64xf32, #tpu.memory_space<vmem>>)
      %gt3A_326 = arith.constant 0 : i32
      %gt3A_327 = arith.cmpi sgt, %scan3A_196, %gt3A_326 : i32
      %convert_element_type3A_328 = arith.extui %gt3A_327 : i1 to i32
      %cond3A_329 = arith.constant 0 : i32
      %cond3A_330 = arith.cmpi ne, %convert_element_type3A_328, %cond3A_329 : i32
      scf.if %cond3A_330 {
        %add3A_431 = arith.addi %mul3A_2, %add3A_202 : i32
        %jit3A_432 = arith.constant 64 : i32
        %div3A_433 = arith.divsi %add3A_431, %jit3A_432 : i32
        %sign3A_434 = arith.constant 0 : i32
        %sign3A_435 = arith.cmpi sgt, %add3A_431, %sign3A_434 : i32
        %sign3A_436 = arith.extui %sign3A_435 : i1 to i32
        %sign3A_437 = arith.constant 0 : i32
        %sign3A_438 = arith.cmpi slt, %add3A_431, %sign3A_437 : i32
        %sign3A_439 = arith.extui %sign3A_438 : i1 to i32
        %sign3A_440 = arith.subi %sign3A_436, %sign3A_439 : i32
        %sign3A_441 = arith.constant 0 : i32
        %sign3A_442 = arith.cmpi sgt, %jit3A_432, %sign3A_441 : i32
        %sign3A_443 = arith.extui %sign3A_442 : i1 to i32
        %sign3A_444 = arith.constant 0 : i32
        %sign3A_445 = arith.cmpi slt, %jit3A_432, %sign3A_444 : i32
        %sign3A_446 = arith.extui %sign3A_445 : i1 to i32
        %sign3A_447 = arith.subi %sign3A_443, %sign3A_446 : i32
        %ne3A_448 = arith.cmpi ne, %sign3A_440, %sign3A_447 : i32
        %rem3A_449 = arith.remsi %add3A_431, %jit3A_432 : i32
        %ne3A_450 = arith.constant 0 : i32
        %ne3A_451 = arith.cmpi ne, %rem3A_449, %ne3A_450 : i32
        %and3A_452 = arith.andi %ne3A_448, %ne3A_451 : i1
        %sub3A_453 = arith.constant 1 : i32
        %sub3A_454 = arith.subi %div3A_433, %sub3A_453 : i32
        %select_n3A_455 = arith.select %and3A_452, %sub3A_454, %div3A_433 : i32
        %mul3A_456 = arith.constant 8 : i32
        %mul3A_457 = arith.muli %select_n3A_455, %mul3A_456 : i32
        %jit3A_458 = arith.constant 8 : i32
        %eq3A_459 = arith.constant 0 : i32
        %eq3A_460 = arith.cmpi eq, %jit3A_458, %eq3A_459 : i32
        %jit3A_461 = arith.constant 1 : i32
        %select_n3A_462 = arith.select %eq3A_460, %jit3A_461, %jit3A_458 : i32
        %rem3A_463 = arith.remsi %add3A_431, %select_n3A_462 : i32
        %ne3A_464 = arith.constant 0 : i32
        %ne3A_465 = arith.cmpi ne, %rem3A_463, %ne3A_464 : i32
        %lt3A_466 = arith.constant 0 : i32
        %lt3A_467 = arith.cmpi slt, %rem3A_463, %lt3A_466 : i32
        %lt3A_468 = arith.constant 0 : i32
        %lt3A_469 = arith.cmpi slt, %select_n3A_462, %lt3A_468 : i32
        %ne3A_470 = arith.xori %lt3A_467, %lt3A_469 : i1
        %and3A_471 = arith.andi %ne3A_470, %ne3A_465 : i1
        %add3A_472 = arith.addi %rem3A_463, %select_n3A_462 : i32
        %select_n3A_473 = arith.select %and3A_471, %add3A_472, %rem3A_463 : i32
        %add3A_474 = arith.addi %mul3A_457, %select_n3A_473 : i32
        %jit3A_475 = arith.constant 8 : i32
        %div3A_476 = arith.divsi %add3A_431, %jit3A_475 : i32
        %sign3A_477 = arith.constant 0 : i32
        %sign3A_478 = arith.cmpi sgt, %add3A_431, %sign3A_477 : i32
        %sign3A_479 = arith.extui %sign3A_478 : i1 to i32
        %sign3A_480 = arith.constant 0 : i32
        %sign3A_481 = arith.cmpi slt, %add3A_431, %sign3A_480 : i32
        %sign3A_482 = arith.extui %sign3A_481 : i1 to i32
        %sign3A_483 = arith.subi %sign3A_479, %sign3A_482 : i32
        %sign3A_484 = arith.constant 0 : i32
        %sign3A_485 = arith.cmpi sgt, %jit3A_475, %sign3A_484 : i32
        %sign3A_486 = arith.extui %sign3A_485 : i1 to i32
        %sign3A_487 = arith.constant 0 : i32
        %sign3A_488 = arith.cmpi slt, %jit3A_475, %sign3A_487 : i32
        %sign3A_489 = arith.extui %sign3A_488 : i1 to i32
        %sign3A_490 = arith.subi %sign3A_486, %sign3A_489 : i32
        %ne3A_491 = arith.cmpi ne, %sign3A_483, %sign3A_490 : i32
        %rem3A_492 = arith.remsi %add3A_431, %jit3A_475 : i32
        %ne3A_493 = arith.constant 0 : i32
        %ne3A_494 = arith.cmpi ne, %rem3A_492, %ne3A_493 : i32
        %and3A_495 = arith.andi %ne3A_491, %ne3A_494 : i1
        %sub3A_496 = arith.constant 1 : i32
        %sub3A_497 = arith.subi %div3A_476, %sub3A_496 : i32
        %select_n3A_498 = arith.select %and3A_495, %sub3A_497, %div3A_476 : i32
        %jit3A_499 = arith.constant 8 : i32
        %eq3A_500 = arith.constant 0 : i32
        %eq3A_501 = arith.cmpi eq, %jit3A_499, %eq3A_500 : i32
        %jit3A_502 = arith.constant 1 : i32
        %select_n3A_503 = arith.select %eq3A_501, %jit3A_502, %jit3A_499 : i32
        %rem3A_504 = arith.remsi %select_n3A_498, %select_n3A_503 : i32
        %ne3A_505 = arith.constant 0 : i32
        %ne3A_506 = arith.cmpi ne, %rem3A_504, %ne3A_505 : i32
        %lt3A_507 = arith.constant 0 : i32
        %lt3A_508 = arith.cmpi slt, %rem3A_504, %lt3A_507 : i32
        %lt3A_509 = arith.constant 0 : i32
        %lt3A_510 = arith.cmpi slt, %select_n3A_503, %lt3A_509 : i32
        %ne3A_511 = arith.xori %lt3A_508, %lt3A_510 : i1
        %and3A_512 = arith.andi %ne3A_511, %ne3A_506 : i1
        %add3A_513 = arith.addi %rem3A_504, %select_n3A_503 : i32
        %select_n3A_514 = arith.select %and3A_512, %add3A_513, %rem3A_504 : i32
        %mul3A_515 = arith.constant 2 : i32
        %mul3A_516 = arith.muli %mul3A_515, %select_n3A_514 : i32
        %dma_wait3A_517 = arith.constant 0 : i32
        %dma_wait3A_518 = arith.constant 0 : i32
        %dma_wait3A_519 = tpu.memref_slice %arg4[%add3A_474, %dma_wait3A_517, %mul3A_516, %dma_wait3A_518] : memref<200x64x16x128xf32, #tpu.memory_space<hbm>> -> memref<1x64x2x128xf32, #tpu.memory_space<hbm>>
        %dma_wait3A_520 = tpu.memref_squeeze %dma_wait3A_519 : memref<1x64x2x128xf32, #tpu.memory_space<hbm>> -> memref<64x2x128xf32, #tpu.memory_space<hbm>>
        %dma_wait3A_521 = arith.constant 0 : i32
        %dma_wait3A_522 = arith.constant 0 : i32
        %dma_wait3A_523 = tpu.memref_slice %arg4[%add3A_474, %dma_wait3A_521, %mul3A_516, %dma_wait3A_522] : memref<200x64x16x128xf32, #tpu.memory_space<hbm>> -> memref<1x64x2x128xf32, #tpu.memory_space<hbm>>
        %dma_wait3A_524 = tpu.memref_squeeze %dma_wait3A_523 : memref<1x64x2x128xf32, #tpu.memory_space<hbm>> -> memref<64x2x128xf32, #tpu.memory_space<hbm>>
        tpu.wait_dma2 semaphore(%arg13 : memref<!tpu.dma_semaphore, #tpu.memory_space<semaphore_mem>>) src(%arg9 : memref<64x2x128xf32, #tpu.memory_space<vmem>>) dst(%dma_wait3A_524 : memref<64x2x128xf32, #tpu.memory_space<hbm>>)
      } else {
      }
      %scan3A_331 = arith.constant 0 : i32
      %scan3A_332 = arith.constant 0 : i32
      %scan3A_333 = arith.constant 64 : i32
      %scan3A_334 = arith.addi %scan3A_332, %scan3A_333 : i32
      %scan3A_335 = arith.constant 4 : i32
      scf.for %scan3A_431 = %scan3A_332 to %scan3A_334 step %scan3A_335  : i32 {
        %add3A_432 = vector.broadcast %scan3A_431 : i32 to vector<16xi32>
        %add3A_433 = arith.addi %add3A_432, %iota3A : vector<16xi32>
        %and3A_434 = arith.constant 63 : i32
        %and3A_435 = vector.broadcast %and3A_434 : i32 to vector<16xi32>
        %and3A_436 = arith.andi %add3A_433, %and3A_435 : vector<16xi32>
        %add3A_437 = arith.constant 0 : i32
        %add3A_438 = vector.broadcast %add3A_437 : i32 to vector<16xi32>
        %add3A_439 = arith.addi %iota3A, %add3A_438 : vector<16xi32>
        %gather3A = tpu.vector_load_idx %arg7[%add3A_439, %and3A_436] : memref<128x64xf32, #tpu.memory_space<vmem>>[vector<16xi32>, vector<16xi32>], vector<16xf32>,
        %neg3A = arith.constant 0.000000e+00 : f32
        %neg3A_440 = vector.broadcast %neg3A : f32 to vector<16xf32>
        %neg3A_441 = arith.subf %neg3A_440, %gather3A : vector<16xf32>
        tpu.vector_store_idx %arg9[%and3A_436, %broadcast_in_dim3A_5, %add3A_439], %neg3A_441 : memref<64x2x128xf32, #tpu.memory_space<vmem>>[vector<16xi32>, vector<16xi32>, vector<16xi32>], vector<16xf32>,
        tpu.vector_store_idx %arg9[%and3A_436, %broadcast_in_dim3A_7, %add3A_439], %gather3A : memref<64x2x128xf32, #tpu.memory_space<vmem>>[vector<16xi32>, vector<16xi32>, vector<16xi32>], vector<16xf32>,
        %add3A_442 = arith.constant 16 : i32
        %add3A_443 = vector.broadcast %add3A_442 : i32 to vector<16xi32>
        %add3A_444 = arith.addi %iota3A, %add3A_443 : vector<16xi32>
        %gather3A_445 = tpu.vector_load_idx %arg7[%add3A_444, %and3A_436] : memref<128x64xf32, #tpu.memory_space<vmem>>[vector<16xi32>, vector<16xi32>], vector<16xf32>,
        %neg3A_446 = arith.constant 0.000000e+00 : f32
        %neg3A_447 = vector.broadcast %neg3A_446 : f32 to vector<16xf32>
        %neg3A_448 = arith.subf %neg3A_447, %gather3A_445 : vector<16xf32>
        tpu.vector_store_idx %arg9[%and3A_436, %broadcast_in_dim3A_5, %add3A_444], %neg3A_448 : memref<64x2x128xf32, #tpu.memory_space<vmem>>[vector<16xi32>, vector<16xi32>, vector<16xi32>], vector<16xf32>,
        tpu.vector_store_idx %arg9[%and3A_436, %broadcast_in_dim3A_7, %add3A_444], %gather3A_445 : memref<64x2x128xf32, #tpu.memory_space<vmem>>[vector<16xi32>, vector<16xi32>, vector<16xi32>], vector<16xf32>,
        %add3A_449 = arith.constant 32 : i32
        %add3A_450 = vector.broadcast %add3A_449 : i32 to vector<16xi32>
        %add3A_451 = arith.addi %iota3A, %add3A_450 : vector<16xi32>
        %gather3A_452 = tpu.vector_load_idx %arg7[%add3A_451, %and3A_436] : memref<128x64xf32, #tpu.memory_space<vmem>>[vector<16xi32>, vector<16xi32>], vector<16xf32>,
        %neg3A_453 = arith.constant 0.000000e+00 : f32
        %neg3A_454 = vector.broadcast %neg3A_453 : f32 to vector<16xf32>
        %neg3A_455 = arith.subf %neg3A_454, %gather3A_452 : vector<16xf32>
        tpu.vector_store_idx %arg9[%and3A_436, %broadcast_in_dim3A_5, %add3A_451], %neg3A_455 : memref<64x2x128xf32, #tpu.memory_space<vmem>>[vector<16xi32>, vector<16xi32>, vector<16xi32>], vector<16xf32>,
        tpu.vector_store_idx %arg9[%and3A_436, %broadcast_in_dim3A_7, %add3A_451], %gather3A_452 : memref<64x2x128xf32, #tpu.memory_space<vmem>>[vector<16xi32>, vector<16xi32>, vector<16xi32>], vector<16xf32>,
        %add3A_456 = arith.constant 48 : i32
        %add3A_457 = vector.broadcast %add3A_456 : i32 to vector<16xi32>
        %add3A_458 = arith.addi %iota3A, %add3A_457 : vector<16xi32>
        %gather3A_459 = tpu.vector_load_idx %arg7[%add3A_458, %and3A_436] : memref<128x64xf32, #tpu.memory_space<vmem>>[vector<16xi32>, vector<16xi32>], vector<16xf32>,
        %neg3A_460 = arith.constant 0.000000e+00 : f32
        %neg3A_461 = vector.broadcast %neg3A_460 : f32 to vector<16xf32>
        %neg3A_462 = arith.subf %neg3A_461, %gather3A_459 : vector<16xf32>
        tpu.vector_store_idx %arg9[%and3A_436, %broadcast_in_dim3A_5, %add3A_458], %neg3A_462 : memref<64x2x128xf32, #tpu.memory_space<vmem>>[vector<16xi32>, vector<16xi32>, vector<16xi32>], vector<16xf32>,
        tpu.vector_store_idx %arg9[%and3A_436, %broadcast_in_dim3A_7, %add3A_458], %gather3A_459 : memref<64x2x128xf32, #tpu.memory_space<vmem>>[vector<16xi32>, vector<16xi32>, vector<16xi32>], vector<16xf32>,
        %add3A_463 = arith.constant 64 : i32
        %add3A_464 = vector.broadcast %add3A_463 : i32 to vector<16xi32>
        %add3A_465 = arith.addi %iota3A, %add3A_464 : vector<16xi32>
        %gather3A_466 = tpu.vector_load_idx %arg7[%add3A_465, %and3A_436] : memref<128x64xf32, #tpu.memory_space<vmem>>[vector<16xi32>, vector<16xi32>], vector<16xf32>,
        %neg3A_467 = arith.constant 0.000000e+00 : f32
        %neg3A_468 = vector.broadcast %neg3A_467 : f32 to vector<16xf32>
        %neg3A_469 = arith.subf %neg3A_468, %gather3A_466 : vector<16xf32>
        tpu.vector_store_idx %arg9[%and3A_436, %broadcast_in_dim3A_5, %add3A_465], %neg3A_469 : memref<64x2x128xf32, #tpu.memory_space<vmem>>[vector<16xi32>, vector<16xi32>, vector<16xi32>], vector<16xf32>,
        tpu.vector_store_idx %arg9[%and3A_436, %broadcast_in_dim3A_7, %add3A_465], %gather3A_466 : memref<64x2x128xf32, #tpu.memory_space<vmem>>[vector<16xi32>, vector<16xi32>, vector<16xi32>], vector<16xf32>,
        %add3A_470 = arith.constant 80 : i32
        %add3A_471 = vector.broadcast %add3A_470 : i32 to vector<16xi32>
        %add3A_472 = arith.addi %iota3A, %add3A_471 : vector<16xi32>
        %gather3A_473 = tpu.vector_load_idx %arg7[%add3A_472, %and3A_436] : memref<128x64xf32, #tpu.memory_space<vmem>>[vector<16xi32>, vector<16xi32>], vector<16xf32>,
        %neg3A_474 = arith.constant 0.000000e+00 : f32
        %neg3A_475 = vector.broadcast %neg3A_474 : f32 to vector<16xf32>
        %neg3A_476 = arith.subf %neg3A_475, %gather3A_473 : vector<16xf32>
        tpu.vector_store_idx %arg9[%and3A_436, %broadcast_in_dim3A_5, %add3A_472], %neg3A_476 : memref<64x2x128xf32, #tpu.memory_space<vmem>>[vector<16xi32>, vector<16xi32>, vector<16xi32>], vector<16xf32>,
        tpu.vector_store_idx %arg9[%and3A_436, %broadcast_in_dim3A_7, %add3A_472], %gather3A_473 : memref<64x2x128xf32, #tpu.memory_space<vmem>>[vector<16xi32>, vector<16xi32>, vector<16xi32>], vector<16xf32>,
        %add3A_477 = arith.constant 96 : i32
        %add3A_478 = vector.broadcast %add3A_477 : i32 to vector<16xi32>
        %add3A_479 = arith.addi %iota3A, %add3A_478 : vector<16xi32>
        %gather3A_480 = tpu.vector_load_idx %arg7[%add3A_479, %and3A_436] : memref<128x64xf32, #tpu.memory_space<vmem>>[vector<16xi32>, vector<16xi32>], vector<16xf32>,
        %neg3A_481 = arith.constant 0.000000e+00 : f32
        %neg3A_482 = vector.broadcast %neg3A_481 : f32 to vector<16xf32>
        %neg3A_483 = arith.subf %neg3A_482, %gather3A_480 : vector<16xf32>
        tpu.vector_store_idx %arg9[%and3A_436, %broadcast_in_dim3A_5, %add3A_479], %neg3A_483 : memref<64x2x128xf32, #tpu.memory_space<vmem>>[vector<16xi32>, vector<16xi32>, vector<16xi32>], vector<16xf32>,
        tpu.vector_store_idx %arg9[%and3A_436, %broadcast_in_dim3A_7, %add3A_479], %gather3A_480 : memref<64x2x128xf32, #tpu.memory_space<vmem>>[vector<16xi32>, vector<16xi32>, vector<16xi32>], vector<16xf32>,
        %add3A_484 = arith.constant 112 : i32
        %add3A_485 = vector.broadcast %add3A_484 : i32 to vector<16xi32>
        %add3A_486 = arith.addi %iota3A, %add3A_485 : vector<16xi32>
        %gather3A_487 = tpu.vector_load_idx %arg7[%add3A_486, %and3A_436] : memref<128x64xf32, #tpu.memory_space<vmem>>[vector<16xi32>, vector<16xi32>], vector<16xf32>,
        %neg3A_488 = arith.constant 0.000000e+00 : f32
        %neg3A_489 = vector.broadcast %neg3A_488 : f32 to vector<16xf32>
        %neg3A_490 = arith.subf %neg3A_489, %gather3A_487 : vector<16xf32>
        tpu.vector_store_idx %arg9[%and3A_436, %broadcast_in_dim3A_5, %add3A_486], %neg3A_490 : memref<64x2x128xf32, #tpu.memory_space<vmem>>[vector<16xi32>, vector<16xi32>, vector<16xi32>], vector<16xf32>,
        tpu.vector_store_idx %arg9[%and3A_436, %broadcast_in_dim3A_7, %add3A_486], %gather3A_487 : memref<64x2x128xf32, #tpu.memory_space<vmem>>[vector<16xi32>, vector<16xi32>, vector<16xi32>], vector<16xf32>,
        %scan3A_491 = arith.constant 1 : i32
        %scan3A_492 = arith.addi %scan3A_431, %scan3A_491 : i32
        %add3A_493 = vector.broadcast %scan3A_492 : i32 to vector<16xi32>
        %add3A_494 = arith.addi %add3A_493, %iota3A : vector<16xi32>
        %and3A_495 = arith.constant 63 : i32
        %and3A_496 = vector.broadcast %and3A_495 : i32 to vector<16xi32>
        %and3A_497 = arith.andi %add3A_494, %and3A_496 : vector<16xi32>
        %add3A_498 = arith.constant 0 : i32
        %add3A_499 = vector.broadcast %add3A_498 : i32 to vector<16xi32>
        %add3A_500 = arith.addi %iota3A, %add3A_499 : vector<16xi32>
        %gather3A_501 = tpu.vector_load_idx %arg7[%add3A_500, %and3A_497] : memref<128x64xf32, #tpu.memory_space<vmem>>[vector<16xi32>, vector<16xi32>], vector<16xf32>,
        %neg3A_502 = arith.constant 0.000000e+00 : f32
        %neg3A_503 = vector.broadcast %neg3A_502 : f32 to vector<16xf32>
        %neg3A_504 = arith.subf %neg3A_503, %gather3A_501 : vector<16xf32>
        tpu.vector_store_idx %arg9[%and3A_497, %broadcast_in_dim3A_5, %add3A_500], %neg3A_504 : memref<64x2x128xf32, #tpu.memory_space<vmem>>[vector<16xi32>, vector<16xi32>, vector<16xi32>], vector<16xf32>,
        tpu.vector_store_idx %arg9[%and3A_497, %broadcast_in_dim3A_7, %add3A_500], %gather3A_501 : memref<64x2x128xf32, #tpu.memory_space<vmem>>[vector<16xi32>, vector<16xi32>, vector<16xi32>], vector<16xf32>,
        %add3A_505 = arith.constant 16 : i32
        %add3A_506 = vector.broadcast %add3A_505 : i32 to vector<16xi32>
        %add3A_507 = arith.addi %iota3A, %add3A_506 : vector<16xi32>
        %gather3A_508 = tpu.vector_load_idx %arg7[%add3A_507, %and3A_497] : memref<128x64xf32, #tpu.memory_space<vmem>>[vector<16xi32>, vector<16xi32>], vector<16xf32>,
        %neg3A_509 = arith.constant 0.000000e+00 : f32
        %neg3A_510 = vector.broadcast %neg3A_509 : f32 to vector<16xf32>
        %neg3A_511 = arith.subf %neg3A_510, %gather3A_508 : vector<16xf32>
        tpu.vector_store_idx %arg9[%and3A_497, %broadcast_in_dim3A_5, %add3A_507], %neg3A_511 : memref<64x2x128xf32, #tpu.memory_space<vmem>>[vector<16xi32>, vector<16xi32>, vector<16xi32>], vector<16xf32>,
        tpu.vector_store_idx %arg9[%and3A_497, %broadcast_in_dim3A_7, %add3A_507], %gather3A_508 : memref<64x2x128xf32, #tpu.memory_space<vmem>>[vector<16xi32>, vector<16xi32>, vector<16xi32>], vector<16xf32>,
        %add3A_512 = arith.constant 32 : i32
        %add3A_513 = vector.broadcast %add3A_512 : i32 to vector<16xi32>
        %add3A_514 = arith.addi %iota3A, %add3A_513 : vector<16xi32>
        %gather3A_515 = tpu.vector_load_idx %arg7[%add3A_514, %and3A_497] : memref<128x64xf32, #tpu.memory_space<vmem>>[vector<16xi32>, vector<16xi32>], vector<16xf32>,
        %neg3A_516 = arith.constant 0.000000e+00 : f32
        %neg3A_517 = vector.broadcast %neg3A_516 : f32 to vector<16xf32>
        %neg3A_518 = arith.subf %neg3A_517, %gather3A_515 : vector<16xf32>
        tpu.vector_store_idx %arg9[%and3A_497, %broadcast_in_dim3A_5, %add3A_514], %neg3A_518 : memref<64x2x128xf32, #tpu.memory_space<vmem>>[vector<16xi32>, vector<16xi32>, vector<16xi32>], vector<16xf32>,
        tpu.vector_store_idx %arg9[%and3A_497, %broadcast_in_dim3A_7, %add3A_514], %gather3A_515 : memref<64x2x128xf32, #tpu.memory_space<vmem>>[vector<16xi32>, vector<16xi32>, vector<16xi32>], vector<16xf32>,
        %add3A_519 = arith.constant 48 : i32
        %add3A_520 = vector.broadcast %add3A_519 : i32 to vector<16xi32>
        %add3A_521 = arith.addi %iota3A, %add3A_520 : vector<16xi32>
        %gather3A_522 = tpu.vector_load_idx %arg7[%add3A_521, %and3A_497] : memref<128x64xf32, #tpu.memory_space<vmem>>[vector<16xi32>, vector<16xi32>], vector<16xf32>,
        %neg3A_523 = arith.constant 0.000000e+00 : f32
        %neg3A_524 = vector.broadcast %neg3A_523 : f32 to vector<16xf32>
        %neg3A_525 = arith.subf %neg3A_524, %gather3A_522 : vector<16xf32>
        tpu.vector_store_idx %arg9[%and3A_497, %broadcast_in_dim3A_5, %add3A_521], %neg3A_525 : memref<64x2x128xf32, #tpu.memory_space<vmem>>[vector<16xi32>, vector<16xi32>, vector<16xi32>], vector<16xf32>,
        tpu.vector_store_idx %arg9[%and3A_497, %broadcast_in_dim3A_7, %add3A_521], %gather3A_522 : memref<64x2x128xf32, #tpu.memory_space<vmem>>[vector<16xi32>, vector<16xi32>, vector<16xi32>], vector<16xf32>,
        %add3A_526 = arith.constant 64 : i32
        %add3A_527 = vector.broadcast %add3A_526 : i32 to vector<16xi32>
        %add3A_528 = arith.addi %iota3A, %add3A_527 : vector<16xi32>
        %gather3A_529 = tpu.vector_load_idx %arg7[%add3A_528, %and3A_497] : memref<128x64xf32, #tpu.memory_space<vmem>>[vector<16xi32>, vector<16xi32>], vector<16xf32>,
        %neg3A_530 = arith.constant 0.000000e+00 : f32
        %neg3A_531 = vector.broadcast %neg3A_530 : f32 to vector<16xf32>
        %neg3A_532 = arith.subf %neg3A_531, %gather3A_529 : vector<16xf32>
        tpu.vector_store_idx %arg9[%and3A_497, %broadcast_in_dim3A_5, %add3A_528], %neg3A_532 : memref<64x2x128xf32, #tpu.memory_space<vmem>>[vector<16xi32>, vector<16xi32>, vector<16xi32>], vector<16xf32>,
        tpu.vector_store_idx %arg9[%and3A_497, %broadcast_in_dim3A_7, %add3A_528], %gather3A_529 : memref<64x2x128xf32, #tpu.memory_space<vmem>>[vector<16xi32>, vector<16xi32>, vector<16xi32>], vector<16xf32>,
        %add3A_533 = arith.constant 80 : i32
        %add3A_534 = vector.broadcast %add3A_533 : i32 to vector<16xi32>
        %add3A_535 = arith.addi %iota3A, %add3A_534 : vector<16xi32>
        %gather3A_536 = tpu.vector_load_idx %arg7[%add3A_535, %and3A_497] : memref<128x64xf32, #tpu.memory_space<vmem>>[vector<16xi32>, vector<16xi32>], vector<16xf32>,
        %neg3A_537 = arith.constant 0.000000e+00 : f32
        %neg3A_538 = vector.broadcast %neg3A_537 : f32 to vector<16xf32>
        %neg3A_539 = arith.subf %neg3A_538, %gather3A_536 : vector<16xf32>
        tpu.vector_store_idx %arg9[%and3A_497, %broadcast_in_dim3A_5, %add3A_535], %neg3A_539 : memref<64x2x128xf32, #tpu.memory_space<vmem>>[vector<16xi32>, vector<16xi32>, vector<16xi32>], vector<16xf32>,
        tpu.vector_store_idx %arg9[%and3A_497, %broadcast_in_dim3A_7, %add3A_535], %gather3A_536 : memref<64x2x128xf32, #tpu.memory_space<vmem>>[vector<16xi32>, vector<16xi32>, vector<16xi32>], vector<16xf32>,
        %add3A_540 = arith.constant 96 : i32
        %add3A_541 = vector.broadcast %add3A_540 : i32 to vector<16xi32>
        %add3A_542 = arith.addi %iota3A, %add3A_541 : vector<16xi32>
        %gather3A_543 = tpu.vector_load_idx %arg7[%add3A_542, %and3A_497] : memref<128x64xf32, #tpu.memory_space<vmem>>[vector<16xi32>, vector<16xi32>], vector<16xf32>,
        %neg3A_544 = arith.constant 0.000000e+00 : f32
        %neg3A_545 = vector.broadcast %neg3A_544 : f32 to vector<16xf32>
        %neg3A_546 = arith.subf %neg3A_545, %gather3A_543 : vector<16xf32>
        tpu.vector_store_idx %arg9[%and3A_497, %broadcast_in_dim3A_5, %add3A_542], %neg3A_546 : memref<64x2x128xf32, #tpu.memory_space<vmem>>[vector<16xi32>, vector<16xi32>, vector<16xi32>], vector<16xf32>,
        tpu.vector_store_idx %arg9[%and3A_497, %broadcast_in_dim3A_7, %add3A_542], %gather3A_543 : memref<64x2x128xf32, #tpu.memory_space<vmem>>[vector<16xi32>, vector<16xi32>, vector<16xi32>], vector<16xf32>,
        %add3A_547 = arith.constant 112 : i32
        %add3A_548 = vector.broadcast %add3A_547 : i32 to vector<16xi32>
        %add3A_549 = arith.addi %iota3A, %add3A_548 : vector<16xi32>
        %gather3A_550 = tpu.vector_load_idx %arg7[%add3A_549, %and3A_497] : memref<128x64xf32, #tpu.memory_space<vmem>>[vector<16xi32>, vector<16xi32>], vector<16xf32>,
        %neg3A_551 = arith.constant 0.000000e+00 : f32
        %neg3A_552 = vector.broadcast %neg3A_551 : f32 to vector<16xf32>
        %neg3A_553 = arith.subf %neg3A_552, %gather3A_550 : vector<16xf32>
        tpu.vector_store_idx %arg9[%and3A_497, %broadcast_in_dim3A_5, %add3A_549], %neg3A_553 : memref<64x2x128xf32, #tpu.memory_space<vmem>>[vector<16xi32>, vector<16xi32>, vector<16xi32>], vector<16xf32>,
        tpu.vector_store_idx %arg9[%and3A_497, %broadcast_in_dim3A_7, %add3A_549], %gather3A_550 : memref<64x2x128xf32, #tpu.memory_space<vmem>>[vector<16xi32>, vector<16xi32>, vector<16xi32>], vector<16xf32>,
        %scan3A_554 = arith.constant 2 : i32
        %scan3A_555 = arith.addi %scan3A_431, %scan3A_554 : i32
        %add3A_556 = vector.broadcast %scan3A_555 : i32 to vector<16xi32>
        %add3A_557 = arith.addi %add3A_556, %iota3A : vector<16xi32>
        %and3A_558 = arith.constant 63 : i32
        %and3A_559 = vector.broadcast %and3A_558 : i32 to vector<16xi32>
        %and3A_560 = arith.andi %add3A_557, %and3A_559 : vector<16xi32>
        %add3A_561 = arith.constant 0 : i32
        %add3A_562 = vector.broadcast %add3A_561 : i32 to vector<16xi32>
        %add3A_563 = arith.addi %iota3A, %add3A_562 : vector<16xi32>
        %gather3A_564 = tpu.vector_load_idx %arg7[%add3A_563, %and3A_560] : memref<128x64xf32, #tpu.memory_space<vmem>>[vector<16xi32>, vector<16xi32>], vector<16xf32>,
        %neg3A_565 = arith.constant 0.000000e+00 : f32
        %neg3A_566 = vector.broadcast %neg3A_565 : f32 to vector<16xf32>
        %neg3A_567 = arith.subf %neg3A_566, %gather3A_564 : vector<16xf32>
        tpu.vector_store_idx %arg9[%and3A_560, %broadcast_in_dim3A_5, %add3A_563], %neg3A_567 : memref<64x2x128xf32, #tpu.memory_space<vmem>>[vector<16xi32>, vector<16xi32>, vector<16xi32>], vector<16xf32>,
        tpu.vector_store_idx %arg9[%and3A_560, %broadcast_in_dim3A_7, %add3A_563], %gather3A_564 : memref<64x2x128xf32, #tpu.memory_space<vmem>>[vector<16xi32>, vector<16xi32>, vector<16xi32>], vector<16xf32>,
        %add3A_568 = arith.constant 16 : i32
        %add3A_569 = vector.broadcast %add3A_568 : i32 to vector<16xi32>
        %add3A_570 = arith.addi %iota3A, %add3A_569 : vector<16xi32>
        %gather3A_571 = tpu.vector_load_idx %arg7[%add3A_570, %and3A_560] : memref<128x64xf32, #tpu.memory_space<vmem>>[vector<16xi32>, vector<16xi32>], vector<16xf32>,
        %neg3A_572 = arith.constant 0.000000e+00 : f32
        %neg3A_573 = vector.broadcast %neg3A_572 : f32 to vector<16xf32>
        %neg3A_574 = arith.subf %neg3A_573, %gather3A_571 : vector<16xf32>
        tpu.vector_store_idx %arg9[%and3A_560, %broadcast_in_dim3A_5, %add3A_570], %neg3A_574 : memref<64x2x128xf32, #tpu.memory_space<vmem>>[vector<16xi32>, vector<16xi32>, vector<16xi32>], vector<16xf32>,
        tpu.vector_store_idx %arg9[%and3A_560, %broadcast_in_dim3A_7, %add3A_570], %gather3A_571 : memref<64x2x128xf32, #tpu.memory_space<vmem>>[vector<16xi32>, vector<16xi32>, vector<16xi32>], vector<16xf32>,
        %add3A_575 = arith.constant 32 : i32
        %add3A_576 = vector.broadcast %add3A_575 : i32 to vector<16xi32>
        %add3A_577 = arith.addi %iota3A, %add3A_576 : vector<16xi32>
        %gather3A_578 = tpu.vector_load_idx %arg7[%add3A_577, %and3A_560] : memref<128x64xf32, #tpu.memory_space<vmem>>[vector<16xi32>, vector<16xi32>], vector<16xf32>,
        %neg3A_579 = arith.constant 0.000000e+00 : f32
        %neg3A_580 = vector.broadcast %neg3A_579 : f32 to vector<16xf32>
        %neg3A_581 = arith.subf %neg3A_580, %gather3A_578 : vector<16xf32>
        tpu.vector_store_idx %arg9[%and3A_560, %broadcast_in_dim3A_5, %add3A_577], %neg3A_581 : memref<64x2x128xf32, #tpu.memory_space<vmem>>[vector<16xi32>, vector<16xi32>, vector<16xi32>], vector<16xf32>,
        tpu.vector_store_idx %arg9[%and3A_560, %broadcast_in_dim3A_7, %add3A_577], %gather3A_578 : memref<64x2x128xf32, #tpu.memory_space<vmem>>[vector<16xi32>, vector<16xi32>, vector<16xi32>], vector<16xf32>,
        %add3A_582 = arith.constant 48 : i32
        %add3A_583 = vector.broadcast %add3A_582 : i32 to vector<16xi32>
        %add3A_584 = arith.addi %iota3A, %add3A_583 : vector<16xi32>
        %gather3A_585 = tpu.vector_load_idx %arg7[%add3A_584, %and3A_560] : memref<128x64xf32, #tpu.memory_space<vmem>>[vector<16xi32>, vector<16xi32>], vector<16xf32>,
        %neg3A_586 = arith.constant 0.000000e+00 : f32
        %neg3A_587 = vector.broadcast %neg3A_586 : f32 to vector<16xf32>
        %neg3A_588 = arith.subf %neg3A_587, %gather3A_585 : vector<16xf32>
        tpu.vector_store_idx %arg9[%and3A_560, %broadcast_in_dim3A_5, %add3A_584], %neg3A_588 : memref<64x2x128xf32, #tpu.memory_space<vmem>>[vector<16xi32>, vector<16xi32>, vector<16xi32>], vector<16xf32>,
        tpu.vector_store_idx %arg9[%and3A_560, %broadcast_in_dim3A_7, %add3A_584], %gather3A_585 : memref<64x2x128xf32, #tpu.memory_space<vmem>>[vector<16xi32>, vector<16xi32>, vector<16xi32>], vector<16xf32>,
        %add3A_589 = arith.constant 64 : i32
        %add3A_590 = vector.broadcast %add3A_589 : i32 to vector<16xi32>
        %add3A_591 = arith.addi %iota3A, %add3A_590 : vector<16xi32>
        %gather3A_592 = tpu.vector_load_idx %arg7[%add3A_591, %and3A_560] : memref<128x64xf32, #tpu.memory_space<vmem>>[vector<16xi32>, vector<16xi32>], vector<16xf32>,
        %neg3A_593 = arith.constant 0.000000e+00 : f32
        %neg3A_594 = vector.broadcast %neg3A_593 : f32 to vector<16xf32>
        %neg3A_595 = arith.subf %neg3A_594, %gather3A_592 : vector<16xf32>
        tpu.vector_store_idx %arg9[%and3A_560, %broadcast_in_dim3A_5, %add3A_591], %neg3A_595 : memref<64x2x128xf32, #tpu.memory_space<vmem>>[vector<16xi32>, vector<16xi32>, vector<16xi32>], vector<16xf32>,
        tpu.vector_store_idx %arg9[%and3A_560, %broadcast_in_dim3A_7, %add3A_591], %gather3A_592 : memref<64x2x128xf32, #tpu.memory_space<vmem>>[vector<16xi32>, vector<16xi32>, vector<16xi32>], vector<16xf32>,
        %add3A_596 = arith.constant 80 : i32
        %add3A_597 = vector.broadcast %add3A_596 : i32 to vector<16xi32>
        %add3A_598 = arith.addi %iota3A, %add3A_597 : vector<16xi32>
        %gather3A_599 = tpu.vector_load_idx %arg7[%add3A_598, %and3A_560] : memref<128x64xf32, #tpu.memory_space<vmem>>[vector<16xi32>, vector<16xi32>], vector<16xf32>,
        %neg3A_600 = arith.constant 0.000000e+00 : f32
        %neg3A_601 = vector.broadcast %neg3A_600 : f32 to vector<16xf32>
        %neg3A_602 = arith.subf %neg3A_601, %gather3A_599 : vector<16xf32>
        tpu.vector_store_idx %arg9[%and3A_560, %broadcast_in_dim3A_5, %add3A_598], %neg3A_602 : memref<64x2x128xf32, #tpu.memory_space<vmem>>[vector<16xi32>, vector<16xi32>, vector<16xi32>], vector<16xf32>,
        tpu.vector_store_idx %arg9[%and3A_560, %broadcast_in_dim3A_7, %add3A_598], %gather3A_599 : memref<64x2x128xf32, #tpu.memory_space<vmem>>[vector<16xi32>, vector<16xi32>, vector<16xi32>], vector<16xf32>,
        %add3A_603 = arith.constant 96 : i32
        %add3A_604 = vector.broadcast %add3A_603 : i32 to vector<16xi32>
        %add3A_605 = arith.addi %iota3A, %add3A_604 : vector<16xi32>
        %gather3A_606 = tpu.vector_load_idx %arg7[%add3A_605, %and3A_560] : memref<128x64xf32, #tpu.memory_space<vmem>>[vector<16xi32>, vector<16xi32>], vector<16xf32>,
        %neg3A_607 = arith.constant 0.000000e+00 : f32
        %neg3A_608 = vector.broadcast %neg3A_607 : f32 to vector<16xf32>
        %neg3A_609 = arith.subf %neg3A_608, %gather3A_606 : vector<16xf32>
        tpu.vector_store_idx %arg9[%and3A_560, %broadcast_in_dim3A_5, %add3A_605], %neg3A_609 : memref<64x2x128xf32, #tpu.memory_space<vmem>>[vector<16xi32>, vector<16xi32>, vector<16xi32>], vector<16xf32>,
        tpu.vector_store_idx %arg9[%and3A_560, %broadcast_in_dim3A_7, %add3A_605], %gather3A_606 : memref<64x2x128xf32, #tpu.memory_space<vmem>>[vector<16xi32>, vector<16xi32>, vector<16xi32>], vector<16xf32>,
        %add3A_610 = arith.constant 112 : i32
        %add3A_611 = vector.broadcast %add3A_610 : i32 to vector<16xi32>
        %add3A_612 = arith.addi %iota3A, %add3A_611 : vector<16xi32>
        %gather3A_613 = tpu.vector_load_idx %arg7[%add3A_612, %and3A_560] : memref<128x64xf32, #tpu.memory_space<vmem>>[vector<16xi32>, vector<16xi32>], vector<16xf32>,
        %neg3A_614 = arith.constant 0.000000e+00 : f32
        %neg3A_615 = vector.broadcast %neg3A_614 : f32 to vector<16xf32>
        %neg3A_616 = arith.subf %neg3A_615, %gather3A_613 : vector<16xf32>
        tpu.vector_store_idx %arg9[%and3A_560, %broadcast_in_dim3A_5, %add3A_612], %neg3A_616 : memref<64x2x128xf32, #tpu.memory_space<vmem>>[vector<16xi32>, vector<16xi32>, vector<16xi32>], vector<16xf32>,
        tpu.vector_store_idx %arg9[%and3A_560, %broadcast_in_dim3A_7, %add3A_612], %gather3A_613 : memref<64x2x128xf32, #tpu.memory_space<vmem>>[vector<16xi32>, vector<16xi32>, vector<16xi32>], vector<16xf32>,
        %scan3A_617 = arith.constant 3 : i32
        %scan3A_618 = arith.addi %scan3A_431, %scan3A_617 : i32
        %add3A_619 = vector.broadcast %scan3A_618 : i32 to vector<16xi32>
        %add3A_620 = arith.addi %add3A_619, %iota3A : vector<16xi32>
        %and3A_621 = arith.constant 63 : i32
        %and3A_622 = vector.broadcast %and3A_621 : i32 to vector<16xi32>
        %and3A_623 = arith.andi %add3A_620, %and3A_622 : vector<16xi32>
        %add3A_624 = arith.constant 0 : i32
        %add3A_625 = vector.broadcast %add3A_624 : i32 to vector<16xi32>
        %add3A_626 = arith.addi %iota3A, %add3A_625 : vector<16xi32>
        %gather3A_627 = tpu.vector_load_idx %arg7[%add3A_626, %and3A_623] : memref<128x64xf32, #tpu.memory_space<vmem>>[vector<16xi32>, vector<16xi32>], vector<16xf32>,
        %neg3A_628 = arith.constant 0.000000e+00 : f32
        %neg3A_629 = vector.broadcast %neg3A_628 : f32 to vector<16xf32>
        %neg3A_630 = arith.subf %neg3A_629, %gather3A_627 : vector<16xf32>
        tpu.vector_store_idx %arg9[%and3A_623, %broadcast_in_dim3A_5, %add3A_626], %neg3A_630 : memref<64x2x128xf32, #tpu.memory_space<vmem>>[vector<16xi32>, vector<16xi32>, vector<16xi32>], vector<16xf32>,
        tpu.vector_store_idx %arg9[%and3A_623, %broadcast_in_dim3A_7, %add3A_626], %gather3A_627 : memref<64x2x128xf32, #tpu.memory_space<vmem>>[vector<16xi32>, vector<16xi32>, vector<16xi32>], vector<16xf32>,
        %add3A_631 = arith.constant 16 : i32
        %add3A_632 = vector.broadcast %add3A_631 : i32 to vector<16xi32>
        %add3A_633 = arith.addi %iota3A, %add3A_632 : vector<16xi32>
        %gather3A_634 = tpu.vector_load_idx %arg7[%add3A_633, %and3A_623] : memref<128x64xf32, #tpu.memory_space<vmem>>[vector<16xi32>, vector<16xi32>], vector<16xf32>,
        %neg3A_635 = arith.constant 0.000000e+00 : f32
        %neg3A_636 = vector.broadcast %neg3A_635 : f32 to vector<16xf32>
        %neg3A_637 = arith.subf %neg3A_636, %gather3A_634 : vector<16xf32>
        tpu.vector_store_idx %arg9[%and3A_623, %broadcast_in_dim3A_5, %add3A_633], %neg3A_637 : memref<64x2x128xf32, #tpu.memory_space<vmem>>[vector<16xi32>, vector<16xi32>, vector<16xi32>], vector<16xf32>,
        tpu.vector_store_idx %arg9[%and3A_623, %broadcast_in_dim3A_7, %add3A_633], %gather3A_634 : memref<64x2x128xf32, #tpu.memory_space<vmem>>[vector<16xi32>, vector<16xi32>, vector<16xi32>], vector<16xf32>,
        %add3A_638 = arith.constant 32 : i32
        %add3A_639 = vector.broadcast %add3A_638 : i32 to vector<16xi32>
        %add3A_640 = arith.addi %iota3A, %add3A_639 : vector<16xi32>
        %gather3A_641 = tpu.vector_load_idx %arg7[%add3A_640, %and3A_623] : memref<128x64xf32, #tpu.memory_space<vmem>>[vector<16xi32>, vector<16xi32>], vector<16xf32>,
        %neg3A_642 = arith.constant 0.000000e+00 : f32
        %neg3A_643 = vector.broadcast %neg3A_642 : f32 to vector<16xf32>
        %neg3A_644 = arith.subf %neg3A_643, %gather3A_641 : vector<16xf32>
        tpu.vector_store_idx %arg9[%and3A_623, %broadcast_in_dim3A_5, %add3A_640], %neg3A_644 : memref<64x2x128xf32, #tpu.memory_space<vmem>>[vector<16xi32>, vector<16xi32>, vector<16xi32>], vector<16xf32>,
        tpu.vector_store_idx %arg9[%and3A_623, %broadcast_in_dim3A_7, %add3A_640], %gather3A_641 : memref<64x2x128xf32, #tpu.memory_space<vmem>>[vector<16xi32>, vector<16xi32>, vector<16xi32>], vector<16xf32>,
        %add3A_645 = arith.constant 48 : i32
        %add3A_646 = vector.broadcast %add3A_645 : i32 to vector<16xi32>
        %add3A_647 = arith.addi %iota3A, %add3A_646 : vector<16xi32>
        %gather3A_648 = tpu.vector_load_idx %arg7[%add3A_647, %and3A_623] : memref<128x64xf32, #tpu.memory_space<vmem>>[vector<16xi32>, vector<16xi32>], vector<16xf32>,
        %neg3A_649 = arith.constant 0.000000e+00 : f32
        %neg3A_650 = vector.broadcast %neg3A_649 : f32 to vector<16xf32>
        %neg3A_651 = arith.subf %neg3A_650, %gather3A_648 : vector<16xf32>
        tpu.vector_store_idx %arg9[%and3A_623, %broadcast_in_dim3A_5, %add3A_647], %neg3A_651 : memref<64x2x128xf32, #tpu.memory_space<vmem>>[vector<16xi32>, vector<16xi32>, vector<16xi32>], vector<16xf32>,
        tpu.vector_store_idx %arg9[%and3A_623, %broadcast_in_dim3A_7, %add3A_647], %gather3A_648 : memref<64x2x128xf32, #tpu.memory_space<vmem>>[vector<16xi32>, vector<16xi32>, vector<16xi32>], vector<16xf32>,
        %add3A_652 = arith.constant 64 : i32
        %add3A_653 = vector.broadcast %add3A_652 : i32 to vector<16xi32>
        %add3A_654 = arith.addi %iota3A, %add3A_653 : vector<16xi32>
        %gather3A_655 = tpu.vector_load_idx %arg7[%add3A_654, %and3A_623] : memref<128x64xf32, #tpu.memory_space<vmem>>[vector<16xi32>, vector<16xi32>], vector<16xf32>,
        %neg3A_656 = arith.constant 0.000000e+00 : f32
        %neg3A_657 = vector.broadcast %neg3A_656 : f32 to vector<16xf32>
        %neg3A_658 = arith.subf %neg3A_657, %gather3A_655 : vector<16xf32>
        tpu.vector_store_idx %arg9[%and3A_623, %broadcast_in_dim3A_5, %add3A_654], %neg3A_658 : memref<64x2x128xf32, #tpu.memory_space<vmem>>[vector<16xi32>, vector<16xi32>, vector<16xi32>], vector<16xf32>,
        tpu.vector_store_idx %arg9[%and3A_623, %broadcast_in_dim3A_7, %add3A_654], %gather3A_655 : memref<64x2x128xf32, #tpu.memory_space<vmem>>[vector<16xi32>, vector<16xi32>, vector<16xi32>], vector<16xf32>,
        %add3A_659 = arith.constant 80 : i32
        %add3A_660 = vector.broadcast %add3A_659 : i32 to vector<16xi32>
        %add3A_661 = arith.addi %iota3A, %add3A_660 : vector<16xi32>
        %gather3A_662 = tpu.vector_load_idx %arg7[%add3A_661, %and3A_623] : memref<128x64xf32, #tpu.memory_space<vmem>>[vector<16xi32>, vector<16xi32>], vector<16xf32>,
        %neg3A_663 = arith.constant 0.000000e+00 : f32
        %neg3A_664 = vector.broadcast %neg3A_663 : f32 to vector<16xf32>
        %neg3A_665 = arith.subf %neg3A_664, %gather3A_662 : vector<16xf32>
        tpu.vector_store_idx %arg9[%and3A_623, %broadcast_in_dim3A_5, %add3A_661], %neg3A_665 : memref<64x2x128xf32, #tpu.memory_space<vmem>>[vector<16xi32>, vector<16xi32>, vector<16xi32>], vector<16xf32>,
        tpu.vector_store_idx %arg9[%and3A_623, %broadcast_in_dim3A_7, %add3A_661], %gather3A_662 : memref<64x2x128xf32, #tpu.memory_space<vmem>>[vector<16xi32>, vector<16xi32>, vector<16xi32>], vector<16xf32>,
        %add3A_666 = arith.constant 96 : i32
        %add3A_667 = vector.broadcast %add3A_666 : i32 to vector<16xi32>
        %add3A_668 = arith.addi %iota3A, %add3A_667 : vector<16xi32>
        %gather3A_669 = tpu.vector_load_idx %arg7[%add3A_668, %and3A_623] : memref<128x64xf32, #tpu.memory_space<vmem>>[vector<16xi32>, vector<16xi32>], vector<16xf32>,
        %neg3A_670 = arith.constant 0.000000e+00 : f32
        %neg3A_671 = vector.broadcast %neg3A_670 : f32 to vector<16xf32>
        %neg3A_672 = arith.subf %neg3A_671, %gather3A_669 : vector<16xf32>
        tpu.vector_store_idx %arg9[%and3A_623, %broadcast_in_dim3A_5, %add3A_668], %neg3A_672 : memref<64x2x128xf32, #tpu.memory_space<vmem>>[vector<16xi32>, vector<16xi32>, vector<16xi32>], vector<16xf32>,
        tpu.vector_store_idx %arg9[%and3A_623, %broadcast_in_dim3A_7, %add3A_668], %gather3A_669 : memref<64x2x128xf32, #tpu.memory_space<vmem>>[vector<16xi32>, vector<16xi32>, vector<16xi32>], vector<16xf32>,
        %add3A_673 = arith.constant 112 : i32
        %add3A_674 = vector.broadcast %add3A_673 : i32 to vector<16xi32>
        %add3A_675 = arith.addi %iota3A, %add3A_674 : vector<16xi32>
        %gather3A_676 = tpu.vector_load_idx %arg7[%add3A_675, %and3A_623] : memref<128x64xf32, #tpu.memory_space<vmem>>[vector<16xi32>, vector<16xi32>], vector<16xf32>,
        %neg3A_677 = arith.constant 0.000000e+00 : f32
        %neg3A_678 = vector.broadcast %neg3A_677 : f32 to vector<16xf32>
        %neg3A_679 = arith.subf %neg3A_678, %gather3A_676 : vector<16xf32>
        tpu.vector_store_idx %arg9[%and3A_623, %broadcast_in_dim3A_5, %add3A_675], %neg3A_679 : memref<64x2x128xf32, #tpu.memory_space<vmem>>[vector<16xi32>, vector<16xi32>, vector<16xi32>], vector<16xf32>,
        tpu.vector_store_idx %arg9[%and3A_623, %broadcast_in_dim3A_7, %add3A_675], %gather3A_676 : memref<64x2x128xf32, #tpu.memory_space<vmem>>[vector<16xi32>, vector<16xi32>, vector<16xi32>], vector<16xf32>,
      }
      %scan3A_336 = arith.constant 64 : i32
      %add3A_337 = arith.addi %mul3A_2, %add3A_202 : i32
      %jit3A_338 = arith.constant 64 : i32
      %div3A_339 = arith.divsi %add3A_337, %jit3A_338 : i32
      %sign3A_340 = arith.constant 0 : i32
      %sign3A_341 = arith.cmpi sgt, %add3A_337, %sign3A_340 : i32
      %sign3A_342 = arith.extui %sign3A_341 : i1 to i32
      %sign3A_343 = arith.constant 0 : i32
      %sign3A_344 = arith.cmpi slt, %add3A_337, %sign3A_343 : i32
      %sign3A_345 = arith.extui %sign3A_344 : i1 to i32
      %sign3A_346 = arith.subi %sign3A_342, %sign3A_345 : i32
      %sign3A_347 = arith.constant 0 : i32
      %sign3A_348 = arith.cmpi sgt, %jit3A_338, %sign3A_347 : i32
      %sign3A_349 = arith.extui %sign3A_348 : i1 to i32
      %sign3A_350 = arith.constant 0 : i32
      %sign3A_351 = arith.cmpi slt, %jit3A_338, %sign3A_350 : i32
      %sign3A_352 = arith.extui %sign3A_351 : i1 to i32
      %sign3A_353 = arith.subi %sign3A_349, %sign3A_352 : i32
      %ne3A_354 = arith.cmpi ne, %sign3A_346, %sign3A_353 : i32
      %rem3A_355 = arith.remsi %add3A_337, %jit3A_338 : i32
      %ne3A_356 = arith.constant 0 : i32
      %ne3A_357 = arith.cmpi ne, %rem3A_355, %ne3A_356 : i32
      %and3A_358 = arith.andi %ne3A_354, %ne3A_357 : i1
      %sub3A_359 = arith.constant 1 : i32
      %sub3A_360 = arith.subi %div3A_339, %sub3A_359 : i32
      %select_n3A_361 = arith.select %and3A_358, %sub3A_360, %div3A_339 : i32
      %mul3A_362 = arith.constant 8 : i32
      %mul3A_363 = arith.muli %select_n3A_361, %mul3A_362 : i32
      %jit3A_364 = arith.constant 8 : i32
      %eq3A_365 = arith.constant 0 : i32
      %eq3A_366 = arith.cmpi eq, %jit3A_364, %eq3A_365 : i32
      %jit3A_367 = arith.constant 1 : i32
      %select_n3A_368 = arith.select %eq3A_366, %jit3A_367, %jit3A_364 : i32
      %rem3A_369 = arith.remsi %add3A_337, %select_n3A_368 : i32
      %ne3A_370 = arith.constant 0 : i32
      %ne3A_371 = arith.cmpi ne, %rem3A_369, %ne3A_370 : i32
      %lt3A_372 = arith.constant 0 : i32
      %lt3A_373 = arith.cmpi slt, %rem3A_369, %lt3A_372 : i32
      %lt3A_374 = arith.constant 0 : i32
      %lt3A_375 = arith.cmpi slt, %select_n3A_368, %lt3A_374 : i32
      %ne3A_376 = arith.xori %lt3A_373, %lt3A_375 : i1
      %and3A_377 = arith.andi %ne3A_376, %ne3A_371 : i1
      %add3A_378 = arith.addi %rem3A_369, %select_n3A_368 : i32
      %select_n3A_379 = arith.select %and3A_377, %add3A_378, %rem3A_369 : i32
      %add3A_380 = arith.addi %mul3A_363, %select_n3A_379 : i32
      %jit3A_381 = arith.constant 8 : i32
      %div3A_382 = arith.divsi %add3A_337, %jit3A_381 : i32
      %sign3A_383 = arith.constant 0 : i32
      %sign3A_384 = arith.cmpi sgt, %add3A_337, %sign3A_383 : i32
      %sign3A_385 = arith.extui %sign3A_384 : i1 to i32
      %sign3A_386 = arith.constant 0 : i32
      %sign3A_387 = arith.cmpi slt, %add3A_337, %sign3A_386 : i32
      %sign3A_388 = arith.extui %sign3A_387 : i1 to i32
      %sign3A_389 = arith.subi %sign3A_385, %sign3A_388 : i32
      %sign3A_390 = arith.constant 0 : i32
      %sign3A_391 = arith.cmpi sgt, %jit3A_381, %sign3A_390 : i32
      %sign3A_392 = arith.extui %sign3A_391 : i1 to i32
      %sign3A_393 = arith.constant 0 : i32
      %sign3A_394 = arith.cmpi slt, %jit3A_381, %sign3A_393 : i32
      %sign3A_395 = arith.extui %sign3A_394 : i1 to i32
      %sign3A_396 = arith.subi %sign3A_392, %sign3A_395 : i32
      %ne3A_397 = arith.cmpi ne, %sign3A_389, %sign3A_396 : i32
      %rem3A_398 = arith.remsi %add3A_337, %jit3A_381 : i32
      %ne3A_399 = arith.constant 0 : i32
      %ne3A_400 = arith.cmpi ne, %rem3A_398, %ne3A_399 : i32
      %and3A_401 = arith.andi %ne3A_397, %ne3A_400 : i1
      %sub3A_402 = arith.constant 1 : i32
      %sub3A_403 = arith.subi %div3A_382, %sub3A_402 : i32
      %select_n3A_404 = arith.select %and3A_401, %sub3A_403, %div3A_382 : i32
      %jit3A_405 = arith.constant 8 : i32
      %eq3A_406 = arith.constant 0 : i32
      %eq3A_407 = arith.cmpi eq, %jit3A_405, %eq3A_406 : i32
      %jit3A_408 = arith.constant 1 : i32
      %select_n3A_409 = arith.select %eq3A_407, %jit3A_408, %jit3A_405 : i32
      %rem3A_410 = arith.remsi %select_n3A_404, %select_n3A_409 : i32
      %ne3A_411 = arith.constant 0 : i32
      %ne3A_412 = arith.cmpi ne, %rem3A_410, %ne3A_411 : i32
      %lt3A_413 = arith.constant 0 : i32
      %lt3A_414 = arith.cmpi slt, %rem3A_410, %lt3A_413 : i32
      %lt3A_415 = arith.constant 0 : i32
      %lt3A_416 = arith.cmpi slt, %select_n3A_409, %lt3A_415 : i32
      %ne3A_417 = arith.xori %lt3A_414, %lt3A_416 : i1
      %and3A_418 = arith.andi %ne3A_417, %ne3A_412 : i1
      %add3A_419 = arith.addi %rem3A_410, %select_n3A_409 : i32
      %select_n3A_420 = arith.select %and3A_418, %add3A_419, %rem3A_410 : i32
      %mul3A_421 = arith.constant 2 : i32
      %mul3A_422 = arith.muli %mul3A_421, %select_n3A_420 : i32
      %dma_start3A_423 = arith.constant 0 : i32
      %dma_start3A_424 = arith.constant 0 : i32
      %dma_start3A_425 = tpu.memref_slice %arg4[%add3A_380, %dma_start3A_423, %mul3A_422, %dma_start3A_424] : memref<200x64x16x128xf32, #tpu.memory_space<hbm>> -> memref<1x64x2x128xf32, #tpu.memory_space<hbm>>
      %dma_start3A_426 = tpu.memref_squeeze %dma_start3A_425 : memref<1x64x2x128xf32, #tpu.memory_space<hbm>> -> memref<64x2x128xf32, #tpu.memory_space<hbm>>
      %dma_start3A_427 = arith.constant 0 : i32
      %dma_start3A_428 = arith.constant 0 : i32
      %dma_start3A_429 = tpu.memref_slice %arg4[%add3A_380, %dma_start3A_427, %mul3A_422, %dma_start3A_428] : memref<200x64x16x128xf32, #tpu.memory_space<hbm>> -> memref<1x64x2x128xf32, #tpu.memory_space<hbm>>
      %dma_start3A_430 = tpu.memref_squeeze %dma_start3A_429 : memref<1x64x2x128xf32, #tpu.memory_space<hbm>> -> memref<64x2x128xf32, #tpu.memory_space<hbm>>
      tpu.enqueue_dma source(%arg9 : memref<64x2x128xf32, #tpu.memory_space<vmem>>) target(%dma_start3A_430 : memref<64x2x128xf32, #tpu.memory_space<hbm>>) target_semaphore(%arg13 : memref<!tpu.dma_semaphore, #tpu.memory_space<semaphore_mem>>)
    }
    %scan3A_16 = arith.constant 25 : i32
    %add3A_17 = arith.constant 0 : i32
    %add3A_18 = arith.addi %mul3A_2, %add3A_17 : i32
    %jit3A = arith.constant 64 : i32
    %div3A = arith.divsi %add3A_18, %jit3A : i32
    %sign3A = arith.constant 0 : i32
    %sign3A_19 = arith.cmpi sgt, %add3A_18, %sign3A : i32
    %sign3A_20 = arith.extui %sign3A_19 : i1 to i32
    %sign3A_21 = arith.constant 0 : i32
    %sign3A_22 = arith.cmpi slt, %add3A_18, %sign3A_21 : i32
    %sign3A_23 = arith.extui %sign3A_22 : i1 to i32
    %sign3A_24 = arith.subi %sign3A_20, %sign3A_23 : i32
    %sign3A_25 = arith.constant 0 : i32
    %sign3A_26 = arith.cmpi sgt, %jit3A, %sign3A_25 : i32
    %sign3A_27 = arith.extui %sign3A_26 : i1 to i32
    %sign3A_28 = arith.constant 0 : i32
    %sign3A_29 = arith.cmpi slt, %jit3A, %sign3A_28 : i32
    %sign3A_30 = arith.extui %sign3A_29 : i1 to i32
    %sign3A_31 = arith.subi %sign3A_27, %sign3A_30 : i32
    %ne3A = arith.cmpi ne, %sign3A_24, %sign3A_31 : i32
    %rem3A = arith.remsi %add3A_18, %jit3A : i32
    %ne3A_32 = arith.constant 0 : i32
    %ne3A_33 = arith.cmpi ne, %rem3A, %ne3A_32 : i32
    %and3A = arith.andi %ne3A, %ne3A_33 : i1
    %sub3A = arith.constant 1 : i32
    %sub3A_34 = arith.subi %div3A, %sub3A : i32
    %select_n3A = arith.select %and3A, %sub3A_34, %div3A : i32
    %mul3A_35 = arith.constant 8 : i32
    %mul3A_36 = arith.muli %select_n3A, %mul3A_35 : i32
    %jit3A_37 = arith.constant 8 : i32
    %eq3A = arith.constant 0 : i32
    %eq3A_38 = arith.cmpi eq, %jit3A_37, %eq3A : i32
    %jit3A_39 = arith.constant 1 : i32
    %select_n3A_40 = arith.select %eq3A_38, %jit3A_39, %jit3A_37 : i32
    %rem3A_41 = arith.remsi %add3A_18, %select_n3A_40 : i32
    %ne3A_42 = arith.constant 0 : i32
    %ne3A_43 = arith.cmpi ne, %rem3A_41, %ne3A_42 : i32
    %lt3A = arith.constant 0 : i32
    %lt3A_44 = arith.cmpi slt, %rem3A_41, %lt3A : i32
    %lt3A_45 = arith.constant 0 : i32
    %lt3A_46 = arith.cmpi slt, %select_n3A_40, %lt3A_45 : i32
    %ne3A_47 = arith.xori %lt3A_44, %lt3A_46 : i1
    %and3A_48 = arith.andi %ne3A_47, %ne3A_43 : i1
    %add3A_49 = arith.addi %rem3A_41, %select_n3A_40 : i32
    %select_n3A_50 = arith.select %and3A_48, %add3A_49, %rem3A_41 : i32
    %add3A_51 = arith.addi %mul3A_36, %select_n3A_50 : i32
    %jit3A_52 = arith.constant 8 : i32
    %div3A_53 = arith.divsi %add3A_18, %jit3A_52 : i32
    %sign3A_54 = arith.constant 0 : i32
    %sign3A_55 = arith.cmpi sgt, %add3A_18, %sign3A_54 : i32
    %sign3A_56 = arith.extui %sign3A_55 : i1 to i32
    %sign3A_57 = arith.constant 0 : i32
    %sign3A_58 = arith.cmpi slt, %add3A_18, %sign3A_57 : i32
    %sign3A_59 = arith.extui %sign3A_58 : i1 to i32
    %sign3A_60 = arith.subi %sign3A_56, %sign3A_59 : i32
    %sign3A_61 = arith.constant 0 : i32
    %sign3A_62 = arith.cmpi sgt, %jit3A_52, %sign3A_61 : i32
    %sign3A_63 = arith.extui %sign3A_62 : i1 to i32
    %sign3A_64 = arith.constant 0 : i32
    %sign3A_65 = arith.cmpi slt, %jit3A_52, %sign3A_64 : i32
    %sign3A_66 = arith.extui %sign3A_65 : i1 to i32
    %sign3A_67 = arith.subi %sign3A_63, %sign3A_66 : i32
    %ne3A_68 = arith.cmpi ne, %sign3A_60, %sign3A_67 : i32
    %rem3A_69 = arith.remsi %add3A_18, %jit3A_52 : i32
    %ne3A_70 = arith.constant 0 : i32
    %ne3A_71 = arith.cmpi ne, %rem3A_69, %ne3A_70 : i32
    %and3A_72 = arith.andi %ne3A_68, %ne3A_71 : i1
    %sub3A_73 = arith.constant 1 : i32
    %sub3A_74 = arith.subi %div3A_53, %sub3A_73 : i32
    %select_n3A_75 = arith.select %and3A_72, %sub3A_74, %div3A_53 : i32
    %jit3A_76 = arith.constant 8 : i32
    %eq3A_77 = arith.constant 0 : i32
    %eq3A_78 = arith.cmpi eq, %jit3A_76, %eq3A_77 : i32
    %jit3A_79 = arith.constant 1 : i32
    %select_n3A_80 = arith.select %eq3A_78, %jit3A_79, %jit3A_76 : i32
    %rem3A_81 = arith.remsi %select_n3A_75, %select_n3A_80 : i32
    %ne3A_82 = arith.constant 0 : i32
    %ne3A_83 = arith.cmpi ne, %rem3A_81, %ne3A_82 : i32
    %lt3A_84 = arith.constant 0 : i32
    %lt3A_85 = arith.cmpi slt, %rem3A_81, %lt3A_84 : i32
    %lt3A_86 = arith.constant 0 : i32
    %lt3A_87 = arith.cmpi slt, %select_n3A_80, %lt3A_86 : i32
    %ne3A_88 = arith.xori %lt3A_85, %lt3A_87 : i1
    %and3A_89 = arith.andi %ne3A_88, %ne3A_83 : i1
    %add3A_90 = arith.addi %rem3A_81, %select_n3A_80 : i32
    %select_n3A_91 = arith.select %and3A_89, %add3A_90, %rem3A_81 : i32
    %mul3A_92 = arith.constant 2 : i32
    %mul3A_93 = arith.muli %mul3A_92, %select_n3A_91 : i32
    %dma_wait3A = arith.constant 0 : i32
    %dma_wait3A_94 = arith.constant 0 : i32
    %dma_wait3A_95 = tpu.memref_slice %arg4[%add3A_51, %dma_wait3A, %mul3A_93, %dma_wait3A_94] : memref<200x64x16x128xf32, #tpu.memory_space<hbm>> -> memref<1x64x2x128xf32, #tpu.memory_space<hbm>>
    %dma_wait3A_96 = tpu.memref_squeeze %dma_wait3A_95 : memref<1x64x2x128xf32, #tpu.memory_space<hbm>> -> memref<64x2x128xf32, #tpu.memory_space<hbm>>
    %dma_wait3A_97 = arith.constant 0 : i32
    %dma_wait3A_98 = arith.constant 0 : i32
    %dma_wait3A_99 = tpu.memref_slice %arg4[%add3A_51, %dma_wait3A_97, %mul3A_93, %dma_wait3A_98] : memref<200x64x16x128xf32, #tpu.memory_space<hbm>> -> memref<1x64x2x128xf32, #tpu.memory_space<hbm>>
    %dma_wait3A_100 = tpu.memref_squeeze %dma_wait3A_99 : memref<1x64x2x128xf32, #tpu.memory_space<hbm>> -> memref<64x2x128xf32, #tpu.memory_space<hbm>>
    tpu.wait_dma2 semaphore(%arg12 : memref<!tpu.dma_semaphore, #tpu.memory_space<semaphore_mem>>) src(%arg8 : memref<64x2x128xf32, #tpu.memory_space<vmem>>) dst(%dma_wait3A_100 : memref<64x2x128xf32, #tpu.memory_space<hbm>>)
    %add3A_101 = arith.constant 0 : i32
    %add3A_102 = arith.addi %mul3A_2, %add3A_101 : i32
    %jit3A_103 = arith.constant 64 : i32
    %div3A_104 = arith.divsi %add3A_102, %jit3A_103 : i32
    %sign3A_105 = arith.constant 0 : i32
    %sign3A_106 = arith.cmpi sgt, %add3A_102, %sign3A_105 : i32
    %sign3A_107 = arith.extui %sign3A_106 : i1 to i32
    %sign3A_108 = arith.constant 0 : i32
    %sign3A_109 = arith.cmpi slt, %add3A_102, %sign3A_108 : i32
    %sign3A_110 = arith.extui %sign3A_109 : i1 to i32
    %sign3A_111 = arith.subi %sign3A_107, %sign3A_110 : i32
    %sign3A_112 = arith.constant 0 : i32
    %sign3A_113 = arith.cmpi sgt, %jit3A_103, %sign3A_112 : i32
    %sign3A_114 = arith.extui %sign3A_113 : i1 to i32
    %sign3A_115 = arith.constant 0 : i32
    %sign3A_116 = arith.cmpi slt, %jit3A_103, %sign3A_115 : i32
    %sign3A_117 = arith.extui %sign3A_116 : i1 to i32
    %sign3A_118 = arith.subi %sign3A_114, %sign3A_117 : i32
    %ne3A_119 = arith.cmpi ne, %sign3A_111, %sign3A_118 : i32
    %rem3A_120 = arith.remsi %add3A_102, %jit3A_103 : i32
    %ne3A_121 = arith.constant 0 : i32
    %ne3A_122 = arith.cmpi ne, %rem3A_120, %ne3A_121 : i32
    %and3A_123 = arith.andi %ne3A_119, %ne3A_122 : i1
    %sub3A_124 = arith.constant 1 : i32
    %sub3A_125 = arith.subi %div3A_104, %sub3A_124 : i32
    %select_n3A_126 = arith.select %and3A_123, %sub3A_125, %div3A_104 : i32
    %mul3A_127 = arith.constant 8 : i32
    %mul3A_128 = arith.muli %select_n3A_126, %mul3A_127 : i32
    %jit3A_129 = arith.constant 8 : i32
    %eq3A_130 = arith.constant 0 : i32
    %eq3A_131 = arith.cmpi eq, %jit3A_129, %eq3A_130 : i32
    %jit3A_132 = arith.constant 1 : i32
    %select_n3A_133 = arith.select %eq3A_131, %jit3A_132, %jit3A_129 : i32
    %rem3A_134 = arith.remsi %add3A_102, %select_n3A_133 : i32
    %ne3A_135 = arith.constant 0 : i32
    %ne3A_136 = arith.cmpi ne, %rem3A_134, %ne3A_135 : i32
    %lt3A_137 = arith.constant 0 : i32
    %lt3A_138 = arith.cmpi slt, %rem3A_134, %lt3A_137 : i32
    %lt3A_139 = arith.constant 0 : i32
    %lt3A_140 = arith.cmpi slt, %select_n3A_133, %lt3A_139 : i32
    %ne3A_141 = arith.xori %lt3A_138, %lt3A_140 : i1
    %and3A_142 = arith.andi %ne3A_141, %ne3A_136 : i1
    %add3A_143 = arith.addi %rem3A_134, %select_n3A_133 : i32
    %select_n3A_144 = arith.select %and3A_142, %add3A_143, %rem3A_134 : i32
    %add3A_145 = arith.addi %mul3A_128, %select_n3A_144 : i32
    %jit3A_146 = arith.constant 8 : i32
    %div3A_147 = arith.divsi %add3A_102, %jit3A_146 : i32
    %sign3A_148 = arith.constant 0 : i32
    %sign3A_149 = arith.cmpi sgt, %add3A_102, %sign3A_148 : i32
    %sign3A_150 = arith.extui %sign3A_149 : i1 to i32
    %sign3A_151 = arith.constant 0 : i32
    %sign3A_152 = arith.cmpi slt, %add3A_102, %sign3A_151 : i32
    %sign3A_153 = arith.extui %sign3A_152 : i1 to i32
    %sign3A_154 = arith.subi %sign3A_150, %sign3A_153 : i32
    %sign3A_155 = arith.constant 0 : i32
    %sign3A_156 = arith.cmpi sgt, %jit3A_146, %sign3A_155 : i32
    %sign3A_157 = arith.extui %sign3A_156 : i1 to i32
    %sign3A_158 = arith.constant 0 : i32
    %sign3A_159 = arith.cmpi slt, %jit3A_146, %sign3A_158 : i32
    %sign3A_160 = arith.extui %sign3A_159 : i1 to i32
    %sign3A_161 = arith.subi %sign3A_157, %sign3A_160 : i32
    %ne3A_162 = arith.cmpi ne, %sign3A_154, %sign3A_161 : i32
    %rem3A_163 = arith.remsi %add3A_102, %jit3A_146 : i32
    %ne3A_164 = arith.constant 0 : i32
    %ne3A_165 = arith.cmpi ne, %rem3A_163, %ne3A_164 : i32
    %and3A_166 = arith.andi %ne3A_162, %ne3A_165 : i1
    %sub3A_167 = arith.constant 1 : i32
    %sub3A_168 = arith.subi %div3A_147, %sub3A_167 : i32
    %select_n3A_169 = arith.select %and3A_166, %sub3A_168, %div3A_147 : i32
    %jit3A_170 = arith.constant 8 : i32
    %eq3A_171 = arith.constant 0 : i32
    %eq3A_172 = arith.cmpi eq, %jit3A_170, %eq3A_171 : i32
    %jit3A_173 = arith.constant 1 : i32
    %select_n3A_174 = arith.select %eq3A_172, %jit3A_173, %jit3A_170 : i32
    %rem3A_175 = arith.remsi %select_n3A_169, %select_n3A_174 : i32
    %ne3A_176 = arith.constant 0 : i32
    %ne3A_177 = arith.cmpi ne, %rem3A_175, %ne3A_176 : i32
    %lt3A_178 = arith.constant 0 : i32
    %lt3A_179 = arith.cmpi slt, %rem3A_175, %lt3A_178 : i32
    %lt3A_180 = arith.constant 0 : i32
    %lt3A_181 = arith.cmpi slt, %select_n3A_174, %lt3A_180 : i32
    %ne3A_182 = arith.xori %lt3A_179, %lt3A_181 : i1
    %and3A_183 = arith.andi %ne3A_182, %ne3A_177 : i1
    %add3A_184 = arith.addi %rem3A_175, %select_n3A_174 : i32
    %select_n3A_185 = arith.select %and3A_183, %add3A_184, %rem3A_175 : i32
    %mul3A_186 = arith.constant 2 : i32
    %mul3A_187 = arith.muli %mul3A_186, %select_n3A_185 : i32
    %dma_wait3A_188 = arith.constant 0 : i32
    %dma_wait3A_189 = arith.constant 0 : i32
    %dma_wait3A_190 = tpu.memref_slice %arg4[%add3A_145, %dma_wait3A_188, %mul3A_187, %dma_wait3A_189] : memref<200x64x16x128xf32, #tpu.memory_space<hbm>> -> memref<1x64x2x128xf32, #tpu.memory_space<hbm>>
    %dma_wait3A_191 = tpu.memref_squeeze %dma_wait3A_190 : memref<1x64x2x128xf32, #tpu.memory_space<hbm>> -> memref<64x2x128xf32, #tpu.memory_space<hbm>>
    %dma_wait3A_192 = arith.constant 0 : i32
    %dma_wait3A_193 = arith.constant 0 : i32
    %dma_wait3A_194 = tpu.memref_slice %arg4[%add3A_145, %dma_wait3A_192, %mul3A_187, %dma_wait3A_193] : memref<200x64x16x128xf32, #tpu.memory_space<hbm>> -> memref<1x64x2x128xf32, #tpu.memory_space<hbm>>
    %dma_wait3A_195 = tpu.memref_squeeze %dma_wait3A_194 : memref<1x64x2x128xf32, #tpu.memory_space<hbm>> -> memref<64x2x128xf32, #tpu.memory_space<hbm>>
    tpu.wait_dma2 semaphore(%arg13 : memref<!tpu.dma_semaphore, #tpu.memory_space<semaphore_mem>>) src(%arg9 : memref<64x2x128xf32, #tpu.memory_space<vmem>>) dst(%dma_wait3A_195 : memref<64x2x128xf32, #tpu.memory_space<hbm>>)
    return
  }
}

#map = affine_map<(d0, d1) -> (0, 0)>
#map1 = affine_map<(d0, d1) -> (0)>
module attributes {stable_mosaic.version = 14 : i64} {
  func.func @conv_kernel(%arg0: i32, %arg1: i32, %arg2: memref<64x100000xf32, #tpu.memory_space<hbm>>, %arg3: memref<6400000xf32, #tpu.memory_space<hbm>>, %arg4: memref<64x128xf32, #tpu.memory_space<vmem>>, %arg5: memref<64x128xf32, #tpu.memory_space<vmem>>, %arg6: memref<8192xf32, #tpu.memory_space<vmem>>, %arg7: memref<8192xf32, #tpu.memory_space<vmem>>, %arg8: memref<!tpu.dma_semaphore, #tpu.memory_space<semaphore_mem>>, %arg9: memref<!tpu.dma_semaphore, #tpu.memory_space<semaphore_mem>>, %arg10: memref<!tpu.dma_semaphore, #tpu.memory_space<semaphore_mem>>, %arg11: memref<!tpu.dma_semaphore, #tpu.memory_space<semaphore_mem>>) attributes {dimension_semantics = [#tpu.dimension_semantics<core_parallel>, #tpu.dimension_semantics<subcore_parallel>], iteration_bounds = array<i64: 2, 16>, scalar_prefetch = 0 : i64, scratch_operands = 8 : i64, tpu.core_type = #tpu.core_type<sc_vector_subcore>, window_params = [{transform_indices = #map}, {transform_indices = #map1}]} {
    %mul3A = arith.constant 2 : i32
    %mul3A_0 = arith.muli %arg1, %mul3A : i32
    %add3A = arith.addi %mul3A_0, %arg0 : i32
    %mul3A_1 = arith.constant 2 : i32
    %mul3A_2 = arith.muli %add3A, %mul3A_1 : i32
    %mul3A_3 = arith.constant 13 : i32
    %mul3A_4 = arith.muli %mul3A_2, %mul3A_3 : i32
    %iota3A = tpu.iota {dimensions = array<i32: 0>} : vector<16xi32>
    %add3A_5 = arith.constant 0 : i32
    %add3A_6 = arith.addi %mul3A_4, %add3A_5 : i32
    %lt3A = arith.constant 782 : i32
    %lt3A_7 = arith.cmpi slt, %add3A_6, %lt3A : i32
    %convert_element_type3A = arith.extui %lt3A_7 : i1 to i32
    %cond3A = arith.constant 0 : i32
    %cond3A_8 = arith.cmpi ne, %convert_element_type3A, %cond3A : i32
    scf.if %cond3A_8 {
      %add3A_28 = arith.constant 0 : i32
      %add3A_29 = arith.addi %mul3A_4, %add3A_28 : i32
      %mul3A_30 = arith.constant 128 : i32
      %mul3A_31 = arith.muli %add3A_29, %mul3A_30 : i32
      %dma_start3A = arith.constant 0 : i32
      %dma_start3A_32 = tpu.memref_slice %arg2[%dma_start3A, %mul3A_31] : memref<64x100000xf32, #tpu.memory_space<hbm>> -> memref<64x128xf32, #tpu.memory_space<hbm>>
      %dma_start3A_33 = arith.constant 0 : i32
      %dma_start3A_34 = tpu.memref_slice %arg2[%dma_start3A_33, %mul3A_31] : memref<64x100000xf32, #tpu.memory_space<hbm>> -> memref<64x128xf32, #tpu.memory_space<hbm>>
      tpu.enqueue_dma source(%dma_start3A_34 : memref<64x128xf32, #tpu.memory_space<hbm>>) target(%arg4 : memref<64x128xf32, #tpu.memory_space<vmem>>) target_semaphore(%arg8 : memref<!tpu.dma_semaphore, #tpu.memory_space<semaphore_mem>>)
    } else {
    }
    %scan3A = arith.constant 0 : i32
    %scan3A_9 = arith.constant 0 : i32
    %scan3A_10 = arith.constant 13 : i32
    %scan3A_11 = arith.addi %scan3A_9, %scan3A_10 : i32
    %scan3A_12 = arith.constant 1 : i32
    scf.for %scan3A_28 = %scan3A_9 to %scan3A_11 step %scan3A_12  : i32 {
      %mul3A_29 = arith.constant 2 : i32
      %mul3A_30 = arith.muli %mul3A_29, %scan3A_28 : i32
      %mul3A_31 = arith.constant 2 : i32
      %mul3A_32 = arith.muli %mul3A_31, %scan3A_28 : i32
      %add3A_33 = arith.constant 1 : i32
      %add3A_34 = arith.addi %mul3A_32, %add3A_33 : i32
      %add3A_35 = arith.addi %mul3A_4, %add3A_34 : i32
      %lt3A_36 = arith.constant 782 : i32
      %lt3A_37 = arith.cmpi slt, %add3A_35, %lt3A_36 : i32
      %convert_element_type3A_38 = arith.extui %lt3A_37 : i1 to i32
      %cond3A_39 = arith.constant 0 : i32
      %cond3A_40 = arith.cmpi ne, %convert_element_type3A_38, %cond3A_39 : i32
      scf.if %cond3A_40 {
        %add3A_100 = arith.addi %mul3A_4, %add3A_34 : i32
        %mul3A_101 = arith.constant 128 : i32
        %mul3A_102 = arith.muli %add3A_100, %mul3A_101 : i32
        %dma_start3A = arith.constant 0 : i32
        %dma_start3A_103 = tpu.memref_slice %arg2[%dma_start3A, %mul3A_102] : memref<64x100000xf32, #tpu.memory_space<hbm>> -> memref<64x128xf32, #tpu.memory_space<hbm>>
        %dma_start3A_104 = arith.constant 0 : i32
        %dma_start3A_105 = tpu.memref_slice %arg2[%dma_start3A_104, %mul3A_102] : memref<64x100000xf32, #tpu.memory_space<hbm>> -> memref<64x128xf32, #tpu.memory_space<hbm>>
        tpu.enqueue_dma source(%dma_start3A_105 : memref<64x128xf32, #tpu.memory_space<hbm>>) target(%arg5 : memref<64x128xf32, #tpu.memory_space<vmem>>) target_semaphore(%arg9 : memref<!tpu.dma_semaphore, #tpu.memory_space<semaphore_mem>>)
      } else {
      }
      %add3A_41 = arith.addi %mul3A_4, %mul3A_30 : i32
      %lt3A_42 = arith.constant 782 : i32
      %lt3A_43 = arith.cmpi slt, %add3A_41, %lt3A_42 : i32
      %convert_element_type3A_44 = arith.extui %lt3A_43 : i1 to i32
      %cond3A_45 = arith.constant 0 : i32
      %cond3A_46 = arith.cmpi ne, %convert_element_type3A_44, %cond3A_45 : i32
      scf.if %cond3A_46 {
        %dma_wait3A = arith.constant 0 : i32
        %dma_wait3A_100 = arith.constant 0 : i32
        %dma_wait3A_101 = tpu.memref_slice %arg2[%dma_wait3A, %dma_wait3A_100] : memref<64x100000xf32, #tpu.memory_space<hbm>> -> memref<64x128xf32, #tpu.memory_space<hbm>>
        %dma_wait3A_102 = arith.constant 0 : i32
        %dma_wait3A_103 = arith.constant 0 : i32
        %dma_wait3A_104 = tpu.memref_slice %arg2[%dma_wait3A_102, %dma_wait3A_103] : memref<64x100000xf32, #tpu.memory_space<hbm>> -> memref<64x128xf32, #tpu.memory_space<hbm>>
        tpu.wait_dma2 semaphore(%arg8 : memref<!tpu.dma_semaphore, #tpu.memory_space<semaphore_mem>>) src(%dma_wait3A_104 : memref<64x128xf32, #tpu.memory_space<hbm>>) dst(%arg4 : memref<64x128xf32, #tpu.memory_space<vmem>>)
      } else {
      }
      %gt3A = arith.constant 0 : i32
      %gt3A_47 = arith.cmpi sgt, %scan3A_28, %gt3A : i32
      %convert_element_type3A_48 = arith.extui %gt3A_47 : i1 to i32
      %cond3A_49 = arith.constant 0 : i32
      %cond3A_50 = arith.cmpi ne, %convert_element_type3A_48, %cond3A_49 : i32
      scf.if %cond3A_50 {
        %sub3A = arith.constant 2 : i32
        %sub3A_100 = arith.subi %mul3A_30, %sub3A : i32
        %add3A_101 = arith.addi %mul3A_4, %sub3A_100 : i32
        %lt3A_102 = arith.constant 781 : i32
        %lt3A_103 = arith.cmpi slt, %add3A_101, %lt3A_102 : i32
        %convert_element_type3A_104 = arith.extui %lt3A_103 : i1 to i32
        %cond3A_105 = arith.constant 0 : i32
        %cond3A_106 = arith.cmpi ne, %convert_element_type3A_104, %cond3A_105 : i32
        scf.if %cond3A_106 {
          %dma_wait3A = arith.constant 0 : i32
          %dma_wait3A_107 = tpu.memref_slice %arg3[%dma_wait3A] : memref<6400000xf32, #tpu.memory_space<hbm>> -> memref<8192xf32, #tpu.memory_space<hbm>>
          %dma_wait3A_108 = arith.constant 0 : i32
          %dma_wait3A_109 = tpu.memref_slice %arg3[%dma_wait3A_108] : memref<6400000xf32, #tpu.memory_space<hbm>> -> memref<8192xf32, #tpu.memory_space<hbm>>
          tpu.wait_dma2 semaphore(%arg10 : memref<!tpu.dma_semaphore, #tpu.memory_space<semaphore_mem>>) src(%arg6 : memref<8192xf32, #tpu.memory_space<vmem>>) dst(%dma_wait3A_109 : memref<8192xf32, #tpu.memory_space<hbm>>)
        } else {
        }
      } else {
      }
      %add3A_51 = arith.addi %mul3A_4, %mul3A_30 : i32
      %lt3A_52 = arith.constant 782 : i32
      %lt3A_53 = arith.cmpi slt, %add3A_51, %lt3A_52 : i32
      %convert_element_type3A_54 = arith.extui %lt3A_53 : i1 to i32
      %cond3A_55 = arith.constant 0 : i32
      %cond3A_56 = arith.cmpi ne, %convert_element_type3A_54, %cond3A_55 : i32
      scf.if %cond3A_56 {
        %scan3A_100 = arith.constant 0 : i32
        %scan3A_101 = arith.constant 0 : i32
        %scan3A_102 = arith.constant 64 : i32
        %scan3A_103 = arith.addi %scan3A_101, %scan3A_102 : i32
        %scan3A_104 = arith.constant 4 : i32
        scf.for %scan3A_106 = %scan3A_101 to %scan3A_103 step %scan3A_104  : i32 {
          %add3A_107 = vector.broadcast %scan3A_106 : i32 to vector<16xi32>
          %add3A_108 = arith.addi %add3A_107, %iota3A : vector<16xi32>
          %and3A = arith.constant 63 : i32
          %and3A_109 = vector.broadcast %and3A : i32 to vector<16xi32>
          %and3A_110 = arith.andi %add3A_108, %and3A_109 : vector<16xi32>
          %add3A_111 = arith.constant 0 : i32
          %add3A_112 = vector.broadcast %add3A_111 : i32 to vector<16xi32>
          %add3A_113 = arith.addi %iota3A, %add3A_112 : vector<16xi32>
          %gather3A = tpu.vector_load_idx %arg4[%and3A_110, %add3A_113] : memref<64x128xf32, #tpu.memory_space<vmem>>[vector<16xi32>, vector<16xi32>], vector<16xf32>,
          %mul3A_114 = arith.constant 64 : i32
          %mul3A_115 = vector.broadcast %mul3A_114 : i32 to vector<16xi32>
          %mul3A_116 = arith.muli %add3A_113, %mul3A_115 : vector<16xi32>
          %add3A_117 = arith.addi %mul3A_116, %and3A_110 : vector<16xi32>
          tpu.vector_store_idx %arg6[%add3A_117], %gather3A : memref<8192xf32, #tpu.memory_space<vmem>>[vector<16xi32>], vector<16xf32>,
          %add3A_118 = arith.constant 16 : i32
          %add3A_119 = vector.broadcast %add3A_118 : i32 to vector<16xi32>
          %add3A_120 = arith.addi %iota3A, %add3A_119 : vector<16xi32>
          %gather3A_121 = tpu.vector_load_idx %arg4[%and3A_110, %add3A_120] : memref<64x128xf32, #tpu.memory_space<vmem>>[vector<16xi32>, vector<16xi32>], vector<16xf32>,
          %mul3A_122 = arith.constant 64 : i32
          %mul3A_123 = vector.broadcast %mul3A_122 : i32 to vector<16xi32>
          %mul3A_124 = arith.muli %add3A_120, %mul3A_123 : vector<16xi32>
          %add3A_125 = arith.addi %mul3A_124, %and3A_110 : vector<16xi32>
          tpu.vector_store_idx %arg6[%add3A_125], %gather3A_121 : memref<8192xf32, #tpu.memory_space<vmem>>[vector<16xi32>], vector<16xf32>,
          %add3A_126 = arith.constant 32 : i32
          %add3A_127 = vector.broadcast %add3A_126 : i32 to vector<16xi32>
          %add3A_128 = arith.addi %iota3A, %add3A_127 : vector<16xi32>
          %gather3A_129 = tpu.vector_load_idx %arg4[%and3A_110, %add3A_128] : memref<64x128xf32, #tpu.memory_space<vmem>>[vector<16xi32>, vector<16xi32>], vector<16xf32>,
          %mul3A_130 = arith.constant 64 : i32
          %mul3A_131 = vector.broadcast %mul3A_130 : i32 to vector<16xi32>
          %mul3A_132 = arith.muli %add3A_128, %mul3A_131 : vector<16xi32>
          %add3A_133 = arith.addi %mul3A_132, %and3A_110 : vector<16xi32>
          tpu.vector_store_idx %arg6[%add3A_133], %gather3A_129 : memref<8192xf32, #tpu.memory_space<vmem>>[vector<16xi32>], vector<16xf32>,
          %add3A_134 = arith.constant 48 : i32
          %add3A_135 = vector.broadcast %add3A_134 : i32 to vector<16xi32>
          %add3A_136 = arith.addi %iota3A, %add3A_135 : vector<16xi32>
          %gather3A_137 = tpu.vector_load_idx %arg4[%and3A_110, %add3A_136] : memref<64x128xf32, #tpu.memory_space<vmem>>[vector<16xi32>, vector<16xi32>], vector<16xf32>,
          %mul3A_138 = arith.constant 64 : i32
          %mul3A_139 = vector.broadcast %mul3A_138 : i32 to vector<16xi32>
          %mul3A_140 = arith.muli %add3A_136, %mul3A_139 : vector<16xi32>
          %add3A_141 = arith.addi %mul3A_140, %and3A_110 : vector<16xi32>
          tpu.vector_store_idx %arg6[%add3A_141], %gather3A_137 : memref<8192xf32, #tpu.memory_space<vmem>>[vector<16xi32>], vector<16xf32>,
          %add3A_142 = arith.constant 64 : i32
          %add3A_143 = vector.broadcast %add3A_142 : i32 to vector<16xi32>
          %add3A_144 = arith.addi %iota3A, %add3A_143 : vector<16xi32>
          %gather3A_145 = tpu.vector_load_idx %arg4[%and3A_110, %add3A_144] : memref<64x128xf32, #tpu.memory_space<vmem>>[vector<16xi32>, vector<16xi32>], vector<16xf32>,
          %mul3A_146 = arith.constant 64 : i32
          %mul3A_147 = vector.broadcast %mul3A_146 : i32 to vector<16xi32>
          %mul3A_148 = arith.muli %add3A_144, %mul3A_147 : vector<16xi32>
          %add3A_149 = arith.addi %mul3A_148, %and3A_110 : vector<16xi32>
          tpu.vector_store_idx %arg6[%add3A_149], %gather3A_145 : memref<8192xf32, #tpu.memory_space<vmem>>[vector<16xi32>], vector<16xf32>,
          %add3A_150 = arith.constant 80 : i32
          %add3A_151 = vector.broadcast %add3A_150 : i32 to vector<16xi32>
          %add3A_152 = arith.addi %iota3A, %add3A_151 : vector<16xi32>
          %gather3A_153 = tpu.vector_load_idx %arg4[%and3A_110, %add3A_152] : memref<64x128xf32, #tpu.memory_space<vmem>>[vector<16xi32>, vector<16xi32>], vector<16xf32>,
          %mul3A_154 = arith.constant 64 : i32
          %mul3A_155 = vector.broadcast %mul3A_154 : i32 to vector<16xi32>
          %mul3A_156 = arith.muli %add3A_152, %mul3A_155 : vector<16xi32>
          %add3A_157 = arith.addi %mul3A_156, %and3A_110 : vector<16xi32>
          tpu.vector_store_idx %arg6[%add3A_157], %gather3A_153 : memref<8192xf32, #tpu.memory_space<vmem>>[vector<16xi32>], vector<16xf32>,
          %add3A_158 = arith.constant 96 : i32
          %add3A_159 = vector.broadcast %add3A_158 : i32 to vector<16xi32>
          %add3A_160 = arith.addi %iota3A, %add3A_159 : vector<16xi32>
          %gather3A_161 = tpu.vector_load_idx %arg4[%and3A_110, %add3A_160] : memref<64x128xf32, #tpu.memory_space<vmem>>[vector<16xi32>, vector<16xi32>], vector<16xf32>,
          %mul3A_162 = arith.constant 64 : i32
          %mul3A_163 = vector.broadcast %mul3A_162 : i32 to vector<16xi32>
          %mul3A_164 = arith.muli %add3A_160, %mul3A_163 : vector<16xi32>
          %add3A_165 = arith.addi %mul3A_164, %and3A_110 : vector<16xi32>
          tpu.vector_store_idx %arg6[%add3A_165], %gather3A_161 : memref<8192xf32, #tpu.memory_space<vmem>>[vector<16xi32>], vector<16xf32>,
          %add3A_166 = arith.constant 112 : i32
          %add3A_167 = vector.broadcast %add3A_166 : i32 to vector<16xi32>
          %add3A_168 = arith.addi %iota3A, %add3A_167 : vector<16xi32>
          %gather3A_169 = tpu.vector_load_idx %arg4[%and3A_110, %add3A_168] : memref<64x128xf32, #tpu.memory_space<vmem>>[vector<16xi32>, vector<16xi32>], vector<16xf32>,
          %mul3A_170 = arith.constant 64 : i32
          %mul3A_171 = vector.broadcast %mul3A_170 : i32 to vector<16xi32>
          %mul3A_172 = arith.muli %add3A_168, %mul3A_171 : vector<16xi32>
          %add3A_173 = arith.addi %mul3A_172, %and3A_110 : vector<16xi32>
          tpu.vector_store_idx %arg6[%add3A_173], %gather3A_169 : memref<8192xf32, #tpu.memory_space<vmem>>[vector<16xi32>], vector<16xf32>,
          %scan3A_174 = arith.constant 1 : i32
          %scan3A_175 = arith.addi %scan3A_106, %scan3A_174 : i32
          %add3A_176 = vector.broadcast %scan3A_175 : i32 to vector<16xi32>
          %add3A_177 = arith.addi %add3A_176, %iota3A : vector<16xi32>
          %and3A_178 = arith.constant 63 : i32
          %and3A_179 = vector.broadcast %and3A_178 : i32 to vector<16xi32>
          %and3A_180 = arith.andi %add3A_177, %and3A_179 : vector<16xi32>
          %add3A_181 = arith.constant 0 : i32
          %add3A_182 = vector.broadcast %add3A_181 : i32 to vector<16xi32>
          %add3A_183 = arith.addi %iota3A, %add3A_182 : vector<16xi32>
          %gather3A_184 = tpu.vector_load_idx %arg4[%and3A_180, %add3A_183] : memref<64x128xf32, #tpu.memory_space<vmem>>[vector<16xi32>, vector<16xi32>], vector<16xf32>,
          %mul3A_185 = arith.constant 64 : i32
          %mul3A_186 = vector.broadcast %mul3A_185 : i32 to vector<16xi32>
          %mul3A_187 = arith.muli %add3A_183, %mul3A_186 : vector<16xi32>
          %add3A_188 = arith.addi %mul3A_187, %and3A_180 : vector<16xi32>
          tpu.vector_store_idx %arg6[%add3A_188], %gather3A_184 : memref<8192xf32, #tpu.memory_space<vmem>>[vector<16xi32>], vector<16xf32>,
          %add3A_189 = arith.constant 16 : i32
          %add3A_190 = vector.broadcast %add3A_189 : i32 to vector<16xi32>
          %add3A_191 = arith.addi %iota3A, %add3A_190 : vector<16xi32>
          %gather3A_192 = tpu.vector_load_idx %arg4[%and3A_180, %add3A_191] : memref<64x128xf32, #tpu.memory_space<vmem>>[vector<16xi32>, vector<16xi32>], vector<16xf32>,
          %mul3A_193 = arith.constant 64 : i32
          %mul3A_194 = vector.broadcast %mul3A_193 : i32 to vector<16xi32>
          %mul3A_195 = arith.muli %add3A_191, %mul3A_194 : vector<16xi32>
          %add3A_196 = arith.addi %mul3A_195, %and3A_180 : vector<16xi32>
          tpu.vector_store_idx %arg6[%add3A_196], %gather3A_192 : memref<8192xf32, #tpu.memory_space<vmem>>[vector<16xi32>], vector<16xf32>,
          %add3A_197 = arith.constant 32 : i32
          %add3A_198 = vector.broadcast %add3A_197 : i32 to vector<16xi32>
          %add3A_199 = arith.addi %iota3A, %add3A_198 : vector<16xi32>
          %gather3A_200 = tpu.vector_load_idx %arg4[%and3A_180, %add3A_199] : memref<64x128xf32, #tpu.memory_space<vmem>>[vector<16xi32>, vector<16xi32>], vector<16xf32>,
          %mul3A_201 = arith.constant 64 : i32
          %mul3A_202 = vector.broadcast %mul3A_201 : i32 to vector<16xi32>
          %mul3A_203 = arith.muli %add3A_199, %mul3A_202 : vector<16xi32>
          %add3A_204 = arith.addi %mul3A_203, %and3A_180 : vector<16xi32>
          tpu.vector_store_idx %arg6[%add3A_204], %gather3A_200 : memref<8192xf32, #tpu.memory_space<vmem>>[vector<16xi32>], vector<16xf32>,
          %add3A_205 = arith.constant 48 : i32
          %add3A_206 = vector.broadcast %add3A_205 : i32 to vector<16xi32>
          %add3A_207 = arith.addi %iota3A, %add3A_206 : vector<16xi32>
          %gather3A_208 = tpu.vector_load_idx %arg4[%and3A_180, %add3A_207] : memref<64x128xf32, #tpu.memory_space<vmem>>[vector<16xi32>, vector<16xi32>], vector<16xf32>,
          %mul3A_209 = arith.constant 64 : i32
          %mul3A_210 = vector.broadcast %mul3A_209 : i32 to vector<16xi32>
          %mul3A_211 = arith.muli %add3A_207, %mul3A_210 : vector<16xi32>
          %add3A_212 = arith.addi %mul3A_211, %and3A_180 : vector<16xi32>
          tpu.vector_store_idx %arg6[%add3A_212], %gather3A_208 : memref<8192xf32, #tpu.memory_space<vmem>>[vector<16xi32>], vector<16xf32>,
          %add3A_213 = arith.constant 64 : i32
          %add3A_214 = vector.broadcast %add3A_213 : i32 to vector<16xi32>
          %add3A_215 = arith.addi %iota3A, %add3A_214 : vector<16xi32>
          %gather3A_216 = tpu.vector_load_idx %arg4[%and3A_180, %add3A_215] : memref<64x128xf32, #tpu.memory_space<vmem>>[vector<16xi32>, vector<16xi32>], vector<16xf32>,
          %mul3A_217 = arith.constant 64 : i32
          %mul3A_218 = vector.broadcast %mul3A_217 : i32 to vector<16xi32>
          %mul3A_219 = arith.muli %add3A_215, %mul3A_218 : vector<16xi32>
          %add3A_220 = arith.addi %mul3A_219, %and3A_180 : vector<16xi32>
          tpu.vector_store_idx %arg6[%add3A_220], %gather3A_216 : memref<8192xf32, #tpu.memory_space<vmem>>[vector<16xi32>], vector<16xf32>,
          %add3A_221 = arith.constant 80 : i32
          %add3A_222 = vector.broadcast %add3A_221 : i32 to vector<16xi32>
          %add3A_223 = arith.addi %iota3A, %add3A_222 : vector<16xi32>
          %gather3A_224 = tpu.vector_load_idx %arg4[%and3A_180, %add3A_223] : memref<64x128xf32, #tpu.memory_space<vmem>>[vector<16xi32>, vector<16xi32>], vector<16xf32>,
          %mul3A_225 = arith.constant 64 : i32
          %mul3A_226 = vector.broadcast %mul3A_225 : i32 to vector<16xi32>
          %mul3A_227 = arith.muli %add3A_223, %mul3A_226 : vector<16xi32>
          %add3A_228 = arith.addi %mul3A_227, %and3A_180 : vector<16xi32>
          tpu.vector_store_idx %arg6[%add3A_228], %gather3A_224 : memref<8192xf32, #tpu.memory_space<vmem>>[vector<16xi32>], vector<16xf32>,
          %add3A_229 = arith.constant 96 : i32
          %add3A_230 = vector.broadcast %add3A_229 : i32 to vector<16xi32>
          %add3A_231 = arith.addi %iota3A, %add3A_230 : vector<16xi32>
          %gather3A_232 = tpu.vector_load_idx %arg4[%and3A_180, %add3A_231] : memref<64x128xf32, #tpu.memory_space<vmem>>[vector<16xi32>, vector<16xi32>], vector<16xf32>,
          %mul3A_233 = arith.constant 64 : i32
          %mul3A_234 = vector.broadcast %mul3A_233 : i32 to vector<16xi32>
          %mul3A_235 = arith.muli %add3A_231, %mul3A_234 : vector<16xi32>
          %add3A_236 = arith.addi %mul3A_235, %and3A_180 : vector<16xi32>
          tpu.vector_store_idx %arg6[%add3A_236], %gather3A_232 : memref<8192xf32, #tpu.memory_space<vmem>>[vector<16xi32>], vector<16xf32>,
          %add3A_237 = arith.constant 112 : i32
          %add3A_238 = vector.broadcast %add3A_237 : i32 to vector<16xi32>
          %add3A_239 = arith.addi %iota3A, %add3A_238 : vector<16xi32>
          %gather3A_240 = tpu.vector_load_idx %arg4[%and3A_180, %add3A_239] : memref<64x128xf32, #tpu.memory_space<vmem>>[vector<16xi32>, vector<16xi32>], vector<16xf32>,
          %mul3A_241 = arith.constant 64 : i32
          %mul3A_242 = vector.broadcast %mul3A_241 : i32 to vector<16xi32>
          %mul3A_243 = arith.muli %add3A_239, %mul3A_242 : vector<16xi32>
          %add3A_244 = arith.addi %mul3A_243, %and3A_180 : vector<16xi32>
          tpu.vector_store_idx %arg6[%add3A_244], %gather3A_240 : memref<8192xf32, #tpu.memory_space<vmem>>[vector<16xi32>], vector<16xf32>,
          %scan3A_245 = arith.constant 2 : i32
          %scan3A_246 = arith.addi %scan3A_106, %scan3A_245 : i32
          %add3A_247 = vector.broadcast %scan3A_246 : i32 to vector<16xi32>
          %add3A_248 = arith.addi %add3A_247, %iota3A : vector<16xi32>
          %and3A_249 = arith.constant 63 : i32
          %and3A_250 = vector.broadcast %and3A_249 : i32 to vector<16xi32>
          %and3A_251 = arith.andi %add3A_248, %and3A_250 : vector<16xi32>
          %add3A_252 = arith.constant 0 : i32
          %add3A_253 = vector.broadcast %add3A_252 : i32 to vector<16xi32>
          %add3A_254 = arith.addi %iota3A, %add3A_253 : vector<16xi32>
          %gather3A_255 = tpu.vector_load_idx %arg4[%and3A_251, %add3A_254] : memref<64x128xf32, #tpu.memory_space<vmem>>[vector<16xi32>, vector<16xi32>], vector<16xf32>,
          %mul3A_256 = arith.constant 64 : i32
          %mul3A_257 = vector.broadcast %mul3A_256 : i32 to vector<16xi32>
          %mul3A_258 = arith.muli %add3A_254, %mul3A_257 : vector<16xi32>
          %add3A_259 = arith.addi %mul3A_258, %and3A_251 : vector<16xi32>
          tpu.vector_store_idx %arg6[%add3A_259], %gather3A_255 : memref<8192xf32, #tpu.memory_space<vmem>>[vector<16xi32>], vector<16xf32>,
          %add3A_260 = arith.constant 16 : i32
          %add3A_261 = vector.broadcast %add3A_260 : i32 to vector<16xi32>
          %add3A_262 = arith.addi %iota3A, %add3A_261 : vector<16xi32>
          %gather3A_263 = tpu.vector_load_idx %arg4[%and3A_251, %add3A_262] : memref<64x128xf32, #tpu.memory_space<vmem>>[vector<16xi32>, vector<16xi32>], vector<16xf32>,
          %mul3A_264 = arith.constant 64 : i32
          %mul3A_265 = vector.broadcast %mul3A_264 : i32 to vector<16xi32>
          %mul3A_266 = arith.muli %add3A_262, %mul3A_265 : vector<16xi32>
          %add3A_267 = arith.addi %mul3A_266, %and3A_251 : vector<16xi32>
          tpu.vector_store_idx %arg6[%add3A_267], %gather3A_263 : memref<8192xf32, #tpu.memory_space<vmem>>[vector<16xi32>], vector<16xf32>,
          %add3A_268 = arith.constant 32 : i32
          %add3A_269 = vector.broadcast %add3A_268 : i32 to vector<16xi32>
          %add3A_270 = arith.addi %iota3A, %add3A_269 : vector<16xi32>
          %gather3A_271 = tpu.vector_load_idx %arg4[%and3A_251, %add3A_270] : memref<64x128xf32, #tpu.memory_space<vmem>>[vector<16xi32>, vector<16xi32>], vector<16xf32>,
          %mul3A_272 = arith.constant 64 : i32
          %mul3A_273 = vector.broadcast %mul3A_272 : i32 to vector<16xi32>
          %mul3A_274 = arith.muli %add3A_270, %mul3A_273 : vector<16xi32>
          %add3A_275 = arith.addi %mul3A_274, %and3A_251 : vector<16xi32>
          tpu.vector_store_idx %arg6[%add3A_275], %gather3A_271 : memref<8192xf32, #tpu.memory_space<vmem>>[vector<16xi32>], vector<16xf32>,
          %add3A_276 = arith.constant 48 : i32
          %add3A_277 = vector.broadcast %add3A_276 : i32 to vector<16xi32>
          %add3A_278 = arith.addi %iota3A, %add3A_277 : vector<16xi32>
          %gather3A_279 = tpu.vector_load_idx %arg4[%and3A_251, %add3A_278] : memref<64x128xf32, #tpu.memory_space<vmem>>[vector<16xi32>, vector<16xi32>], vector<16xf32>,
          %mul3A_280 = arith.constant 64 : i32
          %mul3A_281 = vector.broadcast %mul3A_280 : i32 to vector<16xi32>
          %mul3A_282 = arith.muli %add3A_278, %mul3A_281 : vector<16xi32>
          %add3A_283 = arith.addi %mul3A_282, %and3A_251 : vector<16xi32>
          tpu.vector_store_idx %arg6[%add3A_283], %gather3A_279 : memref<8192xf32, #tpu.memory_space<vmem>>[vector<16xi32>], vector<16xf32>,
          %add3A_284 = arith.constant 64 : i32
          %add3A_285 = vector.broadcast %add3A_284 : i32 to vector<16xi32>
          %add3A_286 = arith.addi %iota3A, %add3A_285 : vector<16xi32>
          %gather3A_287 = tpu.vector_load_idx %arg4[%and3A_251, %add3A_286] : memref<64x128xf32, #tpu.memory_space<vmem>>[vector<16xi32>, vector<16xi32>], vector<16xf32>,
          %mul3A_288 = arith.constant 64 : i32
          %mul3A_289 = vector.broadcast %mul3A_288 : i32 to vector<16xi32>
          %mul3A_290 = arith.muli %add3A_286, %mul3A_289 : vector<16xi32>
          %add3A_291 = arith.addi %mul3A_290, %and3A_251 : vector<16xi32>
          tpu.vector_store_idx %arg6[%add3A_291], %gather3A_287 : memref<8192xf32, #tpu.memory_space<vmem>>[vector<16xi32>], vector<16xf32>,
          %add3A_292 = arith.constant 80 : i32
          %add3A_293 = vector.broadcast %add3A_292 : i32 to vector<16xi32>
          %add3A_294 = arith.addi %iota3A, %add3A_293 : vector<16xi32>
          %gather3A_295 = tpu.vector_load_idx %arg4[%and3A_251, %add3A_294] : memref<64x128xf32, #tpu.memory_space<vmem>>[vector<16xi32>, vector<16xi32>], vector<16xf32>,
          %mul3A_296 = arith.constant 64 : i32
          %mul3A_297 = vector.broadcast %mul3A_296 : i32 to vector<16xi32>
          %mul3A_298 = arith.muli %add3A_294, %mul3A_297 : vector<16xi32>
          %add3A_299 = arith.addi %mul3A_298, %and3A_251 : vector<16xi32>
          tpu.vector_store_idx %arg6[%add3A_299], %gather3A_295 : memref<8192xf32, #tpu.memory_space<vmem>>[vector<16xi32>], vector<16xf32>,
          %add3A_300 = arith.constant 96 : i32
          %add3A_301 = vector.broadcast %add3A_300 : i32 to vector<16xi32>
          %add3A_302 = arith.addi %iota3A, %add3A_301 : vector<16xi32>
          %gather3A_303 = tpu.vector_load_idx %arg4[%and3A_251, %add3A_302] : memref<64x128xf32, #tpu.memory_space<vmem>>[vector<16xi32>, vector<16xi32>], vector<16xf32>,
          %mul3A_304 = arith.constant 64 : i32
          %mul3A_305 = vector.broadcast %mul3A_304 : i32 to vector<16xi32>
          %mul3A_306 = arith.muli %add3A_302, %mul3A_305 : vector<16xi32>
          %add3A_307 = arith.addi %mul3A_306, %and3A_251 : vector<16xi32>
          tpu.vector_store_idx %arg6[%add3A_307], %gather3A_303 : memref<8192xf32, #tpu.memory_space<vmem>>[vector<16xi32>], vector<16xf32>,
          %add3A_308 = arith.constant 112 : i32
          %add3A_309 = vector.broadcast %add3A_308 : i32 to vector<16xi32>
          %add3A_310 = arith.addi %iota3A, %add3A_309 : vector<16xi32>
          %gather3A_311 = tpu.vector_load_idx %arg4[%and3A_251, %add3A_310] : memref<64x128xf32, #tpu.memory_space<vmem>>[vector<16xi32>, vector<16xi32>], vector<16xf32>,
          %mul3A_312 = arith.constant 64 : i32
          %mul3A_313 = vector.broadcast %mul3A_312 : i32 to vector<16xi32>
          %mul3A_314 = arith.muli %add3A_310, %mul3A_313 : vector<16xi32>
          %add3A_315 = arith.addi %mul3A_314, %and3A_251 : vector<16xi32>
          tpu.vector_store_idx %arg6[%add3A_315], %gather3A_311 : memref<8192xf32, #tpu.memory_space<vmem>>[vector<16xi32>], vector<16xf32>,
          %scan3A_316 = arith.constant 3 : i32
          %scan3A_317 = arith.addi %scan3A_106, %scan3A_316 : i32
          %add3A_318 = vector.broadcast %scan3A_317 : i32 to vector<16xi32>
          %add3A_319 = arith.addi %add3A_318, %iota3A : vector<16xi32>
          %and3A_320 = arith.constant 63 : i32
          %and3A_321 = vector.broadcast %and3A_320 : i32 to vector<16xi32>
          %and3A_322 = arith.andi %add3A_319, %and3A_321 : vector<16xi32>
          %add3A_323 = arith.constant 0 : i32
          %add3A_324 = vector.broadcast %add3A_323 : i32 to vector<16xi32>
          %add3A_325 = arith.addi %iota3A, %add3A_324 : vector<16xi32>
          %gather3A_326 = tpu.vector_load_idx %arg4[%and3A_322, %add3A_325] : memref<64x128xf32, #tpu.memory_space<vmem>>[vector<16xi32>, vector<16xi32>], vector<16xf32>,
          %mul3A_327 = arith.constant 64 : i32
          %mul3A_328 = vector.broadcast %mul3A_327 : i32 to vector<16xi32>
          %mul3A_329 = arith.muli %add3A_325, %mul3A_328 : vector<16xi32>
          %add3A_330 = arith.addi %mul3A_329, %and3A_322 : vector<16xi32>
          tpu.vector_store_idx %arg6[%add3A_330], %gather3A_326 : memref<8192xf32, #tpu.memory_space<vmem>>[vector<16xi32>], vector<16xf32>,
          %add3A_331 = arith.constant 16 : i32
          %add3A_332 = vector.broadcast %add3A_331 : i32 to vector<16xi32>
          %add3A_333 = arith.addi %iota3A, %add3A_332 : vector<16xi32>
          %gather3A_334 = tpu.vector_load_idx %arg4[%and3A_322, %add3A_333] : memref<64x128xf32, #tpu.memory_space<vmem>>[vector<16xi32>, vector<16xi32>], vector<16xf32>,
          %mul3A_335 = arith.constant 64 : i32
          %mul3A_336 = vector.broadcast %mul3A_335 : i32 to vector<16xi32>
          %mul3A_337 = arith.muli %add3A_333, %mul3A_336 : vector<16xi32>
          %add3A_338 = arith.addi %mul3A_337, %and3A_322 : vector<16xi32>
          tpu.vector_store_idx %arg6[%add3A_338], %gather3A_334 : memref<8192xf32, #tpu.memory_space<vmem>>[vector<16xi32>], vector<16xf32>,
          %add3A_339 = arith.constant 32 : i32
          %add3A_340 = vector.broadcast %add3A_339 : i32 to vector<16xi32>
          %add3A_341 = arith.addi %iota3A, %add3A_340 : vector<16xi32>
          %gather3A_342 = tpu.vector_load_idx %arg4[%and3A_322, %add3A_341] : memref<64x128xf32, #tpu.memory_space<vmem>>[vector<16xi32>, vector<16xi32>], vector<16xf32>,
          %mul3A_343 = arith.constant 64 : i32
          %mul3A_344 = vector.broadcast %mul3A_343 : i32 to vector<16xi32>
          %mul3A_345 = arith.muli %add3A_341, %mul3A_344 : vector<16xi32>
          %add3A_346 = arith.addi %mul3A_345, %and3A_322 : vector<16xi32>
          tpu.vector_store_idx %arg6[%add3A_346], %gather3A_342 : memref<8192xf32, #tpu.memory_space<vmem>>[vector<16xi32>], vector<16xf32>,
          %add3A_347 = arith.constant 48 : i32
          %add3A_348 = vector.broadcast %add3A_347 : i32 to vector<16xi32>
          %add3A_349 = arith.addi %iota3A, %add3A_348 : vector<16xi32>
          %gather3A_350 = tpu.vector_load_idx %arg4[%and3A_322, %add3A_349] : memref<64x128xf32, #tpu.memory_space<vmem>>[vector<16xi32>, vector<16xi32>], vector<16xf32>,
          %mul3A_351 = arith.constant 64 : i32
          %mul3A_352 = vector.broadcast %mul3A_351 : i32 to vector<16xi32>
          %mul3A_353 = arith.muli %add3A_349, %mul3A_352 : vector<16xi32>
          %add3A_354 = arith.addi %mul3A_353, %and3A_322 : vector<16xi32>
          tpu.vector_store_idx %arg6[%add3A_354], %gather3A_350 : memref<8192xf32, #tpu.memory_space<vmem>>[vector<16xi32>], vector<16xf32>,
          %add3A_355 = arith.constant 64 : i32
          %add3A_356 = vector.broadcast %add3A_355 : i32 to vector<16xi32>
          %add3A_357 = arith.addi %iota3A, %add3A_356 : vector<16xi32>
          %gather3A_358 = tpu.vector_load_idx %arg4[%and3A_322, %add3A_357] : memref<64x128xf32, #tpu.memory_space<vmem>>[vector<16xi32>, vector<16xi32>], vector<16xf32>,
          %mul3A_359 = arith.constant 64 : i32
          %mul3A_360 = vector.broadcast %mul3A_359 : i32 to vector<16xi32>
          %mul3A_361 = arith.muli %add3A_357, %mul3A_360 : vector<16xi32>
          %add3A_362 = arith.addi %mul3A_361, %and3A_322 : vector<16xi32>
          tpu.vector_store_idx %arg6[%add3A_362], %gather3A_358 : memref<8192xf32, #tpu.memory_space<vmem>>[vector<16xi32>], vector<16xf32>,
          %add3A_363 = arith.constant 80 : i32
          %add3A_364 = vector.broadcast %add3A_363 : i32 to vector<16xi32>
          %add3A_365 = arith.addi %iota3A, %add3A_364 : vector<16xi32>
          %gather3A_366 = tpu.vector_load_idx %arg4[%and3A_322, %add3A_365] : memref<64x128xf32, #tpu.memory_space<vmem>>[vector<16xi32>, vector<16xi32>], vector<16xf32>,
          %mul3A_367 = arith.constant 64 : i32
          %mul3A_368 = vector.broadcast %mul3A_367 : i32 to vector<16xi32>
          %mul3A_369 = arith.muli %add3A_365, %mul3A_368 : vector<16xi32>
          %add3A_370 = arith.addi %mul3A_369, %and3A_322 : vector<16xi32>
          tpu.vector_store_idx %arg6[%add3A_370], %gather3A_366 : memref<8192xf32, #tpu.memory_space<vmem>>[vector<16xi32>], vector<16xf32>,
          %add3A_371 = arith.constant 96 : i32
          %add3A_372 = vector.broadcast %add3A_371 : i32 to vector<16xi32>
          %add3A_373 = arith.addi %iota3A, %add3A_372 : vector<16xi32>
          %gather3A_374 = tpu.vector_load_idx %arg4[%and3A_322, %add3A_373] : memref<64x128xf32, #tpu.memory_space<vmem>>[vector<16xi32>, vector<16xi32>], vector<16xf32>,
          %mul3A_375 = arith.constant 64 : i32
          %mul3A_376 = vector.broadcast %mul3A_375 : i32 to vector<16xi32>
          %mul3A_377 = arith.muli %add3A_373, %mul3A_376 : vector<16xi32>
          %add3A_378 = arith.addi %mul3A_377, %and3A_322 : vector<16xi32>
          tpu.vector_store_idx %arg6[%add3A_378], %gather3A_374 : memref<8192xf32, #tpu.memory_space<vmem>>[vector<16xi32>], vector<16xf32>,
          %add3A_379 = arith.constant 112 : i32
          %add3A_380 = vector.broadcast %add3A_379 : i32 to vector<16xi32>
          %add3A_381 = arith.addi %iota3A, %add3A_380 : vector<16xi32>
          %gather3A_382 = tpu.vector_load_idx %arg4[%and3A_322, %add3A_381] : memref<64x128xf32, #tpu.memory_space<vmem>>[vector<16xi32>, vector<16xi32>], vector<16xf32>,
          %mul3A_383 = arith.constant 64 : i32
          %mul3A_384 = vector.broadcast %mul3A_383 : i32 to vector<16xi32>
          %mul3A_385 = arith.muli %add3A_381, %mul3A_384 : vector<16xi32>
          %add3A_386 = arith.addi %mul3A_385, %and3A_322 : vector<16xi32>
          tpu.vector_store_idx %arg6[%add3A_386], %gather3A_382 : memref<8192xf32, #tpu.memory_space<vmem>>[vector<16xi32>], vector<16xf32>,
        }
        %scan3A_105 = arith.constant 64 : i32
      } else {
      }
      %add3A_57 = arith.addi %mul3A_4, %mul3A_30 : i32
      %lt3A_58 = arith.constant 781 : i32
      %lt3A_59 = arith.cmpi slt, %add3A_57, %lt3A_58 : i32
      %convert_element_type3A_60 = arith.extui %lt3A_59 : i1 to i32
      %cond3A_61 = arith.constant 0 : i32
      %cond3A_62 = arith.cmpi ne, %convert_element_type3A_60, %cond3A_61 : i32
      scf.if %cond3A_62 {
        %mul3A_100 = arith.constant 128 : i32
        %mul3A_101 = arith.muli %add3A_57, %mul3A_100 : i32
        %mul3A_102 = arith.constant 64 : i32
        %mul3A_103 = arith.muli %mul3A_101, %mul3A_102 : i32
        %dma_start3A = tpu.memref_slice %arg3[%mul3A_103] : memref<6400000xf32, #tpu.memory_space<hbm>> -> memref<8192xf32, #tpu.memory_space<hbm>>
        %dma_start3A_104 = tpu.memref_slice %arg3[%mul3A_103] : memref<6400000xf32, #tpu.memory_space<hbm>> -> memref<8192xf32, #tpu.memory_space<hbm>>
        tpu.enqueue_dma source(%arg6 : memref<8192xf32, #tpu.memory_space<vmem>>) target(%dma_start3A_104 : memref<8192xf32, #tpu.memory_space<hbm>>) target_semaphore(%arg10 : memref<!tpu.dma_semaphore, #tpu.memory_space<semaphore_mem>>)
      } else {
      }
      %eq3A = arith.constant 781 : i32
      %eq3A_63 = arith.cmpi eq, %add3A_57, %eq3A : i32
      %convert_element_type3A_64 = arith.extui %eq3A_63 : i1 to i32
      %cond3A_65 = arith.constant 0 : i32
      %cond3A_66 = arith.cmpi ne, %convert_element_type3A_64, %cond3A_65 : i32
      scf.if %cond3A_66 {
        "tpu.region"() ({
          %run_scoped3A = tpu.sem_alloc : memref<!tpu.dma_semaphore, #tpu.memory_space<semaphore_mem>>
          %dma_start3A = arith.constant 0 : i32
          %dma_start3A_100 = tpu.memref_slice %arg6[%dma_start3A] : memref<8192xf32, #tpu.memory_space<vmem>> -> memref<2048xf32, #tpu.memory_space<vmem>>
          %dma_start3A_101 = arith.constant 6397952 : i32
          %dma_start3A_102 = tpu.memref_slice %arg3[%dma_start3A_101] : memref<6400000xf32, #tpu.memory_space<hbm>> -> memref<2048xf32, #tpu.memory_space<hbm>>
          %dma_start3A_103 = arith.constant 6397952 : i32
          %dma_start3A_104 = tpu.memref_slice %arg3[%dma_start3A_103] : memref<6400000xf32, #tpu.memory_space<hbm>> -> memref<2048xf32, #tpu.memory_space<hbm>>
          %dma_start3A_105 = arith.constant 0 : i32
          %dma_start3A_106 = tpu.memref_slice %arg6[%dma_start3A_105] : memref<8192xf32, #tpu.memory_space<vmem>> -> memref<2048xf32, #tpu.memory_space<vmem>>
          tpu.enqueue_dma source(%dma_start3A_106 : memref<2048xf32, #tpu.memory_space<vmem>>) target(%dma_start3A_104 : memref<2048xf32, #tpu.memory_space<hbm>>) target_semaphore(%run_scoped3A : memref<!tpu.dma_semaphore, #tpu.memory_space<semaphore_mem>>)
          %dma_wait3A = arith.constant 0 : i32
          %dma_wait3A_107 = tpu.memref_slice %arg6[%dma_wait3A] : memref<8192xf32, #tpu.memory_space<vmem>> -> memref<2048xf32, #tpu.memory_space<vmem>>
          %dma_wait3A_108 = arith.constant 6397952 : i32
          %dma_wait3A_109 = tpu.memref_slice %arg3[%dma_wait3A_108] : memref<6400000xf32, #tpu.memory_space<hbm>> -> memref<2048xf32, #tpu.memory_space<hbm>>
          %dma_wait3A_110 = arith.constant 6397952 : i32
          %dma_wait3A_111 = tpu.memref_slice %arg3[%dma_wait3A_110] : memref<6400000xf32, #tpu.memory_space<hbm>> -> memref<2048xf32, #tpu.memory_space<hbm>>
          %dma_wait3A_112 = arith.constant 0 : i32
          %dma_wait3A_113 = tpu.memref_slice %arg6[%dma_wait3A_112] : memref<8192xf32, #tpu.memory_space<vmem>> -> memref<2048xf32, #tpu.memory_space<vmem>>
          tpu.wait_dma2 semaphore(%run_scoped3A : memref<!tpu.dma_semaphore, #tpu.memory_space<semaphore_mem>>) src(%dma_wait3A_113 : memref<2048xf32, #tpu.memory_space<vmem>>) dst(%dma_wait3A_111 : memref<2048xf32, #tpu.memory_space<hbm>>)
          tpu.yield
        }) : () -> ()
      } else {
      }
      %lt3A_67 = arith.constant 12 : i32
      %lt3A_68 = arith.cmpi slt, %scan3A_28, %lt3A_67 : i32
      %convert_element_type3A_69 = arith.extui %lt3A_68 : i1 to i32
      %cond3A_70 = arith.constant 0 : i32
      %cond3A_71 = arith.cmpi ne, %convert_element_type3A_69, %cond3A_70 : i32
      scf.if %cond3A_71 {
        %add3A_100 = arith.constant 2 : i32
        %add3A_101 = arith.addi %mul3A_30, %add3A_100 : i32
        %add3A_102 = arith.addi %mul3A_4, %add3A_101 : i32
        %lt3A_103 = arith.constant 782 : i32
        %lt3A_104 = arith.cmpi slt, %add3A_102, %lt3A_103 : i32
        %convert_element_type3A_105 = arith.extui %lt3A_104 : i1 to i32
        %cond3A_106 = arith.constant 0 : i32
        %cond3A_107 = arith.cmpi ne, %convert_element_type3A_105, %cond3A_106 : i32
        scf.if %cond3A_107 {
          %add3A_108 = arith.addi %mul3A_4, %add3A_101 : i32
          %mul3A_109 = arith.constant 128 : i32
          %mul3A_110 = arith.muli %add3A_108, %mul3A_109 : i32
          %dma_start3A = arith.constant 0 : i32
          %dma_start3A_111 = tpu.memref_slice %arg2[%dma_start3A, %mul3A_110] : memref<64x100000xf32, #tpu.memory_space<hbm>> -> memref<64x128xf32, #tpu.memory_space<hbm>>
          %dma_start3A_112 = arith.constant 0 : i32
          %dma_start3A_113 = tpu.memref_slice %arg2[%dma_start3A_112, %mul3A_110] : memref<64x100000xf32, #tpu.memory_space<hbm>> -> memref<64x128xf32, #tpu.memory_space<hbm>>
          tpu.enqueue_dma source(%dma_start3A_113 : memref<64x128xf32, #tpu.memory_space<hbm>>) target(%arg4 : memref<64x128xf32, #tpu.memory_space<vmem>>) target_semaphore(%arg8 : memref<!tpu.dma_semaphore, #tpu.memory_space<semaphore_mem>>)
        } else {
        }
      } else {
      }
      %add3A_72 = arith.addi %mul3A_4, %add3A_34 : i32
      %lt3A_73 = arith.constant 782 : i32
      %lt3A_74 = arith.cmpi slt, %add3A_72, %lt3A_73 : i32
      %convert_element_type3A_75 = arith.extui %lt3A_74 : i1 to i32
      %cond3A_76 = arith.constant 0 : i32
      %cond3A_77 = arith.cmpi ne, %convert_element_type3A_75, %cond3A_76 : i32
      scf.if %cond3A_77 {
        %dma_wait3A = arith.constant 0 : i32
        %dma_wait3A_100 = arith.constant 0 : i32
        %dma_wait3A_101 = tpu.memref_slice %arg2[%dma_wait3A, %dma_wait3A_100] : memref<64x100000xf32, #tpu.memory_space<hbm>> -> memref<64x128xf32, #tpu.memory_space<hbm>>
        %dma_wait3A_102 = arith.constant 0 : i32
        %dma_wait3A_103 = arith.constant 0 : i32
        %dma_wait3A_104 = tpu.memref_slice %arg2[%dma_wait3A_102, %dma_wait3A_103] : memref<64x100000xf32, #tpu.memory_space<hbm>> -> memref<64x128xf32, #tpu.memory_space<hbm>>
        tpu.wait_dma2 semaphore(%arg9 : memref<!tpu.dma_semaphore, #tpu.memory_space<semaphore_mem>>) src(%dma_wait3A_104 : memref<64x128xf32, #tpu.memory_space<hbm>>) dst(%arg5 : memref<64x128xf32, #tpu.memory_space<vmem>>)
      } else {
      }
      %gt3A_78 = arith.constant 0 : i32
      %gt3A_79 = arith.cmpi sgt, %scan3A_28, %gt3A_78 : i32
      %convert_element_type3A_80 = arith.extui %gt3A_79 : i1 to i32
      %cond3A_81 = arith.constant 0 : i32
      %cond3A_82 = arith.cmpi ne, %convert_element_type3A_80, %cond3A_81 : i32
      scf.if %cond3A_82 {
        %sub3A = arith.constant 2 : i32
        %sub3A_100 = arith.subi %add3A_34, %sub3A : i32
        %add3A_101 = arith.addi %mul3A_4, %sub3A_100 : i32
        %lt3A_102 = arith.constant 781 : i32
        %lt3A_103 = arith.cmpi slt, %add3A_101, %lt3A_102 : i32
        %convert_element_type3A_104 = arith.extui %lt3A_103 : i1 to i32
        %cond3A_105 = arith.constant 0 : i32
        %cond3A_106 = arith.cmpi ne, %convert_element_type3A_104, %cond3A_105 : i32
        scf.if %cond3A_106 {
          %dma_wait3A = arith.constant 0 : i32
          %dma_wait3A_107 = tpu.memref_slice %arg3[%dma_wait3A] : memref<6400000xf32, #tpu.memory_space<hbm>> -> memref<8192xf32, #tpu.memory_space<hbm>>
          %dma_wait3A_108 = arith.constant 0 : i32
          %dma_wait3A_109 = tpu.memref_slice %arg3[%dma_wait3A_108] : memref<6400000xf32, #tpu.memory_space<hbm>> -> memref<8192xf32, #tpu.memory_space<hbm>>
          tpu.wait_dma2 semaphore(%arg11 : memref<!tpu.dma_semaphore, #tpu.memory_space<semaphore_mem>>) src(%arg7 : memref<8192xf32, #tpu.memory_space<vmem>>) dst(%dma_wait3A_109 : memref<8192xf32, #tpu.memory_space<hbm>>)
        } else {
        }
      } else {
      }
      %add3A_83 = arith.addi %mul3A_4, %add3A_34 : i32
      %lt3A_84 = arith.constant 782 : i32
      %lt3A_85 = arith.cmpi slt, %add3A_83, %lt3A_84 : i32
      %convert_element_type3A_86 = arith.extui %lt3A_85 : i1 to i32
      %cond3A_87 = arith.constant 0 : i32
      %cond3A_88 = arith.cmpi ne, %convert_element_type3A_86, %cond3A_87 : i32
      scf.if %cond3A_88 {
        %scan3A_100 = arith.constant 0 : i32
        %scan3A_101 = arith.constant 0 : i32
        %scan3A_102 = arith.constant 64 : i32
        %scan3A_103 = arith.addi %scan3A_101, %scan3A_102 : i32
        %scan3A_104 = arith.constant 4 : i32
        scf.for %scan3A_106 = %scan3A_101 to %scan3A_103 step %scan3A_104  : i32 {
          %add3A_107 = vector.broadcast %scan3A_106 : i32 to vector<16xi32>
          %add3A_108 = arith.addi %add3A_107, %iota3A : vector<16xi32>
          %and3A = arith.constant 63 : i32
          %and3A_109 = vector.broadcast %and3A : i32 to vector<16xi32>
          %and3A_110 = arith.andi %add3A_108, %and3A_109 : vector<16xi32>
          %add3A_111 = arith.constant 0 : i32
          %add3A_112 = vector.broadcast %add3A_111 : i32 to vector<16xi32>
          %add3A_113 = arith.addi %iota3A, %add3A_112 : vector<16xi32>
          %gather3A = tpu.vector_load_idx %arg5[%and3A_110, %add3A_113] : memref<64x128xf32, #tpu.memory_space<vmem>>[vector<16xi32>, vector<16xi32>], vector<16xf32>,
          %mul3A_114 = arith.constant 64 : i32
          %mul3A_115 = vector.broadcast %mul3A_114 : i32 to vector<16xi32>
          %mul3A_116 = arith.muli %add3A_113, %mul3A_115 : vector<16xi32>
          %add3A_117 = arith.addi %mul3A_116, %and3A_110 : vector<16xi32>
          tpu.vector_store_idx %arg7[%add3A_117], %gather3A : memref<8192xf32, #tpu.memory_space<vmem>>[vector<16xi32>], vector<16xf32>,
          %add3A_118 = arith.constant 16 : i32
          %add3A_119 = vector.broadcast %add3A_118 : i32 to vector<16xi32>
          %add3A_120 = arith.addi %iota3A, %add3A_119 : vector<16xi32>
          %gather3A_121 = tpu.vector_load_idx %arg5[%and3A_110, %add3A_120] : memref<64x128xf32, #tpu.memory_space<vmem>>[vector<16xi32>, vector<16xi32>], vector<16xf32>,
          %mul3A_122 = arith.constant 64 : i32
          %mul3A_123 = vector.broadcast %mul3A_122 : i32 to vector<16xi32>
          %mul3A_124 = arith.muli %add3A_120, %mul3A_123 : vector<16xi32>
          %add3A_125 = arith.addi %mul3A_124, %and3A_110 : vector<16xi32>
          tpu.vector_store_idx %arg7[%add3A_125], %gather3A_121 : memref<8192xf32, #tpu.memory_space<vmem>>[vector<16xi32>], vector<16xf32>,
          %add3A_126 = arith.constant 32 : i32
          %add3A_127 = vector.broadcast %add3A_126 : i32 to vector<16xi32>
          %add3A_128 = arith.addi %iota3A, %add3A_127 : vector<16xi32>
          %gather3A_129 = tpu.vector_load_idx %arg5[%and3A_110, %add3A_128] : memref<64x128xf32, #tpu.memory_space<vmem>>[vector<16xi32>, vector<16xi32>], vector<16xf32>,
          %mul3A_130 = arith.constant 64 : i32
          %mul3A_131 = vector.broadcast %mul3A_130 : i32 to vector<16xi32>
          %mul3A_132 = arith.muli %add3A_128, %mul3A_131 : vector<16xi32>
          %add3A_133 = arith.addi %mul3A_132, %and3A_110 : vector<16xi32>
          tpu.vector_store_idx %arg7[%add3A_133], %gather3A_129 : memref<8192xf32, #tpu.memory_space<vmem>>[vector<16xi32>], vector<16xf32>,
          %add3A_134 = arith.constant 48 : i32
          %add3A_135 = vector.broadcast %add3A_134 : i32 to vector<16xi32>
          %add3A_136 = arith.addi %iota3A, %add3A_135 : vector<16xi32>
          %gather3A_137 = tpu.vector_load_idx %arg5[%and3A_110, %add3A_136] : memref<64x128xf32, #tpu.memory_space<vmem>>[vector<16xi32>, vector<16xi32>], vector<16xf32>,
          %mul3A_138 = arith.constant 64 : i32
          %mul3A_139 = vector.broadcast %mul3A_138 : i32 to vector<16xi32>
          %mul3A_140 = arith.muli %add3A_136, %mul3A_139 : vector<16xi32>
          %add3A_141 = arith.addi %mul3A_140, %and3A_110 : vector<16xi32>
          tpu.vector_store_idx %arg7[%add3A_141], %gather3A_137 : memref<8192xf32, #tpu.memory_space<vmem>>[vector<16xi32>], vector<16xf32>,
          %add3A_142 = arith.constant 64 : i32
          %add3A_143 = vector.broadcast %add3A_142 : i32 to vector<16xi32>
          %add3A_144 = arith.addi %iota3A, %add3A_143 : vector<16xi32>
          %gather3A_145 = tpu.vector_load_idx %arg5[%and3A_110, %add3A_144] : memref<64x128xf32, #tpu.memory_space<vmem>>[vector<16xi32>, vector<16xi32>], vector<16xf32>,
          %mul3A_146 = arith.constant 64 : i32
          %mul3A_147 = vector.broadcast %mul3A_146 : i32 to vector<16xi32>
          %mul3A_148 = arith.muli %add3A_144, %mul3A_147 : vector<16xi32>
          %add3A_149 = arith.addi %mul3A_148, %and3A_110 : vector<16xi32>
          tpu.vector_store_idx %arg7[%add3A_149], %gather3A_145 : memref<8192xf32, #tpu.memory_space<vmem>>[vector<16xi32>], vector<16xf32>,
          %add3A_150 = arith.constant 80 : i32
          %add3A_151 = vector.broadcast %add3A_150 : i32 to vector<16xi32>
          %add3A_152 = arith.addi %iota3A, %add3A_151 : vector<16xi32>
          %gather3A_153 = tpu.vector_load_idx %arg5[%and3A_110, %add3A_152] : memref<64x128xf32, #tpu.memory_space<vmem>>[vector<16xi32>, vector<16xi32>], vector<16xf32>,
          %mul3A_154 = arith.constant 64 : i32
          %mul3A_155 = vector.broadcast %mul3A_154 : i32 to vector<16xi32>
          %mul3A_156 = arith.muli %add3A_152, %mul3A_155 : vector<16xi32>
          %add3A_157 = arith.addi %mul3A_156, %and3A_110 : vector<16xi32>
          tpu.vector_store_idx %arg7[%add3A_157], %gather3A_153 : memref<8192xf32, #tpu.memory_space<vmem>>[vector<16xi32>], vector<16xf32>,
          %add3A_158 = arith.constant 96 : i32
          %add3A_159 = vector.broadcast %add3A_158 : i32 to vector<16xi32>
          %add3A_160 = arith.addi %iota3A, %add3A_159 : vector<16xi32>
          %gather3A_161 = tpu.vector_load_idx %arg5[%and3A_110, %add3A_160] : memref<64x128xf32, #tpu.memory_space<vmem>>[vector<16xi32>, vector<16xi32>], vector<16xf32>,
          %mul3A_162 = arith.constant 64 : i32
          %mul3A_163 = vector.broadcast %mul3A_162 : i32 to vector<16xi32>
          %mul3A_164 = arith.muli %add3A_160, %mul3A_163 : vector<16xi32>
          %add3A_165 = arith.addi %mul3A_164, %and3A_110 : vector<16xi32>
          tpu.vector_store_idx %arg7[%add3A_165], %gather3A_161 : memref<8192xf32, #tpu.memory_space<vmem>>[vector<16xi32>], vector<16xf32>,
          %add3A_166 = arith.constant 112 : i32
          %add3A_167 = vector.broadcast %add3A_166 : i32 to vector<16xi32>
          %add3A_168 = arith.addi %iota3A, %add3A_167 : vector<16xi32>
          %gather3A_169 = tpu.vector_load_idx %arg5[%and3A_110, %add3A_168] : memref<64x128xf32, #tpu.memory_space<vmem>>[vector<16xi32>, vector<16xi32>], vector<16xf32>,
          %mul3A_170 = arith.constant 64 : i32
          %mul3A_171 = vector.broadcast %mul3A_170 : i32 to vector<16xi32>
          %mul3A_172 = arith.muli %add3A_168, %mul3A_171 : vector<16xi32>
          %add3A_173 = arith.addi %mul3A_172, %and3A_110 : vector<16xi32>
          tpu.vector_store_idx %arg7[%add3A_173], %gather3A_169 : memref<8192xf32, #tpu.memory_space<vmem>>[vector<16xi32>], vector<16xf32>,
          %scan3A_174 = arith.constant 1 : i32
          %scan3A_175 = arith.addi %scan3A_106, %scan3A_174 : i32
          %add3A_176 = vector.broadcast %scan3A_175 : i32 to vector<16xi32>
          %add3A_177 = arith.addi %add3A_176, %iota3A : vector<16xi32>
          %and3A_178 = arith.constant 63 : i32
          %and3A_179 = vector.broadcast %and3A_178 : i32 to vector<16xi32>
          %and3A_180 = arith.andi %add3A_177, %and3A_179 : vector<16xi32>
          %add3A_181 = arith.constant 0 : i32
          %add3A_182 = vector.broadcast %add3A_181 : i32 to vector<16xi32>
          %add3A_183 = arith.addi %iota3A, %add3A_182 : vector<16xi32>
          %gather3A_184 = tpu.vector_load_idx %arg5[%and3A_180, %add3A_183] : memref<64x128xf32, #tpu.memory_space<vmem>>[vector<16xi32>, vector<16xi32>], vector<16xf32>,
          %mul3A_185 = arith.constant 64 : i32
          %mul3A_186 = vector.broadcast %mul3A_185 : i32 to vector<16xi32>
          %mul3A_187 = arith.muli %add3A_183, %mul3A_186 : vector<16xi32>
          %add3A_188 = arith.addi %mul3A_187, %and3A_180 : vector<16xi32>
          tpu.vector_store_idx %arg7[%add3A_188], %gather3A_184 : memref<8192xf32, #tpu.memory_space<vmem>>[vector<16xi32>], vector<16xf32>,
          %add3A_189 = arith.constant 16 : i32
          %add3A_190 = vector.broadcast %add3A_189 : i32 to vector<16xi32>
          %add3A_191 = arith.addi %iota3A, %add3A_190 : vector<16xi32>
          %gather3A_192 = tpu.vector_load_idx %arg5[%and3A_180, %add3A_191] : memref<64x128xf32, #tpu.memory_space<vmem>>[vector<16xi32>, vector<16xi32>], vector<16xf32>,
          %mul3A_193 = arith.constant 64 : i32
          %mul3A_194 = vector.broadcast %mul3A_193 : i32 to vector<16xi32>
          %mul3A_195 = arith.muli %add3A_191, %mul3A_194 : vector<16xi32>
          %add3A_196 = arith.addi %mul3A_195, %and3A_180 : vector<16xi32>
          tpu.vector_store_idx %arg7[%add3A_196], %gather3A_192 : memref<8192xf32, #tpu.memory_space<vmem>>[vector<16xi32>], vector<16xf32>,
          %add3A_197 = arith.constant 32 : i32
          %add3A_198 = vector.broadcast %add3A_197 : i32 to vector<16xi32>
          %add3A_199 = arith.addi %iota3A, %add3A_198 : vector<16xi32>
          %gather3A_200 = tpu.vector_load_idx %arg5[%and3A_180, %add3A_199] : memref<64x128xf32, #tpu.memory_space<vmem>>[vector<16xi32>, vector<16xi32>], vector<16xf32>,
          %mul3A_201 = arith.constant 64 : i32
          %mul3A_202 = vector.broadcast %mul3A_201 : i32 to vector<16xi32>
          %mul3A_203 = arith.muli %add3A_199, %mul3A_202 : vector<16xi32>
          %add3A_204 = arith.addi %mul3A_203, %and3A_180 : vector<16xi32>
          tpu.vector_store_idx %arg7[%add3A_204], %gather3A_200 : memref<8192xf32, #tpu.memory_space<vmem>>[vector<16xi32>], vector<16xf32>,
          %add3A_205 = arith.constant 48 : i32
          %add3A_206 = vector.broadcast %add3A_205 : i32 to vector<16xi32>
          %add3A_207 = arith.addi %iota3A, %add3A_206 : vector<16xi32>
          %gather3A_208 = tpu.vector_load_idx %arg5[%and3A_180, %add3A_207] : memref<64x128xf32, #tpu.memory_space<vmem>>[vector<16xi32>, vector<16xi32>], vector<16xf32>,
          %mul3A_209 = arith.constant 64 : i32
          %mul3A_210 = vector.broadcast %mul3A_209 : i32 to vector<16xi32>
          %mul3A_211 = arith.muli %add3A_207, %mul3A_210 : vector<16xi32>
          %add3A_212 = arith.addi %mul3A_211, %and3A_180 : vector<16xi32>
          tpu.vector_store_idx %arg7[%add3A_212], %gather3A_208 : memref<8192xf32, #tpu.memory_space<vmem>>[vector<16xi32>], vector<16xf32>,
          %add3A_213 = arith.constant 64 : i32
          %add3A_214 = vector.broadcast %add3A_213 : i32 to vector<16xi32>
          %add3A_215 = arith.addi %iota3A, %add3A_214 : vector<16xi32>
          %gather3A_216 = tpu.vector_load_idx %arg5[%and3A_180, %add3A_215] : memref<64x128xf32, #tpu.memory_space<vmem>>[vector<16xi32>, vector<16xi32>], vector<16xf32>,
          %mul3A_217 = arith.constant 64 : i32
          %mul3A_218 = vector.broadcast %mul3A_217 : i32 to vector<16xi32>
          %mul3A_219 = arith.muli %add3A_215, %mul3A_218 : vector<16xi32>
          %add3A_220 = arith.addi %mul3A_219, %and3A_180 : vector<16xi32>
          tpu.vector_store_idx %arg7[%add3A_220], %gather3A_216 : memref<8192xf32, #tpu.memory_space<vmem>>[vector<16xi32>], vector<16xf32>,
          %add3A_221 = arith.constant 80 : i32
          %add3A_222 = vector.broadcast %add3A_221 : i32 to vector<16xi32>
          %add3A_223 = arith.addi %iota3A, %add3A_222 : vector<16xi32>
          %gather3A_224 = tpu.vector_load_idx %arg5[%and3A_180, %add3A_223] : memref<64x128xf32, #tpu.memory_space<vmem>>[vector<16xi32>, vector<16xi32>], vector<16xf32>,
          %mul3A_225 = arith.constant 64 : i32
          %mul3A_226 = vector.broadcast %mul3A_225 : i32 to vector<16xi32>
          %mul3A_227 = arith.muli %add3A_223, %mul3A_226 : vector<16xi32>
          %add3A_228 = arith.addi %mul3A_227, %and3A_180 : vector<16xi32>
          tpu.vector_store_idx %arg7[%add3A_228], %gather3A_224 : memref<8192xf32, #tpu.memory_space<vmem>>[vector<16xi32>], vector<16xf32>,
          %add3A_229 = arith.constant 96 : i32
          %add3A_230 = vector.broadcast %add3A_229 : i32 to vector<16xi32>
          %add3A_231 = arith.addi %iota3A, %add3A_230 : vector<16xi32>
          %gather3A_232 = tpu.vector_load_idx %arg5[%and3A_180, %add3A_231] : memref<64x128xf32, #tpu.memory_space<vmem>>[vector<16xi32>, vector<16xi32>], vector<16xf32>,
          %mul3A_233 = arith.constant 64 : i32
          %mul3A_234 = vector.broadcast %mul3A_233 : i32 to vector<16xi32>
          %mul3A_235 = arith.muli %add3A_231, %mul3A_234 : vector<16xi32>
          %add3A_236 = arith.addi %mul3A_235, %and3A_180 : vector<16xi32>
          tpu.vector_store_idx %arg7[%add3A_236], %gather3A_232 : memref<8192xf32, #tpu.memory_space<vmem>>[vector<16xi32>], vector<16xf32>,
          %add3A_237 = arith.constant 112 : i32
          %add3A_238 = vector.broadcast %add3A_237 : i32 to vector<16xi32>
          %add3A_239 = arith.addi %iota3A, %add3A_238 : vector<16xi32>
          %gather3A_240 = tpu.vector_load_idx %arg5[%and3A_180, %add3A_239] : memref<64x128xf32, #tpu.memory_space<vmem>>[vector<16xi32>, vector<16xi32>], vector<16xf32>,
          %mul3A_241 = arith.constant 64 : i32
          %mul3A_242 = vector.broadcast %mul3A_241 : i32 to vector<16xi32>
          %mul3A_243 = arith.muli %add3A_239, %mul3A_242 : vector<16xi32>
          %add3A_244 = arith.addi %mul3A_243, %and3A_180 : vector<16xi32>
          tpu.vector_store_idx %arg7[%add3A_244], %gather3A_240 : memref<8192xf32, #tpu.memory_space<vmem>>[vector<16xi32>], vector<16xf32>,
          %scan3A_245 = arith.constant 2 : i32
          %scan3A_246 = arith.addi %scan3A_106, %scan3A_245 : i32
          %add3A_247 = vector.broadcast %scan3A_246 : i32 to vector<16xi32>
          %add3A_248 = arith.addi %add3A_247, %iota3A : vector<16xi32>
          %and3A_249 = arith.constant 63 : i32
          %and3A_250 = vector.broadcast %and3A_249 : i32 to vector<16xi32>
          %and3A_251 = arith.andi %add3A_248, %and3A_250 : vector<16xi32>
          %add3A_252 = arith.constant 0 : i32
          %add3A_253 = vector.broadcast %add3A_252 : i32 to vector<16xi32>
          %add3A_254 = arith.addi %iota3A, %add3A_253 : vector<16xi32>
          %gather3A_255 = tpu.vector_load_idx %arg5[%and3A_251, %add3A_254] : memref<64x128xf32, #tpu.memory_space<vmem>>[vector<16xi32>, vector<16xi32>], vector<16xf32>,
          %mul3A_256 = arith.constant 64 : i32
          %mul3A_257 = vector.broadcast %mul3A_256 : i32 to vector<16xi32>
          %mul3A_258 = arith.muli %add3A_254, %mul3A_257 : vector<16xi32>
          %add3A_259 = arith.addi %mul3A_258, %and3A_251 : vector<16xi32>
          tpu.vector_store_idx %arg7[%add3A_259], %gather3A_255 : memref<8192xf32, #tpu.memory_space<vmem>>[vector<16xi32>], vector<16xf32>,
          %add3A_260 = arith.constant 16 : i32
          %add3A_261 = vector.broadcast %add3A_260 : i32 to vector<16xi32>
          %add3A_262 = arith.addi %iota3A, %add3A_261 : vector<16xi32>
          %gather3A_263 = tpu.vector_load_idx %arg5[%and3A_251, %add3A_262] : memref<64x128xf32, #tpu.memory_space<vmem>>[vector<16xi32>, vector<16xi32>], vector<16xf32>,
          %mul3A_264 = arith.constant 64 : i32
          %mul3A_265 = vector.broadcast %mul3A_264 : i32 to vector<16xi32>
          %mul3A_266 = arith.muli %add3A_262, %mul3A_265 : vector<16xi32>
          %add3A_267 = arith.addi %mul3A_266, %and3A_251 : vector<16xi32>
          tpu.vector_store_idx %arg7[%add3A_267], %gather3A_263 : memref<8192xf32, #tpu.memory_space<vmem>>[vector<16xi32>], vector<16xf32>,
          %add3A_268 = arith.constant 32 : i32
          %add3A_269 = vector.broadcast %add3A_268 : i32 to vector<16xi32>
          %add3A_270 = arith.addi %iota3A, %add3A_269 : vector<16xi32>
          %gather3A_271 = tpu.vector_load_idx %arg5[%and3A_251, %add3A_270] : memref<64x128xf32, #tpu.memory_space<vmem>>[vector<16xi32>, vector<16xi32>], vector<16xf32>,
          %mul3A_272 = arith.constant 64 : i32
          %mul3A_273 = vector.broadcast %mul3A_272 : i32 to vector<16xi32>
          %mul3A_274 = arith.muli %add3A_270, %mul3A_273 : vector<16xi32>
          %add3A_275 = arith.addi %mul3A_274, %and3A_251 : vector<16xi32>
          tpu.vector_store_idx %arg7[%add3A_275], %gather3A_271 : memref<8192xf32, #tpu.memory_space<vmem>>[vector<16xi32>], vector<16xf32>,
          %add3A_276 = arith.constant 48 : i32
          %add3A_277 = vector.broadcast %add3A_276 : i32 to vector<16xi32>
          %add3A_278 = arith.addi %iota3A, %add3A_277 : vector<16xi32>
          %gather3A_279 = tpu.vector_load_idx %arg5[%and3A_251, %add3A_278] : memref<64x128xf32, #tpu.memory_space<vmem>>[vector<16xi32>, vector<16xi32>], vector<16xf32>,
          %mul3A_280 = arith.constant 64 : i32
          %mul3A_281 = vector.broadcast %mul3A_280 : i32 to vector<16xi32>
          %mul3A_282 = arith.muli %add3A_278, %mul3A_281 : vector<16xi32>
          %add3A_283 = arith.addi %mul3A_282, %and3A_251 : vector<16xi32>
          tpu.vector_store_idx %arg7[%add3A_283], %gather3A_279 : memref<8192xf32, #tpu.memory_space<vmem>>[vector<16xi32>], vector<16xf32>,
          %add3A_284 = arith.constant 64 : i32
          %add3A_285 = vector.broadcast %add3A_284 : i32 to vector<16xi32>
          %add3A_286 = arith.addi %iota3A, %add3A_285 : vector<16xi32>
          %gather3A_287 = tpu.vector_load_idx %arg5[%and3A_251, %add3A_286] : memref<64x128xf32, #tpu.memory_space<vmem>>[vector<16xi32>, vector<16xi32>], vector<16xf32>,
          %mul3A_288 = arith.constant 64 : i32
          %mul3A_289 = vector.broadcast %mul3A_288 : i32 to vector<16xi32>
          %mul3A_290 = arith.muli %add3A_286, %mul3A_289 : vector<16xi32>
          %add3A_291 = arith.addi %mul3A_290, %and3A_251 : vector<16xi32>
          tpu.vector_store_idx %arg7[%add3A_291], %gather3A_287 : memref<8192xf32, #tpu.memory_space<vmem>>[vector<16xi32>], vector<16xf32>,
          %add3A_292 = arith.constant 80 : i32
          %add3A_293 = vector.broadcast %add3A_292 : i32 to vector<16xi32>
          %add3A_294 = arith.addi %iota3A, %add3A_293 : vector<16xi32>
          %gather3A_295 = tpu.vector_load_idx %arg5[%and3A_251, %add3A_294] : memref<64x128xf32, #tpu.memory_space<vmem>>[vector<16xi32>, vector<16xi32>], vector<16xf32>,
          %mul3A_296 = arith.constant 64 : i32
          %mul3A_297 = vector.broadcast %mul3A_296 : i32 to vector<16xi32>
          %mul3A_298 = arith.muli %add3A_294, %mul3A_297 : vector<16xi32>
          %add3A_299 = arith.addi %mul3A_298, %and3A_251 : vector<16xi32>
          tpu.vector_store_idx %arg7[%add3A_299], %gather3A_295 : memref<8192xf32, #tpu.memory_space<vmem>>[vector<16xi32>], vector<16xf32>,
          %add3A_300 = arith.constant 96 : i32
          %add3A_301 = vector.broadcast %add3A_300 : i32 to vector<16xi32>
          %add3A_302 = arith.addi %iota3A, %add3A_301 : vector<16xi32>
          %gather3A_303 = tpu.vector_load_idx %arg5[%and3A_251, %add3A_302] : memref<64x128xf32, #tpu.memory_space<vmem>>[vector<16xi32>, vector<16xi32>], vector<16xf32>,
          %mul3A_304 = arith.constant 64 : i32
          %mul3A_305 = vector.broadcast %mul3A_304 : i32 to vector<16xi32>
          %mul3A_306 = arith.muli %add3A_302, %mul3A_305 : vector<16xi32>
          %add3A_307 = arith.addi %mul3A_306, %and3A_251 : vector<16xi32>
          tpu.vector_store_idx %arg7[%add3A_307], %gather3A_303 : memref<8192xf32, #tpu.memory_space<vmem>>[vector<16xi32>], vector<16xf32>,
          %add3A_308 = arith.constant 112 : i32
          %add3A_309 = vector.broadcast %add3A_308 : i32 to vector<16xi32>
          %add3A_310 = arith.addi %iota3A, %add3A_309 : vector<16xi32>
          %gather3A_311 = tpu.vector_load_idx %arg5[%and3A_251, %add3A_310] : memref<64x128xf32, #tpu.memory_space<vmem>>[vector<16xi32>, vector<16xi32>], vector<16xf32>,
          %mul3A_312 = arith.constant 64 : i32
          %mul3A_313 = vector.broadcast %mul3A_312 : i32 to vector<16xi32>
          %mul3A_314 = arith.muli %add3A_310, %mul3A_313 : vector<16xi32>
          %add3A_315 = arith.addi %mul3A_314, %and3A_251 : vector<16xi32>
          tpu.vector_store_idx %arg7[%add3A_315], %gather3A_311 : memref<8192xf32, #tpu.memory_space<vmem>>[vector<16xi32>], vector<16xf32>,
          %scan3A_316 = arith.constant 3 : i32
          %scan3A_317 = arith.addi %scan3A_106, %scan3A_316 : i32
          %add3A_318 = vector.broadcast %scan3A_317 : i32 to vector<16xi32>
          %add3A_319 = arith.addi %add3A_318, %iota3A : vector<16xi32>
          %and3A_320 = arith.constant 63 : i32
          %and3A_321 = vector.broadcast %and3A_320 : i32 to vector<16xi32>
          %and3A_322 = arith.andi %add3A_319, %and3A_321 : vector<16xi32>
          %add3A_323 = arith.constant 0 : i32
          %add3A_324 = vector.broadcast %add3A_323 : i32 to vector<16xi32>
          %add3A_325 = arith.addi %iota3A, %add3A_324 : vector<16xi32>
          %gather3A_326 = tpu.vector_load_idx %arg5[%and3A_322, %add3A_325] : memref<64x128xf32, #tpu.memory_space<vmem>>[vector<16xi32>, vector<16xi32>], vector<16xf32>,
          %mul3A_327 = arith.constant 64 : i32
          %mul3A_328 = vector.broadcast %mul3A_327 : i32 to vector<16xi32>
          %mul3A_329 = arith.muli %add3A_325, %mul3A_328 : vector<16xi32>
          %add3A_330 = arith.addi %mul3A_329, %and3A_322 : vector<16xi32>
          tpu.vector_store_idx %arg7[%add3A_330], %gather3A_326 : memref<8192xf32, #tpu.memory_space<vmem>>[vector<16xi32>], vector<16xf32>,
          %add3A_331 = arith.constant 16 : i32
          %add3A_332 = vector.broadcast %add3A_331 : i32 to vector<16xi32>
          %add3A_333 = arith.addi %iota3A, %add3A_332 : vector<16xi32>
          %gather3A_334 = tpu.vector_load_idx %arg5[%and3A_322, %add3A_333] : memref<64x128xf32, #tpu.memory_space<vmem>>[vector<16xi32>, vector<16xi32>], vector<16xf32>,
          %mul3A_335 = arith.constant 64 : i32
          %mul3A_336 = vector.broadcast %mul3A_335 : i32 to vector<16xi32>
          %mul3A_337 = arith.muli %add3A_333, %mul3A_336 : vector<16xi32>
          %add3A_338 = arith.addi %mul3A_337, %and3A_322 : vector<16xi32>
          tpu.vector_store_idx %arg7[%add3A_338], %gather3A_334 : memref<8192xf32, #tpu.memory_space<vmem>>[vector<16xi32>], vector<16xf32>,
          %add3A_339 = arith.constant 32 : i32
          %add3A_340 = vector.broadcast %add3A_339 : i32 to vector<16xi32>
          %add3A_341 = arith.addi %iota3A, %add3A_340 : vector<16xi32>
          %gather3A_342 = tpu.vector_load_idx %arg5[%and3A_322, %add3A_341] : memref<64x128xf32, #tpu.memory_space<vmem>>[vector<16xi32>, vector<16xi32>], vector<16xf32>,
          %mul3A_343 = arith.constant 64 : i32
          %mul3A_344 = vector.broadcast %mul3A_343 : i32 to vector<16xi32>
          %mul3A_345 = arith.muli %add3A_341, %mul3A_344 : vector<16xi32>
          %add3A_346 = arith.addi %mul3A_345, %and3A_322 : vector<16xi32>
          tpu.vector_store_idx %arg7[%add3A_346], %gather3A_342 : memref<8192xf32, #tpu.memory_space<vmem>>[vector<16xi32>], vector<16xf32>,
          %add3A_347 = arith.constant 48 : i32
          %add3A_348 = vector.broadcast %add3A_347 : i32 to vector<16xi32>
          %add3A_349 = arith.addi %iota3A, %add3A_348 : vector<16xi32>
          %gather3A_350 = tpu.vector_load_idx %arg5[%and3A_322, %add3A_349] : memref<64x128xf32, #tpu.memory_space<vmem>>[vector<16xi32>, vector<16xi32>], vector<16xf32>,
          %mul3A_351 = arith.constant 64 : i32
          %mul3A_352 = vector.broadcast %mul3A_351 : i32 to vector<16xi32>
          %mul3A_353 = arith.muli %add3A_349, %mul3A_352 : vector<16xi32>
          %add3A_354 = arith.addi %mul3A_353, %and3A_322 : vector<16xi32>
          tpu.vector_store_idx %arg7[%add3A_354], %gather3A_350 : memref<8192xf32, #tpu.memory_space<vmem>>[vector<16xi32>], vector<16xf32>,
          %add3A_355 = arith.constant 64 : i32
          %add3A_356 = vector.broadcast %add3A_355 : i32 to vector<16xi32>
          %add3A_357 = arith.addi %iota3A, %add3A_356 : vector<16xi32>
          %gather3A_358 = tpu.vector_load_idx %arg5[%and3A_322, %add3A_357] : memref<64x128xf32, #tpu.memory_space<vmem>>[vector<16xi32>, vector<16xi32>], vector<16xf32>,
          %mul3A_359 = arith.constant 64 : i32
          %mul3A_360 = vector.broadcast %mul3A_359 : i32 to vector<16xi32>
          %mul3A_361 = arith.muli %add3A_357, %mul3A_360 : vector<16xi32>
          %add3A_362 = arith.addi %mul3A_361, %and3A_322 : vector<16xi32>
          tpu.vector_store_idx %arg7[%add3A_362], %gather3A_358 : memref<8192xf32, #tpu.memory_space<vmem>>[vector<16xi32>], vector<16xf32>,
          %add3A_363 = arith.constant 80 : i32
          %add3A_364 = vector.broadcast %add3A_363 : i32 to vector<16xi32>
          %add3A_365 = arith.addi %iota3A, %add3A_364 : vector<16xi32>
          %gather3A_366 = tpu.vector_load_idx %arg5[%and3A_322, %add3A_365] : memref<64x128xf32, #tpu.memory_space<vmem>>[vector<16xi32>, vector<16xi32>], vector<16xf32>,
          %mul3A_367 = arith.constant 64 : i32
          %mul3A_368 = vector.broadcast %mul3A_367 : i32 to vector<16xi32>
          %mul3A_369 = arith.muli %add3A_365, %mul3A_368 : vector<16xi32>
          %add3A_370 = arith.addi %mul3A_369, %and3A_322 : vector<16xi32>
          tpu.vector_store_idx %arg7[%add3A_370], %gather3A_366 : memref<8192xf32, #tpu.memory_space<vmem>>[vector<16xi32>], vector<16xf32>,
          %add3A_371 = arith.constant 96 : i32
          %add3A_372 = vector.broadcast %add3A_371 : i32 to vector<16xi32>
          %add3A_373 = arith.addi %iota3A, %add3A_372 : vector<16xi32>
          %gather3A_374 = tpu.vector_load_idx %arg5[%and3A_322, %add3A_373] : memref<64x128xf32, #tpu.memory_space<vmem>>[vector<16xi32>, vector<16xi32>], vector<16xf32>,
          %mul3A_375 = arith.constant 64 : i32
          %mul3A_376 = vector.broadcast %mul3A_375 : i32 to vector<16xi32>
          %mul3A_377 = arith.muli %add3A_373, %mul3A_376 : vector<16xi32>
          %add3A_378 = arith.addi %mul3A_377, %and3A_322 : vector<16xi32>
          tpu.vector_store_idx %arg7[%add3A_378], %gather3A_374 : memref<8192xf32, #tpu.memory_space<vmem>>[vector<16xi32>], vector<16xf32>,
          %add3A_379 = arith.constant 112 : i32
          %add3A_380 = vector.broadcast %add3A_379 : i32 to vector<16xi32>
          %add3A_381 = arith.addi %iota3A, %add3A_380 : vector<16xi32>
          %gather3A_382 = tpu.vector_load_idx %arg5[%and3A_322, %add3A_381] : memref<64x128xf32, #tpu.memory_space<vmem>>[vector<16xi32>, vector<16xi32>], vector<16xf32>,
          %mul3A_383 = arith.constant 64 : i32
          %mul3A_384 = vector.broadcast %mul3A_383 : i32 to vector<16xi32>
          %mul3A_385 = arith.muli %add3A_381, %mul3A_384 : vector<16xi32>
          %add3A_386 = arith.addi %mul3A_385, %and3A_322 : vector<16xi32>
          tpu.vector_store_idx %arg7[%add3A_386], %gather3A_382 : memref<8192xf32, #tpu.memory_space<vmem>>[vector<16xi32>], vector<16xf32>,
        }
        %scan3A_105 = arith.constant 64 : i32
      } else {
      }
      %add3A_89 = arith.addi %mul3A_4, %add3A_34 : i32
      %lt3A_90 = arith.constant 781 : i32
      %lt3A_91 = arith.cmpi slt, %add3A_89, %lt3A_90 : i32
      %convert_element_type3A_92 = arith.extui %lt3A_91 : i1 to i32
      %cond3A_93 = arith.constant 0 : i32
      %cond3A_94 = arith.cmpi ne, %convert_element_type3A_92, %cond3A_93 : i32
      scf.if %cond3A_94 {
        %mul3A_100 = arith.constant 128 : i32
        %mul3A_101 = arith.muli %add3A_89, %mul3A_100 : i32
        %mul3A_102 = arith.constant 64 : i32
        %mul3A_103 = arith.muli %mul3A_101, %mul3A_102 : i32
        %dma_start3A = tpu.memref_slice %arg3[%mul3A_103] : memref<6400000xf32, #tpu.memory_space<hbm>> -> memref<8192xf32, #tpu.memory_space<hbm>>
        %dma_start3A_104 = tpu.memref_slice %arg3[%mul3A_103] : memref<6400000xf32, #tpu.memory_space<hbm>> -> memref<8192xf32, #tpu.memory_space<hbm>>
        tpu.enqueue_dma source(%arg7 : memref<8192xf32, #tpu.memory_space<vmem>>) target(%dma_start3A_104 : memref<8192xf32, #tpu.memory_space<hbm>>) target_semaphore(%arg11 : memref<!tpu.dma_semaphore, #tpu.memory_space<semaphore_mem>>)
      } else {
      }
      %eq3A_95 = arith.constant 781 : i32
      %eq3A_96 = arith.cmpi eq, %add3A_89, %eq3A_95 : i32
      %convert_element_type3A_97 = arith.extui %eq3A_96 : i1 to i32
      %cond3A_98 = arith.constant 0 : i32
      %cond3A_99 = arith.cmpi ne, %convert_element_type3A_97, %cond3A_98 : i32
      scf.if %cond3A_99 {
        "tpu.region"() ({
          %run_scoped3A = tpu.sem_alloc : memref<!tpu.dma_semaphore, #tpu.memory_space<semaphore_mem>>
          %dma_start3A = arith.constant 0 : i32
          %dma_start3A_100 = tpu.memref_slice %arg7[%dma_start3A] : memref<8192xf32, #tpu.memory_space<vmem>> -> memref<2048xf32, #tpu.memory_space<vmem>>
          %dma_start3A_101 = arith.constant 6397952 : i32
          %dma_start3A_102 = tpu.memref_slice %arg3[%dma_start3A_101] : memref<6400000xf32, #tpu.memory_space<hbm>> -> memref<2048xf32, #tpu.memory_space<hbm>>
          %dma_start3A_103 = arith.constant 6397952 : i32
          %dma_start3A_104 = tpu.memref_slice %arg3[%dma_start3A_103] : memref<6400000xf32, #tpu.memory_space<hbm>> -> memref<2048xf32, #tpu.memory_space<hbm>>
          %dma_start3A_105 = arith.constant 0 : i32
          %dma_start3A_106 = tpu.memref_slice %arg7[%dma_start3A_105] : memref<8192xf32, #tpu.memory_space<vmem>> -> memref<2048xf32, #tpu.memory_space<vmem>>
          tpu.enqueue_dma source(%dma_start3A_106 : memref<2048xf32, #tpu.memory_space<vmem>>) target(%dma_start3A_104 : memref<2048xf32, #tpu.memory_space<hbm>>) target_semaphore(%run_scoped3A : memref<!tpu.dma_semaphore, #tpu.memory_space<semaphore_mem>>)
          %dma_wait3A = arith.constant 0 : i32
          %dma_wait3A_107 = tpu.memref_slice %arg7[%dma_wait3A] : memref<8192xf32, #tpu.memory_space<vmem>> -> memref<2048xf32, #tpu.memory_space<vmem>>
          %dma_wait3A_108 = arith.constant 6397952 : i32
          %dma_wait3A_109 = tpu.memref_slice %arg3[%dma_wait3A_108] : memref<6400000xf32, #tpu.memory_space<hbm>> -> memref<2048xf32, #tpu.memory_space<hbm>>
          %dma_wait3A_110 = arith.constant 6397952 : i32
          %dma_wait3A_111 = tpu.memref_slice %arg3[%dma_wait3A_110] : memref<6400000xf32, #tpu.memory_space<hbm>> -> memref<2048xf32, #tpu.memory_space<hbm>>
          %dma_wait3A_112 = arith.constant 0 : i32
          %dma_wait3A_113 = tpu.memref_slice %arg7[%dma_wait3A_112] : memref<8192xf32, #tpu.memory_space<vmem>> -> memref<2048xf32, #tpu.memory_space<vmem>>
          tpu.wait_dma2 semaphore(%run_scoped3A : memref<!tpu.dma_semaphore, #tpu.memory_space<semaphore_mem>>) src(%dma_wait3A_113 : memref<2048xf32, #tpu.memory_space<vmem>>) dst(%dma_wait3A_111 : memref<2048xf32, #tpu.memory_space<hbm>>)
          tpu.yield
        }) : () -> ()
      } else {
      }
    }
    %scan3A_13 = arith.constant 13 : i32
    %add3A_14 = arith.constant 24 : i32
    %add3A_15 = arith.addi %mul3A_4, %add3A_14 : i32
    %lt3A_16 = arith.constant 781 : i32
    %lt3A_17 = arith.cmpi slt, %add3A_15, %lt3A_16 : i32
    %convert_element_type3A_18 = arith.extui %lt3A_17 : i1 to i32
    %cond3A_19 = arith.constant 0 : i32
    %cond3A_20 = arith.cmpi ne, %convert_element_type3A_18, %cond3A_19 : i32
    scf.if %cond3A_20 {
      %dma_wait3A = arith.constant 0 : i32
      %dma_wait3A_28 = tpu.memref_slice %arg3[%dma_wait3A] : memref<6400000xf32, #tpu.memory_space<hbm>> -> memref<8192xf32, #tpu.memory_space<hbm>>
      %dma_wait3A_29 = arith.constant 0 : i32
      %dma_wait3A_30 = tpu.memref_slice %arg3[%dma_wait3A_29] : memref<6400000xf32, #tpu.memory_space<hbm>> -> memref<8192xf32, #tpu.memory_space<hbm>>
      tpu.wait_dma2 semaphore(%arg10 : memref<!tpu.dma_semaphore, #tpu.memory_space<semaphore_mem>>) src(%arg6 : memref<8192xf32, #tpu.memory_space<vmem>>) dst(%dma_wait3A_30 : memref<8192xf32, #tpu.memory_space<hbm>>)
    } else {
    }
    %add3A_21 = arith.constant 25 : i32
    %add3A_22 = arith.addi %mul3A_4, %add3A_21 : i32
    %lt3A_23 = arith.constant 781 : i32
    %lt3A_24 = arith.cmpi slt, %add3A_22, %lt3A_23 : i32
    %convert_element_type3A_25 = arith.extui %lt3A_24 : i1 to i32
    %cond3A_26 = arith.constant 0 : i32
    %cond3A_27 = arith.cmpi ne, %convert_element_type3A_25, %cond3A_26 : i32
    scf.if %cond3A_27 {
      %dma_wait3A = arith.constant 0 : i32
      %dma_wait3A_28 = tpu.memref_slice %arg3[%dma_wait3A] : memref<6400000xf32, #tpu.memory_space<hbm>> -> memref<8192xf32, #tpu.memory_space<hbm>>
      %dma_wait3A_29 = arith.constant 0 : i32
      %dma_wait3A_30 = tpu.memref_slice %arg3[%dma_wait3A_29] : memref<6400000xf32, #tpu.memory_space<hbm>> -> memref<8192xf32, #tpu.memory_space<hbm>>
      tpu.wait_dma2 semaphore(%arg11 : memref<!tpu.dma_semaphore, #tpu.memory_space<semaphore_mem>>) src(%arg7 : memref<8192xf32, #tpu.memory_space<vmem>>) dst(%dma_wait3A_30 : memref<8192xf32, #tpu.memory_space<hbm>>)
    } else {
    }
    return
  }
}

module attributes {stable_mosaic.version = 14 : i64} {
  func.func @body(%arg0: i32, %arg1: memref<8x64x16x128xf32, #tpu.memory_space<vmem>>, %arg2: memref<8x64x16x128xf32, #tpu.memory_space<vmem>>, %arg3: memref<8x64x16x128xf32, #tpu.memory_space<vmem>>) attributes {dimension_semantics = [#tpu.dimension_semantics<arbitrary>], iteration_bounds = array<i64: 25>, scalar_prefetch = 0 : i64, scratch_operands = 0 : i64, tpu.core_type = #tpu.core_type<tc>, window_params = [{transform_indices = @transform_0, window_bounds = array<i64: 8, 64, 16, 128>}, {transform_indices = @transform_1, window_bounds = array<i64: 8, 64, 16, 128>}, {transform_indices = @transform_2, window_bounds = array<i64: 8, 64, 16, 128>}]} {
    %get3A = arith.constant 0 : index
    %get3A_0 = arith.constant 0 : index
    %get3A_1 = arith.constant 0 : index
    %get3A_2 = arith.constant 0 : index
    %get3A_3 = vector.load %arg1[%get3A, %get3A_0, %get3A_1, %get3A_2] : memref<8x64x16x128xf32, #tpu.memory_space<vmem>>, vector<8x64x16x128xf32>
    %get3A_4 = arith.constant 0 : index
    %get3A_5 = arith.constant 0 : index
    %get3A_6 = arith.constant 0 : index
    %get3A_7 = arith.constant 0 : index
    %get3A_8 = vector.load %arg2[%get3A_4, %get3A_5, %get3A_6, %get3A_7] : memref<8x64x16x128xf32, #tpu.memory_space<vmem>>, vector<8x64x16x128xf32>
    %mul3A = arith.mulf %get3A_8, %get3A_8 : vector<8x64x16x128xf32>
    %add3A = arith.constant 1.000000e+00 : f32
    %add3A_9 = vector.broadcast %add3A : f32 to vector<8x64x16x128xf32>
    %add3A_10 = arith.addf %add3A_9, %mul3A : vector<8x64x16x128xf32>
    %div3A = arith.constant 2.000000e+00 : f32
    %div3A_11 = vector.broadcast %div3A : f32 to vector<8x64x16x128xf32>
    %div3A_12 = arith.divf %div3A_11, %add3A_10 : vector<8x64x16x128xf32>
    %sub3A = arith.constant 1.000000e+00 : f32
    %sub3A_13 = vector.broadcast %sub3A : f32 to vector<8x64x16x128xf32>
    %sub3A_14 = arith.subf %div3A_12, %sub3A_13 : vector<8x64x16x128xf32>
    %mul3A_15 = arith.mulf %get3A_8, %div3A_12 : vector<8x64x16x128xf32>
    %iota3A = tpu.iota {dimensions = array<i32: 2>} : vector<8x64x16x128xi32>
    %jit3A = arith.constant 2 : i32
    %eq3A = arith.constant 0 : i32
    %eq3A_16 = arith.cmpi eq, %jit3A, %eq3A : i32
    %jit3A_17 = arith.constant 1 : i32
    %select_n3A = arith.select %eq3A_16, %jit3A_17, %jit3A : i32
    %rem3A = vector.broadcast %select_n3A : i32 to vector<8x64x16x128xi32>
    %rem3A_18 = arith.remsi %iota3A, %rem3A : vector<8x64x16x128xi32>
    %ne3A = arith.constant 0 : i32
    %ne3A_19 = vector.broadcast %ne3A : i32 to vector<8x64x16x128xi32>
    %ne3A_20 = arith.cmpi ne, %rem3A_18, %ne3A_19 : vector<8x64x16x128xi32>
    %lt3A = arith.constant 0 : i32
    %lt3A_21 = vector.broadcast %lt3A : i32 to vector<8x64x16x128xi32>
    %lt3A_22 = arith.cmpi slt, %rem3A_18, %lt3A_21 : vector<8x64x16x128xi32>
    %lt3A_23 = arith.constant 0 : i32
    %lt3A_24 = arith.cmpi slt, %select_n3A, %lt3A_23 : i32
    %ne3A_25 = vector.broadcast %lt3A_24 : i1 to vector<8x64x16x128xi1>
    %ne3A_26 = vector.broadcast %ne3A_25 : vector<8x64x16x128xi1> to vector<8x64x16x128xi1>
    %ne3A_27 = arith.xori %lt3A_22, %ne3A_26 : vector<8x64x16x128xi1>
    %and3A = arith.andi %ne3A_27, %ne3A_20 : vector<8x64x16x128xi1>
    %add3A_28 = vector.broadcast %select_n3A : i32 to vector<8x64x16x128xi32>
    %add3A_29 = arith.addi %rem3A_18, %add3A_28 : vector<8x64x16x128xi32>
    %select_n3A_30 = arith.select %and3A, %add3A_29, %rem3A_18 : vector<8x64x16x128xi1>, vector<8x64x16x128xi32>
    %eq3A_31 = arith.constant 0 : i32
    %eq3A_32 = vector.broadcast %eq3A_31 : i32 to vector<8x64x16x128xi32>
    %eq3A_33 = arith.cmpi eq, %select_n3A_30, %eq3A_32 : vector<8x64x16x128xi32>
    %slice3A = vector.extract_strided_slice %get3A_3 {offsets = [0, 0, 1, 0], sizes = [8, 64, 15, 128], strides = [1, 1, 1, 1]} : vector<8x64x16x128xf32> to vector<8x64x15x128xf32>
    %slice3A_34 = vector.extract_strided_slice %get3A_3 {offsets = [0, 0, 0, 0], sizes = [8, 64, 1, 128], strides = [1, 1, 1, 1]} : vector<8x64x16x128xf32> to vector<8x64x1x128xf32>
    %concatenate3A = tpu.concatenate %slice3A, %slice3A_34 in 2 : vector<8x64x15x128xf32>, vector<8x64x1x128xf32> -> vector<8x64x16x128xf32>
    %slice3A_35 = vector.extract_strided_slice %get3A_3 {offsets = [0, 0, 15, 0], sizes = [8, 64, 1, 128], strides = [1, 1, 1, 1]} : vector<8x64x16x128xf32> to vector<8x64x1x128xf32>
    %slice3A_36 = vector.extract_strided_slice %get3A_3 {offsets = [0, 0, 0, 0], sizes = [8, 64, 15, 128], strides = [1, 1, 1, 1]} : vector<8x64x16x128xf32> to vector<8x64x15x128xf32>
    %concatenate3A_37 = tpu.concatenate %slice3A_35, %slice3A_36 in 2 : vector<8x64x1x128xf32>, vector<8x64x15x128xf32> -> vector<8x64x16x128xf32>
    %select_n3A_38 = arith.select %eq3A_33, %concatenate3A, %concatenate3A_37 : vector<8x64x16x128xi1>, vector<8x64x16x128xf32>
    %mul3A_39 = arith.mulf %get3A_3, %sub3A_14 : vector<8x64x16x128xf32>
    %mul3A_40 = arith.mulf %select_n3A_38, %mul3A_15 : vector<8x64x16x128xf32>
    %add3A_41 = arith.addf %mul3A_39, %mul3A_40 : vector<8x64x16x128xf32>
    %swap3A = arith.constant 0 : index
    %swap3A_42 = arith.constant 0 : index
    %swap3A_43 = arith.constant 0 : index
    %swap3A_44 = arith.constant 0 : index
    %swap3A_45 = vector.load %arg3[%swap3A, %swap3A_42, %swap3A_43, %swap3A_44] : memref<8x64x16x128xf32, #tpu.memory_space<vmem>>, vector<8x64x16x128xf32>
    tpu.vector_store %arg3[%swap3A, %swap3A_42, %swap3A_43, %swap3A_44], %add3A_41 {strides = array<i32>} : memref<8x64x16x128xf32, #tpu.memory_space<vmem>>, vector<8x64x16x128xf32>,
    return
  }
  func.func @transform_0(%arg0: i32) -> (i32, i32, i32, i32) {
    %c0_i32 = arith.constant 0 : i32
    %c0_i32_0 = arith.constant 0 : i32
    %c0_i32_1 = arith.constant 0 : i32
    %c0_i32_2 = arith.constant 0 : i32
    return %arg0, %c0_i32, %c0_i32_0, %c0_i32_1 : i32, i32, i32, i32
  }
  func.func @transform_1(%arg0: i32) -> (i32, i32, i32, i32) {
    %c0_i32 = arith.constant 0 : i32
    %c0_i32_0 = arith.constant 0 : i32
    %c0_i32_1 = arith.constant 0 : i32
    %c0_i32_2 = arith.constant 0 : i32
    return %arg0, %c0_i32, %c0_i32_0, %c0_i32_1 : i32, i32, i32, i32
  }
  func.func @transform_2(%arg0: i32) -> (i32, i32, i32, i32) {
    %c0_i32 = arith.constant 0 : i32
    %c0_i32_0 = arith.constant 0 : i32
    %c0_i32_1 = arith.constant 0 : i32
    %c0_i32_2 = arith.constant 0 : i32
    return %arg0, %c0_i32, %c0_i32_0, %c0_i32_1 : i32, i32, i32, i32
  }
}

</mosaic_0001>

<sc_bundles>
// kernel: kernel.5.cloned.1.call-start
scs
__scs_entry_jumppad:
0x0: {  	(pc) =	sbr.rel $0x88, $3  }
0x1: {  	(tag) =	ssettag $0x0;
	lr =	simm.s32 $0x1  }
0x2: {  	[smem:$0x3F9E] =	sst lr;
	_ =	strace $0xD0000000  }
0x3: {  	_ = 	snop  }
0x4: {  	_ = 	snop  }
0x5: {  	_ = 	snop  }
0x6: {  	_ = 	snop  }
0x7: {  	_ = 	snop  }
__scs_overlays_trampoline_lowered:
0x8: {  	[smem:$0x3FAD] =	sst s0  }
0x9: {  	[smem:$0x3FAE] =	sst s1  }
0xa: {  	[smem:$0x3FAF] =	sst s2  }
0xb: {  	[smem:$0x3FB0] =	sst s3  }
0xc: {  	[smem:$0x3FB1] =	sst s4  }
0xd: {  	[smem:$0x3FB2] =	sst s5  }
0xe: {  	[smem:$0x3FB3] =	sst s6  }
0xf: {  	[smem:$0x3FB4] =	sst s7  }
0x10: {  	[smem:$0x3FB5] =	sst s8  }
0x11: {  	[smem:$0x3FB6] =	sst s9;
	s0 =	simm.s32 @!p0 $0x0  }
0x12: {  	s1 =	sld [smem:$0x3F9C];
	s0 =	simm.s32 @p0 $0x1  }
0x13: {  	[smem:$0x3FB7] =	sst s0;
	s0 =	simm.s32 @!p1 $0x0  }
0x14: {  	s2 =	sld [smem:$0x3F9B];
	s0 =	simm.s32 @p1 $0x1  }
0x15: {  	[smem:$0x3FB8] =	sst s0;
	s0 =	simm.s32 @!p2 $0x0  }
0x16: {  	s3 =	sld [smem:$0x3FDB];
	s0 =	simm.s32 @p2 $0x1  }
0x17: {  	s4 =	simm.s32 $0x1BF5;
	[smem:$0x3FBA] =	sst s0  }
0x18: {  	s0 =	sld [smem:$0x3F9D];
	_ =	swait.ge [sflag:s4], $0x0  }
0x19: {  	s7 =	sld [smem:$0x3F9E]  }
0x1a: {  	s8 =	sadd.s32 $0xFFFFE003, lr  }
0x1b: {  	s9 =	sadd.s32 $0xFFFFFEF7, lr;
	s5 =	simm.s32 $0xFFFFFFFF;
	p2 =	slt.u32 s8, $0xFFFFF086  }
0x1c: {  	p1 =	slt.u32 s9, $0xF7A;
	s5 =	simm.s32 @!p2 $0x0  }
0x1d: {  	s5 =	simm.s32 @p1 $0x1;
	p0 =	seq.s32 s7, s2  }
0x1e: {  	s7 =	smul.u32 @!p0 $0xF7A, s2;
	p2 =	seq.s32 @!p0 s5, $0x0  }
0x1f: {  	s9 =	smul.u32 $0xF7A, s1;
	s8 =	simm.s32 @!p0 $0x1BF5;
	p2 =	por !p2, p0  }
0x20: {  	[sflag:s8] =	ssyncset.s32 @!p0 $0xFFFFF086;
	s6 =	sadd.s32 @!p0 s3, s7;
	s7 =	simm.s32 @!p0 $0x108  }
0x21: {  	s3 =	sadd.s32 s3, s9;
	s6 =	sadd.s32 @!p0 $0x88, s6;
	s7 =	simm.s32 @p2 $0x1082  }
0x22: {  	[simem:s7], [sflag:s8] =	dma.local @!p0 [hbm:s6], $0xF7A  }
0x23: {  	s9 =	sor.u32 $0xD0000000, s2;
	s6 =	simm.s32 $0x108;
	_ =	swait.ge @!p0 [sflag:s8], $0x0  }
0x24: {  	s3 =	sadd.s32 $0x88, s3;
	s6 =	simm.s32 @!p1 $0x1082;
	[sflag:s4] =	ssyncset.s32 $0xFFFFF086  }
0x25: {  	[simem:s6], [sflag:s4] =	dma.local [hbm:s3], $0xF7A  }
0x26: {  	[smem:$0x3F9E] =	sst s1;
	(tag) =	ssettag s2;
	_ =	strace s9  }
0x27: {  	s1 =	sld [smem:$0x3FAE]  }
0x28: {  	s2 =	sld [smem:$0x3FAF]  }
0x29: {  	s4 =	sld [smem:$0x3FB1]  }
0x2a: {  	p0 =	seq.s32 s5, $0x0;
	s5 =	sld [smem:$0x3FB2]  }
0x2b: {  	s6 =	sld [smem:$0x3FB3]  }
0x2c: {  	s7 =	sld [smem:$0x3FB4]  }
0x2d: {  	s3 =	simm.s32 $0x108;
	s8 =	sld [smem:$0x3FB5]  }
0x2e: {  	s3 =	simm.s32 @!p0 $0x1082;
	s9 =	sld [smem:$0x3FB6]  }
0x2f: {  	lr =	sadd.s32 s0, s3;
	s0 =	sld [smem:$0x3FAD]  }
0x30: {  	s3 =	sld [smem:$0x3FB0]  }
0x31: {  	[smem:$0x3FB9] =	sst s10  }
0x32: {  	s10 =	sld [smem:$0x3FB7];
	_ =	sdelay $0x3  }
0x33: {  	p0 =	seq.s32 s10, $0x1;
	s10 =	sld [smem:$0x3FB9];
	_ =	sdelay $0x3  }
0x34: {  	[smem:$0x3FB9] =	sst s10  }
0x35: {  	s10 =	sld [smem:$0x3FB8];
	_ =	sdelay $0x3  }
0x36: {  	p1 =	seq.s32 s10, $0x1;
	s10 =	sld [smem:$0x3FB9];
	_ =	sdelay $0x3  }
0x37: {  	[smem:$0x3FB9] =	sst s10  }
0x38: {  	s10 =	sld [smem:$0x3FBA]  }
0x39: {  	_ = 	snop;
	(pc) =	sbr.ind lr, $3  }
0x3a: {  	_ = 	snop  }
0x3b: {  	_ = 	snop  }
0x3c: {  	p2 =	seq.s32 s10, $0x1;
	s10 =	sld [smem:$0x3FB9]  }
0x3d: {  	_ =	shalt  }
0x3e: {  	_ =	shalt  }
0x3f: {  	_ =	shalt  }
0x40: {  	_ =	shalt  }
0x41: {  	_ =	shalt  }
0x42: {  	_ =	shalt  }
0x43: {  	_ =	shalt  }
0x44: {  	_ =	shalt  }
0x45: {  	_ =	shalt  }
0x46: {  	_ =	shalt  }
0x47: {  	_ =	shalt  }
0x48: {  	_ =	shalt  }
0x49: {  	_ =	shalt  }
0x4a: {  	_ =	shalt  }
0x4b: {  	_ =	shalt  }
0x4c: {  	_ =	shalt  }
0x4d: {  	_ =	shalt  }
0x4e: {  	_ =	shalt  }
0x4f: {  	_ =	shalt  }
0x50: {  	_ =	shalt  }
0x51: {  	_ =	shalt  }
0x52: {  	_ =	shalt  }
0x53: {  	_ =	shalt  }
0x54: {  	_ =	shalt  }
0x55: {  	_ =	shalt  }
0x56: {  	_ =	shalt  }
0x57: {  	_ =	shalt  }
0x58: {  	_ =	shalt  }
0x59: {  	_ =	shalt  }
0x5a: {  	_ =	shalt  }
0x5b: {  	_ =	shalt  }
0x5c: {  	_ =	shalt  }
0x5d: {  	_ =	shalt  }
0x5e: {  	_ =	shalt  }
0x5f: {  	_ =	shalt  }
0x60: {  	_ =	shalt  }
0x61: {  	_ =	shalt  }
0x62: {  	_ =	shalt  }
0x63: {  	_ =	shalt  }
0x64: {  	_ =	shalt  }
0x65: {  	_ =	shalt  }
0x66: {  	_ =	shalt  }
0x67: {  	_ =	shalt  }
0x68: {  	_ =	shalt  }
0x69: {  	_ =	shalt  }
0x6a: {  	_ =	shalt  }
0x6b: {  	_ =	shalt  }
0x6c: {  	_ =	shalt  }
0x6d: {  	_ =	shalt  }
0x6e: {  	_ =	shalt  }
0x6f: {  	_ =	shalt  }
0x70: {  	_ =	shalt  }
0x71: {  	_ =	shalt  }
0x72: {  	_ =	shalt  }
0x73: {  	_ =	shalt  }
0x74: {  	_ =	shalt  }
0x75: {  	_ =	shalt  }
0x76: {  	_ =	shalt  }
0x77: {  	_ =	shalt  }
0x78: {  	_ =	shalt  }
0x79: {  	_ =	shalt  }
0x7a: {  	_ =	shalt  }
0x7b: {  	_ =	shalt  }
0x7c: {  	_ =	shalt  }
0x7d: {  	_ =	shalt  }
0x7e: {  	_ =	shalt  }
0x7f: {  	_ =	shalt  }
0x80: {  	_ =	shalt  }
0x81: {  	_ =	shalt  }
0x82: {  	_ =	shalt  }
0x83: {  	_ =	shalt  }
0x84: {  	_ =	shalt  }
0x85: {  	_ =	shalt  }
0x86: {  	_ =	shalt  }
0x87: {  	_ =	shalt  }
.Lfunc_end0:
.L_simem_size_0:
called_computation_lowered:
.L_overlay_start_0:
0x88: {  	s2 =	sld [smem:$0x3FD9]  }
0x89: {  	s3 =	sld [smem:$0x3FFE];
	_ =	sdelay $0x1  }
0x8a: {  	s1 =	srdreg.scid  }
0x8b: {  	s0 =	sand.u32 $0x1, s1  }
0x8c: {  	s18 =	sshll.u32 s0, $0xA;
	s2 =	sadd.s32 s3, s2  }
0x8d: {  	s2 =	sadd.s32 s2, s18  }
0x8e: {  	[smem:$0x3FC5] =	sst s2  }
0x8f: {  	_ = 	snop  }
0x90: {  	s2 =	sld [smem:$0x3FC7]  }
0x91: {  	s19 =	sld [smem:$0x3FD0];
	(tm) =	ssettm $0x1  }
0x92: {  	s4 =	sld [smem:$0x3FFB];
	_ =	sdelay $0x3  }
0x93: {  	_ =	strace s4  }
0x94: {  	s4 =	sld [smem:$0x3FFC];
	_ =	sdelay $0x3  }
0x95: {  	_ =	strace s4  }
0x96: {  	s4 =	sld [smem:$0x3FFD];
	_ =	sdelay $0x3  }
0x97: {  	_ =	strace s4  }
0x98: {  	_ =	strace $0x8FFFFFFF  }
0x99: {  	s20 =	sld [smem:$0x3FDB];
	_ =	sdelay $0x1  }
0x9a: {  	s5 =	simm.s32 $_scs_section_size  }
0x9b: {  	s6 =	simm.s32 $_size__tile_overlayer_lowered;
	s7 =	simm.s32 $_tile_overlayer_lowered  }
0x9c: {  	s23 =	simm.s32 $0x1BFF;
	s22 =	sshll.u32 s7, $0x1;
	s4 =	sadd.s32 s5, s20  }
0x9d: {  	s8 =	simm.s32 $0x0;
	s21 =	sshll.u32 s6, $0x1;
	s6 =	sadd.s32 s22, s4  }
0x9e: {  	[timem:s8], [sflag:s23] =	dma.local [hbm:s6], s21  }
0x9f: {  	_ =	swait.ge [sflag:s23], s21  }
0xa0: {  	s5 =	ssub.s32 $0x0, s21;
	[sflag:s23] =	ssyncset.done $0x0  }
0xa1: {  	[sflag:s23] =	ssyncadd.s32 s5;
	_ =	sdelay $0x1  }
0xa2: {  	s24 =	simm.s32 $0x1B8B  }
0xa3: {  	_ =	swait.ge [sflag:s24], $0x1  }
0xa4: {  	[sflag:s24] =	ssyncset.done $0x0  }
0xa5: {  	s25 =	simm.s32 $0x1B8E;
	[sflag:s24] =	ssyncadd.s32 $0xFFFFFFFF  }
0xa6: {  	s26 =	simm.s32 $execute0_lowered;
	[smem:$0x3FD2] =	sst s25  }
0xa7: {  	s5 =	sshll.u32 s26, $0x1;
	_ =	strace $0x80000046;
	[dreg:$0x1] =	wrdreg $0xFFFFFFFF  }
0xa8: {  	s28 =	simm.s32 $_size_execute0_lowered;
	s4 =	sadd.s32 s4, s5;
	[dreg:$0x0] =	wrdreg $0x0  }
0xa9: {  	s5 =	sshll.u32 s28, $0x1;
	[dreg:$0x2] =	wrdreg s4  }
0xaa: {  	[dreg:$0x3] =	wrdreg s5  }
0xab: {  	[dreg:$0x4] =	wrdreg $0xC0  }
0xac: {  	_ =	task [dreg:s8], $0x5FFFF  }
0xad: {  	[dreg:$0x1] =	wrdreg $0xFFFFFFFF  }
0xae: {  	[dreg:$0x0] =	wrdreg $0x60  }
0xaf: {  	[dreg:$0x2] =	wrdreg s2  }
0xb0: {  	[dreg:$0x3] =	wrdreg s19  }
0xb1: {  	[dreg:$0x4] =	wrdreg $0x9  }
0xb2: {  	_ =	task.clear_ibuf [dreg:s8], $0x5FFFF;
	_ =	strace $0x90000046  }
0xb3: {  	s29 =	simm.s32 $0x9;
	_ =	strace $0x80000048  }
0xb4: {  	_ =	swait.ge [sflag:s29], $0x1  }
0xb5: {  	[sflag:s29] =	ssyncadd.s32 $0xFFFFFFFF  }
0xb6: {  	_ =	strace $0x90000048  }
0xb7: {  	_ =	sfence  }
0xb8: {  	s30 =	sld [smem:$0x0];
	_ =	sdelay $0x2  }
0xb9: {  	s31 =	sshll.u32 s1, $0xD;
	s1 =	sshrl.u32 s1, $0x2  }
0xba: {  	s3 =	sand.u32 $0x4000, s31;
	s1 =	sadd.s32 s1, s30  }
0xbb: {  	s0 =	sor.u32 s3, s0;
	s1 =	sshll.u32 s1, $0x11  }
0xbc: {  	s0 =	sor.u32 s1, s0  }
0xbd: {  	s0 =	sadd.s32 $0x8F2B, s0  }
0xbe: {  	[sflag:s0] =	ssyncadd.remote.s32 $0x1  }
0xbf: {  	_ =	sfence.sel $0xFFFF  }
0xc0: {  	[dreg:$0x0] =	wrdreg $0xFFFFFFFF;
	(pc) =	sbr.abs _section_cstart, $3  }
0xc1: {  	[dreg:$0x1] =	wrdreg $0xFFFFFFFF  }
0xc2: {  	_ =	task.clear_ibuf [dreg:s8], $0x2FFFF;
	_ =	strace $0x9FFFFFFF  }
0xc3: {  	(tm) =	ssettm $0x7FFFFFFF  }
tec
execute0_lowered:
.L_overlay_start_1:
0x0: {  	(tag) =	ssettag $0x1  }
0x1: {  	s2 =	rddreg [dreg:$0x0];
	s1 =	srdreg.scid  }
0x2: {  	s0 =	stileid.u32;
	s3 =	rddreg [dreg:$0x1];
	s13 =	simm.s32 $0x2000  }
0x3: {  	s14 =	simm.s32 $0x6000;
	s5 =	sand.u32 $0x1, s1;
	s4 =	sshll.u32 s0, $0x1  }
0x4: {  	s15 =	simm.s32 $0x0;
	s1 =	rddreg [dreg:$0x2];
	s12 =	sor.u32 s5, s4  }
0x5: {  	v0 =	vlaneseq.u32;
	s4 =	simm.s32 $0x0;
	s6 =	ssub.s32 $0x2, s5;
	s5 =	smul.u32 $0x1A, s12  }
.Ltmp0:
0x6: {  	v1 =	vmul.u32 $0x40, v0;
	v2 =	vor.u32 $0x10, v0;
	v4 =	vor.u32 $0x20, v0;
	p1 =	seq.s32 s0, $0xF;
	[smem:$0x7FF] =	sst s4;
	(pc) =	sbr.rel .LBB2_1-.Ltmp0, $4  }
0x7: {  	v6 =	vor.u32 $0x30, v0;
	v8 =	vor.u32 $0x40, v0;
	v10 =	vor.u32 $0x50, v0;
	s7 =	sshrl.u32 s6, $0x1;
	s8 =	smul.u32 $0xD00, s12;
	p0 =	seq.s32 s12, $0x1F  }
0x8: {  	v12 =	vor.u32 $0x60, v0;
	v14 =	vor.u32 $0x70, v0;
	v3 =	vor.u32 $0x400, v1;
	s12 =	simm.s32 $0x4000;
	_ =	strace $0x80000047;
	s9 =	ssub.s32 s6, s7  }
0x9: {  	v5 =	vor.u32 $0x800, v1;
	v7 =	vor.u32 $0xC00, v1;
	v9 =	vor.u32 $0x1000, v1;
	s6 =	sadd.s32 s2, s8;
	s7 =	sadd.s32 $0x2, s5;
	s8 =	sadd.s32 $0xC3400, s3  }
0xa: {  	v11 =	vor.u32 $0x1400, v1;
	v13 =	vor.u32 $0x1800, v1;
	v15 =	vor.u32 $0x1C00, v1;
	s9 =	smax.u32 s9, $0x1;
	s10 =	ssub.s32 $0x30F, s5;
	s11 =	ssub.s32 $0x30E, s5  }
.LBB2_11:
0xb: {  	s16 =	simm.s32 @!p1 $0x3;
	s15 =	sadd.s32 $0x1, s15  }
0xc: {  	_ =	swait.ge @!p1 [sflag:s16], $0x2000;
	p2 =	sne.s32 s15, s9  }
.Ltmp1:
0xd: {  	[sflag:s16] =	ssyncset.done @!p1 $0x0;
	(pc) =	sbr.rel @!p2 .LBB2_12-.Ltmp1, $4  }
0xe: {  	[sflag:s16] =	ssyncadd.s32 @!p1 $0xFFFFE000;
	s16 =	simm.s32 @!p1 $0x4  }
0xf: {  	_ =	swait.ge @!p1 [sflag:s16], $0x2000  }
0x10: {  	[sflag:s16] =	ssyncset.done @!p1 $0x0  }
0x11: {  	[sflag:s16] =	ssyncadd.s32 @!p1 $0xFFFFE000  }
.LBB2_1:
.Ltmp2:
0x12: {  	(pc) =	sbr.rel .LBB2_2-.Ltmp2, $4  }
0x13: {  	_ = 	snop  }
0x14: {  	s16 =	simm.s32 @!p0 $0x400;
	s17 =	simm.s32 @!p0 $0xC3800;
	s18 =	simm.s32 @!p0 $0x0  }
0x15: {  	[tilespmem:s18], [sflag:$0x1] =	stream.strided.gather @!p0 [hbm4b:s6+s16], $0x2000, s17, s16, $0x38;
	[tilespmem:$0x8000] =	vst v63  }
0x16: {  	s16 =	simm.s32 $0x0  }
.LBB2_10:
0x17: {  	s16 =	sadd.s32 $0x1, s16  }
0x18: {  	p2 =	sne.s32 s16, $0xD  }
.Ltmp3:
0x19: {  	_ = 	snop;
	(pc) =	sbr.rel @!p2 .LBB2_11-.Ltmp3, $1  }
0x1a: {  	_ =	sdelay $0x3  }
.LBB2_2:
0x1b: {  	s18 =	sshll.u32 s16, $0x1  }
0x1c: {  	s17 =	sadd.s32 s18, s5  }
0x1d: {  	s17 =	sadd.s32 $0x1, s17  }
0x1e: {  	p2 =	sgt.u32 s17, $0x30D  }
0x1f: {  	s19 =	sshll.u32 @!p2 s17, $0x7;
	s20 =	simm.s32 @!p2 $0x400  }
0x20: {  	s21 =	simm.s32 @!p2 $0xC3800;
	s22 =	simm.s32 @!p2 $0x2000;
	s19 =	sadd.s32 @!p2 s2, s19  }
0x21: {  	[tilespmem:s22], [sflag:$0x2] =	stream.strided.gather @!p2 [hbm4b:s19+s20], $0x2000, s21, s20, $0x38;
	[tilespmem:$0x8000] =	vst v63  }
0x22: {  	s20 =	sadd.s32 s5, s18  }
0x23: {  	p4 =	sgt.u32 s20, $0x30D  }
0x24: {  	p3 =	seq.s32 s16, $0x0;
	s19 =	simm.s32 @!p4 $0x1  }
0x25: {  	p5 =	sge.s32 @!p3 s18, s10;
	_ =	swait.ge @!p4 [sflag:s19], $0x2000  }
.Ltmp4:
0x26: {  	p5 =	por p5, p3;
	[sflag:s19] =	ssyncset.done @!p4 $0x0;
	(pc) =	sbr.rel @p4 .LBB2_6-.Ltmp4, $4  }
0x27: {  	[sflag:s19] =	ssyncadd.s32 @!p4 $0xFFFFE000;
	s19 =	simm.s32 @!p5 $0x3  }
0x28: {  	_ =	swait.ge @!p5 [sflag:s19], $0x2000  }
0x29: {  	[sflag:s19] =	ssyncset.done @!p5 $0x0  }
0x2a: {  	[sflag:s19] =	ssyncadd.s32 @!p5 $0xFFFFE000;
	s19 =	simm.s32 $0x0  }
0x2b: {  	v16 =	vadd.s32 s19, v0  }
0x2c: {  	v16 =	vand.u32 $0x3F, v16  }
0x2d: {  	v17 =	vshll.u32 v16, $0x7  }
0x2e: {  	v18 =	vor.u32 v0, v17;
	_ =	sdelay $0x4  }
0x2f: {  	v19 =	vor.u32 v1, v16;
	v18 =	vld.idx.msk [tilespmem:v18+s4+$0x0], $0xffff  }
0x30: {  	v20 =	vor.u32 v2, v17;
	_ =	sdelay $0x3  }
0x31: {  	[tilespmem:v19+s12+$0x0] =	vst.idx.msk $0xffff, v18  }
0x32: {  	v19 =	vor.u32 v3, v16;
	v18 =	vld.idx.msk [tilespmem:v20+s4+$0x0], $0xffff  }
0x33: {  	v20 =	vor.u32 v4, v17;
	_ =	sdelay $0x3  }
0x34: {  	[tilespmem:v19+s12+$0x0] =	vst.idx.msk $0xffff, v18  }
0x35: {  	v19 =	vor.u32 v5, v16;
	v18 =	vld.idx.msk [tilespmem:v20+s4+$0x0], $0xffff  }
0x36: {  	v20 =	vor.u32 v6, v17;
	_ =	sdelay $0x3  }
0x37: {  	[tilespmem:v19+s12+$0x0] =	vst.idx.msk $0xffff, v18  }
0x38: {  	v19 =	vor.u32 v7, v16;
	v18 =	vld.idx.msk [tilespmem:v20+s4+$0x0], $0xffff  }
0x39: {  	v20 =	vor.u32 v8, v17;
	_ =	sdelay $0x3  }
0x3a: {  	[tilespmem:v19+s12+$0x0] =	vst.idx.msk $0xffff, v18  }
0x3b: {  	v19 =	vor.u32 v9, v16;
	v18 =	vld.idx.msk [tilespmem:v20+s4+$0x0], $0xffff  }
0x3c: {  	v20 =	vor.u32 v10, v17;
	_ =	sdelay $0x3  }
0x3d: {  	[tilespmem:v19+s12+$0x0] =	vst.idx.msk $0xffff, v18  }
0x3e: {  	v19 =	vor.u32 v11, v16;
	v18 =	vld.idx.msk [tilespmem:v20+s4+$0x0], $0xffff  }
0x3f: {  	v20 =	vor.u32 v12, v17;
	_ =	sdelay $0x3  }
0x40: {  	[tilespmem:v19+s12+$0x0] =	vst.idx.msk $0xffff, v18  }
0x41: {  	v19 =	vor.u32 v13, v16;
	v18 =	vld.idx.msk [tilespmem:v20+s4+$0x0], $0xffff  }
0x42: {  	v17 =	vor.u32 v14, v17;
	_ =	sdelay $0x1  }
0x43: {  	s21 =	simm.s32 $0x1  }
0x44: {  	v20 =	vadd.s32 s21, v0  }
0x45: {  	[tilespmem:v19+s12+$0x0] =	vst.idx.msk $0xffff, v18;
	v18 =	vand.u32 $0x3F, v20  }
0x46: {  	v16 =	vor.u32 v15, v16;
	v17 =	vld.idx.msk [tilespmem:v17+s4+$0x0], $0xffff;
	v19 =	vshll.u32 v18, $0x7  }
0x47: {  	v20 =	vor.u32 v0, v19;
	_ =	sdelay $0x3  }
0x48: {  	[tilespmem:v16+s12+$0x0] =	vst.idx.msk $0xffff, v17  }
0x49: {  	v17 =	vor.u32 v1, v18;
	v16 =	vld.idx.msk [tilespmem:v20+s4+$0x0], $0xffff  }
0x4a: {  	v20 =	vor.u32 v2, v19;
	_ =	sdelay $0x3  }
0x4b: {  	[tilespmem:v17+s12+$0x0] =	vst.idx.msk $0xffff, v16  }
0x4c: {  	v17 =	vor.u32 v3, v18;
	v16 =	vld.idx.msk [tilespmem:v20+s4+$0x0], $0xffff  }
0x4d: {  	v20 =	vor.u32 v4, v19;
	_ =	sdelay $0x3  }
0x4e: {  	[tilespmem:v17+s12+$0x0] =	vst.idx.msk $0xffff, v16  }
0x4f: {  	v17 =	vor.u32 v5, v18;
	v16 =	vld.idx.msk [tilespmem:v20+s4+$0x0], $0xffff  }
0x50: {  	v20 =	vor.u32 v6, v19;
	_ =	sdelay $0x3  }
0x51: {  	[tilespmem:v17+s12+$0x0] =	vst.idx.msk $0xffff, v16  }
0x52: {  	v17 =	vor.u32 v7, v18;
	v16 =	vld.idx.msk [tilespmem:v20+s4+$0x0], $0xffff  }
0x53: {  	v20 =	vor.u32 v8, v19;
	_ =	sdelay $0x3  }
0x54: {  	[tilespmem:v17+s12+$0x0] =	vst.idx.msk $0xffff, v16  }
0x55: {  	v17 =	vor.u32 v9, v18;
	v16 =	vld.idx.msk [tilespmem:v20+s4+$0x0], $0xffff  }
0x56: {  	v20 =	vor.u32 v10, v19;
	_ =	sdelay $0x3  }
0x57: {  	[tilespmem:v17+s12+$0x0] =	vst.idx.msk $0xffff, v16  }
0x58: {  	v17 =	vor.u32 v11, v18;
	v16 =	vld.idx.msk [tilespmem:v20+s4+$0x0], $0xffff  }
0x59: {  	v20 =	vor.u32 v12, v19;
	_ =	sdelay $0x3  }
0x5a: {  	[tilespmem:v17+s12+$0x0] =	vst.idx.msk $0xffff, v16  }
0x5b: {  	v17 =	vor.u32 v13, v18;
	v16 =	vld.idx.msk [tilespmem:v20+s4+$0x0], $0xffff  }
0x5c: {  	v19 =	vor.u32 v14, v19;
	_ =	sdelay $0x1  }
0x5d: {  	s30 =	simm.s32 $0x2  }
0x5e: {  	v20 =	vadd.s32 s30, v0  }
0x5f: {  	[tilespmem:v17+s12+$0x0] =	vst.idx.msk $0xffff, v16;
	v17 =	vand.u32 $0x3F, v20  }
0x60: {  	v18 =	vor.u32 v15, v18;
	v16 =	vld.idx.msk [tilespmem:v19+s4+$0x0], $0xffff;
	v19 =	vshll.u32 v17, $0x7  }
0x61: {  	v20 =	vor.u32 v0, v19;
	_ =	sdelay $0x3  }
0x62: {  	[tilespmem:v18+s12+$0x0] =	vst.idx.msk $0xffff, v16  }
0x63: {  	v18 =	vor.u32 v1, v17;
	v16 =	vld.idx.msk [tilespmem:v20+s4+$0x0], $0xffff  }
0x64: {  	v20 =	vor.u32 v2, v19;
	_ =	sdelay $0x3  }
0x65: {  	[tilespmem:v18+s12+$0x0] =	vst.idx.msk $0xffff, v16  }
0x66: {  	v18 =	vor.u32 v3, v17;
	v16 =	vld.idx.msk [tilespmem:v20+s4+$0x0], $0xffff  }
0x67: {  	v20 =	vor.u32 v4, v19;
	_ =	sdelay $0x3  }
0x68: {  	[tilespmem:v18+s12+$0x0] =	vst.idx.msk $0xffff, v16  }
0x69: {  	v18 =	vor.u32 v5, v17;
	v16 =	vld.idx.msk [tilespmem:v20+s4+$0x0], $0xffff  }
0x6a: {  	v20 =	vor.u32 v6, v19;
	_ =	sdelay $0x3  }
0x6b: {  	[tilespmem:v18+s12+$0x0] =	vst.idx.msk $0xffff, v16  }
0x6c: {  	v18 =	vor.u32 v7, v17;
	v16 =	vld.idx.msk [tilespmem:v20+s4+$0x0], $0xffff  }
0x6d: {  	v20 =	vor.u32 v8, v19;
	_ =	sdelay $0x3  }
0x6e: {  	[tilespmem:v18+s12+$0x0] =	vst.idx.msk $0xffff, v16  }
0x6f: {  	v18 =	vor.u32 v9, v17;
	v16 =	vld.idx.msk [tilespmem:v20+s4+$0x0], $0xffff  }
0x70: {  	v20 =	vor.u32 v10, v19;
	_ =	sdelay $0x3  }
0x71: {  	[tilespmem:v18+s12+$0x0] =	vst.idx.msk $0xffff, v16  }
0x72: {  	v18 =	vor.u32 v11, v17;
	v16 =	vld.idx.msk [tilespmem:v20+s4+$0x0], $0xffff  }
0x73: {  	v20 =	vor.u32 v12, v19;
	_ =	sdelay $0x3  }
0x74: {  	[tilespmem:v18+s12+$0x0] =	vst.idx.msk $0xffff, v16  }
0x75: {  	v18 =	vor.u32 v13, v17;
	v16 =	vld.idx.msk [tilespmem:v20+s4+$0x0], $0xffff  }
0x76: {  	v19 =	vor.u32 v14, v19;
	_ =	sdelay $0x1  }
0x77: {  	s31 =	simm.s32 $0x3  }
0x78: {  	v20 =	vadd.s32 s31, v0  }
0x79: {  	[tilespmem:v18+s12+$0x0] =	vst.idx.msk $0xffff, v16;
	v16 =	vand.u32 $0x3F, v20  }
0x7a: {  	v17 =	vor.u32 v15, v17;
	v18 =	vld.idx.msk [tilespmem:v19+s4+$0x0], $0xffff;
	v19 =	vshll.u32 v16, $0x7  }
0x7b: {  	v20 =	vor.u32 v0, v19;
	_ =	sdelay $0x3  }
0x7c: {  	[tilespmem:v17+s12+$0x0] =	vst.idx.msk $0xffff, v18  }
0x7d: {  	v18 =	vor.u32 v1, v16;
	v17 =	vld.idx.msk [tilespmem:v20+s4+$0x0], $0xffff  }
0x7e: {  	v20 =	vor.u32 v2, v19;
	_ =	sdelay $0x3  }
0x7f: {  	[tilespmem:v18+s12+$0x0] =	vst.idx.msk $0xffff, v17  }
0x80: {  	v18 =	vor.u32 v3, v16;
	v17 =	vld.idx.msk [tilespmem:v20+s4+$0x0], $0xffff  }
0x81: {  	v20 =	vor.u32 v4, v19;
	_ =	sdelay $0x3  }
0x82: {  	[tilespmem:v18+s12+$0x0] =	vst.idx.msk $0xffff, v17  }
0x83: {  	v18 =	vor.u32 v5, v16;
	v17 =	vld.idx.msk [tilespmem:v20+s4+$0x0], $0xffff  }
0x84: {  	v20 =	vor.u32 v6, v19;
	_ =	sdelay $0x3  }
0x85: {  	[tilespmem:v18+s12+$0x0] =	vst.idx.msk $0xffff, v17  }
0x86: {  	v18 =	vor.u32 v7, v16;
	v17 =	vld.idx.msk [tilespmem:v20+s4+$0x0], $0xffff  }
0x87: {  	v20 =	vor.u32 v8, v19;
	_ =	sdelay $0x3  }
0x88: {  	[tilespmem:v18+s12+$0x0] =	vst.idx.msk $0xffff, v17  }
0x89: {  	v18 =	vor.u32 v9, v16;
	v17 =	vld.idx.msk [tilespmem:v20+s4+$0x0], $0xffff  }
0x8a: {  	v20 =	vor.u32 v10, v19;
	_ =	sdelay $0x3  }
0x8b: {  	[tilespmem:v18+s12+$0x0] =	vst.idx.msk $0xffff, v17  }
0x8c: {  	v18 =	vor.u32 v11, v16;
	v17 =	vld.idx.msk [tilespmem:v20+s4+$0x0], $0xffff  }
0x8d: {  	v20 =	vor.u32 v12, v19;
	_ =	sdelay $0x3  }
0x8e: {  	[tilespmem:v18+s12+$0x0] =	vst.idx.msk $0xffff, v17  }
0x8f: {  	v21 =	vor.u32 v13, v16;
	v20 =	vld.idx.msk [tilespmem:v20+s4+$0x0], $0xffff  }
0x90: {  	v17 =	vor.u32 v14, v19;
	_ =	sdelay $0x2  }
0x91: {  	s21 =	simm.s32 $0x4  }
0x92: {  	s22 =	simm.s32 $0x8;
	v18 =	vadd.s32 s21, v0;
	[tilespmem:v21+s12+$0x0] =	vst.idx.msk $0xffff, v20  }
.LBB2_4:
0x93: {  	p4 =	slt.u32 s22, $0x3C;
	v18 =	vand.u32 $0x3F, v18;
	v17 =	vld.idx.msk [tilespmem:v17+s4+$0x0], $0xffff  }
0x94: {  	v16 =	vor.u32 v15, v16;
	v19 =	vshll.u32 v18, $0x7  }
0x95: {  	v20 =	vor.u32 v0, v19;
	_ =	sdelay $0x3  }
0x96: {  	[tilespmem:v16+s12+$0x0] =	vst.idx.msk $0xffff, v17  }
0x97: {  	v16 =	vld.idx.msk [tilespmem:v20+s4+$0x0], $0xffff  }
0x98: {  	v17 =	vor.u32 v1, v18  }
0x99: {  	v20 =	vor.u32 v2, v19;
	_ =	sdelay $0x3  }
0x9a: {  	[tilespmem:v17+s12+$0x0] =	vst.idx.msk $0xffff, v16  }
0x9b: {  	v16 =	vld.idx.msk [tilespmem:v20+s4+$0x0], $0xffff  }
0x9c: {  	v17 =	vor.u32 v3, v18  }
0x9d: {  	v20 =	vor.u32 v4, v19;
	_ =	sdelay $0x3  }
0x9e: {  	[tilespmem:v17+s12+$0x0] =	vst.idx.msk $0xffff, v16  }
0x9f: {  	v16 =	vld.idx.msk [tilespmem:v20+s4+$0x0], $0xffff  }
0xa0: {  	v17 =	vor.u32 v5, v18  }
0xa1: {  	v20 =	vor.u32 v6, v19;
	_ =	sdelay $0x3  }
0xa2: {  	[tilespmem:v17+s12+$0x0] =	vst.idx.msk $0xffff, v16  }
0xa3: {  	v16 =	vld.idx.msk [tilespmem:v20+s4+$0x0], $0xffff  }
0xa4: {  	v17 =	vor.u32 v7, v18  }
0xa5: {  	v20 =	vor.u32 v8, v19;
	_ =	sdelay $0x3  }
0xa6: {  	[tilespmem:v17+s12+$0x0] =	vst.idx.msk $0xffff, v16  }
0xa7: {  	v16 =	vld.idx.msk [tilespmem:v20+s4+$0x0], $0xffff  }
0xa8: {  	v17 =	vor.u32 v9, v18  }
0xa9: {  	v20 =	vor.u32 v10, v19;
	_ =	sdelay $0x3  }
0xaa: {  	[tilespmem:v17+s12+$0x0] =	vst.idx.msk $0xffff, v16  }
0xab: {  	v16 =	vld.idx.msk [tilespmem:v20+s4+$0x0], $0xffff  }
0xac: {  	v17 =	vor.u32 v11, v18  }
0xad: {  	v20 =	vor.u32 v12, v19;
	_ =	sdelay $0x3  }
0xae: {  	[tilespmem:v17+s12+$0x0] =	vst.idx.msk $0xffff, v16  }
0xaf: {  	v16 =	vld.idx.msk [tilespmem:v20+s4+$0x0], $0xffff  }
0xb0: {  	v17 =	vor.u32 v13, v18  }
0xb1: {  	v19 =	vor.u32 v14, v19;
	_ =	sdelay $0x2  }
0xb2: {  	s23 =	sadd.s32 $0x1, s21  }
0xb3: {  	[tilespmem:v17+s12+$0x0] =	vst.idx.msk $0xffff, v16;
	v16 =	vadd.s32 s23, v0  }
0xb4: {  	v17 =	vld.idx.msk [tilespmem:v19+s4+$0x0], $0xffff;
	v16 =	vand.u32 $0x3F, v16  }
0xb5: {  	v18 =	vor.u32 v15, v18;
	v19 =	vshll.u32 v16, $0x7  }
0xb6: {  	v20 =	vor.u32 v0, v19;
	_ =	sdelay $0x3  }
0xb7: {  	[tilespmem:v18+s12+$0x0] =	vst.idx.msk $0xffff, v17  }
0xb8: {  	v17 =	vld.idx.msk [tilespmem:v20+s4+$0x0], $0xffff  }
0xb9: {  	v18 =	vor.u32 v1, v16  }
0xba: {  	v20 =	vor.u32 v2, v19;
	_ =	sdelay $0x3  }
0xbb: {  	[tilespmem:v18+s12+$0x0] =	vst.idx.msk $0xffff, v17  }
0xbc: {  	v17 =	vld.idx.msk [tilespmem:v20+s4+$0x0], $0xffff  }
0xbd: {  	v18 =	vor.u32 v3, v16  }
0xbe: {  	v20 =	vor.u32 v4, v19;
	_ =	sdelay $0x3  }
0xbf: {  	[tilespmem:v18+s12+$0x0] =	vst.idx.msk $0xffff, v17  }
0xc0: {  	v17 =	vld.idx.msk [tilespmem:v20+s4+$0x0], $0xffff  }
0xc1: {  	v18 =	vor.u32 v5, v16  }
0xc2: {  	v20 =	vor.u32 v6, v19;
	_ =	sdelay $0x3  }
0xc3: {  	[tilespmem:v18+s12+$0x0] =	vst.idx.msk $0xffff, v17  }
0xc4: {  	v17 =	vld.idx.msk [tilespmem:v20+s4+$0x0], $0xffff  }
0xc5: {  	v18 =	vor.u32 v7, v16  }
0xc6: {  	v20 =	vor.u32 v8, v19;
	_ =	sdelay $0x3  }
0xc7: {  	[tilespmem:v18+s12+$0x0] =	vst.idx.msk $0xffff, v17  }
0xc8: {  	v17 =	vld.idx.msk [tilespmem:v20+s4+$0x0], $0xffff  }
0xc9: {  	v18 =	vor.u32 v9, v16  }
0xca: {  	v20 =	vor.u32 v10, v19;
	_ =	sdelay $0x3  }
0xcb: {  	[tilespmem:v18+s12+$0x0] =	vst.idx.msk $0xffff, v17  }
0xcc: {  	v17 =	vld.idx.msk [tilespmem:v20+s4+$0x0], $0xffff  }
0xcd: {  	v18 =	vor.u32 v11, v16  }
0xce: {  	v20 =	vor.u32 v12, v19;
	_ =	sdelay $0x3  }
0xcf: {  	[tilespmem:v18+s12+$0x0] =	vst.idx.msk $0xffff, v17  }
0xd0: {  	v17 =	vld.idx.msk [tilespmem:v20+s4+$0x0], $0xffff  }
0xd1: {  	v18 =	vor.u32 v13, v16  }
0xd2: {  	v19 =	vor.u32 v14, v19;
	_ =	sdelay $0x2  }
0xd3: {  	s23 =	sadd.s32 $0x2, s21  }
0xd4: {  	[tilespmem:v18+s12+$0x0] =	vst.idx.msk $0xffff, v17;
	v17 =	vadd.s32 s23, v0  }
0xd5: {  	v18 =	vld.idx.msk [tilespmem:v19+s4+$0x0], $0xffff;
	v17 =	vand.u32 $0x3F, v17  }
0xd6: {  	v16 =	vor.u32 v15, v16;
	v19 =	vshll.u32 v17, $0x7  }
0xd7: {  	v20 =	vor.u32 v0, v19;
	_ =	sdelay $0x3  }
0xd8: {  	[tilespmem:v16+s12+$0x0] =	vst.idx.msk $0xffff, v18  }
0xd9: {  	v16 =	vld.idx.msk [tilespmem:v20+s4+$0x0], $0xffff  }
0xda: {  	v18 =	vor.u32 v1, v17  }
0xdb: {  	v20 =	vor.u32 v2, v19;
	_ =	sdelay $0x3  }
0xdc: {  	[tilespmem:v18+s12+$0x0] =	vst.idx.msk $0xffff, v16  }
0xdd: {  	v16 =	vld.idx.msk [tilespmem:v20+s4+$0x0], $0xffff  }
0xde: {  	v18 =	vor.u32 v3, v17  }
0xdf: {  	v20 =	vor.u32 v4, v19;
	_ =	sdelay $0x3  }
0xe0: {  	[tilespmem:v18+s12+$0x0] =	vst.idx.msk $0xffff, v16  }
0xe1: {  	v16 =	vld.idx.msk [tilespmem:v20+s4+$0x0], $0xffff  }
0xe2: {  	v18 =	vor.u32 v5, v17  }
0xe3: {  	v20 =	vor.u32 v6, v19;
	_ =	sdelay $0x3  }
0xe4: {  	[tilespmem:v18+s12+$0x0] =	vst.idx.msk $0xffff, v16  }
0xe5: {  	v16 =	vld.idx.msk [tilespmem:v20+s4+$0x0], $0xffff  }
0xe6: {  	v18 =	vor.u32 v7, v17  }
0xe7: {  	v20 =	vor.u32 v8, v19;
	_ =	sdelay $0x3  }
0xe8: {  	[tilespmem:v18+s12+$0x0] =	vst.idx.msk $0xffff, v16  }
0xe9: {  	v16 =	vld.idx.msk [tilespmem:v20+s4+$0x0], $0xffff  }
0xea: {  	v18 =	vor.u32 v9, v17  }
0xeb: {  	v20 =	vor.u32 v10, v19;
	_ =	sdelay $0x3  }
0xec: {  	[tilespmem:v18+s12+$0x0] =	vst.idx.msk $0xffff, v16  }
0xed: {  	v16 =	vld.idx.msk [tilespmem:v20+s4+$0x0], $0xffff  }
0xee: {  	v18 =	vor.u32 v11, v17  }
0xef: {  	v20 =	vor.u32 v12, v19;
	_ =	sdelay $0x3  }
0xf0: {  	[tilespmem:v18+s12+$0x0] =	vst.idx.msk $0xffff, v16  }
0xf1: {  	v16 =	vld.idx.msk [tilespmem:v20+s4+$0x0], $0xffff  }
0xf2: {  	v18 =	vor.u32 v13, v17  }
0xf3: {  	v19 =	vor.u32 v14, v19;
	_ =	sdelay $0x2  }
0xf4: {  	s23 =	sadd.s32 $0x3, s21;
	s21 =	smov.u32 s22  }
0xf5: {  	[tilespmem:v18+s12+$0x0] =	vst.idx.msk $0xffff, v16;
	v16 =	vadd.s32 s23, v0  }
0xf6: {  	v18 =	vld.idx.msk [tilespmem:v19+s4+$0x0], $0xffff;
	v16 =	vand.u32 $0x3F, v16  }
0xf7: {  	v17 =	vor.u32 v15, v17;
	v19 =	vshll.u32 v16, $0x7  }
0xf8: {  	v20 =	vor.u32 v0, v19;
	_ =	sdelay $0x3  }
0xf9: {  	[tilespmem:v17+s12+$0x0] =	vst.idx.msk $0xffff, v18  }
0xfa: {  	v17 =	vld.idx.msk [tilespmem:v20+s4+$0x0], $0xffff  }
0xfb: {  	v18 =	vor.u32 v1, v16  }
0xfc: {  	v20 =	vor.u32 v2, v19;
	_ =	sdelay $0x3  }
0xfd: {  	[tilespmem:v18+s12+$0x0] =	vst.idx.msk $0xffff, v17  }
0xfe: {  	v17 =	vld.idx.msk [tilespmem:v20+s4+$0x0], $0xffff  }
0xff: {  	v18 =	vor.u32 v3, v16  }
0x100: {  	v20 =	vor.u32 v4, v19;
	_ =	sdelay $0x3  }
0x101: {  	[tilespmem:v18+s12+$0x0] =	vst.idx.msk $0xffff, v17  }
0x102: {  	v17 =	vld.idx.msk [tilespmem:v20+s4+$0x0], $0xffff  }
0x103: {  	v18 =	vor.u32 v5, v16  }
0x104: {  	v20 =	vor.u32 v6, v19;
	_ =	sdelay $0x3  }
0x105: {  	[tilespmem:v18+s12+$0x0] =	vst.idx.msk $0xffff, v17  }
0x106: {  	v17 =	vld.idx.msk [tilespmem:v20+s4+$0x0], $0xffff  }
0x107: {  	v18 =	vor.u32 v7, v16  }
0x108: {  	v20 =	vor.u32 v8, v19;
	_ =	sdelay $0x3  }
0x109: {  	[tilespmem:v18+s12+$0x0] =	vst.idx.msk $0xffff, v17  }
0x10a: {  	v17 =	vld.idx.msk [tilespmem:v20+s4+$0x0], $0xffff  }
0x10b: {  	v18 =	vor.u32 v9, v16  }
0x10c: {  	v20 =	vor.u32 v10, v19;
	_ =	sdelay $0x3  }
0x10d: {  	[tilespmem:v18+s12+$0x0] =	vst.idx.msk $0xffff, v17  }
0x10e: {  	v17 =	vld.idx.msk [tilespmem:v20+s4+$0x0], $0xffff  }
0x10f: {  	v18 =	vor.u32 v11, v16  }
0x110: {  	v20 =	vor.u32 v12, v19;
	_ =	sdelay $0x3  }
0x111: {  	[tilespmem:v18+s12+$0x0] =	vst.idx.msk $0xffff, v17  }
0x112: {  	v20 =	vld.idx.msk [tilespmem:v20+s4+$0x0], $0xffff  }
0x113: {  	v21 =	vor.u32 v13, v16  }
.Ltmp5:
0x114: {  	v17 =	vor.u32 v14, v19;
	(pc) =	sbr.rel @p4 .LBB2_4-.Ltmp5, $2  }
0x115: {  	_ =	sdelay $0x2  }
0x116: {  	s22 =	sadd.s32 $0x4, s22;
	v18 =	vadd.s32 s21, v0;
	[tilespmem:v21+s12+$0x0] =	vst.idx.msk $0xffff, v20  }
0x117: {  	_ =	sdelay $0x2  }
0x118: {  	v18 =	vand.u32 $0x3F, v18  }
0x119: {  	v17 =	vld.idx.msk [tilespmem:v17+s4+$0x0], $0xffff;
	v16 =	vor.u32 v15, v16;
	v19 =	vshll.u32 v18, $0x7  }
0x11a: {  	v20 =	vor.u32 v0, v19;
	_ =	sdelay $0x3  }
0x11b: {  	[tilespmem:v16+s12+$0x0] =	vst.idx.msk $0xffff, v17  }
0x11c: {  	v17 =	vor.u32 v1, v18;
	v16 =	vld.idx.msk [tilespmem:v20+s4+$0x0], $0xffff  }
0x11d: {  	v50 =	vor.u32 v2, v19;
	_ =	sdelay $0x3  }
0x11e: {  	[tilespmem:v17+s12+$0x0] =	vst.idx.msk $0xffff, v16  }
0x11f: {  	v17 =	vor.u32 v3, v18;
	v16 =	vld.idx.msk [tilespmem:v50+s4+$0x0], $0xffff  }
0x120: {  	v51 =	vor.u32 v4, v19;
	_ =	sdelay $0x3  }
0x121: {  	[tilespmem:v17+s12+$0x0] =	vst.idx.msk $0xffff, v16  }
0x122: {  	v17 =	vor.u32 v5, v18;
	v16 =	vld.idx.msk [tilespmem:v51+s4+$0x0], $0xffff  }
0x123: {  	v52 =	vor.u32 v6, v19;
	_ =	sdelay $0x3  }
0x124: {  	[tilespmem:v17+s12+$0x0] =	vst.idx.msk $0xffff, v16  }
0x125: {  	v17 =	vor.u32 v7, v18;
	v16 =	vld.idx.msk [tilespmem:v52+s4+$0x0], $0xffff  }
0x126: {  	v53 =	vor.u32 v8, v19;
	_ =	sdelay $0x3  }
0x127: {  	[tilespmem:v17+s12+$0x0] =	vst.idx.msk $0xffff, v16  }
0x128: {  	v17 =	vor.u32 v9, v18;
	v16 =	vld.idx.msk [tilespmem:v53+s4+$0x0], $0xffff  }
0x129: {  	v54 =	vor.u32 v10, v19;
	_ =	sdelay $0x3  }
0x12a: {  	[tilespmem:v17+s12+$0x0] =	vst.idx.msk $0xffff, v16  }
0x12b: {  	v17 =	vor.u32 v11, v18;
	v16 =	vld.idx.msk [tilespmem:v54+s4+$0x0], $0xffff  }
0x12c: {  	v55 =	vor.u32 v12, v19;
	_ =	sdelay $0x3  }
0x12d: {  	[tilespmem:v17+s12+$0x0] =	vst.idx.msk $0xffff, v16  }
0x12e: {  	v17 =	vor.u32 v13, v18;
	v16 =	vld.idx.msk [tilespmem:v55+s4+$0x0], $0xffff  }
0x12f: {  	v19 =	vor.u32 v14, v19;
	_ =	sdelay $0x1  }
0x130: {  	s22 =	sadd.s32 $0x1, s21  }
0x131: {  	v56 =	vadd.s32 s22, v0  }
0x132: {  	[tilespmem:v17+s12+$0x0] =	vst.idx.msk $0xffff, v16;
	v16 =	vand.u32 $0x3F, v56  }
0x133: {  	v18 =	vor.u32 v15, v18;
	v17 =	vld.idx.msk [tilespmem:v19+s4+$0x0], $0xffff;
	v57 =	vshll.u32 v16, $0x7  }
0x134: {  	v58 =	vor.u32 v0, v57;
	_ =	sdelay $0x3  }
0x135: {  	[tilespmem:v18+s12+$0x0] =	vst.idx.msk $0xffff, v17  }
0x136: {  	v59 =	vor.u32 v1, v16;
	v17 =	vld.idx.msk [tilespmem:v58+s4+$0x0], $0xffff  }
0x137: {  	v60 =	vor.u32 v2, v57;
	_ =	sdelay $0x3  }
0x138: {  	[tilespmem:v59+s12+$0x0] =	vst.idx.msk $0xffff, v17  }
0x139: {  	v61 =	vor.u32 v3, v16;
	v17 =	vld.idx.msk [tilespmem:v60+s4+$0x0], $0xffff  }
0x13a: {  	v62 =	vor.u32 v4, v57;
	_ =	sdelay $0x3  }
0x13b: {  	[tilespmem:v61+s12+$0x0] =	vst.idx.msk $0xffff, v17  }
0x13c: {  	v63 =	vor.u32 v5, v16;
	v17 =	vld.idx.msk [tilespmem:v62+s4+$0x0], $0xffff  }
0x13d: {  	v24 =	vor.u32 v6, v57;
	_ =	sdelay $0x3  }
0x13e: {  	[tilespmem:v63+s12+$0x0] =	vst.idx.msk $0xffff, v17  }
0x13f: {  	v25 =	vor.u32 v7, v16;
	v17 =	vld.idx.msk [tilespmem:v24+s4+$0x0], $0xffff  }
0x140: {  	v26 =	vor.u32 v8, v57;
	_ =	sdelay $0x3  }
0x141: {  	[tilespmem:v25+s12+$0x0] =	vst.idx.msk $0xffff, v17  }
0x142: {  	v27 =	vor.u32 v9, v16;
	v17 =	vld.idx.msk [tilespmem:v26+s4+$0x0], $0xffff  }
0x143: {  	v28 =	vor.u32 v10, v57;
	_ =	sdelay $0x3  }
0x144: {  	[tilespmem:v27+s12+$0x0] =	vst.idx.msk $0xffff, v17  }
0x145: {  	v29 =	vor.u32 v11, v16;
	v17 =	vld.idx.msk [tilespmem:v28+s4+$0x0], $0xffff  }
0x146: {  	v30 =	vor.u32 v12, v57;
	_ =	sdelay $0x3  }
0x147: {  	[tilespmem:v29+s12+$0x0] =	vst.idx.msk $0xffff, v17  }
0x148: {  	v31 =	vor.u32 v13, v16;
	v17 =	vld.idx.msk [tilespmem:v30+s4+$0x0], $0xffff  }
0x149: {  	v19 =	vor.u32 v14, v57;
	_ =	sdelay $0x1  }
0x14a: {  	s30 =	sadd.s32 $0x2, s21  }
0x14b: {  	v32 =	vadd.s32 s30, v0  }
0x14c: {  	[tilespmem:v31+s12+$0x0] =	vst.idx.msk $0xffff, v17;
	v17 =	vand.u32 $0x3F, v32  }
0x14d: {  	v16 =	vor.u32 v15, v16;
	v18 =	vld.idx.msk [tilespmem:v19+s4+$0x0], $0xffff;
	v33 =	vshll.u32 v17, $0x7  }
0x14e: {  	v34 =	vor.u32 v0, v33;
	_ =	sdelay $0x3  }
0x14f: {  	[tilespmem:v16+s12+$0x0] =	vst.idx.msk $0xffff, v18  }
0x150: {  	v35 =	vor.u32 v1, v17;
	v16 =	vld.idx.msk [tilespmem:v34+s4+$0x0], $0xffff  }
0x151: {  	v36 =	vor.u32 v2, v33;
	_ =	sdelay $0x3  }
0x152: {  	[tilespmem:v35+s12+$0x0] =	vst.idx.msk $0xffff, v16  }
0x153: {  	v37 =	vor.u32 v3, v17;
	v16 =	vld.idx.msk [tilespmem:v36+s4+$0x0], $0xffff  }
0x154: {  	v38 =	vor.u32 v4, v33;
	_ =	sdelay $0x3  }
0x155: {  	[tilespmem:v37+s12+$0x0] =	vst.idx.msk $0xffff, v16  }
0x156: {  	v39 =	vor.u32 v5, v17;
	v16 =	vld.idx.msk [tilespmem:v38+s4+$0x0], $0xffff  }
0x157: {  	v40 =	vor.u32 v6, v33;
	_ =	sdelay $0x3  }
0x158: {  	[tilespmem:v39+s12+$0x0] =	vst.idx.msk $0xffff, v16  }
0x159: {  	v41 =	vor.u32 v7, v17;
	v16 =	vld.idx.msk [tilespmem:v40+s4+$0x0], $0xffff  }
0x15a: {  	v42 =	vor.u32 v8, v33;
	_ =	sdelay $0x3  }
0x15b: {  	[tilespmem:v41+s12+$0x0] =	vst.idx.msk $0xffff, v16  }
0x15c: {  	v43 =	vor.u32 v9, v17;
	v16 =	vld.idx.msk [tilespmem:v42+s4+$0x0], $0xffff  }
0x15d: {  	v44 =	vor.u32 v10, v33;
	_ =	sdelay $0x3  }
0x15e: {  	[tilespmem:v43+s12+$0x0] =	vst.idx.msk $0xffff, v16  }
0x15f: {  	v45 =	vor.u32 v11, v17;
	v16 =	vld.idx.msk [tilespmem:v44+s4+$0x0], $0xffff  }
0x160: {  	v46 =	vor.u32 v12, v33;
	_ =	sdelay $0x3  }
0x161: {  	[tilespmem:v45+s12+$0x0] =	vst.idx.msk $0xffff, v16  }
0x162: {  	v47 =	vor.u32 v13, v17;
	v16 =	vld.idx.msk [tilespmem:v46+s4+$0x0], $0xffff  }
0x163: {  	v19 =	vor.u32 v14, v33;
	_ =	sdelay $0x1  }
0x164: {  	s31 =	sadd.s32 $0x3, s21  }
0x165: {  	v48 =	vadd.s32 s31, v0  }
0x166: {  	[tilespmem:v47+s12+$0x0] =	vst.idx.msk $0xffff, v16;
	v16 =	vand.u32 $0x3F, v48  }
0x167: {  	v17 =	vor.u32 v15, v17;
	v18 =	vld.idx.msk [tilespmem:v19+s4+$0x0], $0xffff;
	v49 =	vshll.u32 v16, $0x7  }
0x168: {  	v50 =	vor.u32 v0, v49;
	_ =	sdelay $0x3  }
0x169: {  	[tilespmem:v17+s12+$0x0] =	vst.idx.msk $0xffff, v18  }
0x16a: {  	v51 =	vor.u32 v1, v16;
	v17 =	vld.idx.msk [tilespmem:v50+s4+$0x0], $0xffff  }
0x16b: {  	v52 =	vor.u32 v2, v49;
	_ =	sdelay $0x3  }
0x16c: {  	[tilespmem:v51+s12+$0x0] =	vst.idx.msk $0xffff, v17  }
0x16d: {  	v53 =	vor.u32 v3, v16;
	v17 =	vld.idx.msk [tilespmem:v52+s4+$0x0], $0xffff  }
0x16e: {  	v54 =	vor.u32 v4, v49;
	_ =	sdelay $0x3  }
0x16f: {  	[tilespmem:v53+s12+$0x0] =	vst.idx.msk $0xffff, v17  }
0x170: {  	v55 =	vor.u32 v5, v16;
	v17 =	vld.idx.msk [tilespmem:v54+s4+$0x0], $0xffff  }
0x171: {  	v56 =	vor.u32 v6, v49;
	_ =	sdelay $0x3  }
0x172: {  	[tilespmem:v55+s12+$0x0] =	vst.idx.msk $0xffff, v17  }
0x173: {  	v57 =	vor.u32 v7, v16;
	v17 =	vld.idx.msk [tilespmem:v56+s4+$0x0], $0xffff  }
0x174: {  	v58 =	vor.u32 v8, v49;
	_ =	sdelay $0x3  }
0x175: {  	[tilespmem:v57+s12+$0x0] =	vst.idx.msk $0xffff, v17  }
0x176: {  	v59 =	vor.u32 v9, v16;
	v17 =	vld.idx.msk [tilespmem:v58+s4+$0x0], $0xffff  }
0x177: {  	v60 =	vor.u32 v10, v49;
	_ =	sdelay $0x3  }
0x178: {  	[tilespmem:v59+s12+$0x0] =	vst.idx.msk $0xffff, v17  }
0x179: {  	v61 =	vor.u32 v11, v16;
	v17 =	vld.idx.msk [tilespmem:v60+s4+$0x0], $0xffff  }
0x17a: {  	v62 =	vor.u32 v12, v49;
	_ =	sdelay $0x3  }
0x17b: {  	[tilespmem:v61+s12+$0x0] =	vst.idx.msk $0xffff, v17  }
0x17c: {  	v63 =	vor.u32 v13, v16;
	v17 =	vld.idx.msk [tilespmem:v62+s4+$0x0], $0xffff  }
0x17d: {  	v19 =	vor.u32 v14, v49;
	_ =	sdelay $0x3  }
0x17e: {  	[tilespmem:v63+s12+$0x0] =	vst.idx.msk $0xffff, v17  }
0x17f: {  	v16 =	vor.u32 v15, v16;
	v17 =	vld.idx.msk [tilespmem:v19+s4+$0x0], $0xffff;
	_ =	sdelay $0x3  }
0x180: {  	s20 =	sshll.u32 s20, $0xA  }
0x181: {  	s20 =	sadd.s32 s3, s20;
	[tilespmem:v16+s12+$0x0] =	vst.idx.msk $0xffff, v17  }
0x182: {  	[hbm4b:s20+s4] =	stream.linear.scatter [tilespmem:s12], [sflag:$0x3], $0x2000, $0x38;
	[tilespmem:$0x8000] =	vst v63  }
.LBB2_6:
0x183: {  	p4 =	seq.s32 s16, $0xC  }
0x184: {  	s20 =	sadd.s32 @!p4 s18, s7  }
0x185: {  	p5 =	sgt.u32 @!p4 s20, $0x30D  }
0x186: {  	p4 =	por p5, p4  }
0x187: {  	s20 =	sshll.u32 @!p4 s20, $0x7;
	s21 =	simm.s32 @!p4 $0x400  }
0x188: {  	s22 =	simm.s32 @!p4 $0xC3800;
	s23 =	simm.s32 @!p4 $0x0;
	s20 =	sadd.s32 @!p4 s2, s20  }
0x189: {  	[tilespmem:s23], [sflag:$0x1] =	stream.strided.gather @!p4 [hbm4b:s20+s21], $0x2000, s22, s21, $0x38;
	[tilespmem:$0x8000] =	vst v63  }
0x18a: {  	s20 =	simm.s32 @!p2 $0x2  }
0x18b: {  	p4 =	sge.s32 @!p3 s18, s11;
	_ =	swait.ge @!p2 [sflag:s20], $0x2000  }
.Ltmp6:
0x18c: {  	p3 =	por p4, p3;
	[sflag:s20] =	ssyncset.done @!p2 $0x0;
	(pc) =	sbr.rel @p2 .LBB2_10-.Ltmp6, $4  }
0x18d: {  	s18 =	simm.s32 @!p3 $0x4;
	[sflag:s20] =	ssyncadd.s32 @!p2 $0xFFFFE000  }
0x18e: {  	_ =	swait.ge @!p3 [sflag:s18], $0x2000  }
0x18f: {  	[sflag:s18] =	ssyncset.done @!p3 $0x0  }
0x190: {  	[sflag:s18] =	ssyncadd.s32 @!p3 $0xFFFFE000  }
0x191: {  	v16 =	vadd.s32 s19, v0  }
0x192: {  	v16 =	vand.u32 $0x3F, v16  }
0x193: {  	v17 =	vshll.u32 v16, $0x7  }
0x194: {  	v18 =	vor.u32 v0, v17;
	_ =	sdelay $0x4  }
0x195: {  	v19 =	vor.u32 v1, v16;
	v18 =	vld.idx.msk [tilespmem:v18+s13+$0x0], $0xffff  }
0x196: {  	v20 =	vor.u32 v2, v17;
	_ =	sdelay $0x3  }
0x197: {  	[tilespmem:v19+s14+$0x0] =	vst.idx.msk $0xffff, v18  }
0x198: {  	v19 =	vor.u32 v3, v16;
	v18 =	vld.idx.msk [tilespmem:v20+s13+$0x0], $0xffff  }
0x199: {  	v20 =	vor.u32 v4, v17;
	_ =	sdelay $0x3  }
0x19a: {  	[tilespmem:v19+s14+$0x0] =	vst.idx.msk $0xffff, v18  }
0x19b: {  	v19 =	vor.u32 v5, v16;
	v18 =	vld.idx.msk [tilespmem:v20+s13+$0x0], $0xffff  }
0x19c: {  	v20 =	vor.u32 v6, v17;
	_ =	sdelay $0x3  }
0x19d: {  	[tilespmem:v19+s14+$0x0] =	vst.idx.msk $0xffff, v18  }
0x19e: {  	v19 =	vor.u32 v7, v16;
	v18 =	vld.idx.msk [tilespmem:v20+s13+$0x0], $0xffff  }
0x19f: {  	v20 =	vor.u32 v8, v17;
	_ =	sdelay $0x3  }
0x1a0: {  	[tilespmem:v19+s14+$0x0] =	vst.idx.msk $0xffff, v18  }
0x1a1: {  	v19 =	vor.u32 v9, v16;
	v18 =	vld.idx.msk [tilespmem:v20+s13+$0x0], $0xffff  }
0x1a2: {  	v20 =	vor.u32 v10, v17;
	_ =	sdelay $0x3  }
0x1a3: {  	[tilespmem:v19+s14+$0x0] =	vst.idx.msk $0xffff, v18  }
0x1a4: {  	v19 =	vor.u32 v11, v16;
	v18 =	vld.idx.msk [tilespmem:v20+s13+$0x0], $0xffff  }
0x1a5: {  	v20 =	vor.u32 v12, v17;
	_ =	sdelay $0x3  }
0x1a6: {  	[tilespmem:v19+s14+$0x0] =	vst.idx.msk $0xffff, v18  }
0x1a7: {  	v19 =	vor.u32 v13, v16;
	v18 =	vld.idx.msk [tilespmem:v20+s13+$0x0], $0xffff  }
0x1a8: {  	v17 =	vor.u32 v14, v17;
	_ =	sdelay $0x1  }
0x1a9: {  	s18 =	simm.s32 $0x1  }
0x1aa: {  	v20 =	vadd.s32 s18, v0  }
0x1ab: {  	[tilespmem:v19+s14+$0x0] =	vst.idx.msk $0xffff, v18;
	v18 =	vand.u32 $0x3F, v20  }
0x1ac: {  	v16 =	vor.u32 v15, v16;
	v17 =	vld.idx.msk [tilespmem:v17+s13+$0x0], $0xffff;
	v19 =	vshll.u32 v18, $0x7  }
0x1ad: {  	v20 =	vor.u32 v0, v19;
	_ =	sdelay $0x3  }
0x1ae: {  	[tilespmem:v16+s14+$0x0] =	vst.idx.msk $0xffff, v17  }
0x1af: {  	v17 =	vor.u32 v1, v18;
	v16 =	vld.idx.msk [tilespmem:v20+s13+$0x0], $0xffff  }
0x1b0: {  	v20 =	vor.u32 v2, v19;
	_ =	sdelay $0x3  }
0x1b1: {  	[tilespmem:v17+s14+$0x0] =	vst.idx.msk $0xffff, v16  }
0x1b2: {  	v17 =	vor.u32 v3, v18;
	v16 =	vld.idx.msk [tilespmem:v20+s13+$0x0], $0xffff  }
0x1b3: {  	v20 =	vor.u32 v4, v19;
	_ =	sdelay $0x3  }
0x1b4: {  	[tilespmem:v17+s14+$0x0] =	vst.idx.msk $0xffff, v16  }
0x1b5: {  	v17 =	vor.u32 v5, v18;
	v16 =	vld.idx.msk [tilespmem:v20+s13+$0x0], $0xffff  }
0x1b6: {  	v20 =	vor.u32 v6, v19;
	_ =	sdelay $0x3  }
0x1b7: {  	[tilespmem:v17+s14+$0x0] =	vst.idx.msk $0xffff, v16  }
0x1b8: {  	v17 =	vor.u32 v7, v18;
	v16 =	vld.idx.msk [tilespmem:v20+s13+$0x0], $0xffff  }
0x1b9: {  	v20 =	vor.u32 v8, v19;
	_ =	sdelay $0x3  }
0x1ba: {  	[tilespmem:v17+s14+$0x0] =	vst.idx.msk $0xffff, v16  }
0x1bb: {  	v17 =	vor.u32 v9, v18;
	v16 =	vld.idx.msk [tilespmem:v20+s13+$0x0], $0xffff  }
0x1bc: {  	v20 =	vor.u32 v10, v19;
	_ =	sdelay $0x3  }
0x1bd: {  	[tilespmem:v17+s14+$0x0] =	vst.idx.msk $0xffff, v16  }
0x1be: {  	v17 =	vor.u32 v11, v18;
	v16 =	vld.idx.msk [tilespmem:v20+s13+$0x0], $0xffff  }
0x1bf: {  	v20 =	vor.u32 v12, v19;
	_ =	sdelay $0x3  }
0x1c0: {  	[tilespmem:v17+s14+$0x0] =	vst.idx.msk $0xffff, v16  }
0x1c1: {  	v17 =	vor.u32 v13, v18;
	v16 =	vld.idx.msk [tilespmem:v20+s13+$0x0], $0xffff  }
0x1c2: {  	v19 =	vor.u32 v14, v19;
	_ =	sdelay $0x1  }
0x1c3: {  	s30 =	simm.s32 $0x2  }
0x1c4: {  	v20 =	vadd.s32 s30, v0  }
0x1c5: {  	[tilespmem:v17+s14+$0x0] =	vst.idx.msk $0xffff, v16;
	v17 =	vand.u32 $0x3F, v20  }
0x1c6: {  	v18 =	vor.u32 v15, v18;
	v16 =	vld.idx.msk [tilespmem:v19+s13+$0x0], $0xffff;
	v19 =	vshll.u32 v17, $0x7  }
0x1c7: {  	v20 =	vor.u32 v0, v19;
	_ =	sdelay $0x3  }
0x1c8: {  	[tilespmem:v18+s14+$0x0] =	vst.idx.msk $0xffff, v16  }
0x1c9: {  	v18 =	vor.u32 v1, v17;
	v16 =	vld.idx.msk [tilespmem:v20+s13+$0x0], $0xffff  }
0x1ca: {  	v20 =	vor.u32 v2, v19;
	_ =	sdelay $0x3  }
0x1cb: {  	[tilespmem:v18+s14+$0x0] =	vst.idx.msk $0xffff, v16  }
0x1cc: {  	v18 =	vor.u32 v3, v17;
	v16 =	vld.idx.msk [tilespmem:v20+s13+$0x0], $0xffff  }
0x1cd: {  	v20 =	vor.u32 v4, v19;
	_ =	sdelay $0x3  }
0x1ce: {  	[tilespmem:v18+s14+$0x0] =	vst.idx.msk $0xffff, v16  }
0x1cf: {  	v18 =	vor.u32 v5, v17;
	v16 =	vld.idx.msk [tilespmem:v20+s13+$0x0], $0xffff  }
0x1d0: {  	v20 =	vor.u32 v6, v19;
	_ =	sdelay $0x3  }
0x1d1: {  	[tilespmem:v18+s14+$0x0] =	vst.idx.msk $0xffff, v16  }
0x1d2: {  	v18 =	vor.u32 v7, v17;
	v16 =	vld.idx.msk [tilespmem:v20+s13+$0x0], $0xffff  }
0x1d3: {  	v20 =	vor.u32 v8, v19;
	_ =	sdelay $0x3  }
0x1d4: {  	[tilespmem:v18+s14+$0x0] =	vst.idx.msk $0xffff, v16  }
0x1d5: {  	v18 =	vor.u32 v9, v17;
	v16 =	vld.idx.msk [tilespmem:v20+s13+$0x0], $0xffff  }
0x1d6: {  	v20 =	vor.u32 v10, v19;
	_ =	sdelay $0x3  }
0x1d7: {  	[tilespmem:v18+s14+$0x0] =	vst.idx.msk $0xffff, v16  }
0x1d8: {  	v18 =	vor.u32 v11, v17;
	v16 =	vld.idx.msk [tilespmem:v20+s13+$0x0], $0xffff  }
0x1d9: {  	v20 =	vor.u32 v12, v19;
	_ =	sdelay $0x3  }
0x1da: {  	[tilespmem:v18+s14+$0x0] =	vst.idx.msk $0xffff, v16  }
0x1db: {  	v18 =	vor.u32 v13, v17;
	v16 =	vld.idx.msk [tilespmem:v20+s13+$0x0], $0xffff  }
0x1dc: {  	v19 =	vor.u32 v14, v19;
	_ =	sdelay $0x1  }
0x1dd: {  	s31 =	simm.s32 $0x3  }
0x1de: {  	v20 =	vadd.s32 s31, v0  }
0x1df: {  	[tilespmem:v18+s14+$0x0] =	vst.idx.msk $0xffff, v16;
	v16 =	vand.u32 $0x3F, v20  }
0x1e0: {  	v17 =	vor.u32 v15, v17;
	v18 =	vld.idx.msk [tilespmem:v19+s13+$0x0], $0xffff;
	v19 =	vshll.u32 v16, $0x7  }
0x1e1: {  	v20 =	vor.u32 v0, v19;
	_ =	sdelay $0x3  }
0x1e2: {  	[tilespmem:v17+s14+$0x0] =	vst.idx.msk $0xffff, v18  }
0x1e3: {  	v18 =	vor.u32 v1, v16;
	v17 =	vld.idx.msk [tilespmem:v20+s13+$0x0], $0xffff  }
0x1e4: {  	v20 =	vor.u32 v2, v19;
	_ =	sdelay $0x3  }
0x1e5: {  	[tilespmem:v18+s14+$0x0] =	vst.idx.msk $0xffff, v17  }
0x1e6: {  	v18 =	vor.u32 v3, v16;
	v17 =	vld.idx.msk [tilespmem:v20+s13+$0x0], $0xffff  }
0x1e7: {  	v20 =	vor.u32 v4, v19;
	_ =	sdelay $0x3  }
0x1e8: {  	[tilespmem:v18+s14+$0x0] =	vst.idx.msk $0xffff, v17  }
0x1e9: {  	v18 =	vor.u32 v5, v16;
	v17 =	vld.idx.msk [tilespmem:v20+s13+$0x0], $0xffff  }
0x1ea: {  	v20 =	vor.u32 v6, v19;
	_ =	sdelay $0x3  }
0x1eb: {  	[tilespmem:v18+s14+$0x0] =	vst.idx.msk $0xffff, v17  }
0x1ec: {  	v18 =	vor.u32 v7, v16;
	v17 =	vld.idx.msk [tilespmem:v20+s13+$0x0], $0xffff  }
0x1ed: {  	v20 =	vor.u32 v8, v19;
	_ =	sdelay $0x3  }
0x1ee: {  	[tilespmem:v18+s14+$0x0] =	vst.idx.msk $0xffff, v17  }
0x1ef: {  	v18 =	vor.u32 v9, v16;
	v17 =	vld.idx.msk [tilespmem:v20+s13+$0x0], $0xffff  }
0x1f0: {  	v20 =	vor.u32 v10, v19;
	_ =	sdelay $0x3  }
0x1f1: {  	[tilespmem:v18+s14+$0x0] =	vst.idx.msk $0xffff, v17  }
0x1f2: {  	v18 =	vor.u32 v11, v16;
	v17 =	vld.idx.msk [tilespmem:v20+s13+$0x0], $0xffff  }
0x1f3: {  	v20 =	vor.u32 v12, v19;
	_ =	sdelay $0x3  }
0x1f4: {  	[tilespmem:v18+s14+$0x0] =	vst.idx.msk $0xffff, v17  }
0x1f5: {  	v21 =	vor.u32 v13, v16;
	v20 =	vld.idx.msk [tilespmem:v20+s13+$0x0], $0xffff  }
0x1f6: {  	v17 =	vor.u32 v14, v19;
	_ =	sdelay $0x2  }
0x1f7: {  	s18 =	simm.s32 $0x4  }
0x1f8: {  	s19 =	simm.s32 $0x8;
	v18 =	vadd.s32 s18, v0;
	[tilespmem:v21+s14+$0x0] =	vst.idx.msk $0xffff, v20  }
.LBB2_8:
0x1f9: {  	p2 =	slt.u32 s19, $0x3C;
	v18 =	vand.u32 $0x3F, v18;
	v17 =	vld.idx.msk [tilespmem:v17+s13+$0x0], $0xffff  }
0x1fa: {  	v16 =	vor.u32 v15, v16;
	v19 =	vshll.u32 v18, $0x7  }
0x1fb: {  	v20 =	vor.u32 v0, v19;
	_ =	sdelay $0x3  }
0x1fc: {  	[tilespmem:v16+s14+$0x0] =	vst.idx.msk $0xffff, v17  }
0x1fd: {  	v16 =	vld.idx.msk [tilespmem:v20+s13+$0x0], $0xffff  }
0x1fe: {  	v17 =	vor.u32 v1, v18  }
0x1ff: {  	v20 =	vor.u32 v2, v19;
	_ =	sdelay $0x3  }
0x200: {  	[tilespmem:v17+s14+$0x0] =	vst.idx.msk $0xffff, v16  }
0x201: {  	v16 =	vld.idx.msk [tilespmem:v20+s13+$0x0], $0xffff  }
0x202: {  	v17 =	vor.u32 v3, v18  }
0x203: {  	v20 =	vor.u32 v4, v19;
	_ =	sdelay $0x3  }
0x204: {  	[tilespmem:v17+s14+$0x0] =	vst.idx.msk $0xffff, v16  }
0x205: {  	v16 =	vld.idx.msk [tilespmem:v20+s13+$0x0], $0xffff  }
0x206: {  	v17 =	vor.u32 v5, v18  }
0x207: {  	v20 =	vor.u32 v6, v19;
	_ =	sdelay $0x3  }
0x208: {  	[tilespmem:v17+s14+$0x0] =	vst.idx.msk $0xffff, v16  }
0x209: {  	v16 =	vld.idx.msk [tilespmem:v20+s13+$0x0], $0xffff  }
0x20a: {  	v17 =	vor.u32 v7, v18  }
0x20b: {  	v20 =	vor.u32 v8, v19;
	_ =	sdelay $0x3  }
0x20c: {  	[tilespmem:v17+s14+$0x0] =	vst.idx.msk $0xffff, v16  }
0x20d: {  	v16 =	vld.idx.msk [tilespmem:v20+s13+$0x0], $0xffff  }
0x20e: {  	v17 =	vor.u32 v9, v18  }
0x20f: {  	v20 =	vor.u32 v10, v19;
	_ =	sdelay $0x3  }
0x210: {  	[tilespmem:v17+s14+$0x0] =	vst.idx.msk $0xffff, v16  }
0x211: {  	v16 =	vld.idx.msk [tilespmem:v20+s13+$0x0], $0xffff  }
0x212: {  	v17 =	vor.u32 v11, v18  }
0x213: {  	v20 =	vor.u32 v12, v19;
	_ =	sdelay $0x3  }
0x214: {  	[tilespmem:v17+s14+$0x0] =	vst.idx.msk $0xffff, v16  }
0x215: {  	v16 =	vld.idx.msk [tilespmem:v20+s13+$0x0], $0xffff  }
0x216: {  	v17 =	vor.u32 v13, v18  }
0x217: {  	v19 =	vor.u32 v14, v19;
	_ =	sdelay $0x2  }
0x218: {  	s20 =	sadd.s32 $0x1, s18  }
0x219: {  	[tilespmem:v17+s14+$0x0] =	vst.idx.msk $0xffff, v16;
	v16 =	vadd.s32 s20, v0  }
0x21a: {  	v17 =	vld.idx.msk [tilespmem:v19+s13+$0x0], $0xffff;
	v16 =	vand.u32 $0x3F, v16  }
0x21b: {  	v18 =	vor.u32 v15, v18;
	v19 =	vshll.u32 v16, $0x7  }
0x21c: {  	v20 =	vor.u32 v0, v19;
	_ =	sdelay $0x3  }
0x21d: {  	[tilespmem:v18+s14+$0x0] =	vst.idx.msk $0xffff, v17  }
0x21e: {  	v17 =	vld.idx.msk [tilespmem:v20+s13+$0x0], $0xffff  }
0x21f: {  	v18 =	vor.u32 v1, v16  }
0x220: {  	v20 =	vor.u32 v2, v19;
	_ =	sdelay $0x3  }
0x221: {  	[tilespmem:v18+s14+$0x0] =	vst.idx.msk $0xffff, v17  }
0x222: {  	v17 =	vld.idx.msk [tilespmem:v20+s13+$0x0], $0xffff  }
0x223: {  	v18 =	vor.u32 v3, v16  }
0x224: {  	v20 =	vor.u32 v4, v19;
	_ =	sdelay $0x3  }
0x225: {  	[tilespmem:v18+s14+$0x0] =	vst.idx.msk $0xffff, v17  }
0x226: {  	v17 =	vld.idx.msk [tilespmem:v20+s13+$0x0], $0xffff  }
0x227: {  	v18 =	vor.u32 v5, v16  }
0x228: {  	v20 =	vor.u32 v6, v19;
	_ =	sdelay $0x3  }
0x229: {  	[tilespmem:v18+s14+$0x0] =	vst.idx.msk $0xffff, v17  }
0x22a: {  	v17 =	vld.idx.msk [tilespmem:v20+s13+$0x0], $0xffff  }
0x22b: {  	v18 =	vor.u32 v7, v16  }
0x22c: {  	v20 =	vor.u32 v8, v19;
	_ =	sdelay $0x3  }
0x22d: {  	[tilespmem:v18+s14+$0x0] =	vst.idx.msk $0xffff, v17  }
0x22e: {  	v17 =	vld.idx.msk [tilespmem:v20+s13+$0x0], $0xffff  }
0x22f: {  	v18 =	vor.u32 v9, v16  }
0x230: {  	v20 =	vor.u32 v10, v19;
	_ =	sdelay $0x3  }
0x231: {  	[tilespmem:v18+s14+$0x0] =	vst.idx.msk $0xffff, v17  }
0x232: {  	v17 =	vld.idx.msk [tilespmem:v20+s13+$0x0], $0xffff  }
0x233: {  	v18 =	vor.u32 v11, v16  }
0x234: {  	v20 =	vor.u32 v12, v19;
	_ =	sdelay $0x3  }
0x235: {  	[tilespmem:v18+s14+$0x0] =	vst.idx.msk $0xffff, v17  }
0x236: {  	v17 =	vld.idx.msk [tilespmem:v20+s13+$0x0], $0xffff  }
0x237: {  	v18 =	vor.u32 v13, v16  }
0x238: {  	v19 =	vor.u32 v14, v19;
	_ =	sdelay $0x2  }
0x239: {  	s20 =	sadd.s32 $0x2, s18  }
0x23a: {  	[tilespmem:v18+s14+$0x0] =	vst.idx.msk $0xffff, v17;
	v17 =	vadd.s32 s20, v0  }
0x23b: {  	v18 =	vld.idx.msk [tilespmem:v19+s13+$0x0], $0xffff;
	v17 =	vand.u32 $0x3F, v17  }
0x23c: {  	v16 =	vor.u32 v15, v16;
	v19 =	vshll.u32 v17, $0x7  }
0x23d: {  	v20 =	vor.u32 v0, v19;
	_ =	sdelay $0x3  }
0x23e: {  	[tilespmem:v16+s14+$0x0] =	vst.idx.msk $0xffff, v18  }
0x23f: {  	v16 =	vld.idx.msk [tilespmem:v20+s13+$0x0], $0xffff  }
0x240: {  	v18 =	vor.u32 v1, v17  }
0x241: {  	v20 =	vor.u32 v2, v19;
	_ =	sdelay $0x3  }
0x242: {  	[tilespmem:v18+s14+$0x0] =	vst.idx.msk $0xffff, v16  }
0x243: {  	v16 =	vld.idx.msk [tilespmem:v20+s13+$0x0], $0xffff  }
0x244: {  	v18 =	vor.u32 v3, v17  }
0x245: {  	v20 =	vor.u32 v4, v19;
	_ =	sdelay $0x3  }
0x246: {  	[tilespmem:v18+s14+$0x0] =	vst.idx.msk $0xffff, v16  }
0x247: {  	v16 =	vld.idx.msk [tilespmem:v20+s13+$0x0], $0xffff  }
0x248: {  	v18 =	vor.u32 v5, v17  }
0x249: {  	v20 =	vor.u32 v6, v19;
	_ =	sdelay $0x3  }
0x24a: {  	[tilespmem:v18+s14+$0x0] =	vst.idx.msk $0xffff, v16  }
0x24b: {  	v16 =	vld.idx.msk [tilespmem:v20+s13+$0x0], $0xffff  }
0x24c: {  	v18 =	vor.u32 v7, v17  }
0x24d: {  	v20 =	vor.u32 v8, v19;
	_ =	sdelay $0x3  }
0x24e: {  	[tilespmem:v18+s14+$0x0] =	vst.idx.msk $0xffff, v16  }
0x24f: {  	v16 =	vld.idx.msk [tilespmem:v20+s13+$0x0], $0xffff  }
0x250: {  	v18 =	vor.u32 v9, v17  }
0x251: {  	v20 =	vor.u32 v10, v19;
	_ =	sdelay $0x3  }
0x252: {  	[tilespmem:v18+s14+$0x0] =	vst.idx.msk $0xffff, v16  }
0x253: {  	v16 =	vld.idx.msk [tilespmem:v20+s13+$0x0], $0xffff  }
0x254: {  	v18 =	vor.u32 v11, v17  }
0x255: {  	v20 =	vor.u32 v12, v19;
	_ =	sdelay $0x3  }
0x256: {  	[tilespmem:v18+s14+$0x0] =	vst.idx.msk $0xffff, v16  }
0x257: {  	v16 =	vld.idx.msk [tilespmem:v20+s13+$0x0], $0xffff  }
0x258: {  	v18 =	vor.u32 v13, v17  }
0x259: {  	v19 =	vor.u32 v14, v19;
	_ =	sdelay $0x2  }
0x25a: {  	s20 =	sadd.s32 $0x3, s18;
	s18 =	smov.u32 s19  }
0x25b: {  	[tilespmem:v18+s14+$0x0] =	vst.idx.msk $0xffff, v16;
	v16 =	vadd.s32 s20, v0  }
0x25c: {  	v18 =	vld.idx.msk [tilespmem:v19+s13+$0x0], $0xffff;
	v16 =	vand.u32 $0x3F, v16  }
0x25d: {  	v17 =	vor.u32 v15, v17;
	v19 =	vshll.u32 v16, $0x7  }
0x25e: {  	v20 =	vor.u32 v0, v19;
	_ =	sdelay $0x3  }
0x25f: {  	[tilespmem:v17+s14+$0x0] =	vst.idx.msk $0xffff, v18  }
0x260: {  	v17 =	vld.idx.msk [tilespmem:v20+s13+$0x0], $0xffff  }
0x261: {  	v18 =	vor.u32 v1, v16  }
0x262: {  	v20 =	vor.u32 v2, v19;
	_ =	sdelay $0x3  }
0x263: {  	[tilespmem:v18+s14+$0x0] =	vst.idx.msk $0xffff, v17  }
0x264: {  	v17 =	vld.idx.msk [tilespmem:v20+s13+$0x0], $0xffff  }
0x265: {  	v18 =	vor.u32 v3, v16  }
0x266: {  	v20 =	vor.u32 v4, v19;
	_ =	sdelay $0x3  }
0x267: {  	[tilespmem:v18+s14+$0x0] =	vst.idx.msk $0xffff, v17  }
0x268: {  	v17 =	vld.idx.msk [tilespmem:v20+s13+$0x0], $0xffff  }
0x269: {  	v18 =	vor.u32 v5, v16  }
0x26a: {  	v20 =	vor.u32 v6, v19;
	_ =	sdelay $0x3  }
0x26b: {  	[tilespmem:v18+s14+$0x0] =	vst.idx.msk $0xffff, v17  }
0x26c: {  	v17 =	vld.idx.msk [tilespmem:v20+s13+$0x0], $0xffff  }
0x26d: {  	v18 =	vor.u32 v7, v16  }
0x26e: {  	v20 =	vor.u32 v8, v19;
	_ =	sdelay $0x3  }
0x26f: {  	[tilespmem:v18+s14+$0x0] =	vst.idx.msk $0xffff, v17  }
0x270: {  	v17 =	vld.idx.msk [tilespmem:v20+s13+$0x0], $0xffff  }
0x271: {  	v18 =	vor.u32 v9, v16  }
0x272: {  	v20 =	vor.u32 v10, v19;
	_ =	sdelay $0x3  }
0x273: {  	[tilespmem:v18+s14+$0x0] =	vst.idx.msk $0xffff, v17  }
0x274: {  	v17 =	vld.idx.msk [tilespmem:v20+s13+$0x0], $0xffff  }
0x275: {  	v18 =	vor.u32 v11, v16  }
0x276: {  	v20 =	vor.u32 v12, v19;
	_ =	sdelay $0x3  }
0x277: {  	[tilespmem:v18+s14+$0x0] =	vst.idx.msk $0xffff, v17  }
0x278: {  	v20 =	vld.idx.msk [tilespmem:v20+s13+$0x0], $0xffff  }
0x279: {  	v21 =	vor.u32 v13, v16  }
.Ltmp7:
0x27a: {  	v17 =	vor.u32 v14, v19;
	(pc) =	sbr.rel @p2 .LBB2_8-.Ltmp7, $2  }
0x27b: {  	_ =	sdelay $0x2  }
0x27c: {  	s19 =	sadd.s32 $0x4, s19;
	v18 =	vadd.s32 s18, v0;
	[tilespmem:v21+s14+$0x0] =	vst.idx.msk $0xffff, v20  }
0x27d: {  	_ =	sdelay $0x2  }
0x27e: {  	v18 =	vand.u32 $0x3F, v18  }
0x27f: {  	v17 =	vld.idx.msk [tilespmem:v17+s13+$0x0], $0xffff;
	v16 =	vor.u32 v15, v16;
	v19 =	vshll.u32 v18, $0x7  }
0x280: {  	v20 =	vor.u32 v0, v19;
	_ =	sdelay $0x3  }
0x281: {  	[tilespmem:v16+s14+$0x0] =	vst.idx.msk $0xffff, v17  }
0x282: {  	v17 =	vor.u32 v1, v18;
	v16 =	vld.idx.msk [tilespmem:v20+s13+$0x0], $0xffff  }
0x283: {  	v50 =	vor.u32 v2, v19;
	_ =	sdelay $0x3  }
0x284: {  	[tilespmem:v17+s14+$0x0] =	vst.idx.msk $0xffff, v16  }
0x285: {  	v17 =	vor.u32 v3, v18;
	v16 =	vld.idx.msk [tilespmem:v50+s13+$0x0], $0xffff  }
0x286: {  	v51 =	vor.u32 v4, v19;
	_ =	sdelay $0x3  }
0x287: {  	[tilespmem:v17+s14+$0x0] =	vst.idx.msk $0xffff, v16  }
0x288: {  	v17 =	vor.u32 v5, v18;
	v16 =	vld.idx.msk [tilespmem:v51+s13+$0x0], $0xffff  }
0x289: {  	v52 =	vor.u32 v6, v19;
	_ =	sdelay $0x3  }
0x28a: {  	[tilespmem:v17+s14+$0x0] =	vst.idx.msk $0xffff, v16  }
0x28b: {  	v17 =	vor.u32 v7, v18;
	v16 =	vld.idx.msk [tilespmem:v52+s13+$0x0], $0xffff  }
0x28c: {  	v53 =	vor.u32 v8, v19;
	_ =	sdelay $0x3  }
0x28d: {  	[tilespmem:v17+s14+$0x0] =	vst.idx.msk $0xffff, v16  }
0x28e: {  	v17 =	vor.u32 v9, v18;
	v16 =	vld.idx.msk [tilespmem:v53+s13+$0x0], $0xffff  }
0x28f: {  	v54 =	vor.u32 v10, v19;
	_ =	sdelay $0x3  }
0x290: {  	[tilespmem:v17+s14+$0x0] =	vst.idx.msk $0xffff, v16  }
0x291: {  	v17 =	vor.u32 v11, v18;
	v16 =	vld.idx.msk [tilespmem:v54+s13+$0x0], $0xffff  }
0x292: {  	v55 =	vor.u32 v12, v19;
	_ =	sdelay $0x3  }
0x293: {  	[tilespmem:v17+s14+$0x0] =	vst.idx.msk $0xffff, v16  }
0x294: {  	v17 =	vor.u32 v13, v18;
	v16 =	vld.idx.msk [tilespmem:v55+s13+$0x0], $0xffff  }
0x295: {  	v19 =	vor.u32 v14, v19;
	_ =	sdelay $0x1  }
0x296: {  	s19 =	sadd.s32 $0x1, s18  }
0x297: {  	v56 =	vadd.s32 s19, v0  }
0x298: {  	[tilespmem:v17+s14+$0x0] =	vst.idx.msk $0xffff, v16;
	v16 =	vand.u32 $0x3F, v56  }
0x299: {  	v18 =	vor.u32 v15, v18;
	v17 =	vld.idx.msk [tilespmem:v19+s13+$0x0], $0xffff;
	v57 =	vshll.u32 v16, $0x7  }
0x29a: {  	v58 =	vor.u32 v0, v57;
	_ =	sdelay $0x3  }
0x29b: {  	[tilespmem:v18+s14+$0x0] =	vst.idx.msk $0xffff, v17  }
0x29c: {  	v59 =	vor.u32 v1, v16;
	v17 =	vld.idx.msk [tilespmem:v58+s13+$0x0], $0xffff  }
0x29d: {  	v60 =	vor.u32 v2, v57;
	_ =	sdelay $0x3  }
0x29e: {  	[tilespmem:v59+s14+$0x0] =	vst.idx.msk $0xffff, v17  }
0x29f: {  	v61 =	vor.u32 v3, v16;
	v17 =	vld.idx.msk [tilespmem:v60+s13+$0x0], $0xffff  }
0x2a0: {  	v62 =	vor.u32 v4, v57;
	_ =	sdelay $0x3  }
0x2a1: {  	[tilespmem:v61+s14+$0x0] =	vst.idx.msk $0xffff, v17  }
0x2a2: {  	v63 =	vor.u32 v5, v16;
	v17 =	vld.idx.msk [tilespmem:v62+s13+$0x0], $0xffff  }
0x2a3: {  	v24 =	vor.u32 v6, v57;
	_ =	sdelay $0x3  }
0x2a4: {  	[tilespmem:v63+s14+$0x0] =	vst.idx.msk $0xffff, v17  }
0x2a5: {  	v25 =	vor.u32 v7, v16;
	v17 =	vld.idx.msk [tilespmem:v24+s13+$0x0], $0xffff  }
0x2a6: {  	v26 =	vor.u32 v8, v57;
	_ =	sdelay $0x3  }
0x2a7: {  	[tilespmem:v25+s14+$0x0] =	vst.idx.msk $0xffff, v17  }
0x2a8: {  	v27 =	vor.u32 v9, v16;
	v17 =	vld.idx.msk [tilespmem:v26+s13+$0x0], $0xffff  }
0x2a9: {  	v28 =	vor.u32 v10, v57;
	_ =	sdelay $0x3  }
0x2aa: {  	[tilespmem:v27+s14+$0x0] =	vst.idx.msk $0xffff, v17  }
0x2ab: {  	v29 =	vor.u32 v11, v16;
	v17 =	vld.idx.msk [tilespmem:v28+s13+$0x0], $0xffff  }
0x2ac: {  	v30 =	vor.u32 v12, v57;
	_ =	sdelay $0x3  }
0x2ad: {  	[tilespmem:v29+s14+$0x0] =	vst.idx.msk $0xffff, v17  }
0x2ae: {  	v31 =	vor.u32 v13, v16;
	v17 =	vld.idx.msk [tilespmem:v30+s13+$0x0], $0xffff  }
0x2af: {  	v19 =	vor.u32 v14, v57;
	_ =	sdelay $0x1  }
0x2b0: {  	s30 =	sadd.s32 $0x2, s18  }
0x2b1: {  	v32 =	vadd.s32 s30, v0  }
0x2b2: {  	[tilespmem:v31+s14+$0x0] =	vst.idx.msk $0xffff, v17;
	v17 =	vand.u32 $0x3F, v32  }
0x2b3: {  	v16 =	vor.u32 v15, v16;
	v18 =	vld.idx.msk [tilespmem:v19+s13+$0x0], $0xffff;
	v33 =	vshll.u32 v17, $0x7  }
0x2b4: {  	v34 =	vor.u32 v0, v33;
	_ =	sdelay $0x3  }
0x2b5: {  	[tilespmem:v16+s14+$0x0] =	vst.idx.msk $0xffff, v18  }
0x2b6: {  	v35 =	vor.u32 v1, v17;
	v16 =	vld.idx.msk [tilespmem:v34+s13+$0x0], $0xffff  }
0x2b7: {  	v36 =	vor.u32 v2, v33;
	_ =	sdelay $0x3  }
0x2b8: {  	[tilespmem:v35+s14+$0x0] =	vst.idx.msk $0xffff, v16  }
0x2b9: {  	v37 =	vor.u32 v3, v17;
	v16 =	vld.idx.msk [tilespmem:v36+s13+$0x0], $0xffff  }
0x2ba: {  	v38 =	vor.u32 v4, v33;
	_ =	sdelay $0x3  }
0x2bb: {  	[tilespmem:v37+s14+$0x0] =	vst.idx.msk $0xffff, v16  }
0x2bc: {  	v39 =	vor.u32 v5, v17;
	v16 =	vld.idx.msk [tilespmem:v38+s13+$0x0], $0xffff  }
0x2bd: {  	v40 =	vor.u32 v6, v33;
	_ =	sdelay $0x3  }
0x2be: {  	[tilespmem:v39+s14+$0x0] =	vst.idx.msk $0xffff, v16  }
0x2bf: {  	v41 =	vor.u32 v7, v17;
	v16 =	vld.idx.msk [tilespmem:v40+s13+$0x0], $0xffff  }
0x2c0: {  	v42 =	vor.u32 v8, v33;
	_ =	sdelay $0x3  }
0x2c1: {  	[tilespmem:v41+s14+$0x0] =	vst.idx.msk $0xffff, v16  }
0x2c2: {  	v43 =	vor.u32 v9, v17;
	v16 =	vld.idx.msk [tilespmem:v42+s13+$0x0], $0xffff  }
0x2c3: {  	v44 =	vor.u32 v10, v33;
	_ =	sdelay $0x3  }
0x2c4: {  	[tilespmem:v43+s14+$0x0] =	vst.idx.msk $0xffff, v16  }
0x2c5: {  	v45 =	vor.u32 v11, v17;
	v16 =	vld.idx.msk [tilespmem:v44+s13+$0x0], $0xffff  }
0x2c6: {  	v46 =	vor.u32 v12, v33;
	_ =	sdelay $0x3  }
0x2c7: {  	[tilespmem:v45+s14+$0x0] =	vst.idx.msk $0xffff, v16  }
0x2c8: {  	v47 =	vor.u32 v13, v17;
	v16 =	vld.idx.msk [tilespmem:v46+s13+$0x0], $0xffff  }
0x2c9: {  	v19 =	vor.u32 v14, v33;
	_ =	sdelay $0x1  }
0x2ca: {  	s31 =	sadd.s32 $0x3, s18  }
0x2cb: {  	v48 =	vadd.s32 s31, v0  }
0x2cc: {  	[tilespmem:v47+s14+$0x0] =	vst.idx.msk $0xffff, v16;
	v16 =	vand.u32 $0x3F, v48  }
0x2cd: {  	v17 =	vor.u32 v15, v17;
	v18 =	vld.idx.msk [tilespmem:v19+s13+$0x0], $0xffff;
	v49 =	vshll.u32 v16, $0x7  }
0x2ce: {  	v50 =	vor.u32 v0, v49;
	_ =	sdelay $0x3  }
0x2cf: {  	[tilespmem:v17+s14+$0x0] =	vst.idx.msk $0xffff, v18  }
0x2d0: {  	v51 =	vor.u32 v1, v16;
	v17 =	vld.idx.msk [tilespmem:v50+s13+$0x0], $0xffff  }
0x2d1: {  	v52 =	vor.u32 v2, v49;
	_ =	sdelay $0x3  }
0x2d2: {  	[tilespmem:v51+s14+$0x0] =	vst.idx.msk $0xffff, v17  }
0x2d3: {  	v53 =	vor.u32 v3, v16;
	v17 =	vld.idx.msk [tilespmem:v52+s13+$0x0], $0xffff  }
0x2d4: {  	v54 =	vor.u32 v4, v49;
	_ =	sdelay $0x3  }
0x2d5: {  	[tilespmem:v53+s14+$0x0] =	vst.idx.msk $0xffff, v17  }
0x2d6: {  	v55 =	vor.u32 v5, v16;
	v17 =	vld.idx.msk [tilespmem:v54+s13+$0x0], $0xffff  }
0x2d7: {  	v56 =	vor.u32 v6, v49;
	_ =	sdelay $0x3  }
0x2d8: {  	[tilespmem:v55+s14+$0x0] =	vst.idx.msk $0xffff, v17  }
0x2d9: {  	v57 =	vor.u32 v7, v16;
	v17 =	vld.idx.msk [tilespmem:v56+s13+$0x0], $0xffff  }
0x2da: {  	v58 =	vor.u32 v8, v49;
	_ =	sdelay $0x3  }
0x2db: {  	[tilespmem:v57+s14+$0x0] =	vst.idx.msk $0xffff, v17  }
0x2dc: {  	v59 =	vor.u32 v9, v16;
	v17 =	vld.idx.msk [tilespmem:v58+s13+$0x0], $0xffff  }
0x2dd: {  	v60 =	vor.u32 v10, v49;
	_ =	sdelay $0x3  }
0x2de: {  	[tilespmem:v59+s14+$0x0] =	vst.idx.msk $0xffff, v17  }
0x2df: {  	v61 =	vor.u32 v11, v16;
	v17 =	vld.idx.msk [tilespmem:v60+s13+$0x0], $0xffff  }
0x2e0: {  	v62 =	vor.u32 v12, v49;
	_ =	sdelay $0x3  }
0x2e1: {  	[tilespmem:v61+s14+$0x0] =	vst.idx.msk $0xffff, v17  }
0x2e2: {  	v63 =	vor.u32 v13, v16;
	v17 =	vld.idx.msk [tilespmem:v62+s13+$0x0], $0xffff  }
0x2e3: {  	v19 =	vor.u32 v14, v49;
	_ =	sdelay $0x3  }
0x2e4: {  	[tilespmem:v63+s14+$0x0] =	vst.idx.msk $0xffff, v17  }
0x2e5: {  	v16 =	vor.u32 v15, v16;
	v17 =	vld.idx.msk [tilespmem:v19+s13+$0x0], $0xffff;
	_ =	sdelay $0x3  }
0x2e6: {  	p2 =	seq.s32 s17, $0x30D  }
0x2e7: {  	s18 =	simm.s32 @p2 $0x0;
	s19 =	simm.s32 @p2 $0x6000;
	[tilespmem:v16+s14+$0x0] =	vst.idx.msk $0xffff, v17  }
0x2e8: {  	[hbm4b:s8+s18] =	stream.linear.scatter @p2 [tilespmem:s19], [sflag:$0x5], $0x800, $0x38;
	[tilespmem:$0x8000] =	vst v63  }
.Ltmp8:
0x2e9: {  	s18 =	simm.s32 @p2 $0x5;
	(pc) =	sbr.rel .LBB2_10-.Ltmp8, $4  }
0x2ea: {  	s17 =	sshll.u32 @!p2 s17, $0xA;
	_ =	swait.ge @p2 [sflag:s18], $0x800  }
0x2eb: {  	s17 =	sadd.s32 @!p2 s3, s17;
	[sflag:s18] =	ssyncset.done @p2 $0x0  }
0x2ec: {  	s19 =	simm.s32 @!p2 $0x6000;
	[sflag:s18] =	ssyncadd.s32 @p2 $0xFFFFF800;
	s18 =	simm.s32 @!p2 $0x0  }
0x2ed: {  	[hbm4b:s17+s18] =	stream.linear.scatter @!p2 [tilespmem:s19], [sflag:$0x4], $0x2000, $0x38;
	[tilespmem:$0x8000] =	vst v63  }
.LBB2_12:
0x2ee: {  	_ =	sfence.sel $0x180000  }
0x2ef: {  	[bflag:$0x0] =	sbarrier.arrive $0xFFFF  }
0x2f0: {  	p0 =	sne.s32 s0, $0x0;
	_ =	strace $0x90000047  }
0x2f1: {  	s0 =	sadd.s32 @!p0 $0x100000, s1;
	[bflag:$0x2] =	sbarrier.arrive $0xFFFF  }
0x2f2: {  	[sflag:s0] =	ssyncadd.tile.s32 @!p0 $0x1;
	_ =	shalt  }
.Lfunc_end2:
_tile_overlayer_lowered:
.L_overlay_start_2:
0x2f3: {  	(tag) =	ssettag $0x2  }
0x2f4: {  	s0 =	rddreg [dreg:$0x0];
	s2 =	stileid.u32  }
0x2f5: {  	s1 =	rddreg [dreg:$0x1];
	p0 =	sne.s32 s2, $0x0  }
0x2f6: {  	s3 =	rddreg [dreg:$0x2];
	[bflag:$0x3] =	sbarrier.arrive $0xFFFF;
	s2 =	simm.s32 @!p0 $0x1C05  }
0x2f7: {  	[timem:s3], [sflag:s2] =	dma.local @!p0 [hbm:s0], s1  }
0x2f8: {  	s0 =	simm.s32 @!p0 $0x5  }
0x2f9: {  	_ =	swait.ge @!p0 [sflag:s0], s1  }
0x2fa: {  	s1 =	ssub.s32 @!p0 $0x0, s1;
	[sflag:s0] =	ssyncset.done @!p0 $0x0  }
0x2fb: {  	[sflag:s0] =	ssyncadd.s32 @!p0 s1  }
0x2fc: {  	[bflag:$0x3] =	sbarrier.arrive $0xFFFF  }
0x2fd: {  	_ =	shalt  }

// kernel: kernel.8.cloned.1.call-start
scs
__scs_entry_jumppad:
0x0: {  	(pc) =	sbr.rel $0x88, $3  }
0x1: {  	(tag) =	ssettag $0x0;
	lr =	simm.s32 $0x1  }
0x2: {  	[smem:$0x3F9E] =	sst lr;
	_ =	strace $0xD0000000  }
0x3: {  	_ = 	snop  }
0x4: {  	_ = 	snop  }
0x5: {  	_ = 	snop  }
0x6: {  	_ = 	snop  }
0x7: {  	_ = 	snop  }
__scs_overlays_trampoline_lowered:
0x8: {  	[smem:$0x3FAD] =	sst s0  }
0x9: {  	[smem:$0x3FAE] =	sst s1  }
0xa: {  	[smem:$0x3FAF] =	sst s2  }
0xb: {  	[smem:$0x3FB0] =	sst s3  }
0xc: {  	[smem:$0x3FB1] =	sst s4  }
0xd: {  	[smem:$0x3FB2] =	sst s5  }
0xe: {  	[smem:$0x3FB3] =	sst s6  }
0xf: {  	[smem:$0x3FB4] =	sst s7  }
0x10: {  	[smem:$0x3FB5] =	sst s8  }
0x11: {  	[smem:$0x3FB6] =	sst s9;
	s0 =	simm.s32 @!p0 $0x0  }
0x12: {  	s1 =	sld [smem:$0x3F9C];
	s0 =	simm.s32 @p0 $0x1  }
0x13: {  	[smem:$0x3FB7] =	sst s0;
	s0 =	simm.s32 @!p1 $0x0  }
0x14: {  	s2 =	sld [smem:$0x3F9B];
	s0 =	simm.s32 @p1 $0x1  }
0x15: {  	[smem:$0x3FB8] =	sst s0;
	s0 =	simm.s32 @!p2 $0x0  }
0x16: {  	s3 =	sld [smem:$0x3FDB];
	s0 =	simm.s32 @p2 $0x1  }
0x17: {  	s4 =	simm.s32 $0x1BF5;
	[smem:$0x3FBA] =	sst s0  }
0x18: {  	s0 =	sld [smem:$0x3F9D];
	_ =	swait.ge [sflag:s4], $0x0  }
0x19: {  	s7 =	sld [smem:$0x3F9E]  }
0x1a: {  	s8 =	sadd.s32 $0xFFFFE003, lr  }
0x1b: {  	s9 =	sadd.s32 $0xFFFFFEF7, lr;
	s5 =	simm.s32 $0xFFFFFFFF;
	p2 =	slt.u32 s8, $0xFFFFF086  }
0x1c: {  	p1 =	slt.u32 s9, $0xF7A;
	s5 =	simm.s32 @!p2 $0x0  }
0x1d: {  	s5 =	simm.s32 @p1 $0x1;
	p0 =	seq.s32 s7, s2  }
0x1e: {  	s7 =	smul.u32 @!p0 $0xF7A, s2;
	p2 =	seq.s32 @!p0 s5, $0x0  }
0x1f: {  	s9 =	smul.u32 $0xF7A, s1;
	s8 =	simm.s32 @!p0 $0x1BF5;
	p2 =	por !p2, p0  }
0x20: {  	[sflag:s8] =	ssyncset.s32 @!p0 $0xFFFFF086;
	s6 =	sadd.s32 @!p0 s3, s7;
	s7 =	simm.s32 @!p0 $0x108  }
0x21: {  	s3 =	sadd.s32 s3, s9;
	s6 =	sadd.s32 @!p0 $0x88, s6;
	s7 =	simm.s32 @p2 $0x1082  }
0x22: {  	[simem:s7], [sflag:s8] =	dma.local @!p0 [hbm:s6], $0xF7A  }
0x23: {  	s9 =	sor.u32 $0xD0000000, s2;
	s6 =	simm.s32 $0x108;
	_ =	swait.ge @!p0 [sflag:s8], $0x0  }
0x24: {  	s3 =	sadd.s32 $0x88, s3;
	s6 =	simm.s32 @!p1 $0x1082;
	[sflag:s4] =	ssyncset.s32 $0xFFFFF086  }
0x25: {  	[simem:s6], [sflag:s4] =	dma.local [hbm:s3], $0xF7A  }
0x26: {  	[smem:$0x3F9E] =	sst s1;
	(tag) =	ssettag s2;
	_ =	strace s9  }
0x27: {  	s1 =	sld [smem:$0x3FAE]  }
0x28: {  	s2 =	sld [smem:$0x3FAF]  }
0x29: {  	s4 =	sld [smem:$0x3FB1]  }
0x2a: {  	p0 =	seq.s32 s5, $0x0;
	s5 =	sld [smem:$0x3FB2]  }
0x2b: {  	s6 =	sld [smem:$0x3FB3]  }
0x2c: {  	s7 =	sld [smem:$0x3FB4]  }
0x2d: {  	s3 =	simm.s32 $0x108;
	s8 =	sld [smem:$0x3FB5]  }
0x2e: {  	s3 =	simm.s32 @!p0 $0x1082;
	s9 =	sld [smem:$0x3FB6]  }
0x2f: {  	lr =	sadd.s32 s0, s3;
	s0 =	sld [smem:$0x3FAD]  }
0x30: {  	s3 =	sld [smem:$0x3FB0]  }
0x31: {  	[smem:$0x3FB9] =	sst s10  }
0x32: {  	s10 =	sld [smem:$0x3FB7];
	_ =	sdelay $0x3  }
0x33: {  	p0 =	seq.s32 s10, $0x1;
	s10 =	sld [smem:$0x3FB9];
	_ =	sdelay $0x3  }
0x34: {  	[smem:$0x3FB9] =	sst s10  }
0x35: {  	s10 =	sld [smem:$0x3FB8];
	_ =	sdelay $0x3  }
0x36: {  	p1 =	seq.s32 s10, $0x1;
	s10 =	sld [smem:$0x3FB9];
	_ =	sdelay $0x3  }
0x37: {  	[smem:$0x3FB9] =	sst s10  }
0x38: {  	s10 =	sld [smem:$0x3FBA]  }
0x39: {  	_ = 	snop;
	(pc) =	sbr.ind lr, $3  }
0x3a: {  	_ = 	snop  }
0x3b: {  	_ = 	snop  }
0x3c: {  	p2 =	seq.s32 s10, $0x1;
	s10 =	sld [smem:$0x3FB9]  }
0x3d: {  	_ =	shalt  }
0x3e: {  	_ =	shalt  }
0x3f: {  	_ =	shalt  }
0x40: {  	_ =	shalt  }
0x41: {  	_ =	shalt  }
0x42: {  	_ =	shalt  }
0x43: {  	_ =	shalt  }
0x44: {  	_ =	shalt  }
0x45: {  	_ =	shalt  }
0x46: {  	_ =	shalt  }
0x47: {  	_ =	shalt  }
0x48: {  	_ =	shalt  }
0x49: {  	_ =	shalt  }
0x4a: {  	_ =	shalt  }
0x4b: {  	_ =	shalt  }
0x4c: {  	_ =	shalt  }
0x4d: {  	_ =	shalt  }
0x4e: {  	_ =	shalt  }
0x4f: {  	_ =	shalt  }
0x50: {  	_ =	shalt  }
0x51: {  	_ =	shalt  }
0x52: {  	_ =	shalt  }
0x53: {  	_ =	shalt  }
0x54: {  	_ =	shalt  }
0x55: {  	_ =	shalt  }
0x56: {  	_ =	shalt  }
0x57: {  	_ =	shalt  }
0x58: {  	_ =	shalt  }
0x59: {  	_ =	shalt  }
0x5a: {  	_ =	shalt  }
0x5b: {  	_ =	shalt  }
0x5c: {  	_ =	shalt  }
0x5d: {  	_ =	shalt  }
0x5e: {  	_ =	shalt  }
0x5f: {  	_ =	shalt  }
0x60: {  	_ =	shalt  }
0x61: {  	_ =	shalt  }
0x62: {  	_ =	shalt  }
0x63: {  	_ =	shalt  }
0x64: {  	_ =	shalt  }
0x65: {  	_ =	shalt  }
0x66: {  	_ =	shalt  }
0x67: {  	_ =	shalt  }
0x68: {  	_ =	shalt  }
0x69: {  	_ =	shalt  }
0x6a: {  	_ =	shalt  }
0x6b: {  	_ =	shalt  }
0x6c: {  	_ =	shalt  }
0x6d: {  	_ =	shalt  }
0x6e: {  	_ =	shalt  }
0x6f: {  	_ =	shalt  }
0x70: {  	_ =	shalt  }
0x71: {  	_ =	shalt  }
0x72: {  	_ =	shalt  }
0x73: {  	_ =	shalt  }
0x74: {  	_ =	shalt  }
0x75: {  	_ =	shalt  }
0x76: {  	_ =	shalt  }
0x77: {  	_ =	shalt  }
0x78: {  	_ =	shalt  }
0x79: {  	_ =	shalt  }
0x7a: {  	_ =	shalt  }
0x7b: {  	_ =	shalt  }
0x7c: {  	_ =	shalt  }
0x7d: {  	_ =	shalt  }
0x7e: {  	_ =	shalt  }
0x7f: {  	_ =	shalt  }
0x80: {  	_ =	shalt  }
0x81: {  	_ =	shalt  }
0x82: {  	_ =	shalt  }
0x83: {  	_ =	shalt  }
0x84: {  	_ =	shalt  }
0x85: {  	_ =	shalt  }
0x86: {  	_ =	shalt  }
0x87: {  	_ =	shalt  }
.Lfunc_end0:
.L_simem_size_0:
called_computation.1_lowered:
.L_overlay_start_0:
0x88: {  	s2 =	sld [smem:$0x3FD9]  }
0x89: {  	s3 =	sld [smem:$0x3FFE];
	_ =	sdelay $0x1  }
0x8a: {  	s1 =	srdreg.scid  }
0x8b: {  	s0 =	sand.u32 $0x1, s1  }
0x8c: {  	s17 =	sshll.u32 s0, $0xA;
	s2 =	sadd.s32 s3, s2  }
0x8d: {  	s2 =	sadd.s32 s2, s17  }
0x8e: {  	[smem:$0x3FC5] =	sst s2  }
0x8f: {  	_ = 	snop  }
0x90: {  	s2 =	sld [smem:$0x3FC8]  }
0x91: {  	s18 =	sld [smem:$0x3FD0];
	(tm) =	ssettm $0x1  }
0x92: {  	s4 =	sld [smem:$0x3FFB];
	_ =	sdelay $0x3  }
0x93: {  	_ =	strace s4  }
0x94: {  	s4 =	sld [smem:$0x3FFC];
	_ =	sdelay $0x3  }
0x95: {  	_ =	strace s4  }
0x96: {  	s4 =	sld [smem:$0x3FFD];
	_ =	sdelay $0x3  }
0x97: {  	_ =	strace s4  }
0x98: {  	_ =	strace $0x8FFFFFFF  }
0x99: {  	s19 =	sld [smem:$0x3FDB];
	_ =	sdelay $0x1  }
0x9a: {  	s5 =	simm.s32 $_scs_section_size  }
0x9b: {  	s6 =	simm.s32 $_size__tile_overlayer_lowered;
	s7 =	simm.s32 $_tile_overlayer_lowered  }
0x9c: {  	s22 =	simm.s32 $0x1BFF;
	s21 =	sshll.u32 s7, $0x1;
	s4 =	sadd.s32 s5, s19  }
0x9d: {  	s8 =	simm.s32 $0x0;
	s20 =	sshll.u32 s6, $0x1;
	s6 =	sadd.s32 s21, s4  }
0x9e: {  	[timem:s8], [sflag:s22] =	dma.local [hbm:s6], s20  }
0x9f: {  	_ =	swait.ge [sflag:s22], s20  }
0xa0: {  	s5 =	ssub.s32 $0x0, s20;
	[sflag:s22] =	ssyncset.done $0x0  }
0xa1: {  	[sflag:s22] =	ssyncadd.s32 s5;
	_ =	sdelay $0x1  }
0xa2: {  	s23 =	simm.s32 $0x1B8B  }
0xa3: {  	_ =	swait.ge [sflag:s23], $0x1  }
0xa4: {  	[sflag:s23] =	ssyncset.done $0x0  }
0xa5: {  	s25 =	simm.s32 $0x1B8E;
	s24 =	sld [smem:$0x3FFE];
	[sflag:s23] =	ssyncadd.s32 $0xFFFFFFFF  }
0xa6: {  	s26 =	simm.s32 $execute0_lowered;
	[smem:$0x3FD2] =	sst s25  }
0xa7: {  	s6 =	sshll.u32 s26, $0x1;
	_ =	strace $0x80000049;
	[dreg:$0x1] =	wrdreg $0xFFFFFFFF  }
0xa8: {  	s28 =	simm.s32 $_size_execute0_lowered;
	s4 =	sadd.s32 s4, s6;
	[dreg:$0x0] =	wrdreg $0x0  }
0xa9: {  	s6 =	sshll.u32 s28, $0x1;
	[dreg:$0x2] =	wrdreg s4  }
0xaa: {  	[dreg:$0x3] =	wrdreg s6  }
0xab: {  	[dreg:$0x4] =	wrdreg $0xC0  }
0xac: {  	_ =	task [dreg:s8], $0x5FFFF  }
0xad: {  	[dreg:$0x1] =	wrdreg $0xFFFFFFFF  }
0xae: {  	[dreg:$0x0] =	wrdreg $0x60  }
0xaf: {  	[dreg:$0x2] =	wrdreg s18  }
0xb0: {  	[dreg:$0x3] =	wrdreg s2  }
0xb1: {  	[dreg:$0x4] =	wrdreg s24  }
0xb2: {  	[dreg:$0x5] =	wrdreg $0x9  }
0xb3: {  	_ =	task.clear_ibuf [dreg:s8], $0x6FFFF;
	_ =	strace $0x90000049  }
0xb4: {  	s29 =	simm.s32 $0x9;
	_ =	strace $0x8000004B  }
0xb5: {  	_ =	swait.ge [sflag:s29], $0x1  }
0xb6: {  	[sflag:s29] =	ssyncadd.s32 $0xFFFFFFFF  }
0xb7: {  	_ =	strace $0x9000004B  }
0xb8: {  	_ =	sfence  }
0xb9: {  	s30 =	sld [smem:$0x0];
	_ =	sdelay $0x2  }
0xba: {  	s31 =	sshll.u32 s1, $0xD;
	s1 =	sshrl.u32 s1, $0x2  }
0xbb: {  	s3 =	sand.u32 $0x4000, s31;
	s1 =	sadd.s32 s1, s30  }
0xbc: {  	s0 =	sor.u32 s3, s0;
	s1 =	sshll.u32 s1, $0x11  }
0xbd: {  	s0 =	sor.u32 s1, s0  }
0xbe: {  	s0 =	sadd.s32 $0x8F2B, s0  }
0xbf: {  	[sflag:s0] =	ssyncadd.remote.s32 $0x1  }
0xc0: {  	_ =	sfence.sel $0xFFFF  }
0xc1: {  	[dreg:$0x0] =	wrdreg $0xFFFFFFFF;
	(pc) =	sbr.abs _section_cstart, $3  }
0xc2: {  	[dreg:$0x1] =	wrdreg $0xFFFFFFFF  }
0xc3: {  	_ =	task.clear_ibuf [dreg:s8], $0x2FFFF;
	_ =	strace $0x9FFFFFFF  }
0xc4: {  	(tm) =	ssettm $0x7FFFFFFF  }
0xc5: {  	_ =	shalt  }
tec
execute0_lowered:
.L_overlay_start_1:
0x0: {  	(tag) =	ssettag $0x1  }
0x1: {  	s1 =	rddreg [dreg:$0x0]  }
0x2: {  	s6 =	rddreg [dreg:$0x1]  }
0x3: {  	s4 =	rddreg [dreg:$0x2]  }
0x4: {  	s0 =	rddreg [dreg:$0x3]  }
0x5: {  	s5 =	srdreg.scid;
	s2 =	stileid.u32  }
0x6: {  	v0 =	vlaneseq.u32;
	s3 =	simm.s32 $0x0;
	s10 =	simm.s32 $0x1900;
	s11 =	simm.s32 $0x3900  }
0x7: {  	s12 =	simm.s32 $0x1;
	s13 =	simm.s32 $0x5900;
	s14 =	simm.s32 $0x100;
	v1 =	vmul.u32 $0x40, v0;
	v2 =	vor.u32 $0x80, v0  }
0x8: {  	s15 =	simm.s32 $0x800;
	s16 =	simm.s32 $0x2;
	s17 =	simm.s32 $0x4;
	v4 =	vor.u32 $0x10, v0;
	v5 =	vor.u32 $0x90, v0;
	v7 =	vor.u32 $0x20, v0  }
0x9: {  	s18 =	simm.s32 $0x9900;
	s19 =	simm.s32 $0x3;
	s20 =	simm.s32 $0x0;
	v8 =	vor.u32 $0xA0, v0;
	v10 =	vor.u32 $0x30, v0;
	v11 =	vor.u32 $0xB0, v0  }
0xa: {  	s5 =	sand.u32 $0x1, s5;
	s7 =	sshll.u32 s2, $0x1;
	[smem:$0x7FF] =	sst s3;
	v13 =	vor.u32 $0x40, v0;
	v14 =	vor.u32 $0xC0, v0;
	v16 =	vor.u32 $0x50, v0  }
0xb: {  	s4 =	sadd.s32 $0x800, s4;
	v17 =	vor.u32 $0xD0, v0;
	v19 =	vor.u32 $0x60, v0;
	v20 =	vor.u32 $0xE0, v0;
	s8 =	ssub.s32 $0x2, s5;
	s5 =	sor.u32 s5, s7  }
0xc: {  	v22 =	vor.u32 $0x70, v0;
	v23 =	vor.u32 $0xF0, v0;
	_ =	strace $0x8000004A;
	s31 =	sshrl.u32 s8, $0x1;
	s9 =	smul.u32 $0x320, s5;
	v3 =	vor.u32 $0x400, v1  }
0xd: {  	s5 =	smul.u32 $0x32, s5;
	v6 =	vor.u32 $0x800, v1;
	v9 =	vor.u32 $0xC00, v1;
	v12 =	vor.u32 $0x1000, v1;
	s7 =	ssub.s32 s8, s31;
	s8 =	simm.s32 $0x5  }
0xe: {  	v15 =	vor.u32 $0x1400, v1;
	v18 =	vor.u32 $0x1800, v1;
	v21 =	vor.u32 $0x1C00, v1;
	s6 =	sadd.s32 s6, s9;
	s7 =	smax.u32 s7, $0x1;
	s9 =	simm.s32 $0x80  }
.LBB2_1:
0xf: {  	[tilespmem:s3], [sflag:$0x5] =	stream.linear.gather [hbm4b:s6+s3], $0x1900, $0x38;
	[tilespmem:$0xD900] =	vst v63  }
0x10: {  	_ =	swait.ge [sflag:s8], $0x1900  }
0x11: {  	[sflag:s8] =	ssyncset.done $0x0  }
0x12: {  	s21 =	simm.s32 $0x0;
	[sflag:s8] =	ssyncadd.s32 $0xFFFFE700  }
0x13: {  	[tilespmem:s10], [sflag:$0x1] =	stream.indirect.gather [hbm4b:s1+s9], $0x40, s3, s9, $0xb8;
	[tilespmem:$0xD900] =	vst v63  }
.LBB2_2:
0x14: {  	s22 =	sshllo.u32 s21, $0x1  }
0x15: {  	s23 =	sshll.u32 s22, $0x7  }
0x16: {  	s23 =	sand.u32 $0x3FFFFF80, s23  }
0x17: {  	[tilespmem:s11], [sflag:$0x2] =	stream.indirect.gather [hbm4b:s1+s9], $0x40, s23, s9, $0xb8;
	[tilespmem:$0xD900] =	vst v63  }
0x18: {  	_ =	swait.ge [sflag:s12], $0x2000  }
0x19: {  	p0 =	seq.s32 s21, $0x0;
	[sflag:s12] =	ssyncset.done $0x0  }
0x1a: {  	s24 =	simm.s32 @!p0 $0x3;
	[sflag:s12] =	ssyncadd.s32 $0xFFFFE000  }
0x1b: {  	_ =	swait.ge @!p0 [sflag:s24], $0x4000  }
0x1c: {  	[sflag:s24] =	ssyncset.done @!p0 $0x0  }
0x1d: {  	s23 =	sshll.u32 s21, $0x1;
	[sflag:s24] =	ssyncadd.s32 @!p0 $0xFFFFC000;
	s24 =	simm.s32 $0x0  }
.LBB2_3:
0x1e: {  	v24 =	vadd.s32 s24, v0  }
0x1f: {  	v25 =	vand.u32 $0x3F, v24  }
0x20: {  	v26 =	vor.u32 v1, v25;
	_ =	sdelay $0x4  }
0x21: {  	v24 =	vshll.u32 v24, $0x8;
	v26 =	vld.idx.msk [tilespmem:v26+s10+$0x0], $0xffff  }
0x22: {  	v24 =	vand.u32 $0x3F00, v24  }
0x23: {  	v27 =	vor.u32 v0, v24  }
0x24: {  	v28 =	vor.u32 v2, v24  }
0x25: {  	v29 =	vor.u32 v3, v25  }
0x26: {  	v30 =	vsub.f32 $0.0e+00, v26;
	_ =	sdelay $0x1  }
0x27: {  	[tilespmem:v27+s13+$0x0] =	vst.idx.msk $0xffff, v30  }
0x28: {  	[tilespmem:v28+s13+$0x0] =	vst.idx.msk $0xffff, v26  }
0x29: {  	v26 =	vld.idx.msk [tilespmem:v29+s10+$0x0], $0xffff;
	_ =	sdelay $0x1  }
0x2a: {  	v37 =	vor.u32 v4, v24  }
0x2b: {  	v38 =	vor.u32 v5, v24  }
0x2c: {  	v39 =	vor.u32 v6, v25  }
0x2d: {  	v40 =	vsub.f32 $0.0e+00, v26;
	_ =	sdelay $0x1  }
0x2e: {  	[tilespmem:v37+s13+$0x0] =	vst.idx.msk $0xffff, v40  }
0x2f: {  	[tilespmem:v38+s13+$0x0] =	vst.idx.msk $0xffff, v26  }
0x30: {  	v26 =	vld.idx.msk [tilespmem:v39+s10+$0x0], $0xffff;
	_ =	sdelay $0x1  }
0x31: {  	v41 =	vor.u32 v7, v24  }
0x32: {  	v42 =	vor.u32 v8, v24  }
0x33: {  	v43 =	vor.u32 v9, v25  }
0x34: {  	v44 =	vsub.f32 $0.0e+00, v26;
	_ =	sdelay $0x1  }
0x35: {  	[tilespmem:v41+s13+$0x0] =	vst.idx.msk $0xffff, v44  }
0x36: {  	[tilespmem:v42+s13+$0x0] =	vst.idx.msk $0xffff, v26  }
0x37: {  	v26 =	vld.idx.msk [tilespmem:v43+s10+$0x0], $0xffff;
	_ =	sdelay $0x1  }
0x38: {  	v45 =	vor.u32 v10, v24  }
0x39: {  	v46 =	vor.u32 v11, v24  }
0x3a: {  	v47 =	vor.u32 v12, v25  }
0x3b: {  	v48 =	vsub.f32 $0.0e+00, v26;
	_ =	sdelay $0x1  }
0x3c: {  	[tilespmem:v45+s13+$0x0] =	vst.idx.msk $0xffff, v48  }
0x3d: {  	[tilespmem:v46+s13+$0x0] =	vst.idx.msk $0xffff, v26  }
0x3e: {  	v26 =	vld.idx.msk [tilespmem:v47+s10+$0x0], $0xffff;
	_ =	sdelay $0x1  }
0x3f: {  	v49 =	vor.u32 v13, v24  }
0x40: {  	v50 =	vor.u32 v14, v24  }
0x41: {  	v51 =	vor.u32 v15, v25  }
0x42: {  	v52 =	vsub.f32 $0.0e+00, v26;
	_ =	sdelay $0x1  }
0x43: {  	[tilespmem:v49+s13+$0x0] =	vst.idx.msk $0xffff, v52  }
0x44: {  	[tilespmem:v50+s13+$0x0] =	vst.idx.msk $0xffff, v26  }
0x45: {  	v26 =	vld.idx.msk [tilespmem:v51+s10+$0x0], $0xffff;
	_ =	sdelay $0x1  }
0x46: {  	v53 =	vor.u32 v16, v24  }
0x47: {  	v54 =	vor.u32 v17, v24  }
0x48: {  	v55 =	vor.u32 v18, v25  }
0x49: {  	v56 =	vsub.f32 $0.0e+00, v26;
	_ =	sdelay $0x1  }
0x4a: {  	[tilespmem:v53+s13+$0x0] =	vst.idx.msk $0xffff, v56  }
0x4b: {  	[tilespmem:v54+s13+$0x0] =	vst.idx.msk $0xffff, v26  }
0x4c: {  	v26 =	vld.idx.msk [tilespmem:v55+s10+$0x0], $0xffff;
	_ =	sdelay $0x1  }
0x4d: {  	v57 =	vor.u32 v19, v24  }
0x4e: {  	v58 =	vor.u32 v20, v24  }
0x4f: {  	v25 =	vor.u32 v21, v25  }
0x50: {  	v29 =	vsub.f32 $0.0e+00, v26;
	_ =	sdelay $0x1  }
0x51: {  	[tilespmem:v57+s13+$0x0] =	vst.idx.msk $0xffff, v29  }
0x52: {  	[tilespmem:v58+s13+$0x0] =	vst.idx.msk $0xffff, v26  }
0x53: {  	v25 =	vld.idx.msk [tilespmem:v25+s10+$0x0], $0xffff  }
0x54: {  	s25 =	sadd.s32 $0x1, s24  }
0x55: {  	v60 =	vadd.s32 s25, v0;
	v59 =	vor.u32 v22, v24  }
0x56: {  	v61 =	vand.u32 $0x3F, v60;
	v24 =	vor.u32 v23, v24  }
0x57: {  	v62 =	vor.u32 v1, v61  }
0x58: {  	v63 =	vsub.f32 $0.0e+00, v25;
	_ =	sdelay $0x1  }
0x59: {  	[tilespmem:v59+s13+$0x0] =	vst.idx.msk $0xffff, v63  }
0x5a: {  	[tilespmem:v24+s13+$0x0] =	vst.idx.msk $0xffff, v25  }
0x5b: {  	v33 =	vshll.u32 v60, $0x8;
	v24 =	vld.idx.msk [tilespmem:v62+s10+$0x0], $0xffff  }
0x5c: {  	v25 =	vand.u32 $0x3F00, v33  }
0x5d: {  	v34 =	vor.u32 v0, v25  }
0x5e: {  	v35 =	vor.u32 v2, v25  }
0x5f: {  	v36 =	vor.u32 v3, v61  }
0x60: {  	v37 =	vsub.f32 $0.0e+00, v24;
	_ =	sdelay $0x1  }
0x61: {  	[tilespmem:v34+s13+$0x0] =	vst.idx.msk $0xffff, v37  }
0x62: {  	[tilespmem:v35+s13+$0x0] =	vst.idx.msk $0xffff, v24  }
0x63: {  	v24 =	vld.idx.msk [tilespmem:v36+s10+$0x0], $0xffff;
	_ =	sdelay $0x1  }
0x64: {  	v38 =	vor.u32 v4, v25  }
0x65: {  	v39 =	vor.u32 v5, v25  }
0x66: {  	v40 =	vor.u32 v6, v61  }
0x67: {  	v41 =	vsub.f32 $0.0e+00, v24;
	_ =	sdelay $0x1  }
0x68: {  	[tilespmem:v38+s13+$0x0] =	vst.idx.msk $0xffff, v41  }
0x69: {  	[tilespmem:v39+s13+$0x0] =	vst.idx.msk $0xffff, v24  }
0x6a: {  	v24 =	vld.idx.msk [tilespmem:v40+s10+$0x0], $0xffff;
	_ =	sdelay $0x1  }
0x6b: {  	v42 =	vor.u32 v7, v25  }
0x6c: {  	v43 =	vor.u32 v8, v25  }
0x6d: {  	v44 =	vor.u32 v9, v61  }
0x6e: {  	v45 =	vsub.f32 $0.0e+00, v24;
	_ =	sdelay $0x1  }
0x6f: {  	[tilespmem:v42+s13+$0x0] =	vst.idx.msk $0xffff, v45  }
0x70: {  	[tilespmem:v43+s13+$0x0] =	vst.idx.msk $0xffff, v24  }
0x71: {  	v24 =	vld.idx.msk [tilespmem:v44+s10+$0x0], $0xffff;
	_ =	sdelay $0x1  }
0x72: {  	v46 =	vor.u32 v10, v25  }
0x73: {  	v47 =	vor.u32 v11, v25  }
0x74: {  	v48 =	vor.u32 v12, v61  }
0x75: {  	v49 =	vsub.f32 $0.0e+00, v24;
	_ =	sdelay $0x1  }
0x76: {  	[tilespmem:v46+s13+$0x0] =	vst.idx.msk $0xffff, v49  }
0x77: {  	[tilespmem:v47+s13+$0x0] =	vst.idx.msk $0xffff, v24  }
0x78: {  	v24 =	vld.idx.msk [tilespmem:v48+s10+$0x0], $0xffff;
	_ =	sdelay $0x1  }
0x79: {  	v50 =	vor.u32 v13, v25  }
0x7a: {  	v51 =	vor.u32 v14, v25  }
0x7b: {  	v52 =	vor.u32 v15, v61  }
0x7c: {  	v53 =	vsub.f32 $0.0e+00, v24;
	_ =	sdelay $0x1  }
0x7d: {  	[tilespmem:v50+s13+$0x0] =	vst.idx.msk $0xffff, v53  }
0x7e: {  	[tilespmem:v51+s13+$0x0] =	vst.idx.msk $0xffff, v24  }
0x7f: {  	v24 =	vld.idx.msk [tilespmem:v52+s10+$0x0], $0xffff;
	_ =	sdelay $0x1  }
0x80: {  	v54 =	vor.u32 v16, v25  }
0x81: {  	v55 =	vor.u32 v17, v25  }
0x82: {  	v56 =	vor.u32 v18, v61  }
0x83: {  	v57 =	vsub.f32 $0.0e+00, v24;
	_ =	sdelay $0x1  }
0x84: {  	[tilespmem:v54+s13+$0x0] =	vst.idx.msk $0xffff, v57  }
0x85: {  	[tilespmem:v55+s13+$0x0] =	vst.idx.msk $0xffff, v24  }
0x86: {  	v24 =	vld.idx.msk [tilespmem:v56+s10+$0x0], $0xffff;
	_ =	sdelay $0x1  }
0x87: {  	v58 =	vor.u32 v19, v25  }
0x88: {  	v59 =	vor.u32 v20, v25  }
0x89: {  	v28 =	vor.u32 v21, v61  }
0x8a: {  	v29 =	vsub.f32 $0.0e+00, v24;
	_ =	sdelay $0x1  }
0x8b: {  	[tilespmem:v58+s13+$0x0] =	vst.idx.msk $0xffff, v29  }
0x8c: {  	[tilespmem:v59+s13+$0x0] =	vst.idx.msk $0xffff, v24  }
0x8d: {  	v24 =	vld.idx.msk [tilespmem:v28+s10+$0x0], $0xffff  }
0x8e: {  	s30 =	sadd.s32 $0x2, s24  }
0x8f: {  	v61 =	vadd.s32 s30, v0;
	v60 =	vor.u32 v22, v25  }
0x90: {  	v25 =	vor.u32 v23, v25;
	v62 =	vand.u32 $0x3F, v61  }
0x91: {  	v63 =	vor.u32 v1, v62  }
0x92: {  	v33 =	vsub.f32 $0.0e+00, v24;
	_ =	sdelay $0x1  }
0x93: {  	[tilespmem:v60+s13+$0x0] =	vst.idx.msk $0xffff, v33  }
0x94: {  	[tilespmem:v25+s13+$0x0] =	vst.idx.msk $0xffff, v24  }
0x95: {  	v34 =	vshll.u32 v61, $0x8;
	v24 =	vld.idx.msk [tilespmem:v63+s10+$0x0], $0xffff  }
0x96: {  	v25 =	vand.u32 $0x3F00, v34  }
0x97: {  	v35 =	vor.u32 v0, v25  }
0x98: {  	v36 =	vor.u32 v2, v25  }
0x99: {  	v37 =	vor.u32 v3, v62  }
0x9a: {  	v38 =	vsub.f32 $0.0e+00, v24;
	_ =	sdelay $0x1  }
0x9b: {  	[tilespmem:v35+s13+$0x0] =	vst.idx.msk $0xffff, v38  }
0x9c: {  	[tilespmem:v36+s13+$0x0] =	vst.idx.msk $0xffff, v24  }
0x9d: {  	v24 =	vld.idx.msk [tilespmem:v37+s10+$0x0], $0xffff;
	_ =	sdelay $0x1  }
0x9e: {  	v39 =	vor.u32 v4, v25  }
0x9f: {  	v40 =	vor.u32 v5, v25  }
0xa0: {  	v41 =	vor.u32 v6, v62  }
0xa1: {  	v42 =	vsub.f32 $0.0e+00, v24;
	_ =	sdelay $0x1  }
0xa2: {  	[tilespmem:v39+s13+$0x0] =	vst.idx.msk $0xffff, v42  }
0xa3: {  	[tilespmem:v40+s13+$0x0] =	vst.idx.msk $0xffff, v24  }
0xa4: {  	v24 =	vld.idx.msk [tilespmem:v41+s10+$0x0], $0xffff;
	_ =	sdelay $0x1  }
0xa5: {  	v43 =	vor.u32 v7, v25  }
0xa6: {  	v44 =	vor.u32 v8, v25  }
0xa7: {  	v45 =	vor.u32 v9, v62  }
0xa8: {  	v46 =	vsub.f32 $0.0e+00, v24;
	_ =	sdelay $0x1  }
0xa9: {  	[tilespmem:v43+s13+$0x0] =	vst.idx.msk $0xffff, v46  }
0xaa: {  	[tilespmem:v44+s13+$0x0] =	vst.idx.msk $0xffff, v24  }
0xab: {  	v24 =	vld.idx.msk [tilespmem:v45+s10+$0x0], $0xffff;
	_ =	sdelay $0x1  }
0xac: {  	v47 =	vor.u32 v10, v25  }
0xad: {  	v48 =	vor.u32 v11, v25  }
0xae: {  	v49 =	vor.u32 v12, v62  }
0xaf: {  	v50 =	vsub.f32 $0.0e+00, v24;
	_ =	sdelay $0x1  }
0xb0: {  	[tilespmem:v47+s13+$0x0] =	vst.idx.msk $0xffff, v50  }
0xb1: {  	[tilespmem:v48+s13+$0x0] =	vst.idx.msk $0xffff, v24  }
0xb2: {  	v24 =	vld.idx.msk [tilespmem:v49+s10+$0x0], $0xffff;
	_ =	sdelay $0x1  }
0xb3: {  	v51 =	vor.u32 v13, v25  }
0xb4: {  	v52 =	vor.u32 v14, v25  }
0xb5: {  	v53 =	vor.u32 v15, v62  }
0xb6: {  	v54 =	vsub.f32 $0.0e+00, v24;
	_ =	sdelay $0x1  }
0xb7: {  	[tilespmem:v51+s13+$0x0] =	vst.idx.msk $0xffff, v54  }
0xb8: {  	[tilespmem:v52+s13+$0x0] =	vst.idx.msk $0xffff, v24  }
0xb9: {  	v24 =	vld.idx.msk [tilespmem:v53+s10+$0x0], $0xffff;
	_ =	sdelay $0x1  }
0xba: {  	v55 =	vor.u32 v16, v25  }
0xbb: {  	v56 =	vor.u32 v17, v25  }
0xbc: {  	v57 =	vor.u32 v18, v62  }
0xbd: {  	v58 =	vsub.f32 $0.0e+00, v24;
	_ =	sdelay $0x1  }
0xbe: {  	[tilespmem:v55+s13+$0x0] =	vst.idx.msk $0xffff, v58  }
0xbf: {  	[tilespmem:v56+s13+$0x0] =	vst.idx.msk $0xffff, v24  }
0xc0: {  	v24 =	vld.idx.msk [tilespmem:v57+s10+$0x0], $0xffff;
	_ =	sdelay $0x1  }
0xc1: {  	v59 =	vor.u32 v19, v25  }
0xc2: {  	v60 =	vor.u32 v20, v25  }
0xc3: {  	v28 =	vor.u32 v21, v62  }
0xc4: {  	v29 =	vsub.f32 $0.0e+00, v24;
	_ =	sdelay $0x1  }
0xc5: {  	[tilespmem:v59+s13+$0x0] =	vst.idx.msk $0xffff, v29  }
0xc6: {  	[tilespmem:v60+s13+$0x0] =	vst.idx.msk $0xffff, v24  }
0xc7: {  	v24 =	vld.idx.msk [tilespmem:v28+s10+$0x0], $0xffff  }
0xc8: {  	s31 =	sadd.s32 $0x3, s24  }
0xc9: {  	v62 =	vadd.s32 s31, v0;
	v61 =	vor.u32 v22, v25  }
0xca: {  	v25 =	vor.u32 v23, v25;
	v63 =	vand.u32 $0x3F, v62  }
0xcb: {  	v33 =	vor.u32 v1, v63  }
0xcc: {  	v34 =	vsub.f32 $0.0e+00, v24;
	_ =	sdelay $0x1  }
0xcd: {  	[tilespmem:v61+s13+$0x0] =	vst.idx.msk $0xffff, v34  }
0xce: {  	[tilespmem:v25+s13+$0x0] =	vst.idx.msk $0xffff, v24  }
0xcf: {  	v35 =	vshll.u32 v62, $0x8;
	v24 =	vld.idx.msk [tilespmem:v33+s10+$0x0], $0xffff  }
0xd0: {  	v25 =	vand.u32 $0x3F00, v35  }
0xd1: {  	v36 =	vor.u32 v0, v25  }
0xd2: {  	v37 =	vor.u32 v2, v25  }
0xd3: {  	v38 =	vor.u32 v3, v63  }
0xd4: {  	v39 =	vsub.f32 $0.0e+00, v24;
	_ =	sdelay $0x1  }
0xd5: {  	[tilespmem:v36+s13+$0x0] =	vst.idx.msk $0xffff, v39  }
0xd6: {  	[tilespmem:v37+s13+$0x0] =	vst.idx.msk $0xffff, v24  }
0xd7: {  	v24 =	vld.idx.msk [tilespmem:v38+s10+$0x0], $0xffff;
	_ =	sdelay $0x1  }
0xd8: {  	v40 =	vor.u32 v4, v25  }
0xd9: {  	v41 =	vor.u32 v5, v25  }
0xda: {  	v42 =	vor.u32 v6, v63  }
0xdb: {  	v43 =	vsub.f32 $0.0e+00, v24;
	_ =	sdelay $0x1  }
0xdc: {  	[tilespmem:v40+s13+$0x0] =	vst.idx.msk $0xffff, v43  }
0xdd: {  	[tilespmem:v41+s13+$0x0] =	vst.idx.msk $0xffff, v24  }
0xde: {  	v24 =	vld.idx.msk [tilespmem:v42+s10+$0x0], $0xffff;
	_ =	sdelay $0x1  }
0xdf: {  	v44 =	vor.u32 v7, v25  }
0xe0: {  	v45 =	vor.u32 v8, v25  }
0xe1: {  	v46 =	vor.u32 v9, v63  }
0xe2: {  	v47 =	vsub.f32 $0.0e+00, v24;
	_ =	sdelay $0x1  }
0xe3: {  	[tilespmem:v44+s13+$0x0] =	vst.idx.msk $0xffff, v47  }
0xe4: {  	[tilespmem:v45+s13+$0x0] =	vst.idx.msk $0xffff, v24  }
0xe5: {  	v24 =	vld.idx.msk [tilespmem:v46+s10+$0x0], $0xffff;
	_ =	sdelay $0x1  }
0xe6: {  	v48 =	vor.u32 v10, v25  }
0xe7: {  	v49 =	vor.u32 v11, v25  }
0xe8: {  	v50 =	vor.u32 v12, v63  }
0xe9: {  	v51 =	vsub.f32 $0.0e+00, v24;
	_ =	sdelay $0x1  }
0xea: {  	[tilespmem:v48+s13+$0x0] =	vst.idx.msk $0xffff, v51  }
0xeb: {  	[tilespmem:v49+s13+$0x0] =	vst.idx.msk $0xffff, v24  }
0xec: {  	v24 =	vld.idx.msk [tilespmem:v50+s10+$0x0], $0xffff;
	_ =	sdelay $0x1  }
0xed: {  	v52 =	vor.u32 v13, v25  }
0xee: {  	v53 =	vor.u32 v14, v25  }
0xef: {  	v54 =	vor.u32 v15, v63  }
0xf0: {  	v55 =	vsub.f32 $0.0e+00, v24;
	_ =	sdelay $0x1  }
0xf1: {  	[tilespmem:v52+s13+$0x0] =	vst.idx.msk $0xffff, v55  }
0xf2: {  	[tilespmem:v53+s13+$0x0] =	vst.idx.msk $0xffff, v24  }
0xf3: {  	v24 =	vld.idx.msk [tilespmem:v54+s10+$0x0], $0xffff;
	_ =	sdelay $0x1  }
0xf4: {  	v56 =	vor.u32 v16, v25  }
0xf5: {  	v57 =	vor.u32 v17, v25  }
0xf6: {  	v58 =	vor.u32 v18, v63  }
0xf7: {  	v59 =	vsub.f32 $0.0e+00, v24;
	_ =	sdelay $0x1  }
0xf8: {  	[tilespmem:v56+s13+$0x0] =	vst.idx.msk $0xffff, v59  }
0xf9: {  	[tilespmem:v57+s13+$0x0] =	vst.idx.msk $0xffff, v24  }
0xfa: {  	v24 =	vld.idx.msk [tilespmem:v58+s10+$0x0], $0xffff;
	_ =	sdelay $0x1  }
0xfb: {  	v60 =	vor.u32 v19, v25  }
0xfc: {  	v61 =	vor.u32 v20, v25  }
0xfd: {  	v28 =	vor.u32 v21, v63  }
0xfe: {  	v29 =	vsub.f32 $0.0e+00, v24;
	_ =	sdelay $0x1  }
0xff: {  	[tilespmem:v60+s13+$0x0] =	vst.idx.msk $0xffff, v29  }
0x100: {  	[tilespmem:v61+s13+$0x0] =	vst.idx.msk $0xffff, v24  }
0x101: {  	v24 =	vld.idx.msk [tilespmem:v28+s10+$0x0], $0xffff;
	_ =	sdelay $0x1  }
0x102: {  	v62 =	vor.u32 v22, v25  }
0x103: {  	p1 =	slt.u32 s24, $0x3C;
	v25 =	vor.u32 v23, v25  }
.Ltmp0:
0x104: {  	_ = 	snop;
	(pc) =	sbr.rel @p1 .LBB2_3-.Ltmp0, $3  }
0x105: {  	v63 =	vsub.f32 $0.0e+00, v24;
	_ =	sdelay $0x1  }
0x106: {  	[tilespmem:v62+s13+$0x0] =	vst.idx.msk $0xffff, v63  }
0x107: {  	s24 =	sadd.s32 $0x4, s24;
	[tilespmem:v25+s13+$0x0] =	vst.idx.msk $0xffff, v24  }
0x108: {  	s23 =	sadd.s32 s5, s23  }
0x109: {  	p1 =	sne.s32 s21, $0x18;
	s24 =	sshll.u32 s23, $0xB  }
.Ltmp1:
0x10a: {  	s25 =	sshll.u32 s23, $0xE;
	s23 =	sshll.u32 s23, $0x2;
	(pc) =	sbr.rel @p1 .LBB2_6-.Ltmp1, $4  }
0x10b: {  	s24 =	sand.u32 $0xFFE0000, s24;
	s25 =	sand.u32 $0x18000, s25;
	s23 =	sand.u32 $0xE0, s23  }
0x10c: {  	s24 =	sor.u32 s25, s24;
	s23 =	sadd.s32 s4, s23  }
0x10d: {  	s23 =	sadd.s32 s24, s23  }
0x10e: {  	[hbm4b:s23+s14] =	stream.strided.scatter [tilespmem:s13], [sflag:$0x3], $0x4000, s15, s14, $0x38;
	[tilespmem:$0xD900] =	vst v63  }
.Ltmp2:
0x10f: {  	(pc) =	sbr.rel .LBB2_7-.Ltmp2, $4  }
0x110: {  	_ = 	snop  }
0x111: {  	_ =	swait.ge [sflag:s16], $0x2000  }
0x112: {  	[sflag:s16] =	ssyncset.done $0x0  }
0x113: {  	[sflag:s16] =	ssyncadd.s32 $0xFFFFE000  }
.LBB2_6:
0x114: {  	s23 =	sshll.u32 s21, $0x8  }
0x115: {  	s23 =	sand.u32 $0x3FFFFF00, s23  }
.Ltmp3:
0x116: {  	s23 =	sadd.s32 $0x100, s23;
	(pc) =	sbr.rel @p0 .LBB2_8-.Ltmp3, $4  }
0x117: {  	[tilespmem:s10], [sflag:$0x1] =	stream.indirect.gather [hbm4b:s1+s9], $0x40, s23, s9, $0xb8;
	[tilespmem:$0xD900] =	vst v63  }
0x118: {  	_ =	swait.ge [sflag:s16], $0x2000  }
0x119: {  	[sflag:s16] =	ssyncset.done $0x0  }
0x11a: {  	[sflag:s16] =	ssyncadd.s32 $0xFFFFE000  }
.LBB2_7:
0x11b: {  	_ =	swait.ge [sflag:s17], $0x4000  }
0x11c: {  	[sflag:s17] =	ssyncset.done $0x0  }
0x11d: {  	[sflag:s17] =	ssyncadd.s32 $0xFFFFC000  }
.LBB2_8:
0x11e: {  	s23 =	simm.s32 $0x0  }
.LBB2_9:
0x11f: {  	v24 =	vadd.s32 s23, v0  }
0x120: {  	v25 =	vand.u32 $0x3F, v24  }
0x121: {  	v26 =	vor.u32 v1, v25;
	_ =	sdelay $0x4  }
0x122: {  	v24 =	vshll.u32 v24, $0x8;
	v26 =	vld.idx.msk [tilespmem:v26+s11+$0x0], $0xffff  }
0x123: {  	v24 =	vand.u32 $0x3F00, v24  }
0x124: {  	v27 =	vor.u32 v0, v24  }
0x125: {  	v28 =	vor.u32 v2, v24  }
0x126: {  	v29 =	vor.u32 v3, v25  }
0x127: {  	v30 =	vsub.f32 $0.0e+00, v26;
	_ =	sdelay $0x1  }
0x128: {  	[tilespmem:v27+s18+$0x0] =	vst.idx.msk $0xffff, v30  }
0x129: {  	[tilespmem:v28+s18+$0x0] =	vst.idx.msk $0xffff, v26  }
0x12a: {  	v26 =	vld.idx.msk [tilespmem:v29+s11+$0x0], $0xffff;
	_ =	sdelay $0x1  }
0x12b: {  	v37 =	vor.u32 v4, v24  }
0x12c: {  	v38 =	vor.u32 v5, v24  }
0x12d: {  	v39 =	vor.u32 v6, v25  }
0x12e: {  	v40 =	vsub.f32 $0.0e+00, v26;
	_ =	sdelay $0x1  }
0x12f: {  	[tilespmem:v37+s18+$0x0] =	vst.idx.msk $0xffff, v40  }
0x130: {  	[tilespmem:v38+s18+$0x0] =	vst.idx.msk $0xffff, v26  }
0x131: {  	v26 =	vld.idx.msk [tilespmem:v39+s11+$0x0], $0xffff;
	_ =	sdelay $0x1  }
0x132: {  	v41 =	vor.u32 v7, v24  }
0x133: {  	v42 =	vor.u32 v8, v24  }
0x134: {  	v43 =	vor.u32 v9, v25  }
0x135: {  	v44 =	vsub.f32 $0.0e+00, v26;
	_ =	sdelay $0x1  }
0x136: {  	[tilespmem:v41+s18+$0x0] =	vst.idx.msk $0xffff, v44  }
0x137: {  	[tilespmem:v42+s18+$0x0] =	vst.idx.msk $0xffff, v26  }
0x138: {  	v26 =	vld.idx.msk [tilespmem:v43+s11+$0x0], $0xffff;
	_ =	sdelay $0x1  }
0x139: {  	v45 =	vor.u32 v10, v24  }
0x13a: {  	v46 =	vor.u32 v11, v24  }
0x13b: {  	v47 =	vor.u32 v12, v25  }
0x13c: {  	v48 =	vsub.f32 $0.0e+00, v26;
	_ =	sdelay $0x1  }
0x13d: {  	[tilespmem:v45+s18+$0x0] =	vst.idx.msk $0xffff, v48  }
0x13e: {  	[tilespmem:v46+s18+$0x0] =	vst.idx.msk $0xffff, v26  }
0x13f: {  	v26 =	vld.idx.msk [tilespmem:v47+s11+$0x0], $0xffff;
	_ =	sdelay $0x1  }
0x140: {  	v49 =	vor.u32 v13, v24  }
0x141: {  	v50 =	vor.u32 v14, v24  }
0x142: {  	v51 =	vor.u32 v15, v25  }
0x143: {  	v52 =	vsub.f32 $0.0e+00, v26;
	_ =	sdelay $0x1  }
0x144: {  	[tilespmem:v49+s18+$0x0] =	vst.idx.msk $0xffff, v52  }
0x145: {  	[tilespmem:v50+s18+$0x0] =	vst.idx.msk $0xffff, v26  }
0x146: {  	v26 =	vld.idx.msk [tilespmem:v51+s11+$0x0], $0xffff;
	_ =	sdelay $0x1  }
0x147: {  	v53 =	vor.u32 v16, v24  }
0x148: {  	v54 =	vor.u32 v17, v24  }
0x149: {  	v55 =	vor.u32 v18, v25  }
0x14a: {  	v56 =	vsub.f32 $0.0e+00, v26;
	_ =	sdelay $0x1  }
0x14b: {  	[tilespmem:v53+s18+$0x0] =	vst.idx.msk $0xffff, v56  }
0x14c: {  	[tilespmem:v54+s18+$0x0] =	vst.idx.msk $0xffff, v26  }
0x14d: {  	v26 =	vld.idx.msk [tilespmem:v55+s11+$0x0], $0xffff;
	_ =	sdelay $0x1  }
0x14e: {  	v57 =	vor.u32 v19, v24  }
0x14f: {  	v58 =	vor.u32 v20, v24  }
0x150: {  	v25 =	vor.u32 v21, v25  }
0x151: {  	v29 =	vsub.f32 $0.0e+00, v26;
	_ =	sdelay $0x1  }
0x152: {  	[tilespmem:v57+s18+$0x0] =	vst.idx.msk $0xffff, v29  }
0x153: {  	[tilespmem:v58+s18+$0x0] =	vst.idx.msk $0xffff, v26  }
0x154: {  	v25 =	vld.idx.msk [tilespmem:v25+s11+$0x0], $0xffff  }
0x155: {  	s24 =	sadd.s32 $0x1, s23  }
0x156: {  	v60 =	vadd.s32 s24, v0;
	v59 =	vor.u32 v22, v24  }
0x157: {  	v61 =	vand.u32 $0x3F, v60;
	v24 =	vor.u32 v23, v24  }
0x158: {  	v62 =	vor.u32 v1, v61  }
0x159: {  	v63 =	vsub.f32 $0.0e+00, v25;
	_ =	sdelay $0x1  }
0x15a: {  	[tilespmem:v59+s18+$0x0] =	vst.idx.msk $0xffff, v63  }
0x15b: {  	[tilespmem:v24+s18+$0x0] =	vst.idx.msk $0xffff, v25  }
0x15c: {  	v33 =	vshll.u32 v60, $0x8;
	v24 =	vld.idx.msk [tilespmem:v62+s11+$0x0], $0xffff  }
0x15d: {  	v25 =	vand.u32 $0x3F00, v33  }
0x15e: {  	v34 =	vor.u32 v0, v25  }
0x15f: {  	v35 =	vor.u32 v2, v25  }
0x160: {  	v36 =	vor.u32 v3, v61  }
0x161: {  	v37 =	vsub.f32 $0.0e+00, v24;
	_ =	sdelay $0x1  }
0x162: {  	[tilespmem:v34+s18+$0x0] =	vst.idx.msk $0xffff, v37  }
0x163: {  	[tilespmem:v35+s18+$0x0] =	vst.idx.msk $0xffff, v24  }
0x164: {  	v24 =	vld.idx.msk [tilespmem:v36+s11+$0x0], $0xffff;
	_ =	sdelay $0x1  }
0x165: {  	v38 =	vor.u32 v4, v25  }
0x166: {  	v39 =	vor.u32 v5, v25  }
0x167: {  	v40 =	vor.u32 v6, v61  }
0x168: {  	v41 =	vsub.f32 $0.0e+00, v24;
	_ =	sdelay $0x1  }
0x169: {  	[tilespmem:v38+s18+$0x0] =	vst.idx.msk $0xffff, v41  }
0x16a: {  	[tilespmem:v39+s18+$0x0] =	vst.idx.msk $0xffff, v24  }
0x16b: {  	v24 =	vld.idx.msk [tilespmem:v40+s11+$0x0], $0xffff;
	_ =	sdelay $0x1  }
0x16c: {  	v42 =	vor.u32 v7, v25  }
0x16d: {  	v43 =	vor.u32 v8, v25  }
0x16e: {  	v44 =	vor.u32 v9, v61  }
0x16f: {  	v45 =	vsub.f32 $0.0e+00, v24;
	_ =	sdelay $0x1  }
0x170: {  	[tilespmem:v42+s18+$0x0] =	vst.idx.msk $0xffff, v45  }
0x171: {  	[tilespmem:v43+s18+$0x0] =	vst.idx.msk $0xffff, v24  }
0x172: {  	v24 =	vld.idx.msk [tilespmem:v44+s11+$0x0], $0xffff;
	_ =	sdelay $0x1  }
0x173: {  	v46 =	vor.u32 v10, v25  }
0x174: {  	v47 =	vor.u32 v11, v25  }
0x175: {  	v48 =	vor.u32 v12, v61  }
0x176: {  	v49 =	vsub.f32 $0.0e+00, v24;
	_ =	sdelay $0x1  }
0x177: {  	[tilespmem:v46+s18+$0x0] =	vst.idx.msk $0xffff, v49  }
0x178: {  	[tilespmem:v47+s18+$0x0] =	vst.idx.msk $0xffff, v24  }
0x179: {  	v24 =	vld.idx.msk [tilespmem:v48+s11+$0x0], $0xffff;
	_ =	sdelay $0x1  }
0x17a: {  	v50 =	vor.u32 v13, v25  }
0x17b: {  	v51 =	vor.u32 v14, v25  }
0x17c: {  	v52 =	vor.u32 v15, v61  }
0x17d: {  	v53 =	vsub.f32 $0.0e+00, v24;
	_ =	sdelay $0x1  }
0x17e: {  	[tilespmem:v50+s18+$0x0] =	vst.idx.msk $0xffff, v53  }
0x17f: {  	[tilespmem:v51+s18+$0x0] =	vst.idx.msk $0xffff, v24  }
0x180: {  	v24 =	vld.idx.msk [tilespmem:v52+s11+$0x0], $0xffff;
	_ =	sdelay $0x1  }
0x181: {  	v54 =	vor.u32 v16, v25  }
0x182: {  	v55 =	vor.u32 v17, v25  }
0x183: {  	v56 =	vor.u32 v18, v61  }
0x184: {  	v57 =	vsub.f32 $0.0e+00, v24;
	_ =	sdelay $0x1  }
0x185: {  	[tilespmem:v54+s18+$0x0] =	vst.idx.msk $0xffff, v57  }
0x186: {  	[tilespmem:v55+s18+$0x0] =	vst.idx.msk $0xffff, v24  }
0x187: {  	v24 =	vld.idx.msk [tilespmem:v56+s11+$0x0], $0xffff;
	_ =	sdelay $0x1  }
0x188: {  	v58 =	vor.u32 v19, v25  }
0x189: {  	v59 =	vor.u32 v20, v25  }
0x18a: {  	v28 =	vor.u32 v21, v61  }
0x18b: {  	v29 =	vsub.f32 $0.0e+00, v24;
	_ =	sdelay $0x1  }
0x18c: {  	[tilespmem:v58+s18+$0x0] =	vst.idx.msk $0xffff, v29  }
0x18d: {  	[tilespmem:v59+s18+$0x0] =	vst.idx.msk $0xffff, v24  }
0x18e: {  	v24 =	vld.idx.msk [tilespmem:v28+s11+$0x0], $0xffff  }
0x18f: {  	s30 =	sadd.s32 $0x2, s23  }
0x190: {  	v61 =	vadd.s32 s30, v0;
	v60 =	vor.u32 v22, v25  }
0x191: {  	v25 =	vor.u32 v23, v25;
	v62 =	vand.u32 $0x3F, v61  }
0x192: {  	v63 =	vor.u32 v1, v62  }
0x193: {  	v33 =	vsub.f32 $0.0e+00, v24;
	_ =	sdelay $0x1  }
0x194: {  	[tilespmem:v60+s18+$0x0] =	vst.idx.msk $0xffff, v33  }
0x195: {  	[tilespmem:v25+s18+$0x0] =	vst.idx.msk $0xffff, v24  }
0x196: {  	v34 =	vshll.u32 v61, $0x8;
	v24 =	vld.idx.msk [tilespmem:v63+s11+$0x0], $0xffff  }
0x197: {  	v25 =	vand.u32 $0x3F00, v34  }
0x198: {  	v35 =	vor.u32 v0, v25  }
0x199: {  	v36 =	vor.u32 v2, v25  }
0x19a: {  	v37 =	vor.u32 v3, v62  }
0x19b: {  	v38 =	vsub.f32 $0.0e+00, v24;
	_ =	sdelay $0x1  }
0x19c: {  	[tilespmem:v35+s18+$0x0] =	vst.idx.msk $0xffff, v38  }
0x19d: {  	[tilespmem:v36+s18+$0x0] =	vst.idx.msk $0xffff, v24  }
0x19e: {  	v24 =	vld.idx.msk [tilespmem:v37+s11+$0x0], $0xffff;
	_ =	sdelay $0x1  }
0x19f: {  	v39 =	vor.u32 v4, v25  }
0x1a0: {  	v40 =	vor.u32 v5, v25  }
0x1a1: {  	v41 =	vor.u32 v6, v62  }
0x1a2: {  	v42 =	vsub.f32 $0.0e+00, v24;
	_ =	sdelay $0x1  }
0x1a3: {  	[tilespmem:v39+s18+$0x0] =	vst.idx.msk $0xffff, v42  }
0x1a4: {  	[tilespmem:v40+s18+$0x0] =	vst.idx.msk $0xffff, v24  }
0x1a5: {  	v24 =	vld.idx.msk [tilespmem:v41+s11+$0x0], $0xffff;
	_ =	sdelay $0x1  }
0x1a6: {  	v43 =	vor.u32 v7, v25  }
0x1a7: {  	v44 =	vor.u32 v8, v25  }
0x1a8: {  	v45 =	vor.u32 v9, v62  }
0x1a9: {  	v46 =	vsub.f32 $0.0e+00, v24;
	_ =	sdelay $0x1  }
0x1aa: {  	[tilespmem:v43+s18+$0x0] =	vst.idx.msk $0xffff, v46  }
0x1ab: {  	[tilespmem:v44+s18+$0x0] =	vst.idx.msk $0xffff, v24  }
0x1ac: {  	v24 =	vld.idx.msk [tilespmem:v45+s11+$0x0], $0xffff;
	_ =	sdelay $0x1  }
0x1ad: {  	v47 =	vor.u32 v10, v25  }
0x1ae: {  	v48 =	vor.u32 v11, v25  }
0x1af: {  	v49 =	vor.u32 v12, v62  }
0x1b0: {  	v50 =	vsub.f32 $0.0e+00, v24;
	_ =	sdelay $0x1  }
0x1b1: {  	[tilespmem:v47+s18+$0x0] =	vst.idx.msk $0xffff, v50  }
0x1b2: {  	[tilespmem:v48+s18+$0x0] =	vst.idx.msk $0xffff, v24  }
0x1b3: {  	v24 =	vld.idx.msk [tilespmem:v49+s11+$0x0], $0xffff;
	_ =	sdelay $0x1  }
0x1b4: {  	v51 =	vor.u32 v13, v25  }
0x1b5: {  	v52 =	vor.u32 v14, v25  }
0x1b6: {  	v53 =	vor.u32 v15, v62  }
0x1b7: {  	v54 =	vsub.f32 $0.0e+00, v24;
	_ =	sdelay $0x1  }
0x1b8: {  	[tilespmem:v51+s18+$0x0] =	vst.idx.msk $0xffff, v54  }
0x1b9: {  	[tilespmem:v52+s18+$0x0] =	vst.idx.msk $0xffff, v24  }
0x1ba: {  	v24 =	vld.idx.msk [tilespmem:v53+s11+$0x0], $0xffff;
	_ =	sdelay $0x1  }
0x1bb: {  	v55 =	vor.u32 v16, v25  }
0x1bc: {  	v56 =	vor.u32 v17, v25  }
0x1bd: {  	v57 =	vor.u32 v18, v62  }
0x1be: {  	v58 =	vsub.f32 $0.0e+00, v24;
	_ =	sdelay $0x1  }
0x1bf: {  	[tilespmem:v55+s18+$0x0] =	vst.idx.msk $0xffff, v58  }
0x1c0: {  	[tilespmem:v56+s18+$0x0] =	vst.idx.msk $0xffff, v24  }
0x1c1: {  	v24 =	vld.idx.msk [tilespmem:v57+s11+$0x0], $0xffff;
	_ =	sdelay $0x1  }
0x1c2: {  	v59 =	vor.u32 v19, v25  }
0x1c3: {  	v60 =	vor.u32 v20, v25  }
0x1c4: {  	v28 =	vor.u32 v21, v62  }
0x1c5: {  	v29 =	vsub.f32 $0.0e+00, v24;
	_ =	sdelay $0x1  }
0x1c6: {  	[tilespmem:v59+s18+$0x0] =	vst.idx.msk $0xffff, v29  }
0x1c7: {  	[tilespmem:v60+s18+$0x0] =	vst.idx.msk $0xffff, v24  }
0x1c8: {  	v24 =	vld.idx.msk [tilespmem:v28+s11+$0x0], $0xffff  }
0x1c9: {  	s31 =	sadd.s32 $0x3, s23  }
0x1ca: {  	v62 =	vadd.s32 s31, v0;
	v61 =	vor.u32 v22, v25  }
0x1cb: {  	v25 =	vor.u32 v23, v25;
	v63 =	vand.u32 $0x3F, v62  }
0x1cc: {  	v33 =	vor.u32 v1, v63  }
0x1cd: {  	v34 =	vsub.f32 $0.0e+00, v24;
	_ =	sdelay $0x1  }
0x1ce: {  	[tilespmem:v61+s18+$0x0] =	vst.idx.msk $0xffff, v34  }
0x1cf: {  	[tilespmem:v25+s18+$0x0] =	vst.idx.msk $0xffff, v24  }
0x1d0: {  	v35 =	vshll.u32 v62, $0x8;
	v24 =	vld.idx.msk [tilespmem:v33+s11+$0x0], $0xffff  }
0x1d1: {  	v25 =	vand.u32 $0x3F00, v35  }
0x1d2: {  	v36 =	vor.u32 v0, v25  }
0x1d3: {  	v37 =	vor.u32 v2, v25  }
0x1d4: {  	v38 =	vor.u32 v3, v63  }
0x1d5: {  	v39 =	vsub.f32 $0.0e+00, v24;
	_ =	sdelay $0x1  }
0x1d6: {  	[tilespmem:v36+s18+$0x0] =	vst.idx.msk $0xffff, v39  }
0x1d7: {  	[tilespmem:v37+s18+$0x0] =	vst.idx.msk $0xffff, v24  }
0x1d8: {  	v24 =	vld.idx.msk [tilespmem:v38+s11+$0x0], $0xffff;
	_ =	sdelay $0x1  }
0x1d9: {  	v40 =	vor.u32 v4, v25  }
0x1da: {  	v41 =	vor.u32 v5, v25  }
0x1db: {  	v42 =	vor.u32 v6, v63  }
0x1dc: {  	v43 =	vsub.f32 $0.0e+00, v24;
	_ =	sdelay $0x1  }
0x1dd: {  	[tilespmem:v40+s18+$0x0] =	vst.idx.msk $0xffff, v43  }
0x1de: {  	[tilespmem:v41+s18+$0x0] =	vst.idx.msk $0xffff, v24  }
0x1df: {  	v24 =	vld.idx.msk [tilespmem:v42+s11+$0x0], $0xffff;
	_ =	sdelay $0x1  }
0x1e0: {  	v44 =	vor.u32 v7, v25  }
0x1e1: {  	v45 =	vor.u32 v8, v25  }
0x1e2: {  	v46 =	vor.u32 v9, v63  }
0x1e3: {  	v47 =	vsub.f32 $0.0e+00, v24;
	_ =	sdelay $0x1  }
0x1e4: {  	[tilespmem:v44+s18+$0x0] =	vst.idx.msk $0xffff, v47  }
0x1e5: {  	[tilespmem:v45+s18+$0x0] =	vst.idx.msk $0xffff, v24  }
0x1e6: {  	v24 =	vld.idx.msk [tilespmem:v46+s11+$0x0], $0xffff;
	_ =	sdelay $0x1  }
0x1e7: {  	v48 =	vor.u32 v10, v25  }
0x1e8: {  	v49 =	vor.u32 v11, v25  }
0x1e9: {  	v50 =	vor.u32 v12, v63  }
0x1ea: {  	v51 =	vsub.f32 $0.0e+00, v24;
	_ =	sdelay $0x1  }
0x1eb: {  	[tilespmem:v48+s18+$0x0] =	vst.idx.msk $0xffff, v51  }
0x1ec: {  	[tilespmem:v49+s18+$0x0] =	vst.idx.msk $0xffff, v24  }
0x1ed: {  	v24 =	vld.idx.msk [tilespmem:v50+s11+$0x0], $0xffff;
	_ =	sdelay $0x1  }
0x1ee: {  	v52 =	vor.u32 v13, v25  }
0x1ef: {  	v53 =	vor.u32 v14, v25  }
0x1f0: {  	v54 =	vor.u32 v15, v63  }
0x1f1: {  	v55 =	vsub.f32 $0.0e+00, v24;
	_ =	sdelay $0x1  }
0x1f2: {  	[tilespmem:v52+s18+$0x0] =	vst.idx.msk $0xffff, v55  }
0x1f3: {  	[tilespmem:v53+s18+$0x0] =	vst.idx.msk $0xffff, v24  }
0x1f4: {  	v24 =	vld.idx.msk [tilespmem:v54+s11+$0x0], $0xffff;
	_ =	sdelay $0x1  }
0x1f5: {  	v56 =	vor.u32 v16, v25  }
0x1f6: {  	v57 =	vor.u32 v17, v25  }
0x1f7: {  	v58 =	vor.u32 v18, v63  }
0x1f8: {  	v59 =	vsub.f32 $0.0e+00, v24;
	_ =	sdelay $0x1  }
0x1f9: {  	[tilespmem:v56+s18+$0x0] =	vst.idx.msk $0xffff, v59  }
0x1fa: {  	[tilespmem:v57+s18+$0x0] =	vst.idx.msk $0xffff, v24  }
0x1fb: {  	v24 =	vld.idx.msk [tilespmem:v58+s11+$0x0], $0xffff;
	_ =	sdelay $0x1  }
0x1fc: {  	v60 =	vor.u32 v19, v25  }
0x1fd: {  	v61 =	vor.u32 v20, v25  }
0x1fe: {  	v28 =	vor.u32 v21, v63  }
0x1ff: {  	v29 =	vsub.f32 $0.0e+00, v24;
	_ =	sdelay $0x1  }
0x200: {  	[tilespmem:v60+s18+$0x0] =	vst.idx.msk $0xffff, v29  }
0x201: {  	[tilespmem:v61+s18+$0x0] =	vst.idx.msk $0xffff, v24  }
0x202: {  	v24 =	vld.idx.msk [tilespmem:v28+s11+$0x0], $0xffff;
	_ =	sdelay $0x1  }
0x203: {  	v62 =	vor.u32 v22, v25  }
0x204: {  	p0 =	slt.u32 s23, $0x3C;
	v25 =	vor.u32 v23, v25  }
.Ltmp4:
0x205: {  	_ = 	snop;
	(pc) =	sbr.rel @p0 .LBB2_9-.Ltmp4, $3  }
0x206: {  	v63 =	vsub.f32 $0.0e+00, v24;
	_ =	sdelay $0x1  }
0x207: {  	[tilespmem:v62+s18+$0x0] =	vst.idx.msk $0xffff, v63  }
0x208: {  	s23 =	sadd.s32 $0x4, s23;
	[tilespmem:v25+s18+$0x0] =	vst.idx.msk $0xffff, v24  }
0x209: {  	s22 =	sadd.s32 s5, s22;
	s21 =	sadd.s32 $0x1, s21  }
0x20a: {  	s23 =	sshll.u32 s22, $0xB;
	p0 =	sne.s32 s21, $0x19  }
.Ltmp5:
0x20b: {  	s24 =	sshll.u32 s22, $0xE;
	s22 =	sshll.u32 s22, $0x2;
	(pc) =	sbr.rel @p0 .LBB2_2-.Ltmp5, $4  }
0x20c: {  	s23 =	sand.u32 $0xFFE0000, s23;
	s24 =	sand.u32 $0x1C000, s24;
	s22 =	sand.u32 $0xE0, s22  }
0x20d: {  	s23 =	sor.u32 s24, s23;
	s22 =	sadd.s32 s4, s22  }
0x20e: {  	s22 =	sadd.s32 s23, s22  }
0x20f: {  	[hbm4b:s22+s14] =	stream.strided.scatter [tilespmem:s18], [sflag:$0x4], $0x4000, s15, s14, $0x38;
	[tilespmem:$0xD900] =	vst v63  }
0x210: {  	s20 =	sadd.s32 $0x1, s20  }
0x211: {  	_ =	swait.ge [sflag:s19], $0x4000;
	p0 =	sne.s32 s20, s7  }
.Ltmp6:
0x212: {  	[sflag:s19] =	ssyncset.done $0x0;
	(pc) =	sbr.rel @p0 .LBB2_1-.Ltmp6, $4  }
0x213: {  	[sflag:s19] =	ssyncadd.s32 $0xFFFFC000  }
0x214: {  	_ =	swait.ge [sflag:s17], $0x4000  }
0x215: {  	[sflag:s17] =	ssyncset.done $0x0  }
0x216: {  	[sflag:s17] =	ssyncadd.s32 $0xFFFFC000  }
0x217: {  	_ =	sfence.sel $0x180000  }
0x218: {  	[bflag:$0x0] =	sbarrier.arrive $0xFFFF  }
0x219: {  	p0 =	sne.s32 s2, $0x0;
	_ =	strace $0x9000004A  }
0x21a: {  	s0 =	sadd.s32 @!p0 $0x100000, s0;
	[bflag:$0x2] =	sbarrier.arrive $0xFFFF  }
0x21b: {  	[sflag:s0] =	ssyncadd.tile.s32 @!p0 $0x1;
	_ =	shalt  }
.Lfunc_end2:
_tile_overlayer_lowered:
.L_overlay_start_2:
0x21c: {  	(tag) =	ssettag $0x2  }
0x21d: {  	s0 =	rddreg [dreg:$0x0];
	s2 =	stileid.u32  }
0x21e: {  	s1 =	rddreg [dreg:$0x1];
	p0 =	sne.s32 s2, $0x0  }
0x21f: {  	s3 =	rddreg [dreg:$0x2];
	[bflag:$0x3] =	sbarrier.arrive $0xFFFF;
	s2 =	simm.s32 @!p0 $0x1C05  }
0x220: {  	[timem:s3], [sflag:s2] =	dma.local @!p0 [hbm:s0], s1  }
0x221: {  	s0 =	simm.s32 @!p0 $0x5  }
0x222: {  	_ =	swait.ge @!p0 [sflag:s0], s1  }
0x223: {  	s1 =	ssub.s32 @!p0 $0x0, s1;
	[sflag:s0] =	ssyncset.done @!p0 $0x0  }
0x224: {  	[sflag:s0] =	ssyncadd.s32 @!p0 s1  }
0x225: {  	[bflag:$0x3] =	sbarrier.arrive $0xFFFF  }
0x226: {  	_ =	shalt  }

</sc_bundles>
